<compile_context>
chip_gen: v7x
topology: tpu7x:2x2x1
jax: 0.10.2.dev20260603
libtpu: 0.0.44.dev20260713+nightly
codegen_flags: <defaults>
</compile_context>

<pallas_src>
import functools

import jax
import jax.numpy as jnp
from jax import lax
from jax.experimental import pallas as pl
from jax.experimental.pallas import tpu as pltpu
from jax.experimental.pallas import tpu_sc as plsc

_N = 10000
_E = 320000
_DN = 128
_DE = 16
_DM = 256
_NCLS = 128
_NG = 64
_AW = 128
_C = 125
_NC = 2
_NS = 16
_ZR = 25
_HC = 40
_RPT = _N // (_NC * _NS) * _NC

_mesh = plsc.VectorSubcoreMesh(core_axis_name="c", subcore_axis_name="s")


_NBUF = 2
_SB = 16


def _edge_pass(tab, gix2, grow0, dix2, drow0, acc, gix_v, dix_v, rbufs,
               gsems, ssems, nsuper):
    nb = len(rbufs)

    def souter(r, carry):
        pltpu.sync_copy(gix2.at[pl.ds(grow0 + r * _SB, _SB), :], gix_v)
        pltpu.sync_copy(dix2.at[pl.ds(drow0 + r * _SB, _SB), :], dix_v)

        def outer(o, carry2):
            base = o * nb
            for b in range(nb):
                @pl.when(o > 0)
                def _wait_prev_scatter():
                    pltpu.make_async_copy(rbufs[b], acc.at[dix_v.at[base + b]],
                                          ssems[b]).wait()
                pltpu.async_copy(tab.at[gix_v.at[base + b]], rbufs[b],
                                 gsems[b])
            for b in range(nb):
                pltpu.make_async_copy(tab.at[gix_v.at[base + b]], rbufs[b],
                                      gsems[b]).wait()
                pltpu.async_copy(rbufs[b], acc.at[dix_v.at[base + b]],
                                 ssems[b], add=True)
            return carry2

        lax.fori_loop(0, _SB // nb, outer, 0)
        for b in range(nb):
            pltpu.make_async_copy(rbufs[b], acc.at[dix_v.at[0]],
                                  ssems[b]).wait()
        return carry

    lax.fori_loop(0, nsuper, souter, 0)


def _zero_fill(zb, width):
    def rbody(r, carry):
        for j in range(width // 16):
            zb[r, pl.ds(j * 16, 16)] = jnp.zeros((16,), jnp.float32)
        return carry
    lax.fori_loop(0, _ZR, rbody, 0)


def _zero_acc_slice(acc, zb, s):
    base = s * _RPT
    for k in range(_RPT // _ZR):
        pltpu.sync_copy(zb, acc.at[pl.ds(base + k * _ZR, _ZR), :])


def _dump_acc(acc, out, c, s):
    pltpu.sync_copy(acc.at[pl.ds(s * _RPT, _RPT), :],
                    out.at[pl.ds(c * _N + s * _RPT, _RPT), :])


_CH1 = _E // (_NC * _NS) // _C
_CH2 = _E // _NS // _C


@functools.partial(
    pl.kernel,
    out_type=(jax.ShapeDtypeStruct((_N, _DN), jnp.float32),
              jax.ShapeDtypeStruct((2 * _N, _AW), jnp.float32)),
    mesh=_mesh,
    scratch_types=[
        pltpu.VMEM_SHARED((_N, _AW), jnp.float32),
        pltpu.VMEM((_SB, _C), jnp.int32),
        pltpu.VMEM((_SB, _C), jnp.int32),
        pltpu.VMEM((_HC,), jnp.int32),
        pltpu.VMEM((_HC, _DN), jnp.float32),
        [pltpu.VMEM((_C, _AW), jnp.float32)] * _NBUF,
        pltpu.VMEM((_ZR, _AW), jnp.float32),
        pltpu.SemaphoreType.DMA,
        [pltpu.SemaphoreType.DMA] * _NBUF,
        [pltpu.SemaphoreType.DMA] * _NBUF,
    ],
)
def _sc_prep(x_hbm, dst2_hbm, attr2_hbm, ntab_hbm, etab_hbm, h_out, eaug_out,
             acc, aixs, dixs, xidx, hbuf, ebufs, zb, sem1, gsems, ssems):
    c = lax.axis_index("c")
    s = lax.axis_index("s")
    cb = (c * _NS + s) * _CH1
    _zero_fill(zb, _AW)
    _zero_acc_slice(acc, zb, s)

    @pl.when(c == 0)
    def _():
        def hbody(i, carry):
            ofs = s * 640 + i * _HC
            @pl.when(ofs < _N)
            def _():
                pltpu.sync_copy(x_hbm.at[pl.ds(ofs, _HC)], xidx)
                pltpu.async_copy(ntab_hbm.at[xidx], hbuf, sem1).wait()
                pltpu.sync_copy(hbuf, h_out.at[pl.ds(ofs, _HC), :])
            return carry
        lax.fori_loop(0, 640 // _HC, hbody, 0)

    plsc.subcore_barrier()
    _edge_pass(etab_hbm, attr2_hbm, cb, dst2_hbm, cb, acc, aixs, dixs, ebufs,
               gsems, ssems, _CH1 // _SB)
    plsc.subcore_barrier()
    _dump_acc(acc, eaug_out, c, s)


@functools.partial(
    pl.kernel,
    out_type=jax.ShapeDtypeStruct((2 * _N, _DN), jnp.float32),
    mesh=_mesh,
    scratch_types=[
        pltpu.VMEM_SHARED((_N, _DN), jnp.float32),
        pltpu.VMEM((_SB, _C), jnp.int32),
        pltpu.VMEM((_SB, _C), jnp.int32),
        [pltpu.VMEM((_C, _DN), jnp.float32)] * _NBUF,
        pltpu.VMEM((_ZR, _DN), jnp.float32),
        [pltpu.SemaphoreType.DMA] * _NBUF,
        [pltpu.SemaphoreType.DMA] * _NBUF,
    ],
)
def _sc_a1(src2_hbm, dst2_hbm, h_hbm, out, acc, sixs, dixs, rbufs, zb,
           gsems, ssems):
    c = lax.axis_index("c")
    s = lax.axis_index("s")
    cb = (c * _NS + s) * _CH1
    _zero_fill(zb, _DN)
    _zero_acc_slice(acc, zb, s)
    plsc.subcore_barrier()
    _edge_pass(h_hbm, src2_hbm, cb, dst2_hbm, cb, acc, sixs, dixs, rbufs,
               gsems, ssems, _CH1 // _SB)
    plsc.subcore_barrier()
    _dump_acc(acc, out, c, s)


@functools.partial(
    pl.kernel,
    out_type=jax.ShapeDtypeStruct((2 * _N, _DN), jnp.float32),
    mesh=_mesh,
    scratch_types=[
        pltpu.VMEM_SHARED((_N, _DN), jnp.float32),
        pltpu.VMEM((_SB, _C), jnp.int32),
        pltpu.VMEM((_SB, _C), jnp.int32),
        [pltpu.VMEM((_C, _DN), jnp.float32)] * _NBUF,
        pltpu.VMEM((_ZR, _DN), jnp.float32),
        [pltpu.SemaphoreType.DMA] * _NBUF,
        [pltpu.SemaphoreType.DMA] * _NBUF,
    ],
)
def _sc_a2(gidx2_hbm, dst2_hbm, h1v_hbm, out, acc, sixs, dixs, rbufs, zb,
           gsems, ssems):
    c = lax.axis_index("c")
    s = lax.axis_index("s")
    _zero_fill(zb, _DN)
    _zero_acc_slice(acc, zb, s)
    plsc.subcore_barrier()
    _edge_pass(h1v_hbm, gidx2_hbm, c * (_E // _C) + s * _CH2, dst2_hbm,
               s * _CH2, acc, sixs, dixs, rbufs, gsems, ssems, _CH2 // _SB)
    plsc.subcore_barrier()
    _dump_acc(acc, out, c, s)


_R = 1000


def _tc_layer1_body(h_ref, a1a, a1b, ea, eb, w1h, w1e, b1, emp, o_ref):
    eaug = ea[...] + eb[...]
    es = eaug[:, :_DE] + emp[...]
    denom = eaug[:, _DE:_DE + 1] + 1.0
    acc = jnp.dot(a1a[...] + a1b[...] + h_ref[...], w1h[...],
                  preferred_element_type=jnp.float32)
    acc = acc + jnp.dot(es, w1e[...], preferred_element_type=jnp.float32)
    o_ref[...] = jnp.clip(acc / denom + b1[...], 0.0, 6.0)


def _tc_layer1(h, a1a, a1b, ea, eb, w1h, w1e, b1, emp):
    grid = (_N // _R,)
    return pl.pallas_call(
        _tc_layer1_body,
        grid=grid,
        in_specs=[
            pl.BlockSpec((_R, _DN), lambda i: (i, 0)),
            pl.BlockSpec((_R, _DN), lambda i: (i, 0)),
            pl.BlockSpec((_R, _DN), lambda i: (i, 0)),
            pl.BlockSpec((_R, _AW), lambda i: (i, 0)),
            pl.BlockSpec((_R, _AW), lambda i: (i, 0)),
            pl.BlockSpec((_DN, _DM), lambda i: (0, 0)),
            pl.BlockSpec((_DE, _DM), lambda i: (0, 0)),
            pl.BlockSpec((1, _DM), lambda i: (0, 0)),
            pl.BlockSpec((1, _DE), lambda i: (0, 0)),
        ],
        out_specs=pl.BlockSpec((_R, _DM), lambda i: (i, 0)),
        out_shape=jax.ShapeDtypeStruct((_N, _DM), jnp.float32),
    )(h, a1a, a1b, ea, eb, w1h, w1e, b1, emp)


def _tc_layer2_body(h1_ref, a2a, a2b, ea, eb, bat_ref, w2a, w2b, w2e, b2, emp,
                    o_ref, pooled, counts):
    i = pl.program_id(0)
    eaug = ea[...] + eb[...]
    es = eaug[:, :_DE] + emp[...]
    denom = eaug[:, _DE:_DE + 1] + 1.0
    h1 = h1_ref[...]
    z = jnp.dot(a2a[...] + h1[:, :_DN], w2a[...],
                preferred_element_type=jnp.float32)
    z = z + jnp.dot(a2b[...] + h1[:, _DN:], w2b[...],
                    preferred_element_type=jnp.float32)
    z = z + jnp.dot(es, w2e[...], preferred_element_type=jnp.float32)
    h2 = jnp.maximum(z / denom + b2[...], 0.0)

    g = lax.broadcasted_iota(jnp.int32, (1, _NG), 1)
    onehot = (bat_ref[...] == g).astype(jnp.float32)
    pc = lax.dot_general(onehot, h2, (((0,), (0,)), ((), ())),
                         preferred_element_type=jnp.float32)
    cc = lax.dot_general(onehot, jnp.ones_like(h2), (((0,), (0,)), ((), ())),
                         preferred_element_type=jnp.float32)

    @pl.when(i == 0)
    def _():
        pooled[...] = jnp.zeros_like(pooled)
        counts[...] = jnp.zeros_like(counts)

    pooled[...] += pc
    counts[...] += cc

    @pl.when(i == (_N // _R) - 1)
    def _():
        p = pooled[...] / jnp.maximum(counts[...], 1.0)
        m = jnp.max(p, axis=1, keepdims=True)
        zz = p - m
        o_ref[...] = zz - jnp.log(jnp.sum(jnp.exp(zz), axis=1, keepdims=True))


def _tc_layer2(h1, a2a, a2b, ea, eb, bat, w2a, w2b, w2e, b2, emp):
    grid = (_N // _R,)
    return pl.pallas_call(
        _tc_layer2_body,
        grid=grid,
        in_specs=[
            pl.BlockSpec((_R, _DM), lambda i: (i, 0)),
            pl.BlockSpec((_R, _DN), lambda i: (i, 0)),
            pl.BlockSpec((_R, _DN), lambda i: (i, 0)),
            pl.BlockSpec((_R, _AW), lambda i: (i, 0)),
            pl.BlockSpec((_R, _AW), lambda i: (i, 0)),
            pl.BlockSpec((_R, 1), lambda i: (i, 0)),
            pl.BlockSpec((_DN, _NCLS), lambda i: (0, 0)),
            pl.BlockSpec((_DN, _NCLS), lambda i: (0, 0)),
            pl.BlockSpec((_DE, _NCLS), lambda i: (0, 0)),
            pl.BlockSpec((1, _NCLS), lambda i: (0, 0)),
            pl.BlockSpec((1, _DE), lambda i: (0, 0)),
        ],
        out_specs=pl.BlockSpec((_NG, _NCLS), lambda i: (0, 0)),
        out_shape=jax.ShapeDtypeStruct((_NG, _NCLS), jnp.float32),
        scratch_shapes=[
            pltpu.VMEM((_NG, _NCLS), jnp.float32),
            pltpu.VMEM((_NG, _NCLS), jnp.float32),
        ],
    )(h1, a2a, a2b, ea, eb, bat, w2a, w2b, w2e, b2, emp)


def kernel(x, edge_index, edge_attr, batch, node_table, edge_table, W1, b1, W2, b2):
    x = x.astype(jnp.int32)
    src = edge_index[0].astype(jnp.int32)
    dst = edge_index[1].astype(jnp.int32)
    attr = edge_attr.astype(jnp.int32)
    bat = batch.astype(jnp.int32).reshape(_N, 1)

    evoc = edge_table.shape[0]
    etab_aug = jnp.concatenate(
        [edge_table, jnp.ones((evoc, 1), jnp.float32),
         jnp.zeros((evoc, _AW - _DE - 1), jnp.float32)], axis=1)

    src2 = src.reshape(_E // _C, _C)
    dst2 = dst.reshape(_E // _C, _C)
    attr2 = attr.reshape(_E // _C, _C)

    h, eaug2 = _sc_prep(x, dst2, attr2, node_table, etab_aug)
    a1 = _sc_a1(src2, dst2, h)

    emp = edge_table[0].reshape(1, _DE)
    h1 = _tc_layer1(h, a1[:_N], a1[_N:], eaug2[:_N], eaug2[_N:],
                    W1[:_DN], W1[_DN:], b1.reshape(1, _DM), emp)

    gidx2 = jnp.concatenate([src * 2, src * 2 + 1]).reshape(2 * _E // _C, _C)
    a2 = _sc_a2(gidx2, dst2, h1.reshape(2 * _N, _DN))

    return _tc_layer2(h1, a2[:_N], a2[_N:], eaug2[:_N], eaug2[_N:], bat,
                      W2[:_DN], W2[_DN:_DM], W2[_DM:], b2.reshape(1, _NCLS), emp)

# --- scband reference (transcript-rebuilt; emitter-appended) ---
"""Pipeline reference for scband-learnable-embeddings-14396730376444 (READ-ONLY COPY).

The authoritative reference and input builder live on the scoring server;
editing this copy changes nothing except your own understanding.
"""

import jax, jax.numpy as jnp
import numpy as np

N = 10000
E = 320000
NODE_VOCAB = 10000
EDGE_VOCAB = 64
D_NODE = 128
D_EDGE = 16
D_MID = 256
N_CLASS = 128
N_GRAPHS = 64
EMPTY_EDGE_INDEX = 0


def setup_inputs(seed: int = 0) -> dict:
    key = jax.random.key(seed)
    ks = jax.random.split(key, 8)
    x = jax.random.randint(ks[0], (N,), 0, NODE_VOCAB, dtype=jnp.int64 if jax.config.jax_enable_x64 else jnp.int32)
    edge_index = jax.random.randint(ks[1], (2, E), 0, N)
    edge_attr = jax.random.randint(ks[2], (E,), 0, EDGE_VOCAB)
    batch = jnp.sort(jax.random.randint(ks[3], (N,), 0, N_GRAPHS))
    node_table = jax.random.normal(ks[4], (NODE_VOCAB, D_NODE), dtype=jnp.float32) * 0.02
    edge_table = jax.random.normal(ks[5], (EDGE_VOCAB, D_EDGE), dtype=jnp.float32) * 0.02
    W1 = jax.random.normal(ks[6], (D_NODE + D_EDGE, D_MID), dtype=jnp.float32) * (1.0 / np.sqrt(D_NODE + D_EDGE))
    b1 = jnp.zeros((D_MID,), dtype=jnp.float32)
    W2 = jax.random.normal(ks[7], (D_MID + D_EDGE, N_CLASS), dtype=jnp.float32) * (1.0 / np.sqrt(D_MID + D_EDGE))
    b2 = jnp.zeros((N_CLASS,), dtype=jnp.float32)
    return {"x": x, "edge_index": edge_index, "edge_attr": edge_attr, "batch": batch,
            "node_table": node_table, "edge_table": edge_table,
            "W1": W1, "b1": b1, "W2": W2, "b2": b2}


def _directed_gcn_conv(h, edge_index, e, empty_e, W, b):
    # message: linear over [x_src || edge_feat], scatter-add to dst, plus self message
    # using the empty-edge embedding; normalized by (in-degree + 1).
    src = edge_index[0]
    dst = edge_index[1]
    msg = jnp.concatenate([h[src], e], axis=-1) @ W + b
    agg = jax.ops.segment_sum(msg, dst, num_segments=h.shape[0])
    self_in = jnp.concatenate([h, jnp.broadcast_to(empty_e, (h.shape[0], empty_e.shape[-1]))], axis=-1)
    self_msg = self_in @ W + b
    deg = jax.ops.segment_sum(jnp.ones((edge_index.shape[1],), dtype=h.dtype), dst, num_segments=h.shape[0]) + 1.0
    return (agg + self_msg) / deg[:, None]


def reference(x, edge_index, edge_attr, batch, node_table, edge_table, W1, b1, W2, b2):
    h = jnp.take(node_table, x, axis=0)
    e = jnp.take(edge_table, edge_attr, axis=0)
    empty_e = edge_table[EMPTY_EDGE_INDEX]
    h1 = _directed_gcn_conv(h, edge_index, e, empty_e, W1, b1)
    h1 = jnp.clip(h1, 0.0, 6.0)  # relu6; dropout is identity in eval mode
    h2 = _directed_gcn_conv(h1, edge_index, e, empty_e, W2, b2)
    h2 = jax.nn.relu(h2)
    sums = jax.ops.segment_sum(h2, batch, num_segments=N_GRAPHS)
    counts = jax.ops.segment_sum(jnp.ones((h2.shape[0],), dtype=h2.dtype), batch, num_segments=N_GRAPHS)
    pooled = sums / jnp.maximum(counts, 1.0)[:, None]
    return jax.nn.log_softmax(pooled, axis=1)

if __name__ == "__main__":
    import jax
    _d = setup_inputs()
    print(jax.jit(kernel)(*tuple(_d.values())))

</pallas_src>

<mosaic_0001>
#map = affine_map<(d0, d1) -> (0, 0)>
module attributes {stable_mosaic.version = 14 : i64} {
  func.func @_sc_a1(%arg0: i32, %arg1: i32, %arg2: memref<2560x125xi32, #tpu.memory_space<hbm>>, %arg3: memref<2560x125xi32, #tpu.memory_space<hbm>>, %arg4: memref<10000x128xf32, #tpu.memory_space<hbm>>, %arg5: memref<20000x128xf32, #tpu.memory_space<hbm>>, %arg6: memref<10000x128xf32, #tpu.memory_space<vmem_shared>>, %arg7: memref<16x125xi32, #tpu.memory_space<vmem>>, %arg8: memref<16x125xi32, #tpu.memory_space<vmem>>, %arg9: memref<125x128xf32, #tpu.memory_space<vmem>>, %arg10: memref<125x128xf32, #tpu.memory_space<vmem>>, %arg11: memref<25x128xf32, #tpu.memory_space<vmem>>, %arg12: memref<!tpu.dma_semaphore, #tpu.memory_space<semaphore_mem>>, %arg13: memref<!tpu.dma_semaphore, #tpu.memory_space<semaphore_mem>>, %arg14: memref<!tpu.dma_semaphore, #tpu.memory_space<semaphore_mem>>, %arg15: memref<!tpu.dma_semaphore, #tpu.memory_space<semaphore_mem>>) attributes {dimension_semantics = [#tpu.dimension_semantics<core_parallel>, #tpu.dimension_semantics<subcore_parallel>], iteration_bounds = array<i64: 2, 16>, scalar_prefetch = 0 : i64, scratch_operands = 10 : i64, tpu.core_type = #tpu.core_type<sc_vector_subcore>, window_params = [{transform_indices = #map}, {transform_indices = #map}, {transform_indices = #map}, {transform_indices = #map}]} {
    %mul3A = arith.constant 16 : i32
    %mul3A_0 = arith.muli %arg0, %mul3A : i32
    %add3A = arith.addi %mul3A_0, %arg1 : i32
    %mul3A_1 = arith.constant 80 : i32
    %mul3A_2 = arith.muli %add3A, %mul3A_1 : i32
    %scan3A = arith.constant 0 : i32
    %scan3A_3 = arith.constant 0 : i32
    %scan3A_4 = arith.constant 25 : i32
    %scan3A_5 = arith.addi %scan3A_3, %scan3A_4 : i32
    %scan3A_6 = arith.constant 1 : i32
    scf.for %scan3A_72 = %scan3A_3 to %scan3A_5 step %scan3A_6  : i32 {
      %broadcast_in_dim3A = arith.constant 0.000000e+00 : f32
      %broadcast_in_dim3A_73 = vector.broadcast %broadcast_in_dim3A : f32 to vector<16xf32>
      %swap3A = arith.index_cast %scan3A_72 : i32 to index
      %swap3A_74 = arith.constant 0 : index
      %swap3A_75 = tpu.vector_load %arg11[%swap3A, %swap3A_74] {strides = array<i32>} : memref<25x128xf32, #tpu.memory_space<vmem>>, vector<1x16xf32>,
      %swap3A_76 = vector.shape_cast %swap3A_75 : vector<1x16xf32> to vector<16xf32>
      %swap3A_77 = vector.shape_cast %broadcast_in_dim3A_73 : vector<16xf32> to vector<1x16xf32>
      tpu.vector_store %arg11[%swap3A, %swap3A_74], %swap3A_77 {strides = array<i32>} : memref<25x128xf32, #tpu.memory_space<vmem>>, vector<1x16xf32>,
      %broadcast_in_dim3A_78 = arith.constant 0.000000e+00 : f32
      %broadcast_in_dim3A_79 = vector.broadcast %broadcast_in_dim3A_78 : f32 to vector<16xf32>
      %swap3A_80 = arith.index_cast %scan3A_72 : i32 to index
      %swap3A_81 = arith.constant 16 : index
      %swap3A_82 = tpu.vector_load %arg11[%swap3A_80, %swap3A_81] {strides = array<i32>} : memref<25x128xf32, #tpu.memory_space<vmem>>, vector<1x16xf32>,
      %swap3A_83 = vector.shape_cast %swap3A_82 : vector<1x16xf32> to vector<16xf32>
      %swap3A_84 = vector.shape_cast %broadcast_in_dim3A_79 : vector<16xf32> to vector<1x16xf32>
      tpu.vector_store %arg11[%swap3A_80, %swap3A_81], %swap3A_84 {strides = array<i32>} : memref<25x128xf32, #tpu.memory_space<vmem>>, vector<1x16xf32>,
      %broadcast_in_dim3A_85 = arith.constant 0.000000e+00 : f32
      %broadcast_in_dim3A_86 = vector.broadcast %broadcast_in_dim3A_85 : f32 to vector<16xf32>
      %swap3A_87 = arith.index_cast %scan3A_72 : i32 to index
      %swap3A_88 = arith.constant 32 : index
      %swap3A_89 = tpu.vector_load %arg11[%swap3A_87, %swap3A_88] {strides = array<i32>} : memref<25x128xf32, #tpu.memory_space<vmem>>, vector<1x16xf32>,
      %swap3A_90 = vector.shape_cast %swap3A_89 : vector<1x16xf32> to vector<16xf32>
      %swap3A_91 = vector.shape_cast %broadcast_in_dim3A_86 : vector<16xf32> to vector<1x16xf32>
      tpu.vector_store %arg11[%swap3A_87, %swap3A_88], %swap3A_91 {strides = array<i32>} : memref<25x128xf32, #tpu.memory_space<vmem>>, vector<1x16xf32>,
      %broadcast_in_dim3A_92 = arith.constant 0.000000e+00 : f32
      %broadcast_in_dim3A_93 = vector.broadcast %broadcast_in_dim3A_92 : f32 to vector<16xf32>
      %swap3A_94 = arith.index_cast %scan3A_72 : i32 to index
      %swap3A_95 = arith.constant 48 : index
      %swap3A_96 = tpu.vector_load %arg11[%swap3A_94, %swap3A_95] {strides = array<i32>} : memref<25x128xf32, #tpu.memory_space<vmem>>, vector<1x16xf32>,
      %swap3A_97 = vector.shape_cast %swap3A_96 : vector<1x16xf32> to vector<16xf32>
      %swap3A_98 = vector.shape_cast %broadcast_in_dim3A_93 : vector<16xf32> to vector<1x16xf32>
      tpu.vector_store %arg11[%swap3A_94, %swap3A_95], %swap3A_98 {strides = array<i32>} : memref<25x128xf32, #tpu.memory_space<vmem>>, vector<1x16xf32>,
      %broadcast_in_dim3A_99 = arith.constant 0.000000e+00 : f32
      %broadcast_in_dim3A_100 = vector.broadcast %broadcast_in_dim3A_99 : f32 to vector<16xf32>
      %swap3A_101 = arith.index_cast %scan3A_72 : i32 to index
      %swap3A_102 = arith.constant 64 : index
      %swap3A_103 = tpu.vector_load %arg11[%swap3A_101, %swap3A_102] {strides = array<i32>} : memref<25x128xf32, #tpu.memory_space<vmem>>, vector<1x16xf32>,
      %swap3A_104 = vector.shape_cast %swap3A_103 : vector<1x16xf32> to vector<16xf32>
      %swap3A_105 = vector.shape_cast %broadcast_in_dim3A_100 : vector<16xf32> to vector<1x16xf32>
      tpu.vector_store %arg11[%swap3A_101, %swap3A_102], %swap3A_105 {strides = array<i32>} : memref<25x128xf32, #tpu.memory_space<vmem>>, vector<1x16xf32>,
      %broadcast_in_dim3A_106 = arith.constant 0.000000e+00 : f32
      %broadcast_in_dim3A_107 = vector.broadcast %broadcast_in_dim3A_106 : f32 to vector<16xf32>
      %swap3A_108 = arith.index_cast %scan3A_72 : i32 to index
      %swap3A_109 = arith.constant 80 : index
      %swap3A_110 = tpu.vector_load %arg11[%swap3A_108, %swap3A_109] {strides = array<i32>} : memref<25x128xf32, #tpu.memory_space<vmem>>, vector<1x16xf32>,
      %swap3A_111 = vector.shape_cast %swap3A_110 : vector<1x16xf32> to vector<16xf32>
      %swap3A_112 = vector.shape_cast %broadcast_in_dim3A_107 : vector<16xf32> to vector<1x16xf32>
      tpu.vector_store %arg11[%swap3A_108, %swap3A_109], %swap3A_112 {strides = array<i32>} : memref<25x128xf32, #tpu.memory_space<vmem>>, vector<1x16xf32>,
      %broadcast_in_dim3A_113 = arith.constant 0.000000e+00 : f32
      %broadcast_in_dim3A_114 = vector.broadcast %broadcast_in_dim3A_113 : f32 to vector<16xf32>
      %swap3A_115 = arith.index_cast %scan3A_72 : i32 to index
      %swap3A_116 = arith.constant 96 : index
      %swap3A_117 = tpu.vector_load %arg11[%swap3A_115, %swap3A_116] {strides = array<i32>} : memref<25x128xf32, #tpu.memory_space<vmem>>, vector<1x16xf32>,
      %swap3A_118 = vector.shape_cast %swap3A_117 : vector<1x16xf32> to vector<16xf32>
      %swap3A_119 = vector.shape_cast %broadcast_in_dim3A_114 : vector<16xf32> to vector<1x16xf32>
      tpu.vector_store %arg11[%swap3A_115, %swap3A_116], %swap3A_119 {strides = array<i32>} : memref<25x128xf32, #tpu.memory_space<vmem>>, vector<1x16xf32>,
      %broadcast_in_dim3A_120 = arith.constant 0.000000e+00 : f32
      %broadcast_in_dim3A_121 = vector.broadcast %broadcast_in_dim3A_120 : f32 to vector<16xf32>
      %swap3A_122 = arith.index_cast %scan3A_72 : i32 to index
      %swap3A_123 = arith.constant 112 : index
      %swap3A_124 = tpu.vector_load %arg11[%swap3A_122, %swap3A_123] {strides = array<i32>} : memref<25x128xf32, #tpu.memory_space<vmem>>, vector<1x16xf32>,
      %swap3A_125 = vector.shape_cast %swap3A_124 : vector<1x16xf32> to vector<16xf32>
      %swap3A_126 = vector.shape_cast %broadcast_in_dim3A_121 : vector<16xf32> to vector<1x16xf32>
      tpu.vector_store %arg11[%swap3A_122, %swap3A_123], %swap3A_126 {strides = array<i32>} : memref<25x128xf32, #tpu.memory_space<vmem>>, vector<1x16xf32>,
    }
    %scan3A_7 = arith.constant 25 : i32
    %mul3A_8 = arith.constant 624 : i32
    %mul3A_9 = arith.muli %arg1, %mul3A_8 : i32
    %add3A_10 = arith.constant 0 : i32
    %add3A_11 = arith.addi %mul3A_9, %add3A_10 : i32
    "tpu.region"() ({
      %run_scoped3A = tpu.sem_alloc : memref<!tpu.dma_semaphore, #tpu.memory_space<semaphore_mem>>
      %dma_start3A = arith.constant 0 : i32
      %dma_start3A_72 = tpu.memref_slice %arg6[%add3A_11, %dma_start3A] : memref<10000x128xf32, #tpu.memory_space<vmem_shared>> -> memref<25x128xf32, #tpu.memory_space<vmem_shared>>
      %dma_start3A_73 = arith.constant 0 : i32
      %dma_start3A_74 = tpu.memref_slice %arg6[%add3A_11, %dma_start3A_73] : memref<10000x128xf32, #tpu.memory_space<vmem_shared>> -> memref<25x128xf32, #tpu.memory_space<vmem_shared>>
      tpu.enqueue_dma source(%arg11 : memref<25x128xf32, #tpu.memory_space<vmem>>) target(%dma_start3A_74 : memref<25x128xf32, #tpu.memory_space<vmem_shared>>) target_semaphore(%run_scoped3A : memref<!tpu.dma_semaphore, #tpu.memory_space<semaphore_mem>>)
      %dma_wait3A = arith.constant 0 : i32
      %dma_wait3A_75 = tpu.memref_slice %arg6[%add3A_11, %dma_wait3A] : memref<10000x128xf32, #tpu.memory_space<vmem_shared>> -> memref<25x128xf32, #tpu.memory_space<vmem_shared>>
      %dma_wait3A_76 = arith.constant 0 : i32
      %dma_wait3A_77 = tpu.memref_slice %arg6[%add3A_11, %dma_wait3A_76] : memref<10000x128xf32, #tpu.memory_space<vmem_shared>> -> memref<25x128xf32, #tpu.memory_space<vmem_shared>>
      tpu.wait_dma2 semaphore(%run_scoped3A : memref<!tpu.dma_semaphore, #tpu.memory_space<semaphore_mem>>) src(%arg11 : memref<25x128xf32, #tpu.memory_space<vmem>>) dst(%dma_wait3A_77 : memref<25x128xf32, #tpu.memory_space<vmem_shared>>)
      tpu.yield
    }) : () -> ()
    %add3A_12 = arith.constant 25 : i32
    %add3A_13 = arith.addi %mul3A_9, %add3A_12 : i32
    "tpu.region"() ({
      %run_scoped3A = tpu.sem_alloc : memref<!tpu.dma_semaphore, #tpu.memory_space<semaphore_mem>>
      %dma_start3A = arith.constant 0 : i32
      %dma_start3A_72 = tpu.memref_slice %arg6[%add3A_13, %dma_start3A] : memref<10000x128xf32, #tpu.memory_space<vmem_shared>> -> memref<25x128xf32, #tpu.memory_space<vmem_shared>>
      %dma_start3A_73 = arith.constant 0 : i32
      %dma_start3A_74 = tpu.memref_slice %arg6[%add3A_13, %dma_start3A_73] : memref<10000x128xf32, #tpu.memory_space<vmem_shared>> -> memref<25x128xf32, #tpu.memory_space<vmem_shared>>
      tpu.enqueue_dma source(%arg11 : memref<25x128xf32, #tpu.memory_space<vmem>>) target(%dma_start3A_74 : memref<25x128xf32, #tpu.memory_space<vmem_shared>>) target_semaphore(%run_scoped3A : memref<!tpu.dma_semaphore, #tpu.memory_space<semaphore_mem>>)
      %dma_wait3A = arith.constant 0 : i32
      %dma_wait3A_75 = tpu.memref_slice %arg6[%add3A_13, %dma_wait3A] : memref<10000x128xf32, #tpu.memory_space<vmem_shared>> -> memref<25x128xf32, #tpu.memory_space<vmem_shared>>
      %dma_wait3A_76 = arith.constant 0 : i32
      %dma_wait3A_77 = tpu.memref_slice %arg6[%add3A_13, %dma_wait3A_76] : memref<10000x128xf32, #tpu.memory_space<vmem_shared>> -> memref<25x128xf32, #tpu.memory_space<vmem_shared>>
      tpu.wait_dma2 semaphore(%run_scoped3A : memref<!tpu.dma_semaphore, #tpu.memory_space<semaphore_mem>>) src(%arg11 : memref<25x128xf32, #tpu.memory_space<vmem>>) dst(%dma_wait3A_77 : memref<25x128xf32, #tpu.memory_space<vmem_shared>>)
      tpu.yield
    }) : () -> ()
    %add3A_14 = arith.constant 50 : i32
    %add3A_15 = arith.addi %mul3A_9, %add3A_14 : i32
    "tpu.region"() ({
      %run_scoped3A = tpu.sem_alloc : memref<!tpu.dma_semaphore, #tpu.memory_space<semaphore_mem>>
      %dma_start3A = arith.constant 0 : i32
      %dma_start3A_72 = tpu.memref_slice %arg6[%add3A_15, %dma_start3A] : memref<10000x128xf32, #tpu.memory_space<vmem_shared>> -> memref<25x128xf32, #tpu.memory_space<vmem_shared>>
      %dma_start3A_73 = arith.constant 0 : i32
      %dma_start3A_74 = tpu.memref_slice %arg6[%add3A_15, %dma_start3A_73] : memref<10000x128xf32, #tpu.memory_space<vmem_shared>> -> memref<25x128xf32, #tpu.memory_space<vmem_shared>>
      tpu.enqueue_dma source(%arg11 : memref<25x128xf32, #tpu.memory_space<vmem>>) target(%dma_start3A_74 : memref<25x128xf32, #tpu.memory_space<vmem_shared>>) target_semaphore(%run_scoped3A : memref<!tpu.dma_semaphore, #tpu.memory_space<semaphore_mem>>)
      %dma_wait3A = arith.constant 0 : i32
      %dma_wait3A_75 = tpu.memref_slice %arg6[%add3A_15, %dma_wait3A] : memref<10000x128xf32, #tpu.memory_space<vmem_shared>> -> memref<25x128xf32, #tpu.memory_space<vmem_shared>>
      %dma_wait3A_76 = arith.constant 0 : i32
      %dma_wait3A_77 = tpu.memref_slice %arg6[%add3A_15, %dma_wait3A_76] : memref<10000x128xf32, #tpu.memory_space<vmem_shared>> -> memref<25x128xf32, #tpu.memory_space<vmem_shared>>
      tpu.wait_dma2 semaphore(%run_scoped3A : memref<!tpu.dma_semaphore, #tpu.memory_space<semaphore_mem>>) src(%arg11 : memref<25x128xf32, #tpu.memory_space<vmem>>) dst(%dma_wait3A_77 : memref<25x128xf32, #tpu.memory_space<vmem_shared>>)
      tpu.yield
    }) : () -> ()
    %add3A_16 = arith.constant 75 : i32
    %add3A_17 = arith.addi %mul3A_9, %add3A_16 : i32
    "tpu.region"() ({
      %run_scoped3A = tpu.sem_alloc : memref<!tpu.dma_semaphore, #tpu.memory_space<semaphore_mem>>
      %dma_start3A = arith.constant 0 : i32
      %dma_start3A_72 = tpu.memref_slice %arg6[%add3A_17, %dma_start3A] : memref<10000x128xf32, #tpu.memory_space<vmem_shared>> -> memref<25x128xf32, #tpu.memory_space<vmem_shared>>
      %dma_start3A_73 = arith.constant 0 : i32
      %dma_start3A_74 = tpu.memref_slice %arg6[%add3A_17, %dma_start3A_73] : memref<10000x128xf32, #tpu.memory_space<vmem_shared>> -> memref<25x128xf32, #tpu.memory_space<vmem_shared>>
      tpu.enqueue_dma source(%arg11 : memref<25x128xf32, #tpu.memory_space<vmem>>) target(%dma_start3A_74 : memref<25x128xf32, #tpu.memory_space<vmem_shared>>) target_semaphore(%run_scoped3A : memref<!tpu.dma_semaphore, #tpu.memory_space<semaphore_mem>>)
      %dma_wait3A = arith.constant 0 : i32
      %dma_wait3A_75 = tpu.memref_slice %arg6[%add3A_17, %dma_wait3A] : memref<10000x128xf32, #tpu.memory_space<vmem_shared>> -> memref<25x128xf32, #tpu.memory_space<vmem_shared>>
      %dma_wait3A_76 = arith.constant 0 : i32
      %dma_wait3A_77 = tpu.memref_slice %arg6[%add3A_17, %dma_wait3A_76] : memref<10000x128xf32, #tpu.memory_space<vmem_shared>> -> memref<25x128xf32, #tpu.memory_space<vmem_shared>>
      tpu.wait_dma2 semaphore(%run_scoped3A : memref<!tpu.dma_semaphore, #tpu.memory_space<semaphore_mem>>) src(%arg11 : memref<25x128xf32, #tpu.memory_space<vmem>>) dst(%dma_wait3A_77 : memref<25x128xf32, #tpu.memory_space<vmem_shared>>)
      tpu.yield
    }) : () -> ()
    %add3A_18 = arith.constant 100 : i32
    %add3A_19 = arith.addi %mul3A_9, %add3A_18 : i32
    "tpu.region"() ({
      %run_scoped3A = tpu.sem_alloc : memref<!tpu.dma_semaphore, #tpu.memory_space<semaphore_mem>>
      %dma_start3A = arith.constant 0 : i32
      %dma_start3A_72 = tpu.memref_slice %arg6[%add3A_19, %dma_start3A] : memref<10000x128xf32, #tpu.memory_space<vmem_shared>> -> memref<25x128xf32, #tpu.memory_space<vmem_shared>>
      %dma_start3A_73 = arith.constant 0 : i32
      %dma_start3A_74 = tpu.memref_slice %arg6[%add3A_19, %dma_start3A_73] : memref<10000x128xf32, #tpu.memory_space<vmem_shared>> -> memref<25x128xf32, #tpu.memory_space<vmem_shared>>
      tpu.enqueue_dma source(%arg11 : memref<25x128xf32, #tpu.memory_space<vmem>>) target(%dma_start3A_74 : memref<25x128xf32, #tpu.memory_space<vmem_shared>>) target_semaphore(%run_scoped3A : memref<!tpu.dma_semaphore, #tpu.memory_space<semaphore_mem>>)
      %dma_wait3A = arith.constant 0 : i32
      %dma_wait3A_75 = tpu.memref_slice %arg6[%add3A_19, %dma_wait3A] : memref<10000x128xf32, #tpu.memory_space<vmem_shared>> -> memref<25x128xf32, #tpu.memory_space<vmem_shared>>
      %dma_wait3A_76 = arith.constant 0 : i32
      %dma_wait3A_77 = tpu.memref_slice %arg6[%add3A_19, %dma_wait3A_76] : memref<10000x128xf32, #tpu.memory_space<vmem_shared>> -> memref<25x128xf32, #tpu.memory_space<vmem_shared>>
      tpu.wait_dma2 semaphore(%run_scoped3A : memref<!tpu.dma_semaphore, #tpu.memory_space<semaphore_mem>>) src(%arg11 : memref<25x128xf32, #tpu.memory_space<vmem>>) dst(%dma_wait3A_77 : memref<25x128xf32, #tpu.memory_space<vmem_shared>>)
      tpu.yield
    }) : () -> ()
    %add3A_20 = arith.constant 125 : i32
    %add3A_21 = arith.addi %mul3A_9, %add3A_20 : i32
    "tpu.region"() ({
      %run_scoped3A = tpu.sem_alloc : memref<!tpu.dma_semaphore, #tpu.memory_space<semaphore_mem>>
      %dma_start3A = arith.constant 0 : i32
      %dma_start3A_72 = tpu.memref_slice %arg6[%add3A_21, %dma_start3A] : memref<10000x128xf32, #tpu.memory_space<vmem_shared>> -> memref<25x128xf32, #tpu.memory_space<vmem_shared>>
      %dma_start3A_73 = arith.constant 0 : i32
      %dma_start3A_74 = tpu.memref_slice %arg6[%add3A_21, %dma_start3A_73] : memref<10000x128xf32, #tpu.memory_space<vmem_shared>> -> memref<25x128xf32, #tpu.memory_space<vmem_shared>>
      tpu.enqueue_dma source(%arg11 : memref<25x128xf32, #tpu.memory_space<vmem>>) target(%dma_start3A_74 : memref<25x128xf32, #tpu.memory_space<vmem_shared>>) target_semaphore(%run_scoped3A : memref<!tpu.dma_semaphore, #tpu.memory_space<semaphore_mem>>)
      %dma_wait3A = arith.constant 0 : i32
      %dma_wait3A_75 = tpu.memref_slice %arg6[%add3A_21, %dma_wait3A] : memref<10000x128xf32, #tpu.memory_space<vmem_shared>> -> memref<25x128xf32, #tpu.memory_space<vmem_shared>>
      %dma_wait3A_76 = arith.constant 0 : i32
      %dma_wait3A_77 = tpu.memref_slice %arg6[%add3A_21, %dma_wait3A_76] : memref<10000x128xf32, #tpu.memory_space<vmem_shared>> -> memref<25x128xf32, #tpu.memory_space<vmem_shared>>
      tpu.wait_dma2 semaphore(%run_scoped3A : memref<!tpu.dma_semaphore, #tpu.memory_space<semaphore_mem>>) src(%arg11 : memref<25x128xf32, #tpu.memory_space<vmem>>) dst(%dma_wait3A_77 : memref<25x128xf32, #tpu.memory_space<vmem_shared>>)
      tpu.yield
    }) : () -> ()
    %add3A_22 = arith.constant 150 : i32
    %add3A_23 = arith.addi %mul3A_9, %add3A_22 : i32
    "tpu.region"() ({
      %run_scoped3A = tpu.sem_alloc : memref<!tpu.dma_semaphore, #tpu.memory_space<semaphore_mem>>
      %dma_start3A = arith.constant 0 : i32
      %dma_start3A_72 = tpu.memref_slice %arg6[%add3A_23, %dma_start3A] : memref<10000x128xf32, #tpu.memory_space<vmem_shared>> -> memref<25x128xf32, #tpu.memory_space<vmem_shared>>
      %dma_start3A_73 = arith.constant 0 : i32
      %dma_start3A_74 = tpu.memref_slice %arg6[%add3A_23, %dma_start3A_73] : memref<10000x128xf32, #tpu.memory_space<vmem_shared>> -> memref<25x128xf32, #tpu.memory_space<vmem_shared>>
      tpu.enqueue_dma source(%arg11 : memref<25x128xf32, #tpu.memory_space<vmem>>) target(%dma_start3A_74 : memref<25x128xf32, #tpu.memory_space<vmem_shared>>) target_semaphore(%run_scoped3A : memref<!tpu.dma_semaphore, #tpu.memory_space<semaphore_mem>>)
      %dma_wait3A = arith.constant 0 : i32
      %dma_wait3A_75 = tpu.memref_slice %arg6[%add3A_23, %dma_wait3A] : memref<10000x128xf32, #tpu.memory_space<vmem_shared>> -> memref<25x128xf32, #tpu.memory_space<vmem_shared>>
      %dma_wait3A_76 = arith.constant 0 : i32
      %dma_wait3A_77 = tpu.memref_slice %arg6[%add3A_23, %dma_wait3A_76] : memref<10000x128xf32, #tpu.memory_space<vmem_shared>> -> memref<25x128xf32, #tpu.memory_space<vmem_shared>>
      tpu.wait_dma2 semaphore(%run_scoped3A : memref<!tpu.dma_semaphore, #tpu.memory_space<semaphore_mem>>) src(%arg11 : memref<25x128xf32, #tpu.memory_space<vmem>>) dst(%dma_wait3A_77 : memref<25x128xf32, #tpu.memory_space<vmem_shared>>)
      tpu.yield
    }) : () -> ()
    %add3A_24 = arith.constant 175 : i32
    %add3A_25 = arith.addi %mul3A_9, %add3A_24 : i32
    "tpu.region"() ({
      %run_scoped3A = tpu.sem_alloc : memref<!tpu.dma_semaphore, #tpu.memory_space<semaphore_mem>>
      %dma_start3A = arith.constant 0 : i32
      %dma_start3A_72 = tpu.memref_slice %arg6[%add3A_25, %dma_start3A] : memref<10000x128xf32, #tpu.memory_space<vmem_shared>> -> memref<25x128xf32, #tpu.memory_space<vmem_shared>>
      %dma_start3A_73 = arith.constant 0 : i32
      %dma_start3A_74 = tpu.memref_slice %arg6[%add3A_25, %dma_start3A_73] : memref<10000x128xf32, #tpu.memory_space<vmem_shared>> -> memref<25x128xf32, #tpu.memory_space<vmem_shared>>
      tpu.enqueue_dma source(%arg11 : memref<25x128xf32, #tpu.memory_space<vmem>>) target(%dma_start3A_74 : memref<25x128xf32, #tpu.memory_space<vmem_shared>>) target_semaphore(%run_scoped3A : memref<!tpu.dma_semaphore, #tpu.memory_space<semaphore_mem>>)
      %dma_wait3A = arith.constant 0 : i32
      %dma_wait3A_75 = tpu.memref_slice %arg6[%add3A_25, %dma_wait3A] : memref<10000x128xf32, #tpu.memory_space<vmem_shared>> -> memref<25x128xf32, #tpu.memory_space<vmem_shared>>
      %dma_wait3A_76 = arith.constant 0 : i32
      %dma_wait3A_77 = tpu.memref_slice %arg6[%add3A_25, %dma_wait3A_76] : memref<10000x128xf32, #tpu.memory_space<vmem_shared>> -> memref<25x128xf32, #tpu.memory_space<vmem_shared>>
      tpu.wait_dma2 semaphore(%run_scoped3A : memref<!tpu.dma_semaphore, #tpu.memory_space<semaphore_mem>>) src(%arg11 : memref<25x128xf32, #tpu.memory_space<vmem>>) dst(%dma_wait3A_77 : memref<25x128xf32, #tpu.memory_space<vmem_shared>>)
      tpu.yield
    }) : () -> ()
    %add3A_26 = arith.constant 200 : i32
    %add3A_27 = arith.addi %mul3A_9, %add3A_26 : i32
    "tpu.region"() ({
      %run_scoped3A = tpu.sem_alloc : memref<!tpu.dma_semaphore, #tpu.memory_space<semaphore_mem>>
      %dma_start3A = arith.constant 0 : i32
      %dma_start3A_72 = tpu.memref_slice %arg6[%add3A_27, %dma_start3A] : memref<10000x128xf32, #tpu.memory_space<vmem_shared>> -> memref<25x128xf32, #tpu.memory_space<vmem_shared>>
      %dma_start3A_73 = arith.constant 0 : i32
      %dma_start3A_74 = tpu.memref_slice %arg6[%add3A_27, %dma_start3A_73] : memref<10000x128xf32, #tpu.memory_space<vmem_shared>> -> memref<25x128xf32, #tpu.memory_space<vmem_shared>>
      tpu.enqueue_dma source(%arg11 : memref<25x128xf32, #tpu.memory_space<vmem>>) target(%dma_start3A_74 : memref<25x128xf32, #tpu.memory_space<vmem_shared>>) target_semaphore(%run_scoped3A : memref<!tpu.dma_semaphore, #tpu.memory_space<semaphore_mem>>)
      %dma_wait3A = arith.constant 0 : i32
      %dma_wait3A_75 = tpu.memref_slice %arg6[%add3A_27, %dma_wait3A] : memref<10000x128xf32, #tpu.memory_space<vmem_shared>> -> memref<25x128xf32, #tpu.memory_space<vmem_shared>>
      %dma_wait3A_76 = arith.constant 0 : i32
      %dma_wait3A_77 = tpu.memref_slice %arg6[%add3A_27, %dma_wait3A_76] : memref<10000x128xf32, #tpu.memory_space<vmem_shared>> -> memref<25x128xf32, #tpu.memory_space<vmem_shared>>
      tpu.wait_dma2 semaphore(%run_scoped3A : memref<!tpu.dma_semaphore, #tpu.memory_space<semaphore_mem>>) src(%arg11 : memref<25x128xf32, #tpu.memory_space<vmem>>) dst(%dma_wait3A_77 : memref<25x128xf32, #tpu.memory_space<vmem_shared>>)
      tpu.yield
    }) : () -> ()
    %add3A_28 = arith.constant 225 : i32
    %add3A_29 = arith.addi %mul3A_9, %add3A_28 : i32
    "tpu.region"() ({
      %run_scoped3A = tpu.sem_alloc : memref<!tpu.dma_semaphore, #tpu.memory_space<semaphore_mem>>
      %dma_start3A = arith.constant 0 : i32
      %dma_start3A_72 = tpu.memref_slice %arg6[%add3A_29, %dma_start3A] : memref<10000x128xf32, #tpu.memory_space<vmem_shared>> -> memref<25x128xf32, #tpu.memory_space<vmem_shared>>
      %dma_start3A_73 = arith.constant 0 : i32
      %dma_start3A_74 = tpu.memref_slice %arg6[%add3A_29, %dma_start3A_73] : memref<10000x128xf32, #tpu.memory_space<vmem_shared>> -> memref<25x128xf32, #tpu.memory_space<vmem_shared>>
      tpu.enqueue_dma source(%arg11 : memref<25x128xf32, #tpu.memory_space<vmem>>) target(%dma_start3A_74 : memref<25x128xf32, #tpu.memory_space<vmem_shared>>) target_semaphore(%run_scoped3A : memref<!tpu.dma_semaphore, #tpu.memory_space<semaphore_mem>>)
      %dma_wait3A = arith.constant 0 : i32
      %dma_wait3A_75 = tpu.memref_slice %arg6[%add3A_29, %dma_wait3A] : memref<10000x128xf32, #tpu.memory_space<vmem_shared>> -> memref<25x128xf32, #tpu.memory_space<vmem_shared>>
      %dma_wait3A_76 = arith.constant 0 : i32
      %dma_wait3A_77 = tpu.memref_slice %arg6[%add3A_29, %dma_wait3A_76] : memref<10000x128xf32, #tpu.memory_space<vmem_shared>> -> memref<25x128xf32, #tpu.memory_space<vmem_shared>>
      tpu.wait_dma2 semaphore(%run_scoped3A : memref<!tpu.dma_semaphore, #tpu.memory_space<semaphore_mem>>) src(%arg11 : memref<25x128xf32, #tpu.memory_space<vmem>>) dst(%dma_wait3A_77 : memref<25x128xf32, #tpu.memory_space<vmem_shared>>)
      tpu.yield
    }) : () -> ()
    %add3A_30 = arith.constant 250 : i32
    %add3A_31 = arith.addi %mul3A_9, %add3A_30 : i32
    "tpu.region"() ({
      %run_scoped3A = tpu.sem_alloc : memref<!tpu.dma_semaphore, #tpu.memory_space<semaphore_mem>>
      %dma_start3A = arith.constant 0 : i32
      %dma_start3A_72 = tpu.memref_slice %arg6[%add3A_31, %dma_start3A] : memref<10000x128xf32, #tpu.memory_space<vmem_shared>> -> memref<25x128xf32, #tpu.memory_space<vmem_shared>>
      %dma_start3A_73 = arith.constant 0 : i32
      %dma_start3A_74 = tpu.memref_slice %arg6[%add3A_31, %dma_start3A_73] : memref<10000x128xf32, #tpu.memory_space<vmem_shared>> -> memref<25x128xf32, #tpu.memory_space<vmem_shared>>
      tpu.enqueue_dma source(%arg11 : memref<25x128xf32, #tpu.memory_space<vmem>>) target(%dma_start3A_74 : memref<25x128xf32, #tpu.memory_space<vmem_shared>>) target_semaphore(%run_scoped3A : memref<!tpu.dma_semaphore, #tpu.memory_space<semaphore_mem>>)
      %dma_wait3A = arith.constant 0 : i32
      %dma_wait3A_75 = tpu.memref_slice %arg6[%add3A_31, %dma_wait3A] : memref<10000x128xf32, #tpu.memory_space<vmem_shared>> -> memref<25x128xf32, #tpu.memory_space<vmem_shared>>
      %dma_wait3A_76 = arith.constant 0 : i32
      %dma_wait3A_77 = tpu.memref_slice %arg6[%add3A_31, %dma_wait3A_76] : memref<10000x128xf32, #tpu.memory_space<vmem_shared>> -> memref<25x128xf32, #tpu.memory_space<vmem_shared>>
      tpu.wait_dma2 semaphore(%run_scoped3A : memref<!tpu.dma_semaphore, #tpu.memory_space<semaphore_mem>>) src(%arg11 : memref<25x128xf32, #tpu.memory_space<vmem>>) dst(%dma_wait3A_77 : memref<25x128xf32, #tpu.memory_space<vmem_shared>>)
      tpu.yield
    }) : () -> ()
    %add3A_32 = arith.constant 275 : i32
    %add3A_33 = arith.addi %mul3A_9, %add3A_32 : i32
    "tpu.region"() ({
      %run_scoped3A = tpu.sem_alloc : memref<!tpu.dma_semaphore, #tpu.memory_space<semaphore_mem>>
      %dma_start3A = arith.constant 0 : i32
      %dma_start3A_72 = tpu.memref_slice %arg6[%add3A_33, %dma_start3A] : memref<10000x128xf32, #tpu.memory_space<vmem_shared>> -> memref<25x128xf32, #tpu.memory_space<vmem_shared>>
      %dma_start3A_73 = arith.constant 0 : i32
      %dma_start3A_74 = tpu.memref_slice %arg6[%add3A_33, %dma_start3A_73] : memref<10000x128xf32, #tpu.memory_space<vmem_shared>> -> memref<25x128xf32, #tpu.memory_space<vmem_shared>>
      tpu.enqueue_dma source(%arg11 : memref<25x128xf32, #tpu.memory_space<vmem>>) target(%dma_start3A_74 : memref<25x128xf32, #tpu.memory_space<vmem_shared>>) target_semaphore(%run_scoped3A : memref<!tpu.dma_semaphore, #tpu.memory_space<semaphore_mem>>)
      %dma_wait3A = arith.constant 0 : i32
      %dma_wait3A_75 = tpu.memref_slice %arg6[%add3A_33, %dma_wait3A] : memref<10000x128xf32, #tpu.memory_space<vmem_shared>> -> memref<25x128xf32, #tpu.memory_space<vmem_shared>>
      %dma_wait3A_76 = arith.constant 0 : i32
      %dma_wait3A_77 = tpu.memref_slice %arg6[%add3A_33, %dma_wait3A_76] : memref<10000x128xf32, #tpu.memory_space<vmem_shared>> -> memref<25x128xf32, #tpu.memory_space<vmem_shared>>
      tpu.wait_dma2 semaphore(%run_scoped3A : memref<!tpu.dma_semaphore, #tpu.memory_space<semaphore_mem>>) src(%arg11 : memref<25x128xf32, #tpu.memory_space<vmem>>) dst(%dma_wait3A_77 : memref<25x128xf32, #tpu.memory_space<vmem_shared>>)
      tpu.yield
    }) : () -> ()
    %add3A_34 = arith.constant 300 : i32
    %add3A_35 = arith.addi %mul3A_9, %add3A_34 : i32
    "tpu.region"() ({
      %run_scoped3A = tpu.sem_alloc : memref<!tpu.dma_semaphore, #tpu.memory_space<semaphore_mem>>
      %dma_start3A = arith.constant 0 : i32
      %dma_start3A_72 = tpu.memref_slice %arg6[%add3A_35, %dma_start3A] : memref<10000x128xf32, #tpu.memory_space<vmem_shared>> -> memref<25x128xf32, #tpu.memory_space<vmem_shared>>
      %dma_start3A_73 = arith.constant 0 : i32
      %dma_start3A_74 = tpu.memref_slice %arg6[%add3A_35, %dma_start3A_73] : memref<10000x128xf32, #tpu.memory_space<vmem_shared>> -> memref<25x128xf32, #tpu.memory_space<vmem_shared>>
      tpu.enqueue_dma source(%arg11 : memref<25x128xf32, #tpu.memory_space<vmem>>) target(%dma_start3A_74 : memref<25x128xf32, #tpu.memory_space<vmem_shared>>) target_semaphore(%run_scoped3A : memref<!tpu.dma_semaphore, #tpu.memory_space<semaphore_mem>>)
      %dma_wait3A = arith.constant 0 : i32
      %dma_wait3A_75 = tpu.memref_slice %arg6[%add3A_35, %dma_wait3A] : memref<10000x128xf32, #tpu.memory_space<vmem_shared>> -> memref<25x128xf32, #tpu.memory_space<vmem_shared>>
      %dma_wait3A_76 = arith.constant 0 : i32
      %dma_wait3A_77 = tpu.memref_slice %arg6[%add3A_35, %dma_wait3A_76] : memref<10000x128xf32, #tpu.memory_space<vmem_shared>> -> memref<25x128xf32, #tpu.memory_space<vmem_shared>>
      tpu.wait_dma2 semaphore(%run_scoped3A : memref<!tpu.dma_semaphore, #tpu.memory_space<semaphore_mem>>) src(%arg11 : memref<25x128xf32, #tpu.memory_space<vmem>>) dst(%dma_wait3A_77 : memref<25x128xf32, #tpu.memory_space<vmem_shared>>)
      tpu.yield
    }) : () -> ()
    %add3A_36 = arith.constant 325 : i32
    %add3A_37 = arith.addi %mul3A_9, %add3A_36 : i32
    "tpu.region"() ({
      %run_scoped3A = tpu.sem_alloc : memref<!tpu.dma_semaphore, #tpu.memory_space<semaphore_mem>>
      %dma_start3A = arith.constant 0 : i32
      %dma_start3A_72 = tpu.memref_slice %arg6[%add3A_37, %dma_start3A] : memref<10000x128xf32, #tpu.memory_space<vmem_shared>> -> memref<25x128xf32, #tpu.memory_space<vmem_shared>>
      %dma_start3A_73 = arith.constant 0 : i32
      %dma_start3A_74 = tpu.memref_slice %arg6[%add3A_37, %dma_start3A_73] : memref<10000x128xf32, #tpu.memory_space<vmem_shared>> -> memref<25x128xf32, #tpu.memory_space<vmem_shared>>
      tpu.enqueue_dma source(%arg11 : memref<25x128xf32, #tpu.memory_space<vmem>>) target(%dma_start3A_74 : memref<25x128xf32, #tpu.memory_space<vmem_shared>>) target_semaphore(%run_scoped3A : memref<!tpu.dma_semaphore, #tpu.memory_space<semaphore_mem>>)
      %dma_wait3A = arith.constant 0 : i32
      %dma_wait3A_75 = tpu.memref_slice %arg6[%add3A_37, %dma_wait3A] : memref<10000x128xf32, #tpu.memory_space<vmem_shared>> -> memref<25x128xf32, #tpu.memory_space<vmem_shared>>
      %dma_wait3A_76 = arith.constant 0 : i32
      %dma_wait3A_77 = tpu.memref_slice %arg6[%add3A_37, %dma_wait3A_76] : memref<10000x128xf32, #tpu.memory_space<vmem_shared>> -> memref<25x128xf32, #tpu.memory_space<vmem_shared>>
      tpu.wait_dma2 semaphore(%run_scoped3A : memref<!tpu.dma_semaphore, #tpu.memory_space<semaphore_mem>>) src(%arg11 : memref<25x128xf32, #tpu.memory_space<vmem>>) dst(%dma_wait3A_77 : memref<25x128xf32, #tpu.memory_space<vmem_shared>>)
      tpu.yield
    }) : () -> ()
    %add3A_38 = arith.constant 350 : i32
    %add3A_39 = arith.addi %mul3A_9, %add3A_38 : i32
    "tpu.region"() ({
      %run_scoped3A = tpu.sem_alloc : memref<!tpu.dma_semaphore, #tpu.memory_space<semaphore_mem>>
      %dma_start3A = arith.constant 0 : i32
      %dma_start3A_72 = tpu.memref_slice %arg6[%add3A_39, %dma_start3A] : memref<10000x128xf32, #tpu.memory_space<vmem_shared>> -> memref<25x128xf32, #tpu.memory_space<vmem_shared>>
      %dma_start3A_73 = arith.constant 0 : i32
      %dma_start3A_74 = tpu.memref_slice %arg6[%add3A_39, %dma_start3A_73] : memref<10000x128xf32, #tpu.memory_space<vmem_shared>> -> memref<25x128xf32, #tpu.memory_space<vmem_shared>>
      tpu.enqueue_dma source(%arg11 : memref<25x128xf32, #tpu.memory_space<vmem>>) target(%dma_start3A_74 : memref<25x128xf32, #tpu.memory_space<vmem_shared>>) target_semaphore(%run_scoped3A : memref<!tpu.dma_semaphore, #tpu.memory_space<semaphore_mem>>)
      %dma_wait3A = arith.constant 0 : i32
      %dma_wait3A_75 = tpu.memref_slice %arg6[%add3A_39, %dma_wait3A] : memref<10000x128xf32, #tpu.memory_space<vmem_shared>> -> memref<25x128xf32, #tpu.memory_space<vmem_shared>>
      %dma_wait3A_76 = arith.constant 0 : i32
      %dma_wait3A_77 = tpu.memref_slice %arg6[%add3A_39, %dma_wait3A_76] : memref<10000x128xf32, #tpu.memory_space<vmem_shared>> -> memref<25x128xf32, #tpu.memory_space<vmem_shared>>
      tpu.wait_dma2 semaphore(%run_scoped3A : memref<!tpu.dma_semaphore, #tpu.memory_space<semaphore_mem>>) src(%arg11 : memref<25x128xf32, #tpu.memory_space<vmem>>) dst(%dma_wait3A_77 : memref<25x128xf32, #tpu.memory_space<vmem_shared>>)
      tpu.yield
    }) : () -> ()
    %add3A_40 = arith.constant 375 : i32
    %add3A_41 = arith.addi %mul3A_9, %add3A_40 : i32
    "tpu.region"() ({
      %run_scoped3A = tpu.sem_alloc : memref<!tpu.dma_semaphore, #tpu.memory_space<semaphore_mem>>
      %dma_start3A = arith.constant 0 : i32
      %dma_start3A_72 = tpu.memref_slice %arg6[%add3A_41, %dma_start3A] : memref<10000x128xf32, #tpu.memory_space<vmem_shared>> -> memref<25x128xf32, #tpu.memory_space<vmem_shared>>
      %dma_start3A_73 = arith.constant 0 : i32
      %dma_start3A_74 = tpu.memref_slice %arg6[%add3A_41, %dma_start3A_73] : memref<10000x128xf32, #tpu.memory_space<vmem_shared>> -> memref<25x128xf32, #tpu.memory_space<vmem_shared>>
      tpu.enqueue_dma source(%arg11 : memref<25x128xf32, #tpu.memory_space<vmem>>) target(%dma_start3A_74 : memref<25x128xf32, #tpu.memory_space<vmem_shared>>) target_semaphore(%run_scoped3A : memref<!tpu.dma_semaphore, #tpu.memory_space<semaphore_mem>>)
      %dma_wait3A = arith.constant 0 : i32
      %dma_wait3A_75 = tpu.memref_slice %arg6[%add3A_41, %dma_wait3A] : memref<10000x128xf32, #tpu.memory_space<vmem_shared>> -> memref<25x128xf32, #tpu.memory_space<vmem_shared>>
      %dma_wait3A_76 = arith.constant 0 : i32
      %dma_wait3A_77 = tpu.memref_slice %arg6[%add3A_41, %dma_wait3A_76] : memref<10000x128xf32, #tpu.memory_space<vmem_shared>> -> memref<25x128xf32, #tpu.memory_space<vmem_shared>>
      tpu.wait_dma2 semaphore(%run_scoped3A : memref<!tpu.dma_semaphore, #tpu.memory_space<semaphore_mem>>) src(%arg11 : memref<25x128xf32, #tpu.memory_space<vmem>>) dst(%dma_wait3A_77 : memref<25x128xf32, #tpu.memory_space<vmem_shared>>)
      tpu.yield
    }) : () -> ()
    %add3A_42 = arith.constant 400 : i32
    %add3A_43 = arith.addi %mul3A_9, %add3A_42 : i32
    "tpu.region"() ({
      %run_scoped3A = tpu.sem_alloc : memref<!tpu.dma_semaphore, #tpu.memory_space<semaphore_mem>>
      %dma_start3A = arith.constant 0 : i32
      %dma_start3A_72 = tpu.memref_slice %arg6[%add3A_43, %dma_start3A] : memref<10000x128xf32, #tpu.memory_space<vmem_shared>> -> memref<25x128xf32, #tpu.memory_space<vmem_shared>>
      %dma_start3A_73 = arith.constant 0 : i32
      %dma_start3A_74 = tpu.memref_slice %arg6[%add3A_43, %dma_start3A_73] : memref<10000x128xf32, #tpu.memory_space<vmem_shared>> -> memref<25x128xf32, #tpu.memory_space<vmem_shared>>
      tpu.enqueue_dma source(%arg11 : memref<25x128xf32, #tpu.memory_space<vmem>>) target(%dma_start3A_74 : memref<25x128xf32, #tpu.memory_space<vmem_shared>>) target_semaphore(%run_scoped3A : memref<!tpu.dma_semaphore, #tpu.memory_space<semaphore_mem>>)
      %dma_wait3A = arith.constant 0 : i32
      %dma_wait3A_75 = tpu.memref_slice %arg6[%add3A_43, %dma_wait3A] : memref<10000x128xf32, #tpu.memory_space<vmem_shared>> -> memref<25x128xf32, #tpu.memory_space<vmem_shared>>
      %dma_wait3A_76 = arith.constant 0 : i32
      %dma_wait3A_77 = tpu.memref_slice %arg6[%add3A_43, %dma_wait3A_76] : memref<10000x128xf32, #tpu.memory_space<vmem_shared>> -> memref<25x128xf32, #tpu.memory_space<vmem_shared>>
      tpu.wait_dma2 semaphore(%run_scoped3A : memref<!tpu.dma_semaphore, #tpu.memory_space<semaphore_mem>>) src(%arg11 : memref<25x128xf32, #tpu.memory_space<vmem>>) dst(%dma_wait3A_77 : memref<25x128xf32, #tpu.memory_space<vmem_shared>>)
      tpu.yield
    }) : () -> ()
    %add3A_44 = arith.constant 425 : i32
    %add3A_45 = arith.addi %mul3A_9, %add3A_44 : i32
    "tpu.region"() ({
      %run_scoped3A = tpu.sem_alloc : memref<!tpu.dma_semaphore, #tpu.memory_space<semaphore_mem>>
      %dma_start3A = arith.constant 0 : i32
      %dma_start3A_72 = tpu.memref_slice %arg6[%add3A_45, %dma_start3A] : memref<10000x128xf32, #tpu.memory_space<vmem_shared>> -> memref<25x128xf32, #tpu.memory_space<vmem_shared>>
      %dma_start3A_73 = arith.constant 0 : i32
      %dma_start3A_74 = tpu.memref_slice %arg6[%add3A_45, %dma_start3A_73] : memref<10000x128xf32, #tpu.memory_space<vmem_shared>> -> memref<25x128xf32, #tpu.memory_space<vmem_shared>>
      tpu.enqueue_dma source(%arg11 : memref<25x128xf32, #tpu.memory_space<vmem>>) target(%dma_start3A_74 : memref<25x128xf32, #tpu.memory_space<vmem_shared>>) target_semaphore(%run_scoped3A : memref<!tpu.dma_semaphore, #tpu.memory_space<semaphore_mem>>)
      %dma_wait3A = arith.constant 0 : i32
      %dma_wait3A_75 = tpu.memref_slice %arg6[%add3A_45, %dma_wait3A] : memref<10000x128xf32, #tpu.memory_space<vmem_shared>> -> memref<25x128xf32, #tpu.memory_space<vmem_shared>>
      %dma_wait3A_76 = arith.constant 0 : i32
      %dma_wait3A_77 = tpu.memref_slice %arg6[%add3A_45, %dma_wait3A_76] : memref<10000x128xf32, #tpu.memory_space<vmem_shared>> -> memref<25x128xf32, #tpu.memory_space<vmem_shared>>
      tpu.wait_dma2 semaphore(%run_scoped3A : memref<!tpu.dma_semaphore, #tpu.memory_space<semaphore_mem>>) src(%arg11 : memref<25x128xf32, #tpu.memory_space<vmem>>) dst(%dma_wait3A_77 : memref<25x128xf32, #tpu.memory_space<vmem_shared>>)
      tpu.yield
    }) : () -> ()
    %add3A_46 = arith.constant 450 : i32
    %add3A_47 = arith.addi %mul3A_9, %add3A_46 : i32
    "tpu.region"() ({
      %run_scoped3A = tpu.sem_alloc : memref<!tpu.dma_semaphore, #tpu.memory_space<semaphore_mem>>
      %dma_start3A = arith.constant 0 : i32
      %dma_start3A_72 = tpu.memref_slice %arg6[%add3A_47, %dma_start3A] : memref<10000x128xf32, #tpu.memory_space<vmem_shared>> -> memref<25x128xf32, #tpu.memory_space<vmem_shared>>
      %dma_start3A_73 = arith.constant 0 : i32
      %dma_start3A_74 = tpu.memref_slice %arg6[%add3A_47, %dma_start3A_73] : memref<10000x128xf32, #tpu.memory_space<vmem_shared>> -> memref<25x128xf32, #tpu.memory_space<vmem_shared>>
      tpu.enqueue_dma source(%arg11 : memref<25x128xf32, #tpu.memory_space<vmem>>) target(%dma_start3A_74 : memref<25x128xf32, #tpu.memory_space<vmem_shared>>) target_semaphore(%run_scoped3A : memref<!tpu.dma_semaphore, #tpu.memory_space<semaphore_mem>>)
      %dma_wait3A = arith.constant 0 : i32
      %dma_wait3A_75 = tpu.memref_slice %arg6[%add3A_47, %dma_wait3A] : memref<10000x128xf32, #tpu.memory_space<vmem_shared>> -> memref<25x128xf32, #tpu.memory_space<vmem_shared>>
      %dma_wait3A_76 = arith.constant 0 : i32
      %dma_wait3A_77 = tpu.memref_slice %arg6[%add3A_47, %dma_wait3A_76] : memref<10000x128xf32, #tpu.memory_space<vmem_shared>> -> memref<25x128xf32, #tpu.memory_space<vmem_shared>>
      tpu.wait_dma2 semaphore(%run_scoped3A : memref<!tpu.dma_semaphore, #tpu.memory_space<semaphore_mem>>) src(%arg11 : memref<25x128xf32, #tpu.memory_space<vmem>>) dst(%dma_wait3A_77 : memref<25x128xf32, #tpu.memory_space<vmem_shared>>)
      tpu.yield
    }) : () -> ()
    %add3A_48 = arith.constant 475 : i32
    %add3A_49 = arith.addi %mul3A_9, %add3A_48 : i32
    "tpu.region"() ({
      %run_scoped3A = tpu.sem_alloc : memref<!tpu.dma_semaphore, #tpu.memory_space<semaphore_mem>>
      %dma_start3A = arith.constant 0 : i32
      %dma_start3A_72 = tpu.memref_slice %arg6[%add3A_49, %dma_start3A] : memref<10000x128xf32, #tpu.memory_space<vmem_shared>> -> memref<25x128xf32, #tpu.memory_space<vmem_shared>>
      %dma_start3A_73 = arith.constant 0 : i32
      %dma_start3A_74 = tpu.memref_slice %arg6[%add3A_49, %dma_start3A_73] : memref<10000x128xf32, #tpu.memory_space<vmem_shared>> -> memref<25x128xf32, #tpu.memory_space<vmem_shared>>
      tpu.enqueue_dma source(%arg11 : memref<25x128xf32, #tpu.memory_space<vmem>>) target(%dma_start3A_74 : memref<25x128xf32, #tpu.memory_space<vmem_shared>>) target_semaphore(%run_scoped3A : memref<!tpu.dma_semaphore, #tpu.memory_space<semaphore_mem>>)
      %dma_wait3A = arith.constant 0 : i32
      %dma_wait3A_75 = tpu.memref_slice %arg6[%add3A_49, %dma_wait3A] : memref<10000x128xf32, #tpu.memory_space<vmem_shared>> -> memref<25x128xf32, #tpu.memory_space<vmem_shared>>
      %dma_wait3A_76 = arith.constant 0 : i32
      %dma_wait3A_77 = tpu.memref_slice %arg6[%add3A_49, %dma_wait3A_76] : memref<10000x128xf32, #tpu.memory_space<vmem_shared>> -> memref<25x128xf32, #tpu.memory_space<vmem_shared>>
      tpu.wait_dma2 semaphore(%run_scoped3A : memref<!tpu.dma_semaphore, #tpu.memory_space<semaphore_mem>>) src(%arg11 : memref<25x128xf32, #tpu.memory_space<vmem>>) dst(%dma_wait3A_77 : memref<25x128xf32, #tpu.memory_space<vmem_shared>>)
      tpu.yield
    }) : () -> ()
    %add3A_50 = arith.constant 500 : i32
    %add3A_51 = arith.addi %mul3A_9, %add3A_50 : i32
    "tpu.region"() ({
      %run_scoped3A = tpu.sem_alloc : memref<!tpu.dma_semaphore, #tpu.memory_space<semaphore_mem>>
      %dma_start3A = arith.constant 0 : i32
      %dma_start3A_72 = tpu.memref_slice %arg6[%add3A_51, %dma_start3A] : memref<10000x128xf32, #tpu.memory_space<vmem_shared>> -> memref<25x128xf32, #tpu.memory_space<vmem_shared>>
      %dma_start3A_73 = arith.constant 0 : i32
      %dma_start3A_74 = tpu.memref_slice %arg6[%add3A_51, %dma_start3A_73] : memref<10000x128xf32, #tpu.memory_space<vmem_shared>> -> memref<25x128xf32, #tpu.memory_space<vmem_shared>>
      tpu.enqueue_dma source(%arg11 : memref<25x128xf32, #tpu.memory_space<vmem>>) target(%dma_start3A_74 : memref<25x128xf32, #tpu.memory_space<vmem_shared>>) target_semaphore(%run_scoped3A : memref<!tpu.dma_semaphore, #tpu.memory_space<semaphore_mem>>)
      %dma_wait3A = arith.constant 0 : i32
      %dma_wait3A_75 = tpu.memref_slice %arg6[%add3A_51, %dma_wait3A] : memref<10000x128xf32, #tpu.memory_space<vmem_shared>> -> memref<25x128xf32, #tpu.memory_space<vmem_shared>>
      %dma_wait3A_76 = arith.constant 0 : i32
      %dma_wait3A_77 = tpu.memref_slice %arg6[%add3A_51, %dma_wait3A_76] : memref<10000x128xf32, #tpu.memory_space<vmem_shared>> -> memref<25x128xf32, #tpu.memory_space<vmem_shared>>
      tpu.wait_dma2 semaphore(%run_scoped3A : memref<!tpu.dma_semaphore, #tpu.memory_space<semaphore_mem>>) src(%arg11 : memref<25x128xf32, #tpu.memory_space<vmem>>) dst(%dma_wait3A_77 : memref<25x128xf32, #tpu.memory_space<vmem_shared>>)
      tpu.yield
    }) : () -> ()
    %add3A_52 = arith.constant 525 : i32
    %add3A_53 = arith.addi %mul3A_9, %add3A_52 : i32
    "tpu.region"() ({
      %run_scoped3A = tpu.sem_alloc : memref<!tpu.dma_semaphore, #tpu.memory_space<semaphore_mem>>
      %dma_start3A = arith.constant 0 : i32
      %dma_start3A_72 = tpu.memref_slice %arg6[%add3A_53, %dma_start3A] : memref<10000x128xf32, #tpu.memory_space<vmem_shared>> -> memref<25x128xf32, #tpu.memory_space<vmem_shared>>
      %dma_start3A_73 = arith.constant 0 : i32
      %dma_start3A_74 = tpu.memref_slice %arg6[%add3A_53, %dma_start3A_73] : memref<10000x128xf32, #tpu.memory_space<vmem_shared>> -> memref<25x128xf32, #tpu.memory_space<vmem_shared>>
      tpu.enqueue_dma source(%arg11 : memref<25x128xf32, #tpu.memory_space<vmem>>) target(%dma_start3A_74 : memref<25x128xf32, #tpu.memory_space<vmem_shared>>) target_semaphore(%run_scoped3A : memref<!tpu.dma_semaphore, #tpu.memory_space<semaphore_mem>>)
      %dma_wait3A = arith.constant 0 : i32
      %dma_wait3A_75 = tpu.memref_slice %arg6[%add3A_53, %dma_wait3A] : memref<10000x128xf32, #tpu.memory_space<vmem_shared>> -> memref<25x128xf32, #tpu.memory_space<vmem_shared>>
      %dma_wait3A_76 = arith.constant 0 : i32
      %dma_wait3A_77 = tpu.memref_slice %arg6[%add3A_53, %dma_wait3A_76] : memref<10000x128xf32, #tpu.memory_space<vmem_shared>> -> memref<25x128xf32, #tpu.memory_space<vmem_shared>>
      tpu.wait_dma2 semaphore(%run_scoped3A : memref<!tpu.dma_semaphore, #tpu.memory_space<semaphore_mem>>) src(%arg11 : memref<25x128xf32, #tpu.memory_space<vmem>>) dst(%dma_wait3A_77 : memref<25x128xf32, #tpu.memory_space<vmem_shared>>)
      tpu.yield
    }) : () -> ()
    %add3A_54 = arith.constant 550 : i32
    %add3A_55 = arith.addi %mul3A_9, %add3A_54 : i32
    "tpu.region"() ({
      %run_scoped3A = tpu.sem_alloc : memref<!tpu.dma_semaphore, #tpu.memory_space<semaphore_mem>>
      %dma_start3A = arith.constant 0 : i32
      %dma_start3A_72 = tpu.memref_slice %arg6[%add3A_55, %dma_start3A] : memref<10000x128xf32, #tpu.memory_space<vmem_shared>> -> memref<25x128xf32, #tpu.memory_space<vmem_shared>>
      %dma_start3A_73 = arith.constant 0 : i32
      %dma_start3A_74 = tpu.memref_slice %arg6[%add3A_55, %dma_start3A_73] : memref<10000x128xf32, #tpu.memory_space<vmem_shared>> -> memref<25x128xf32, #tpu.memory_space<vmem_shared>>
      tpu.enqueue_dma source(%arg11 : memref<25x128xf32, #tpu.memory_space<vmem>>) target(%dma_start3A_74 : memref<25x128xf32, #tpu.memory_space<vmem_shared>>) target_semaphore(%run_scoped3A : memref<!tpu.dma_semaphore, #tpu.memory_space<semaphore_mem>>)
      %dma_wait3A = arith.constant 0 : i32
      %dma_wait3A_75 = tpu.memref_slice %arg6[%add3A_55, %dma_wait3A] : memref<10000x128xf32, #tpu.memory_space<vmem_shared>> -> memref<25x128xf32, #tpu.memory_space<vmem_shared>>
      %dma_wait3A_76 = arith.constant 0 : i32
      %dma_wait3A_77 = tpu.memref_slice %arg6[%add3A_55, %dma_wait3A_76] : memref<10000x128xf32, #tpu.memory_space<vmem_shared>> -> memref<25x128xf32, #tpu.memory_space<vmem_shared>>
      tpu.wait_dma2 semaphore(%run_scoped3A : memref<!tpu.dma_semaphore, #tpu.memory_space<semaphore_mem>>) src(%arg11 : memref<25x128xf32, #tpu.memory_space<vmem>>) dst(%dma_wait3A_77 : memref<25x128xf32, #tpu.memory_space<vmem_shared>>)
      tpu.yield
    }) : () -> ()
    %add3A_56 = arith.constant 575 : i32
    %add3A_57 = arith.addi %mul3A_9, %add3A_56 : i32
    "tpu.region"() ({
      %run_scoped3A = tpu.sem_alloc : memref<!tpu.dma_semaphore, #tpu.memory_space<semaphore_mem>>
      %dma_start3A = arith.constant 0 : i32
      %dma_start3A_72 = tpu.memref_slice %arg6[%add3A_57, %dma_start3A] : memref<10000x128xf32, #tpu.memory_space<vmem_shared>> -> memref<25x128xf32, #tpu.memory_space<vmem_shared>>
      %dma_start3A_73 = arith.constant 0 : i32
      %dma_start3A_74 = tpu.memref_slice %arg6[%add3A_57, %dma_start3A_73] : memref<10000x128xf32, #tpu.memory_space<vmem_shared>> -> memref<25x128xf32, #tpu.memory_space<vmem_shared>>
      tpu.enqueue_dma source(%arg11 : memref<25x128xf32, #tpu.memory_space<vmem>>) target(%dma_start3A_74 : memref<25x128xf32, #tpu.memory_space<vmem_shared>>) target_semaphore(%run_scoped3A : memref<!tpu.dma_semaphore, #tpu.memory_space<semaphore_mem>>)
      %dma_wait3A = arith.constant 0 : i32
      %dma_wait3A_75 = tpu.memref_slice %arg6[%add3A_57, %dma_wait3A] : memref<10000x128xf32, #tpu.memory_space<vmem_shared>> -> memref<25x128xf32, #tpu.memory_space<vmem_shared>>
      %dma_wait3A_76 = arith.constant 0 : i32
      %dma_wait3A_77 = tpu.memref_slice %arg6[%add3A_57, %dma_wait3A_76] : memref<10000x128xf32, #tpu.memory_space<vmem_shared>> -> memref<25x128xf32, #tpu.memory_space<vmem_shared>>
      tpu.wait_dma2 semaphore(%run_scoped3A : memref<!tpu.dma_semaphore, #tpu.memory_space<semaphore_mem>>) src(%arg11 : memref<25x128xf32, #tpu.memory_space<vmem>>) dst(%dma_wait3A_77 : memref<25x128xf32, #tpu.memory_space<vmem_shared>>)
      tpu.yield
    }) : () -> ()
    %barrier3A = arith.constant 0 : index
    tpu.barrier barrier_id(%barrier3A)
    %scan3A_58 = arith.constant 0 : i32
    %scan3A_59 = arith.constant 0 : i32
    %scan3A_60 = arith.constant 5 : i32
    %scan3A_61 = arith.addi %scan3A_59, %scan3A_60 : i32
    %scan3A_62 = arith.constant 1 : i32
    scf.for %scan3A_72 = %scan3A_59 to %scan3A_61 step %scan3A_62  : i32 {
      %mul3A_73 = arith.constant 16 : i32
      %mul3A_74 = arith.muli %scan3A_72, %mul3A_73 : i32
      %add3A_75 = arith.addi %mul3A_2, %mul3A_74 : i32
      "tpu.region"() ({
        %run_scoped3A = tpu.sem_alloc : memref<!tpu.dma_semaphore, #tpu.memory_space<semaphore_mem>>
        %dma_start3A = arith.constant 0 : i32
        %dma_start3A_98 = tpu.memref_slice %arg2[%add3A_75, %dma_start3A] : memref<2560x125xi32, #tpu.memory_space<hbm>> -> memref<16x125xi32, #tpu.memory_space<hbm>>
        %dma_start3A_99 = arith.constant 0 : i32
        %dma_start3A_100 = tpu.memref_slice %arg2[%add3A_75, %dma_start3A_99] : memref<2560x125xi32, #tpu.memory_space<hbm>> -> memref<16x125xi32, #tpu.memory_space<hbm>>
        tpu.enqueue_dma source(%dma_start3A_100 : memref<16x125xi32, #tpu.memory_space<hbm>>) target(%arg7 : memref<16x125xi32, #tpu.memory_space<vmem>>) target_semaphore(%run_scoped3A : memref<!tpu.dma_semaphore, #tpu.memory_space<semaphore_mem>>)
        %dma_wait3A_101 = arith.constant 0 : i32
        %dma_wait3A_102 = tpu.memref_slice %arg2[%add3A_75, %dma_wait3A_101] : memref<2560x125xi32, #tpu.memory_space<hbm>> -> memref<16x125xi32, #tpu.memory_space<hbm>>
        %dma_wait3A_103 = arith.constant 0 : i32
        %dma_wait3A_104 = tpu.memref_slice %arg2[%add3A_75, %dma_wait3A_103] : memref<2560x125xi32, #tpu.memory_space<hbm>> -> memref<16x125xi32, #tpu.memory_space<hbm>>
        tpu.wait_dma2 semaphore(%run_scoped3A : memref<!tpu.dma_semaphore, #tpu.memory_space<semaphore_mem>>) src(%dma_wait3A_104 : memref<16x125xi32, #tpu.memory_space<hbm>>) dst(%arg7 : memref<16x125xi32, #tpu.memory_space<vmem>>)
        tpu.yield
      }) : () -> ()
      %mul3A_76 = arith.constant 16 : i32
      %mul3A_77 = arith.muli %scan3A_72, %mul3A_76 : i32
      %add3A_78 = arith.addi %mul3A_2, %mul3A_77 : i32
      "tpu.region"() ({
        %run_scoped3A = tpu.sem_alloc : memref<!tpu.dma_semaphore, #tpu.memory_space<semaphore_mem>>
        %dma_start3A = arith.constant 0 : i32
        %dma_start3A_98 = tpu.memref_slice %arg3[%add3A_78, %dma_start3A] : memref<2560x125xi32, #tpu.memory_space<hbm>> -> memref<16x125xi32, #tpu.memory_space<hbm>>
        %dma_start3A_99 = arith.constant 0 : i32
        %dma_start3A_100 = tpu.memref_slice %arg3[%add3A_78, %dma_start3A_99] : memref<2560x125xi32, #tpu.memory_space<hbm>> -> memref<16x125xi32, #tpu.memory_space<hbm>>
        tpu.enqueue_dma source(%dma_start3A_100 : memref<16x125xi32, #tpu.memory_space<hbm>>) target(%arg8 : memref<16x125xi32, #tpu.memory_space<vmem>>) target_semaphore(%run_scoped3A : memref<!tpu.dma_semaphore, #tpu.memory_space<semaphore_mem>>)
        %dma_wait3A_101 = arith.constant 0 : i32
        %dma_wait3A_102 = tpu.memref_slice %arg3[%add3A_78, %dma_wait3A_101] : memref<2560x125xi32, #tpu.memory_space<hbm>> -> memref<16x125xi32, #tpu.memory_space<hbm>>
        %dma_wait3A_103 = arith.constant 0 : i32
        %dma_wait3A_104 = tpu.memref_slice %arg3[%add3A_78, %dma_wait3A_103] : memref<2560x125xi32, #tpu.memory_space<hbm>> -> memref<16x125xi32, #tpu.memory_space<hbm>>
        tpu.wait_dma2 semaphore(%run_scoped3A : memref<!tpu.dma_semaphore, #tpu.memory_space<semaphore_mem>>) src(%dma_wait3A_104 : memref<16x125xi32, #tpu.memory_space<hbm>>) dst(%arg8 : memref<16x125xi32, #tpu.memory_space<vmem>>)
        tpu.yield
      }) : () -> ()
      %scan3A_79 = arith.constant 0 : i32
      %scan3A_80 = arith.constant 0 : i32
      %scan3A_81 = arith.constant 8 : i32
      %scan3A_82 = arith.addi %scan3A_80, %scan3A_81 : i32
      %scan3A_83 = arith.constant 1 : i32
      scf.for %scan3A_98 = %scan3A_80 to %scan3A_82 step %scan3A_83  : i32 {
        %mul3A_99 = arith.constant 2 : i32
        %mul3A_100 = arith.muli %scan3A_98, %mul3A_99 : i32
        %gt3A = arith.constant 0 : i32
        %gt3A_101 = arith.cmpi sgt, %scan3A_98, %gt3A : i32
        %convert_element_type3A = arith.extui %gt3A_101 : i1 to i32
        %cond3A = arith.constant 0 : i32
        %cond3A_102 = arith.cmpi ne, %convert_element_type3A, %cond3A : i32
        scf.if %cond3A_102 {
          %add3A_155 = arith.constant 0 : i32
          %add3A_156 = arith.addi %mul3A_100, %add3A_155 : i32
          %dma_wait3A_157 = arith.constant 0 : i32
          %dma_wait3A_158 = tpu.memref_slice %arg8[%add3A_156, %dma_wait3A_157] : memref<16x125xi32, #tpu.memory_space<vmem>> -> memref<1x125xi32, #tpu.memory_space<vmem>>
          %dma_wait3A_159 = tpu.memref_squeeze %dma_wait3A_158 : memref<1x125xi32, #tpu.memory_space<vmem>> -> memref<125xi32, #tpu.memory_space<vmem>>
          %dma_wait3A_160 = arith.constant 0 : i32
          %dma_wait3A_161 = arith.constant 0 : i32
          %dma_wait3A_162 = tpu.memref_slice %arg6[%dma_wait3A_160, %dma_wait3A_161] : memref<10000x128xf32, #tpu.memory_space<vmem_shared>> -> memref<10000x128xf32, #tpu.memory_space<vmem_shared>>
          tpu.wait_indirect_dma semaphore(%arg14 : memref<!tpu.dma_semaphore, #tpu.memory_space<semaphore_mem>>) src(%arg9 : memref<125x128xf32, #tpu.memory_space<vmem>>) dst(%dma_wait3A_162 : memref<10000x128xf32, #tpu.memory_space<vmem_shared>>)
        } else {
        }
        %add3A_103 = arith.constant 0 : i32
        %add3A_104 = arith.addi %mul3A_100, %add3A_103 : i32
        %dma_start3A = arith.constant 0 : i32
        %dma_start3A_105 = tpu.memref_slice %arg7[%add3A_104, %dma_start3A] : memref<16x125xi32, #tpu.memory_space<vmem>> -> memref<1x125xi32, #tpu.memory_space<vmem>>
        %dma_start3A_106 = tpu.memref_squeeze %dma_start3A_105 : memref<1x125xi32, #tpu.memory_space<vmem>> -> memref<125xi32, #tpu.memory_space<vmem>>
        %dma_start3A_107 = arith.constant 0 : i32
        %dma_start3A_108 = arith.constant 0 : i32
        %dma_start3A_109 = tpu.memref_slice %arg4[%dma_start3A_107, %dma_start3A_108] : memref<10000x128xf32, #tpu.memory_space<hbm>> -> memref<10000x128xf32, #tpu.memory_space<hbm>>
        tpu.enqueue_indirect_dma source(%dma_start3A_109 : memref<10000x128xf32, #tpu.memory_space<hbm>>) target(%arg9 : memref<125x128xf32, #tpu.memory_space<vmem>>) offsets(%dma_start3A_106 : memref<125xi32, #tpu.memory_space<vmem>>) semaphore(%arg12 : memref<!tpu.dma_semaphore, #tpu.memory_space<semaphore_mem>>)
        %gt3A_110 = arith.constant 0 : i32
        %gt3A_111 = arith.cmpi sgt, %scan3A_98, %gt3A_110 : i32
        %convert_element_type3A_112 = arith.extui %gt3A_111 : i1 to i32
        %cond3A_113 = arith.constant 0 : i32
        %cond3A_114 = arith.cmpi ne, %convert_element_type3A_112, %cond3A_113 : i32
        scf.if %cond3A_114 {
          %add3A_155 = arith.constant 1 : i32
          %add3A_156 = arith.addi %mul3A_100, %add3A_155 : i32
          %dma_wait3A_157 = arith.constant 0 : i32
          %dma_wait3A_158 = tpu.memref_slice %arg8[%add3A_156, %dma_wait3A_157] : memref<16x125xi32, #tpu.memory_space<vmem>> -> memref<1x125xi32, #tpu.memory_space<vmem>>
          %dma_wait3A_159 = tpu.memref_squeeze %dma_wait3A_158 : memref<1x125xi32, #tpu.memory_space<vmem>> -> memref<125xi32, #tpu.memory_space<vmem>>
          %dma_wait3A_160 = arith.constant 0 : i32
          %dma_wait3A_161 = arith.constant 0 : i32
          %dma_wait3A_162 = tpu.memref_slice %arg6[%dma_wait3A_160, %dma_wait3A_161] : memref<10000x128xf32, #tpu.memory_space<vmem_shared>> -> memref<10000x128xf32, #tpu.memory_space<vmem_shared>>
          tpu.wait_indirect_dma semaphore(%arg15 : memref<!tpu.dma_semaphore, #tpu.memory_space<semaphore_mem>>) src(%arg10 : memref<125x128xf32, #tpu.memory_space<vmem>>) dst(%dma_wait3A_162 : memref<10000x128xf32, #tpu.memory_space<vmem_shared>>)
        } else {
        }
        %add3A_115 = arith.constant 1 : i32
        %add3A_116 = arith.addi %mul3A_100, %add3A_115 : i32
        %dma_start3A_117 = arith.constant 0 : i32
        %dma_start3A_118 = tpu.memref_slice %arg7[%add3A_116, %dma_start3A_117] : memref<16x125xi32, #tpu.memory_space<vmem>> -> memref<1x125xi32, #tpu.memory_space<vmem>>
        %dma_start3A_119 = tpu.memref_squeeze %dma_start3A_118 : memref<1x125xi32, #tpu.memory_space<vmem>> -> memref<125xi32, #tpu.memory_space<vmem>>
        %dma_start3A_120 = arith.constant 0 : i32
        %dma_start3A_121 = arith.constant 0 : i32
        %dma_start3A_122 = tpu.memref_slice %arg4[%dma_start3A_120, %dma_start3A_121] : memref<10000x128xf32, #tpu.memory_space<hbm>> -> memref<10000x128xf32, #tpu.memory_space<hbm>>
        tpu.enqueue_indirect_dma source(%dma_start3A_122 : memref<10000x128xf32, #tpu.memory_space<hbm>>) target(%arg10 : memref<125x128xf32, #tpu.memory_space<vmem>>) offsets(%dma_start3A_119 : memref<125xi32, #tpu.memory_space<vmem>>) semaphore(%arg13 : memref<!tpu.dma_semaphore, #tpu.memory_space<semaphore_mem>>)
        %add3A_123 = arith.constant 0 : i32
        %add3A_124 = arith.addi %mul3A_100, %add3A_123 : i32
        %dma_wait3A_125 = arith.constant 0 : i32
        %dma_wait3A_126 = tpu.memref_slice %arg7[%add3A_124, %dma_wait3A_125] : memref<16x125xi32, #tpu.memory_space<vmem>> -> memref<1x125xi32, #tpu.memory_space<vmem>>
        %dma_wait3A_127 = tpu.memref_squeeze %dma_wait3A_126 : memref<1x125xi32, #tpu.memory_space<vmem>> -> memref<125xi32, #tpu.memory_space<vmem>>
        %dma_wait3A_128 = arith.constant 0 : i32
        %dma_wait3A_129 = arith.constant 0 : i32
        %dma_wait3A_130 = tpu.memref_slice %arg4[%dma_wait3A_128, %dma_wait3A_129] : memref<10000x128xf32, #tpu.memory_space<hbm>> -> memref<10000x128xf32, #tpu.memory_space<hbm>>
        tpu.wait_indirect_dma semaphore(%arg12 : memref<!tpu.dma_semaphore, #tpu.memory_space<semaphore_mem>>) src(%dma_wait3A_130 : memref<10000x128xf32, #tpu.memory_space<hbm>>) dst(%arg9 : memref<125x128xf32, #tpu.memory_space<vmem>>)
        %add3A_131 = arith.constant 0 : i32
        %add3A_132 = arith.addi %mul3A_100, %add3A_131 : i32
        %dma_start3A_133 = arith.constant 0 : i32
        %dma_start3A_134 = tpu.memref_slice %arg8[%add3A_132, %dma_start3A_133] : memref<16x125xi32, #tpu.memory_space<vmem>> -> memref<1x125xi32, #tpu.memory_space<vmem>>
        %dma_start3A_135 = tpu.memref_squeeze %dma_start3A_134 : memref<1x125xi32, #tpu.memory_space<vmem>> -> memref<125xi32, #tpu.memory_space<vmem>>
        %dma_start3A_136 = arith.constant 0 : i32
        %dma_start3A_137 = arith.constant 0 : i32
        %dma_start3A_138 = tpu.memref_slice %arg6[%dma_start3A_136, %dma_start3A_137] : memref<10000x128xf32, #tpu.memory_space<vmem_shared>> -> memref<10000x128xf32, #tpu.memory_space<vmem_shared>>
        tpu.enqueue_indirect_dma source(%arg9 : memref<125x128xf32, #tpu.memory_space<vmem>>) target(%dma_start3A_138 : memref<10000x128xf32, #tpu.memory_space<vmem_shared>>) offsets(%dma_start3A_135 : memref<125xi32, #tpu.memory_space<vmem>>) semaphore(%arg14 : memref<!tpu.dma_semaphore, #tpu.memory_space<semaphore_mem>>) {add = true}
        %add3A_139 = arith.constant 1 : i32
        %add3A_140 = arith.addi %mul3A_100, %add3A_139 : i32
        %dma_wait3A_141 = arith.constant 0 : i32
        %dma_wait3A_142 = tpu.memref_slice %arg7[%add3A_140, %dma_wait3A_141] : memref<16x125xi32, #tpu.memory_space<vmem>> -> memref<1x125xi32, #tpu.memory_space<vmem>>
        %dma_wait3A_143 = tpu.memref_squeeze %dma_wait3A_142 : memref<1x125xi32, #tpu.memory_space<vmem>> -> memref<125xi32, #tpu.memory_space<vmem>>
        %dma_wait3A_144 = arith.constant 0 : i32
        %dma_wait3A_145 = arith.constant 0 : i32
        %dma_wait3A_146 = tpu.memref_slice %arg4[%dma_wait3A_144, %dma_wait3A_145] : memref<10000x128xf32, #tpu.memory_space<hbm>> -> memref<10000x128xf32, #tpu.memory_space<hbm>>
        tpu.wait_indirect_dma semaphore(%arg13 : memref<!tpu.dma_semaphore, #tpu.memory_space<semaphore_mem>>) src(%dma_wait3A_146 : memref<10000x128xf32, #tpu.memory_space<hbm>>) dst(%arg10 : memref<125x128xf32, #tpu.memory_space<vmem>>)
        %add3A_147 = arith.constant 1 : i32
        %add3A_148 = arith.addi %mul3A_100, %add3A_147 : i32
        %dma_start3A_149 = arith.constant 0 : i32
        %dma_start3A_150 = tpu.memref_slice %arg8[%add3A_148, %dma_start3A_149] : memref<16x125xi32, #tpu.memory_space<vmem>> -> memref<1x125xi32, #tpu.memory_space<vmem>>
        %dma_start3A_151 = tpu.memref_squeeze %dma_start3A_150 : memref<1x125xi32, #tpu.memory_space<vmem>> -> memref<125xi32, #tpu.memory_space<vmem>>
        %dma_start3A_152 = arith.constant 0 : i32
        %dma_start3A_153 = arith.constant 0 : i32
        %dma_start3A_154 = tpu.memref_slice %arg6[%dma_start3A_152, %dma_start3A_153] : memref<10000x128xf32, #tpu.memory_space<vmem_shared>> -> memref<10000x128xf32, #tpu.memory_space<vmem_shared>>
        tpu.enqueue_indirect_dma source(%arg10 : memref<125x128xf32, #tpu.memory_space<vmem>>) target(%dma_start3A_154 : memref<10000x128xf32, #tpu.memory_space<vmem_shared>>) offsets(%dma_start3A_151 : memref<125xi32, #tpu.memory_space<vmem>>) semaphore(%arg15 : memref<!tpu.dma_semaphore, #tpu.memory_space<semaphore_mem>>) {add = true}
      }
      %scan3A_84 = arith.constant 8 : i32
      %dma_wait3A = arith.constant 0 : i32
      %dma_wait3A_85 = arith.constant 0 : i32
      %dma_wait3A_86 = tpu.memref_slice %arg8[%dma_wait3A, %dma_wait3A_85] : memref<16x125xi32, #tpu.memory_space<vmem>> -> memref<1x125xi32, #tpu.memory_space<vmem>>
      %dma_wait3A_87 = tpu.memref_squeeze %dma_wait3A_86 : memref<1x125xi32, #tpu.memory_space<vmem>> -> memref<125xi32, #tpu.memory_space<vmem>>
      %dma_wait3A_88 = arith.constant 0 : i32
      %dma_wait3A_89 = arith.constant 0 : i32
      %dma_wait3A_90 = tpu.memref_slice %arg6[%dma_wait3A_88, %dma_wait3A_89] : memref<10000x128xf32, #tpu.memory_space<vmem_shared>> -> memref<10000x128xf32, #tpu.memory_space<vmem_shared>>
      tpu.wait_indirect_dma semaphore(%arg14 : memref<!tpu.dma_semaphore, #tpu.memory_space<semaphore_mem>>) src(%arg9 : memref<125x128xf32, #tpu.memory_space<vmem>>) dst(%dma_wait3A_90 : memref<10000x128xf32, #tpu.memory_space<vmem_shared>>)
      %dma_wait3A_91 = arith.constant 0 : i32
      %dma_wait3A_92 = arith.constant 0 : i32
      %dma_wait3A_93 = tpu.memref_slice %arg8[%dma_wait3A_91, %dma_wait3A_92] : memref<16x125xi32, #tpu.memory_space<vmem>> -> memref<1x125xi32, #tpu.memory_space<vmem>>
      %dma_wait3A_94 = tpu.memref_squeeze %dma_wait3A_93 : memref<1x125xi32, #tpu.memory_space<vmem>> -> memref<125xi32, #tpu.memory_space<vmem>>
      %dma_wait3A_95 = arith.constant 0 : i32
      %dma_wait3A_96 = arith.constant 0 : i32
      %dma_wait3A_97 = tpu.memref_slice %arg6[%dma_wait3A_95, %dma_wait3A_96] : memref<10000x128xf32, #tpu.memory_space<vmem_shared>> -> memref<10000x128xf32, #tpu.memory_space<vmem_shared>>
      tpu.wait_indirect_dma semaphore(%arg15 : memref<!tpu.dma_semaphore, #tpu.memory_space<semaphore_mem>>) src(%arg10 : memref<125x128xf32, #tpu.memory_space<vmem>>) dst(%dma_wait3A_97 : memref<10000x128xf32, #tpu.memory_space<vmem_shared>>)
    }
    %scan3A_63 = arith.constant 5 : i32
    %barrier3A_64 = arith.constant 0 : index
    tpu.barrier barrier_id(%barrier3A_64)
    %mul3A_65 = arith.constant 624 : i32
    %mul3A_66 = arith.muli %arg1, %mul3A_65 : i32
    %mul3A_67 = arith.constant 10000 : i32
    %mul3A_68 = arith.muli %arg0, %mul3A_67 : i32
    %mul3A_69 = arith.constant 624 : i32
    %mul3A_70 = arith.muli %arg1, %mul3A_69 : i32
    %add3A_71 = arith.addi %mul3A_68, %mul3A_70 : i32
    "tpu.region"() ({
      %run_scoped3A = tpu.sem_alloc : memref<!tpu.dma_semaphore, #tpu.memory_space<semaphore_mem>>
      %dma_start3A = arith.constant 0 : i32
      %dma_start3A_72 = tpu.memref_slice %arg5[%add3A_71, %dma_start3A] : memref<20000x128xf32, #tpu.memory_space<hbm>> -> memref<624x128xf32, #tpu.memory_space<hbm>>
      %dma_start3A_73 = arith.constant 0 : i32
      %dma_start3A_74 = tpu.memref_slice %arg6[%mul3A_66, %dma_start3A_73] : memref<10000x128xf32, #tpu.memory_space<vmem_shared>> -> memref<624x128xf32, #tpu.memory_space<vmem_shared>>
      tpu.enqueue_dma source(%dma_start3A_74 : memref<624x128xf32, #tpu.memory_space<vmem_shared>>) target(%dma_start3A_72 : memref<624x128xf32, #tpu.memory_space<hbm>>) target_semaphore(%run_scoped3A : memref<!tpu.dma_semaphore, #tpu.memory_space<semaphore_mem>>)
      %dma_wait3A = arith.constant 0 : i32
      %dma_wait3A_75 = tpu.memref_slice %arg5[%add3A_71, %dma_wait3A] : memref<20000x128xf32, #tpu.memory_space<hbm>> -> memref<624x128xf32, #tpu.memory_space<hbm>>
      %dma_wait3A_76 = arith.constant 0 : i32
      %dma_wait3A_77 = tpu.memref_slice %arg6[%mul3A_66, %dma_wait3A_76] : memref<10000x128xf32, #tpu.memory_space<vmem_shared>> -> memref<624x128xf32, #tpu.memory_space<vmem_shared>>
      tpu.wait_dma2 semaphore(%run_scoped3A : memref<!tpu.dma_semaphore, #tpu.memory_space<semaphore_mem>>) src(%dma_wait3A_77 : memref<624x128xf32, #tpu.memory_space<vmem_shared>>) dst(%dma_wait3A_75 : memref<624x128xf32, #tpu.memory_space<hbm>>)
      tpu.yield
    }) : () -> ()
    return
  }
}

#map = affine_map<(d0, d1) -> (0, 0)>
module attributes {stable_mosaic.version = 14 : i64} {
  func.func @_sc_a2(%arg0: i32, %arg1: i32, %arg2: memref<5120x125xi32, #tpu.memory_space<hbm>>, %arg3: memref<2560x125xi32, #tpu.memory_space<hbm>>, %arg4: memref<20000x128xf32, #tpu.memory_space<hbm>>, %arg5: memref<20000x128xf32, #tpu.memory_space<hbm>>, %arg6: memref<10000x128xf32, #tpu.memory_space<vmem_shared>>, %arg7: memref<16x125xi32, #tpu.memory_space<vmem>>, %arg8: memref<16x125xi32, #tpu.memory_space<vmem>>, %arg9: memref<125x128xf32, #tpu.memory_space<vmem>>, %arg10: memref<125x128xf32, #tpu.memory_space<vmem>>, %arg11: memref<25x128xf32, #tpu.memory_space<vmem>>, %arg12: memref<!tpu.dma_semaphore, #tpu.memory_space<semaphore_mem>>, %arg13: memref<!tpu.dma_semaphore, #tpu.memory_space<semaphore_mem>>, %arg14: memref<!tpu.dma_semaphore, #tpu.memory_space<semaphore_mem>>, %arg15: memref<!tpu.dma_semaphore, #tpu.memory_space<semaphore_mem>>) attributes {dimension_semantics = [#tpu.dimension_semantics<core_parallel>, #tpu.dimension_semantics<subcore_parallel>], iteration_bounds = array<i64: 2, 16>, scalar_prefetch = 0 : i64, scratch_operands = 10 : i64, tpu.core_type = #tpu.core_type<sc_vector_subcore>, window_params = [{transform_indices = #map}, {transform_indices = #map}, {transform_indices = #map}, {transform_indices = #map}]} {
    %scan3A = arith.constant 0 : i32
    %scan3A_0 = arith.constant 0 : i32
    %scan3A_1 = arith.constant 25 : i32
    %scan3A_2 = arith.addi %scan3A_0, %scan3A_1 : i32
    %scan3A_3 = arith.constant 1 : i32
    scf.for %scan3A_74 = %scan3A_0 to %scan3A_2 step %scan3A_3  : i32 {
      %broadcast_in_dim3A = arith.constant 0.000000e+00 : f32
      %broadcast_in_dim3A_75 = vector.broadcast %broadcast_in_dim3A : f32 to vector<16xf32>
      %swap3A = arith.index_cast %scan3A_74 : i32 to index
      %swap3A_76 = arith.constant 0 : index
      %swap3A_77 = tpu.vector_load %arg11[%swap3A, %swap3A_76] {strides = array<i32>} : memref<25x128xf32, #tpu.memory_space<vmem>>, vector<1x16xf32>,
      %swap3A_78 = vector.shape_cast %swap3A_77 : vector<1x16xf32> to vector<16xf32>
      %swap3A_79 = vector.shape_cast %broadcast_in_dim3A_75 : vector<16xf32> to vector<1x16xf32>
      tpu.vector_store %arg11[%swap3A, %swap3A_76], %swap3A_79 {strides = array<i32>} : memref<25x128xf32, #tpu.memory_space<vmem>>, vector<1x16xf32>,
      %broadcast_in_dim3A_80 = arith.constant 0.000000e+00 : f32
      %broadcast_in_dim3A_81 = vector.broadcast %broadcast_in_dim3A_80 : f32 to vector<16xf32>
      %swap3A_82 = arith.index_cast %scan3A_74 : i32 to index
      %swap3A_83 = arith.constant 16 : index
      %swap3A_84 = tpu.vector_load %arg11[%swap3A_82, %swap3A_83] {strides = array<i32>} : memref<25x128xf32, #tpu.memory_space<vmem>>, vector<1x16xf32>,
      %swap3A_85 = vector.shape_cast %swap3A_84 : vector<1x16xf32> to vector<16xf32>
      %swap3A_86 = vector.shape_cast %broadcast_in_dim3A_81 : vector<16xf32> to vector<1x16xf32>
      tpu.vector_store %arg11[%swap3A_82, %swap3A_83], %swap3A_86 {strides = array<i32>} : memref<25x128xf32, #tpu.memory_space<vmem>>, vector<1x16xf32>,
      %broadcast_in_dim3A_87 = arith.constant 0.000000e+00 : f32
      %broadcast_in_dim3A_88 = vector.broadcast %broadcast_in_dim3A_87 : f32 to vector<16xf32>
      %swap3A_89 = arith.index_cast %scan3A_74 : i32 to index
      %swap3A_90 = arith.constant 32 : index
      %swap3A_91 = tpu.vector_load %arg11[%swap3A_89, %swap3A_90] {strides = array<i32>} : memref<25x128xf32, #tpu.memory_space<vmem>>, vector<1x16xf32>,
      %swap3A_92 = vector.shape_cast %swap3A_91 : vector<1x16xf32> to vector<16xf32>
      %swap3A_93 = vector.shape_cast %broadcast_in_dim3A_88 : vector<16xf32> to vector<1x16xf32>
      tpu.vector_store %arg11[%swap3A_89, %swap3A_90], %swap3A_93 {strides = array<i32>} : memref<25x128xf32, #tpu.memory_space<vmem>>, vector<1x16xf32>,
      %broadcast_in_dim3A_94 = arith.constant 0.000000e+00 : f32
      %broadcast_in_dim3A_95 = vector.broadcast %broadcast_in_dim3A_94 : f32 to vector<16xf32>
      %swap3A_96 = arith.index_cast %scan3A_74 : i32 to index
      %swap3A_97 = arith.constant 48 : index
      %swap3A_98 = tpu.vector_load %arg11[%swap3A_96, %swap3A_97] {strides = array<i32>} : memref<25x128xf32, #tpu.memory_space<vmem>>, vector<1x16xf32>,
      %swap3A_99 = vector.shape_cast %swap3A_98 : vector<1x16xf32> to vector<16xf32>
      %swap3A_100 = vector.shape_cast %broadcast_in_dim3A_95 : vector<16xf32> to vector<1x16xf32>
      tpu.vector_store %arg11[%swap3A_96, %swap3A_97], %swap3A_100 {strides = array<i32>} : memref<25x128xf32, #tpu.memory_space<vmem>>, vector<1x16xf32>,
      %broadcast_in_dim3A_101 = arith.constant 0.000000e+00 : f32
      %broadcast_in_dim3A_102 = vector.broadcast %broadcast_in_dim3A_101 : f32 to vector<16xf32>
      %swap3A_103 = arith.index_cast %scan3A_74 : i32 to index
      %swap3A_104 = arith.constant 64 : index
      %swap3A_105 = tpu.vector_load %arg11[%swap3A_103, %swap3A_104] {strides = array<i32>} : memref<25x128xf32, #tpu.memory_space<vmem>>, vector<1x16xf32>,
      %swap3A_106 = vector.shape_cast %swap3A_105 : vector<1x16xf32> to vector<16xf32>
      %swap3A_107 = vector.shape_cast %broadcast_in_dim3A_102 : vector<16xf32> to vector<1x16xf32>
      tpu.vector_store %arg11[%swap3A_103, %swap3A_104], %swap3A_107 {strides = array<i32>} : memref<25x128xf32, #tpu.memory_space<vmem>>, vector<1x16xf32>,
      %broadcast_in_dim3A_108 = arith.constant 0.000000e+00 : f32
      %broadcast_in_dim3A_109 = vector.broadcast %broadcast_in_dim3A_108 : f32 to vector<16xf32>
      %swap3A_110 = arith.index_cast %scan3A_74 : i32 to index
      %swap3A_111 = arith.constant 80 : index
      %swap3A_112 = tpu.vector_load %arg11[%swap3A_110, %swap3A_111] {strides = array<i32>} : memref<25x128xf32, #tpu.memory_space<vmem>>, vector<1x16xf32>,
      %swap3A_113 = vector.shape_cast %swap3A_112 : vector<1x16xf32> to vector<16xf32>
      %swap3A_114 = vector.shape_cast %broadcast_in_dim3A_109 : vector<16xf32> to vector<1x16xf32>
      tpu.vector_store %arg11[%swap3A_110, %swap3A_111], %swap3A_114 {strides = array<i32>} : memref<25x128xf32, #tpu.memory_space<vmem>>, vector<1x16xf32>,
      %broadcast_in_dim3A_115 = arith.constant 0.000000e+00 : f32
      %broadcast_in_dim3A_116 = vector.broadcast %broadcast_in_dim3A_115 : f32 to vector<16xf32>
      %swap3A_117 = arith.index_cast %scan3A_74 : i32 to index
      %swap3A_118 = arith.constant 96 : index
      %swap3A_119 = tpu.vector_load %arg11[%swap3A_117, %swap3A_118] {strides = array<i32>} : memref<25x128xf32, #tpu.memory_space<vmem>>, vector<1x16xf32>,
      %swap3A_120 = vector.shape_cast %swap3A_119 : vector<1x16xf32> to vector<16xf32>
      %swap3A_121 = vector.shape_cast %broadcast_in_dim3A_116 : vector<16xf32> to vector<1x16xf32>
      tpu.vector_store %arg11[%swap3A_117, %swap3A_118], %swap3A_121 {strides = array<i32>} : memref<25x128xf32, #tpu.memory_space<vmem>>, vector<1x16xf32>,
      %broadcast_in_dim3A_122 = arith.constant 0.000000e+00 : f32
      %broadcast_in_dim3A_123 = vector.broadcast %broadcast_in_dim3A_122 : f32 to vector<16xf32>
      %swap3A_124 = arith.index_cast %scan3A_74 : i32 to index
      %swap3A_125 = arith.constant 112 : index
      %swap3A_126 = tpu.vector_load %arg11[%swap3A_124, %swap3A_125] {strides = array<i32>} : memref<25x128xf32, #tpu.memory_space<vmem>>, vector<1x16xf32>,
      %swap3A_127 = vector.shape_cast %swap3A_126 : vector<1x16xf32> to vector<16xf32>
      %swap3A_128 = vector.shape_cast %broadcast_in_dim3A_123 : vector<16xf32> to vector<1x16xf32>
      tpu.vector_store %arg11[%swap3A_124, %swap3A_125], %swap3A_128 {strides = array<i32>} : memref<25x128xf32, #tpu.memory_space<vmem>>, vector<1x16xf32>,
    }
    %scan3A_4 = arith.constant 25 : i32
    %mul3A = arith.constant 624 : i32
    %mul3A_5 = arith.muli %arg1, %mul3A : i32
    %add3A = arith.constant 0 : i32
    %add3A_6 = arith.addi %mul3A_5, %add3A : i32
    "tpu.region"() ({
      %run_scoped3A = tpu.sem_alloc : memref<!tpu.dma_semaphore, #tpu.memory_space<semaphore_mem>>
      %dma_start3A = arith.constant 0 : i32
      %dma_start3A_74 = tpu.memref_slice %arg6[%add3A_6, %dma_start3A] : memref<10000x128xf32, #tpu.memory_space<vmem_shared>> -> memref<25x128xf32, #tpu.memory_space<vmem_shared>>
      %dma_start3A_75 = arith.constant 0 : i32
      %dma_start3A_76 = tpu.memref_slice %arg6[%add3A_6, %dma_start3A_75] : memref<10000x128xf32, #tpu.memory_space<vmem_shared>> -> memref<25x128xf32, #tpu.memory_space<vmem_shared>>
      tpu.enqueue_dma source(%arg11 : memref<25x128xf32, #tpu.memory_space<vmem>>) target(%dma_start3A_76 : memref<25x128xf32, #tpu.memory_space<vmem_shared>>) target_semaphore(%run_scoped3A : memref<!tpu.dma_semaphore, #tpu.memory_space<semaphore_mem>>)
      %dma_wait3A = arith.constant 0 : i32
      %dma_wait3A_77 = tpu.memref_slice %arg6[%add3A_6, %dma_wait3A] : memref<10000x128xf32, #tpu.memory_space<vmem_shared>> -> memref<25x128xf32, #tpu.memory_space<vmem_shared>>
      %dma_wait3A_78 = arith.constant 0 : i32
      %dma_wait3A_79 = tpu.memref_slice %arg6[%add3A_6, %dma_wait3A_78] : memref<10000x128xf32, #tpu.memory_space<vmem_shared>> -> memref<25x128xf32, #tpu.memory_space<vmem_shared>>
      tpu.wait_dma2 semaphore(%run_scoped3A : memref<!tpu.dma_semaphore, #tpu.memory_space<semaphore_mem>>) src(%arg11 : memref<25x128xf32, #tpu.memory_space<vmem>>) dst(%dma_wait3A_79 : memref<25x128xf32, #tpu.memory_space<vmem_shared>>)
      tpu.yield
    }) : () -> ()
    %add3A_7 = arith.constant 25 : i32
    %add3A_8 = arith.addi %mul3A_5, %add3A_7 : i32
    "tpu.region"() ({
      %run_scoped3A = tpu.sem_alloc : memref<!tpu.dma_semaphore, #tpu.memory_space<semaphore_mem>>
      %dma_start3A = arith.constant 0 : i32
      %dma_start3A_74 = tpu.memref_slice %arg6[%add3A_8, %dma_start3A] : memref<10000x128xf32, #tpu.memory_space<vmem_shared>> -> memref<25x128xf32, #tpu.memory_space<vmem_shared>>
      %dma_start3A_75 = arith.constant 0 : i32
      %dma_start3A_76 = tpu.memref_slice %arg6[%add3A_8, %dma_start3A_75] : memref<10000x128xf32, #tpu.memory_space<vmem_shared>> -> memref<25x128xf32, #tpu.memory_space<vmem_shared>>
      tpu.enqueue_dma source(%arg11 : memref<25x128xf32, #tpu.memory_space<vmem>>) target(%dma_start3A_76 : memref<25x128xf32, #tpu.memory_space<vmem_shared>>) target_semaphore(%run_scoped3A : memref<!tpu.dma_semaphore, #tpu.memory_space<semaphore_mem>>)
      %dma_wait3A = arith.constant 0 : i32
      %dma_wait3A_77 = tpu.memref_slice %arg6[%add3A_8, %dma_wait3A] : memref<10000x128xf32, #tpu.memory_space<vmem_shared>> -> memref<25x128xf32, #tpu.memory_space<vmem_shared>>
      %dma_wait3A_78 = arith.constant 0 : i32
      %dma_wait3A_79 = tpu.memref_slice %arg6[%add3A_8, %dma_wait3A_78] : memref<10000x128xf32, #tpu.memory_space<vmem_shared>> -> memref<25x128xf32, #tpu.memory_space<vmem_shared>>
      tpu.wait_dma2 semaphore(%run_scoped3A : memref<!tpu.dma_semaphore, #tpu.memory_space<semaphore_mem>>) src(%arg11 : memref<25x128xf32, #tpu.memory_space<vmem>>) dst(%dma_wait3A_79 : memref<25x128xf32, #tpu.memory_space<vmem_shared>>)
      tpu.yield
    }) : () -> ()
    %add3A_9 = arith.constant 50 : i32
    %add3A_10 = arith.addi %mul3A_5, %add3A_9 : i32
    "tpu.region"() ({
      %run_scoped3A = tpu.sem_alloc : memref<!tpu.dma_semaphore, #tpu.memory_space<semaphore_mem>>
      %dma_start3A = arith.constant 0 : i32
      %dma_start3A_74 = tpu.memref_slice %arg6[%add3A_10, %dma_start3A] : memref<10000x128xf32, #tpu.memory_space<vmem_shared>> -> memref<25x128xf32, #tpu.memory_space<vmem_shared>>
      %dma_start3A_75 = arith.constant 0 : i32
      %dma_start3A_76 = tpu.memref_slice %arg6[%add3A_10, %dma_start3A_75] : memref<10000x128xf32, #tpu.memory_space<vmem_shared>> -> memref<25x128xf32, #tpu.memory_space<vmem_shared>>
      tpu.enqueue_dma source(%arg11 : memref<25x128xf32, #tpu.memory_space<vmem>>) target(%dma_start3A_76 : memref<25x128xf32, #tpu.memory_space<vmem_shared>>) target_semaphore(%run_scoped3A : memref<!tpu.dma_semaphore, #tpu.memory_space<semaphore_mem>>)
      %dma_wait3A = arith.constant 0 : i32
      %dma_wait3A_77 = tpu.memref_slice %arg6[%add3A_10, %dma_wait3A] : memref<10000x128xf32, #tpu.memory_space<vmem_shared>> -> memref<25x128xf32, #tpu.memory_space<vmem_shared>>
      %dma_wait3A_78 = arith.constant 0 : i32
      %dma_wait3A_79 = tpu.memref_slice %arg6[%add3A_10, %dma_wait3A_78] : memref<10000x128xf32, #tpu.memory_space<vmem_shared>> -> memref<25x128xf32, #tpu.memory_space<vmem_shared>>
      tpu.wait_dma2 semaphore(%run_scoped3A : memref<!tpu.dma_semaphore, #tpu.memory_space<semaphore_mem>>) src(%arg11 : memref<25x128xf32, #tpu.memory_space<vmem>>) dst(%dma_wait3A_79 : memref<25x128xf32, #tpu.memory_space<vmem_shared>>)
      tpu.yield
    }) : () -> ()
    %add3A_11 = arith.constant 75 : i32
    %add3A_12 = arith.addi %mul3A_5, %add3A_11 : i32
    "tpu.region"() ({
      %run_scoped3A = tpu.sem_alloc : memref<!tpu.dma_semaphore, #tpu.memory_space<semaphore_mem>>
      %dma_start3A = arith.constant 0 : i32
      %dma_start3A_74 = tpu.memref_slice %arg6[%add3A_12, %dma_start3A] : memref<10000x128xf32, #tpu.memory_space<vmem_shared>> -> memref<25x128xf32, #tpu.memory_space<vmem_shared>>
      %dma_start3A_75 = arith.constant 0 : i32
      %dma_start3A_76 = tpu.memref_slice %arg6[%add3A_12, %dma_start3A_75] : memref<10000x128xf32, #tpu.memory_space<vmem_shared>> -> memref<25x128xf32, #tpu.memory_space<vmem_shared>>
      tpu.enqueue_dma source(%arg11 : memref<25x128xf32, #tpu.memory_space<vmem>>) target(%dma_start3A_76 : memref<25x128xf32, #tpu.memory_space<vmem_shared>>) target_semaphore(%run_scoped3A : memref<!tpu.dma_semaphore, #tpu.memory_space<semaphore_mem>>)
      %dma_wait3A = arith.constant 0 : i32
      %dma_wait3A_77 = tpu.memref_slice %arg6[%add3A_12, %dma_wait3A] : memref<10000x128xf32, #tpu.memory_space<vmem_shared>> -> memref<25x128xf32, #tpu.memory_space<vmem_shared>>
      %dma_wait3A_78 = arith.constant 0 : i32
      %dma_wait3A_79 = tpu.memref_slice %arg6[%add3A_12, %dma_wait3A_78] : memref<10000x128xf32, #tpu.memory_space<vmem_shared>> -> memref<25x128xf32, #tpu.memory_space<vmem_shared>>
      tpu.wait_dma2 semaphore(%run_scoped3A : memref<!tpu.dma_semaphore, #tpu.memory_space<semaphore_mem>>) src(%arg11 : memref<25x128xf32, #tpu.memory_space<vmem>>) dst(%dma_wait3A_79 : memref<25x128xf32, #tpu.memory_space<vmem_shared>>)
      tpu.yield
    }) : () -> ()
    %add3A_13 = arith.constant 100 : i32
    %add3A_14 = arith.addi %mul3A_5, %add3A_13 : i32
    "tpu.region"() ({
      %run_scoped3A = tpu.sem_alloc : memref<!tpu.dma_semaphore, #tpu.memory_space<semaphore_mem>>
      %dma_start3A = arith.constant 0 : i32
      %dma_start3A_74 = tpu.memref_slice %arg6[%add3A_14, %dma_start3A] : memref<10000x128xf32, #tpu.memory_space<vmem_shared>> -> memref<25x128xf32, #tpu.memory_space<vmem_shared>>
      %dma_start3A_75 = arith.constant 0 : i32
      %dma_start3A_76 = tpu.memref_slice %arg6[%add3A_14, %dma_start3A_75] : memref<10000x128xf32, #tpu.memory_space<vmem_shared>> -> memref<25x128xf32, #tpu.memory_space<vmem_shared>>
      tpu.enqueue_dma source(%arg11 : memref<25x128xf32, #tpu.memory_space<vmem>>) target(%dma_start3A_76 : memref<25x128xf32, #tpu.memory_space<vmem_shared>>) target_semaphore(%run_scoped3A : memref<!tpu.dma_semaphore, #tpu.memory_space<semaphore_mem>>)
      %dma_wait3A = arith.constant 0 : i32
      %dma_wait3A_77 = tpu.memref_slice %arg6[%add3A_14, %dma_wait3A] : memref<10000x128xf32, #tpu.memory_space<vmem_shared>> -> memref<25x128xf32, #tpu.memory_space<vmem_shared>>
      %dma_wait3A_78 = arith.constant 0 : i32
      %dma_wait3A_79 = tpu.memref_slice %arg6[%add3A_14, %dma_wait3A_78] : memref<10000x128xf32, #tpu.memory_space<vmem_shared>> -> memref<25x128xf32, #tpu.memory_space<vmem_shared>>
      tpu.wait_dma2 semaphore(%run_scoped3A : memref<!tpu.dma_semaphore, #tpu.memory_space<semaphore_mem>>) src(%arg11 : memref<25x128xf32, #tpu.memory_space<vmem>>) dst(%dma_wait3A_79 : memref<25x128xf32, #tpu.memory_space<vmem_shared>>)
      tpu.yield
    }) : () -> ()
    %add3A_15 = arith.constant 125 : i32
    %add3A_16 = arith.addi %mul3A_5, %add3A_15 : i32
    "tpu.region"() ({
      %run_scoped3A = tpu.sem_alloc : memref<!tpu.dma_semaphore, #tpu.memory_space<semaphore_mem>>
      %dma_start3A = arith.constant 0 : i32
      %dma_start3A_74 = tpu.memref_slice %arg6[%add3A_16, %dma_start3A] : memref<10000x128xf32, #tpu.memory_space<vmem_shared>> -> memref<25x128xf32, #tpu.memory_space<vmem_shared>>
      %dma_start3A_75 = arith.constant 0 : i32
      %dma_start3A_76 = tpu.memref_slice %arg6[%add3A_16, %dma_start3A_75] : memref<10000x128xf32, #tpu.memory_space<vmem_shared>> -> memref<25x128xf32, #tpu.memory_space<vmem_shared>>
      tpu.enqueue_dma source(%arg11 : memref<25x128xf32, #tpu.memory_space<vmem>>) target(%dma_start3A_76 : memref<25x128xf32, #tpu.memory_space<vmem_shared>>) target_semaphore(%run_scoped3A : memref<!tpu.dma_semaphore, #tpu.memory_space<semaphore_mem>>)
      %dma_wait3A = arith.constant 0 : i32
      %dma_wait3A_77 = tpu.memref_slice %arg6[%add3A_16, %dma_wait3A] : memref<10000x128xf32, #tpu.memory_space<vmem_shared>> -> memref<25x128xf32, #tpu.memory_space<vmem_shared>>
      %dma_wait3A_78 = arith.constant 0 : i32
      %dma_wait3A_79 = tpu.memref_slice %arg6[%add3A_16, %dma_wait3A_78] : memref<10000x128xf32, #tpu.memory_space<vmem_shared>> -> memref<25x128xf32, #tpu.memory_space<vmem_shared>>
      tpu.wait_dma2 semaphore(%run_scoped3A : memref<!tpu.dma_semaphore, #tpu.memory_space<semaphore_mem>>) src(%arg11 : memref<25x128xf32, #tpu.memory_space<vmem>>) dst(%dma_wait3A_79 : memref<25x128xf32, #tpu.memory_space<vmem_shared>>)
      tpu.yield
    }) : () -> ()
    %add3A_17 = arith.constant 150 : i32
    %add3A_18 = arith.addi %mul3A_5, %add3A_17 : i32
    "tpu.region"() ({
      %run_scoped3A = tpu.sem_alloc : memref<!tpu.dma_semaphore, #tpu.memory_space<semaphore_mem>>
      %dma_start3A = arith.constant 0 : i32
      %dma_start3A_74 = tpu.memref_slice %arg6[%add3A_18, %dma_start3A] : memref<10000x128xf32, #tpu.memory_space<vmem_shared>> -> memref<25x128xf32, #tpu.memory_space<vmem_shared>>
      %dma_start3A_75 = arith.constant 0 : i32
      %dma_start3A_76 = tpu.memref_slice %arg6[%add3A_18, %dma_start3A_75] : memref<10000x128xf32, #tpu.memory_space<vmem_shared>> -> memref<25x128xf32, #tpu.memory_space<vmem_shared>>
      tpu.enqueue_dma source(%arg11 : memref<25x128xf32, #tpu.memory_space<vmem>>) target(%dma_start3A_76 : memref<25x128xf32, #tpu.memory_space<vmem_shared>>) target_semaphore(%run_scoped3A : memref<!tpu.dma_semaphore, #tpu.memory_space<semaphore_mem>>)
      %dma_wait3A = arith.constant 0 : i32
      %dma_wait3A_77 = tpu.memref_slice %arg6[%add3A_18, %dma_wait3A] : memref<10000x128xf32, #tpu.memory_space<vmem_shared>> -> memref<25x128xf32, #tpu.memory_space<vmem_shared>>
      %dma_wait3A_78 = arith.constant 0 : i32
      %dma_wait3A_79 = tpu.memref_slice %arg6[%add3A_18, %dma_wait3A_78] : memref<10000x128xf32, #tpu.memory_space<vmem_shared>> -> memref<25x128xf32, #tpu.memory_space<vmem_shared>>
      tpu.wait_dma2 semaphore(%run_scoped3A : memref<!tpu.dma_semaphore, #tpu.memory_space<semaphore_mem>>) src(%arg11 : memref<25x128xf32, #tpu.memory_space<vmem>>) dst(%dma_wait3A_79 : memref<25x128xf32, #tpu.memory_space<vmem_shared>>)
      tpu.yield
    }) : () -> ()
    %add3A_19 = arith.constant 175 : i32
    %add3A_20 = arith.addi %mul3A_5, %add3A_19 : i32
    "tpu.region"() ({
      %run_scoped3A = tpu.sem_alloc : memref<!tpu.dma_semaphore, #tpu.memory_space<semaphore_mem>>
      %dma_start3A = arith.constant 0 : i32
      %dma_start3A_74 = tpu.memref_slice %arg6[%add3A_20, %dma_start3A] : memref<10000x128xf32, #tpu.memory_space<vmem_shared>> -> memref<25x128xf32, #tpu.memory_space<vmem_shared>>
      %dma_start3A_75 = arith.constant 0 : i32
      %dma_start3A_76 = tpu.memref_slice %arg6[%add3A_20, %dma_start3A_75] : memref<10000x128xf32, #tpu.memory_space<vmem_shared>> -> memref<25x128xf32, #tpu.memory_space<vmem_shared>>
      tpu.enqueue_dma source(%arg11 : memref<25x128xf32, #tpu.memory_space<vmem>>) target(%dma_start3A_76 : memref<25x128xf32, #tpu.memory_space<vmem_shared>>) target_semaphore(%run_scoped3A : memref<!tpu.dma_semaphore, #tpu.memory_space<semaphore_mem>>)
      %dma_wait3A = arith.constant 0 : i32
      %dma_wait3A_77 = tpu.memref_slice %arg6[%add3A_20, %dma_wait3A] : memref<10000x128xf32, #tpu.memory_space<vmem_shared>> -> memref<25x128xf32, #tpu.memory_space<vmem_shared>>
      %dma_wait3A_78 = arith.constant 0 : i32
      %dma_wait3A_79 = tpu.memref_slice %arg6[%add3A_20, %dma_wait3A_78] : memref<10000x128xf32, #tpu.memory_space<vmem_shared>> -> memref<25x128xf32, #tpu.memory_space<vmem_shared>>
      tpu.wait_dma2 semaphore(%run_scoped3A : memref<!tpu.dma_semaphore, #tpu.memory_space<semaphore_mem>>) src(%arg11 : memref<25x128xf32, #tpu.memory_space<vmem>>) dst(%dma_wait3A_79 : memref<25x128xf32, #tpu.memory_space<vmem_shared>>)
      tpu.yield
    }) : () -> ()
    %add3A_21 = arith.constant 200 : i32
    %add3A_22 = arith.addi %mul3A_5, %add3A_21 : i32
    "tpu.region"() ({
      %run_scoped3A = tpu.sem_alloc : memref<!tpu.dma_semaphore, #tpu.memory_space<semaphore_mem>>
      %dma_start3A = arith.constant 0 : i32
      %dma_start3A_74 = tpu.memref_slice %arg6[%add3A_22, %dma_start3A] : memref<10000x128xf32, #tpu.memory_space<vmem_shared>> -> memref<25x128xf32, #tpu.memory_space<vmem_shared>>
      %dma_start3A_75 = arith.constant 0 : i32
      %dma_start3A_76 = tpu.memref_slice %arg6[%add3A_22, %dma_start3A_75] : memref<10000x128xf32, #tpu.memory_space<vmem_shared>> -> memref<25x128xf32, #tpu.memory_space<vmem_shared>>
      tpu.enqueue_dma source(%arg11 : memref<25x128xf32, #tpu.memory_space<vmem>>) target(%dma_start3A_76 : memref<25x128xf32, #tpu.memory_space<vmem_shared>>) target_semaphore(%run_scoped3A : memref<!tpu.dma_semaphore, #tpu.memory_space<semaphore_mem>>)
      %dma_wait3A = arith.constant 0 : i32
      %dma_wait3A_77 = tpu.memref_slice %arg6[%add3A_22, %dma_wait3A] : memref<10000x128xf32, #tpu.memory_space<vmem_shared>> -> memref<25x128xf32, #tpu.memory_space<vmem_shared>>
      %dma_wait3A_78 = arith.constant 0 : i32
      %dma_wait3A_79 = tpu.memref_slice %arg6[%add3A_22, %dma_wait3A_78] : memref<10000x128xf32, #tpu.memory_space<vmem_shared>> -> memref<25x128xf32, #tpu.memory_space<vmem_shared>>
      tpu.wait_dma2 semaphore(%run_scoped3A : memref<!tpu.dma_semaphore, #tpu.memory_space<semaphore_mem>>) src(%arg11 : memref<25x128xf32, #tpu.memory_space<vmem>>) dst(%dma_wait3A_79 : memref<25x128xf32, #tpu.memory_space<vmem_shared>>)
      tpu.yield
    }) : () -> ()
    %add3A_23 = arith.constant 225 : i32
    %add3A_24 = arith.addi %mul3A_5, %add3A_23 : i32
    "tpu.region"() ({
      %run_scoped3A = tpu.sem_alloc : memref<!tpu.dma_semaphore, #tpu.memory_space<semaphore_mem>>
      %dma_start3A = arith.constant 0 : i32
      %dma_start3A_74 = tpu.memref_slice %arg6[%add3A_24, %dma_start3A] : memref<10000x128xf32, #tpu.memory_space<vmem_shared>> -> memref<25x128xf32, #tpu.memory_space<vmem_shared>>
      %dma_start3A_75 = arith.constant 0 : i32
      %dma_start3A_76 = tpu.memref_slice %arg6[%add3A_24, %dma_start3A_75] : memref<10000x128xf32, #tpu.memory_space<vmem_shared>> -> memref<25x128xf32, #tpu.memory_space<vmem_shared>>
      tpu.enqueue_dma source(%arg11 : memref<25x128xf32, #tpu.memory_space<vmem>>) target(%dma_start3A_76 : memref<25x128xf32, #tpu.memory_space<vmem_shared>>) target_semaphore(%run_scoped3A : memref<!tpu.dma_semaphore, #tpu.memory_space<semaphore_mem>>)
      %dma_wait3A = arith.constant 0 : i32
      %dma_wait3A_77 = tpu.memref_slice %arg6[%add3A_24, %dma_wait3A] : memref<10000x128xf32, #tpu.memory_space<vmem_shared>> -> memref<25x128xf32, #tpu.memory_space<vmem_shared>>
      %dma_wait3A_78 = arith.constant 0 : i32
      %dma_wait3A_79 = tpu.memref_slice %arg6[%add3A_24, %dma_wait3A_78] : memref<10000x128xf32, #tpu.memory_space<vmem_shared>> -> memref<25x128xf32, #tpu.memory_space<vmem_shared>>
      tpu.wait_dma2 semaphore(%run_scoped3A : memref<!tpu.dma_semaphore, #tpu.memory_space<semaphore_mem>>) src(%arg11 : memref<25x128xf32, #tpu.memory_space<vmem>>) dst(%dma_wait3A_79 : memref<25x128xf32, #tpu.memory_space<vmem_shared>>)
      tpu.yield
    }) : () -> ()
    %add3A_25 = arith.constant 250 : i32
    %add3A_26 = arith.addi %mul3A_5, %add3A_25 : i32
    "tpu.region"() ({
      %run_scoped3A = tpu.sem_alloc : memref<!tpu.dma_semaphore, #tpu.memory_space<semaphore_mem>>
      %dma_start3A = arith.constant 0 : i32
      %dma_start3A_74 = tpu.memref_slice %arg6[%add3A_26, %dma_start3A] : memref<10000x128xf32, #tpu.memory_space<vmem_shared>> -> memref<25x128xf32, #tpu.memory_space<vmem_shared>>
      %dma_start3A_75 = arith.constant 0 : i32
      %dma_start3A_76 = tpu.memref_slice %arg6[%add3A_26, %dma_start3A_75] : memref<10000x128xf32, #tpu.memory_space<vmem_shared>> -> memref<25x128xf32, #tpu.memory_space<vmem_shared>>
      tpu.enqueue_dma source(%arg11 : memref<25x128xf32, #tpu.memory_space<vmem>>) target(%dma_start3A_76 : memref<25x128xf32, #tpu.memory_space<vmem_shared>>) target_semaphore(%run_scoped3A : memref<!tpu.dma_semaphore, #tpu.memory_space<semaphore_mem>>)
      %dma_wait3A = arith.constant 0 : i32
      %dma_wait3A_77 = tpu.memref_slice %arg6[%add3A_26, %dma_wait3A] : memref<10000x128xf32, #tpu.memory_space<vmem_shared>> -> memref<25x128xf32, #tpu.memory_space<vmem_shared>>
      %dma_wait3A_78 = arith.constant 0 : i32
      %dma_wait3A_79 = tpu.memref_slice %arg6[%add3A_26, %dma_wait3A_78] : memref<10000x128xf32, #tpu.memory_space<vmem_shared>> -> memref<25x128xf32, #tpu.memory_space<vmem_shared>>
      tpu.wait_dma2 semaphore(%run_scoped3A : memref<!tpu.dma_semaphore, #tpu.memory_space<semaphore_mem>>) src(%arg11 : memref<25x128xf32, #tpu.memory_space<vmem>>) dst(%dma_wait3A_79 : memref<25x128xf32, #tpu.memory_space<vmem_shared>>)
      tpu.yield
    }) : () -> ()
    %add3A_27 = arith.constant 275 : i32
    %add3A_28 = arith.addi %mul3A_5, %add3A_27 : i32
    "tpu.region"() ({
      %run_scoped3A = tpu.sem_alloc : memref<!tpu.dma_semaphore, #tpu.memory_space<semaphore_mem>>
      %dma_start3A = arith.constant 0 : i32
      %dma_start3A_74 = tpu.memref_slice %arg6[%add3A_28, %dma_start3A] : memref<10000x128xf32, #tpu.memory_space<vmem_shared>> -> memref<25x128xf32, #tpu.memory_space<vmem_shared>>
      %dma_start3A_75 = arith.constant 0 : i32
      %dma_start3A_76 = tpu.memref_slice %arg6[%add3A_28, %dma_start3A_75] : memref<10000x128xf32, #tpu.memory_space<vmem_shared>> -> memref<25x128xf32, #tpu.memory_space<vmem_shared>>
      tpu.enqueue_dma source(%arg11 : memref<25x128xf32, #tpu.memory_space<vmem>>) target(%dma_start3A_76 : memref<25x128xf32, #tpu.memory_space<vmem_shared>>) target_semaphore(%run_scoped3A : memref<!tpu.dma_semaphore, #tpu.memory_space<semaphore_mem>>)
      %dma_wait3A = arith.constant 0 : i32
      %dma_wait3A_77 = tpu.memref_slice %arg6[%add3A_28, %dma_wait3A] : memref<10000x128xf32, #tpu.memory_space<vmem_shared>> -> memref<25x128xf32, #tpu.memory_space<vmem_shared>>
      %dma_wait3A_78 = arith.constant 0 : i32
      %dma_wait3A_79 = tpu.memref_slice %arg6[%add3A_28, %dma_wait3A_78] : memref<10000x128xf32, #tpu.memory_space<vmem_shared>> -> memref<25x128xf32, #tpu.memory_space<vmem_shared>>
      tpu.wait_dma2 semaphore(%run_scoped3A : memref<!tpu.dma_semaphore, #tpu.memory_space<semaphore_mem>>) src(%arg11 : memref<25x128xf32, #tpu.memory_space<vmem>>) dst(%dma_wait3A_79 : memref<25x128xf32, #tpu.memory_space<vmem_shared>>)
      tpu.yield
    }) : () -> ()
    %add3A_29 = arith.constant 300 : i32
    %add3A_30 = arith.addi %mul3A_5, %add3A_29 : i32
    "tpu.region"() ({
      %run_scoped3A = tpu.sem_alloc : memref<!tpu.dma_semaphore, #tpu.memory_space<semaphore_mem>>
      %dma_start3A = arith.constant 0 : i32
      %dma_start3A_74 = tpu.memref_slice %arg6[%add3A_30, %dma_start3A] : memref<10000x128xf32, #tpu.memory_space<vmem_shared>> -> memref<25x128xf32, #tpu.memory_space<vmem_shared>>
      %dma_start3A_75 = arith.constant 0 : i32
      %dma_start3A_76 = tpu.memref_slice %arg6[%add3A_30, %dma_start3A_75] : memref<10000x128xf32, #tpu.memory_space<vmem_shared>> -> memref<25x128xf32, #tpu.memory_space<vmem_shared>>
      tpu.enqueue_dma source(%arg11 : memref<25x128xf32, #tpu.memory_space<vmem>>) target(%dma_start3A_76 : memref<25x128xf32, #tpu.memory_space<vmem_shared>>) target_semaphore(%run_scoped3A : memref<!tpu.dma_semaphore, #tpu.memory_space<semaphore_mem>>)
      %dma_wait3A = arith.constant 0 : i32
      %dma_wait3A_77 = tpu.memref_slice %arg6[%add3A_30, %dma_wait3A] : memref<10000x128xf32, #tpu.memory_space<vmem_shared>> -> memref<25x128xf32, #tpu.memory_space<vmem_shared>>
      %dma_wait3A_78 = arith.constant 0 : i32
      %dma_wait3A_79 = tpu.memref_slice %arg6[%add3A_30, %dma_wait3A_78] : memref<10000x128xf32, #tpu.memory_space<vmem_shared>> -> memref<25x128xf32, #tpu.memory_space<vmem_shared>>
      tpu.wait_dma2 semaphore(%run_scoped3A : memref<!tpu.dma_semaphore, #tpu.memory_space<semaphore_mem>>) src(%arg11 : memref<25x128xf32, #tpu.memory_space<vmem>>) dst(%dma_wait3A_79 : memref<25x128xf32, #tpu.memory_space<vmem_shared>>)
      tpu.yield
    }) : () -> ()
    %add3A_31 = arith.constant 325 : i32
    %add3A_32 = arith.addi %mul3A_5, %add3A_31 : i32
    "tpu.region"() ({
      %run_scoped3A = tpu.sem_alloc : memref<!tpu.dma_semaphore, #tpu.memory_space<semaphore_mem>>
      %dma_start3A = arith.constant 0 : i32
      %dma_start3A_74 = tpu.memref_slice %arg6[%add3A_32, %dma_start3A] : memref<10000x128xf32, #tpu.memory_space<vmem_shared>> -> memref<25x128xf32, #tpu.memory_space<vmem_shared>>
      %dma_start3A_75 = arith.constant 0 : i32
      %dma_start3A_76 = tpu.memref_slice %arg6[%add3A_32, %dma_start3A_75] : memref<10000x128xf32, #tpu.memory_space<vmem_shared>> -> memref<25x128xf32, #tpu.memory_space<vmem_shared>>
      tpu.enqueue_dma source(%arg11 : memref<25x128xf32, #tpu.memory_space<vmem>>) target(%dma_start3A_76 : memref<25x128xf32, #tpu.memory_space<vmem_shared>>) target_semaphore(%run_scoped3A : memref<!tpu.dma_semaphore, #tpu.memory_space<semaphore_mem>>)
      %dma_wait3A = arith.constant 0 : i32
      %dma_wait3A_77 = tpu.memref_slice %arg6[%add3A_32, %dma_wait3A] : memref<10000x128xf32, #tpu.memory_space<vmem_shared>> -> memref<25x128xf32, #tpu.memory_space<vmem_shared>>
      %dma_wait3A_78 = arith.constant 0 : i32
      %dma_wait3A_79 = tpu.memref_slice %arg6[%add3A_32, %dma_wait3A_78] : memref<10000x128xf32, #tpu.memory_space<vmem_shared>> -> memref<25x128xf32, #tpu.memory_space<vmem_shared>>
      tpu.wait_dma2 semaphore(%run_scoped3A : memref<!tpu.dma_semaphore, #tpu.memory_space<semaphore_mem>>) src(%arg11 : memref<25x128xf32, #tpu.memory_space<vmem>>) dst(%dma_wait3A_79 : memref<25x128xf32, #tpu.memory_space<vmem_shared>>)
      tpu.yield
    }) : () -> ()
    %add3A_33 = arith.constant 350 : i32
    %add3A_34 = arith.addi %mul3A_5, %add3A_33 : i32
    "tpu.region"() ({
      %run_scoped3A = tpu.sem_alloc : memref<!tpu.dma_semaphore, #tpu.memory_space<semaphore_mem>>
      %dma_start3A = arith.constant 0 : i32
      %dma_start3A_74 = tpu.memref_slice %arg6[%add3A_34, %dma_start3A] : memref<10000x128xf32, #tpu.memory_space<vmem_shared>> -> memref<25x128xf32, #tpu.memory_space<vmem_shared>>
      %dma_start3A_75 = arith.constant 0 : i32
      %dma_start3A_76 = tpu.memref_slice %arg6[%add3A_34, %dma_start3A_75] : memref<10000x128xf32, #tpu.memory_space<vmem_shared>> -> memref<25x128xf32, #tpu.memory_space<vmem_shared>>
      tpu.enqueue_dma source(%arg11 : memref<25x128xf32, #tpu.memory_space<vmem>>) target(%dma_start3A_76 : memref<25x128xf32, #tpu.memory_space<vmem_shared>>) target_semaphore(%run_scoped3A : memref<!tpu.dma_semaphore, #tpu.memory_space<semaphore_mem>>)
      %dma_wait3A = arith.constant 0 : i32
      %dma_wait3A_77 = tpu.memref_slice %arg6[%add3A_34, %dma_wait3A] : memref<10000x128xf32, #tpu.memory_space<vmem_shared>> -> memref<25x128xf32, #tpu.memory_space<vmem_shared>>
      %dma_wait3A_78 = arith.constant 0 : i32
      %dma_wait3A_79 = tpu.memref_slice %arg6[%add3A_34, %dma_wait3A_78] : memref<10000x128xf32, #tpu.memory_space<vmem_shared>> -> memref<25x128xf32, #tpu.memory_space<vmem_shared>>
      tpu.wait_dma2 semaphore(%run_scoped3A : memref<!tpu.dma_semaphore, #tpu.memory_space<semaphore_mem>>) src(%arg11 : memref<25x128xf32, #tpu.memory_space<vmem>>) dst(%dma_wait3A_79 : memref<25x128xf32, #tpu.memory_space<vmem_shared>>)
      tpu.yield
    }) : () -> ()
    %add3A_35 = arith.constant 375 : i32
    %add3A_36 = arith.addi %mul3A_5, %add3A_35 : i32
    "tpu.region"() ({
      %run_scoped3A = tpu.sem_alloc : memref<!tpu.dma_semaphore, #tpu.memory_space<semaphore_mem>>
      %dma_start3A = arith.constant 0 : i32
      %dma_start3A_74 = tpu.memref_slice %arg6[%add3A_36, %dma_start3A] : memref<10000x128xf32, #tpu.memory_space<vmem_shared>> -> memref<25x128xf32, #tpu.memory_space<vmem_shared>>
      %dma_start3A_75 = arith.constant 0 : i32
      %dma_start3A_76 = tpu.memref_slice %arg6[%add3A_36, %dma_start3A_75] : memref<10000x128xf32, #tpu.memory_space<vmem_shared>> -> memref<25x128xf32, #tpu.memory_space<vmem_shared>>
      tpu.enqueue_dma source(%arg11 : memref<25x128xf32, #tpu.memory_space<vmem>>) target(%dma_start3A_76 : memref<25x128xf32, #tpu.memory_space<vmem_shared>>) target_semaphore(%run_scoped3A : memref<!tpu.dma_semaphore, #tpu.memory_space<semaphore_mem>>)
      %dma_wait3A = arith.constant 0 : i32
      %dma_wait3A_77 = tpu.memref_slice %arg6[%add3A_36, %dma_wait3A] : memref<10000x128xf32, #tpu.memory_space<vmem_shared>> -> memref<25x128xf32, #tpu.memory_space<vmem_shared>>
      %dma_wait3A_78 = arith.constant 0 : i32
      %dma_wait3A_79 = tpu.memref_slice %arg6[%add3A_36, %dma_wait3A_78] : memref<10000x128xf32, #tpu.memory_space<vmem_shared>> -> memref<25x128xf32, #tpu.memory_space<vmem_shared>>
      tpu.wait_dma2 semaphore(%run_scoped3A : memref<!tpu.dma_semaphore, #tpu.memory_space<semaphore_mem>>) src(%arg11 : memref<25x128xf32, #tpu.memory_space<vmem>>) dst(%dma_wait3A_79 : memref<25x128xf32, #tpu.memory_space<vmem_shared>>)
      tpu.yield
    }) : () -> ()
    %add3A_37 = arith.constant 400 : i32
    %add3A_38 = arith.addi %mul3A_5, %add3A_37 : i32
    "tpu.region"() ({
      %run_scoped3A = tpu.sem_alloc : memref<!tpu.dma_semaphore, #tpu.memory_space<semaphore_mem>>
      %dma_start3A = arith.constant 0 : i32
      %dma_start3A_74 = tpu.memref_slice %arg6[%add3A_38, %dma_start3A] : memref<10000x128xf32, #tpu.memory_space<vmem_shared>> -> memref<25x128xf32, #tpu.memory_space<vmem_shared>>
      %dma_start3A_75 = arith.constant 0 : i32
      %dma_start3A_76 = tpu.memref_slice %arg6[%add3A_38, %dma_start3A_75] : memref<10000x128xf32, #tpu.memory_space<vmem_shared>> -> memref<25x128xf32, #tpu.memory_space<vmem_shared>>
      tpu.enqueue_dma source(%arg11 : memref<25x128xf32, #tpu.memory_space<vmem>>) target(%dma_start3A_76 : memref<25x128xf32, #tpu.memory_space<vmem_shared>>) target_semaphore(%run_scoped3A : memref<!tpu.dma_semaphore, #tpu.memory_space<semaphore_mem>>)
      %dma_wait3A = arith.constant 0 : i32
      %dma_wait3A_77 = tpu.memref_slice %arg6[%add3A_38, %dma_wait3A] : memref<10000x128xf32, #tpu.memory_space<vmem_shared>> -> memref<25x128xf32, #tpu.memory_space<vmem_shared>>
      %dma_wait3A_78 = arith.constant 0 : i32
      %dma_wait3A_79 = tpu.memref_slice %arg6[%add3A_38, %dma_wait3A_78] : memref<10000x128xf32, #tpu.memory_space<vmem_shared>> -> memref<25x128xf32, #tpu.memory_space<vmem_shared>>
      tpu.wait_dma2 semaphore(%run_scoped3A : memref<!tpu.dma_semaphore, #tpu.memory_space<semaphore_mem>>) src(%arg11 : memref<25x128xf32, #tpu.memory_space<vmem>>) dst(%dma_wait3A_79 : memref<25x128xf32, #tpu.memory_space<vmem_shared>>)
      tpu.yield
    }) : () -> ()
    %add3A_39 = arith.constant 425 : i32
    %add3A_40 = arith.addi %mul3A_5, %add3A_39 : i32
    "tpu.region"() ({
      %run_scoped3A = tpu.sem_alloc : memref<!tpu.dma_semaphore, #tpu.memory_space<semaphore_mem>>
      %dma_start3A = arith.constant 0 : i32
      %dma_start3A_74 = tpu.memref_slice %arg6[%add3A_40, %dma_start3A] : memref<10000x128xf32, #tpu.memory_space<vmem_shared>> -> memref<25x128xf32, #tpu.memory_space<vmem_shared>>
      %dma_start3A_75 = arith.constant 0 : i32
      %dma_start3A_76 = tpu.memref_slice %arg6[%add3A_40, %dma_start3A_75] : memref<10000x128xf32, #tpu.memory_space<vmem_shared>> -> memref<25x128xf32, #tpu.memory_space<vmem_shared>>
      tpu.enqueue_dma source(%arg11 : memref<25x128xf32, #tpu.memory_space<vmem>>) target(%dma_start3A_76 : memref<25x128xf32, #tpu.memory_space<vmem_shared>>) target_semaphore(%run_scoped3A : memref<!tpu.dma_semaphore, #tpu.memory_space<semaphore_mem>>)
      %dma_wait3A = arith.constant 0 : i32
      %dma_wait3A_77 = tpu.memref_slice %arg6[%add3A_40, %dma_wait3A] : memref<10000x128xf32, #tpu.memory_space<vmem_shared>> -> memref<25x128xf32, #tpu.memory_space<vmem_shared>>
      %dma_wait3A_78 = arith.constant 0 : i32
      %dma_wait3A_79 = tpu.memref_slice %arg6[%add3A_40, %dma_wait3A_78] : memref<10000x128xf32, #tpu.memory_space<vmem_shared>> -> memref<25x128xf32, #tpu.memory_space<vmem_shared>>
      tpu.wait_dma2 semaphore(%run_scoped3A : memref<!tpu.dma_semaphore, #tpu.memory_space<semaphore_mem>>) src(%arg11 : memref<25x128xf32, #tpu.memory_space<vmem>>) dst(%dma_wait3A_79 : memref<25x128xf32, #tpu.memory_space<vmem_shared>>)
      tpu.yield
    }) : () -> ()
    %add3A_41 = arith.constant 450 : i32
    %add3A_42 = arith.addi %mul3A_5, %add3A_41 : i32
    "tpu.region"() ({
      %run_scoped3A = tpu.sem_alloc : memref<!tpu.dma_semaphore, #tpu.memory_space<semaphore_mem>>
      %dma_start3A = arith.constant 0 : i32
      %dma_start3A_74 = tpu.memref_slice %arg6[%add3A_42, %dma_start3A] : memref<10000x128xf32, #tpu.memory_space<vmem_shared>> -> memref<25x128xf32, #tpu.memory_space<vmem_shared>>
      %dma_start3A_75 = arith.constant 0 : i32
      %dma_start3A_76 = tpu.memref_slice %arg6[%add3A_42, %dma_start3A_75] : memref<10000x128xf32, #tpu.memory_space<vmem_shared>> -> memref<25x128xf32, #tpu.memory_space<vmem_shared>>
      tpu.enqueue_dma source(%arg11 : memref<25x128xf32, #tpu.memory_space<vmem>>) target(%dma_start3A_76 : memref<25x128xf32, #tpu.memory_space<vmem_shared>>) target_semaphore(%run_scoped3A : memref<!tpu.dma_semaphore, #tpu.memory_space<semaphore_mem>>)
      %dma_wait3A = arith.constant 0 : i32
      %dma_wait3A_77 = tpu.memref_slice %arg6[%add3A_42, %dma_wait3A] : memref<10000x128xf32, #tpu.memory_space<vmem_shared>> -> memref<25x128xf32, #tpu.memory_space<vmem_shared>>
      %dma_wait3A_78 = arith.constant 0 : i32
      %dma_wait3A_79 = tpu.memref_slice %arg6[%add3A_42, %dma_wait3A_78] : memref<10000x128xf32, #tpu.memory_space<vmem_shared>> -> memref<25x128xf32, #tpu.memory_space<vmem_shared>>
      tpu.wait_dma2 semaphore(%run_scoped3A : memref<!tpu.dma_semaphore, #tpu.memory_space<semaphore_mem>>) src(%arg11 : memref<25x128xf32, #tpu.memory_space<vmem>>) dst(%dma_wait3A_79 : memref<25x128xf32, #tpu.memory_space<vmem_shared>>)
      tpu.yield
    }) : () -> ()
    %add3A_43 = arith.constant 475 : i32
    %add3A_44 = arith.addi %mul3A_5, %add3A_43 : i32
    "tpu.region"() ({
      %run_scoped3A = tpu.sem_alloc : memref<!tpu.dma_semaphore, #tpu.memory_space<semaphore_mem>>
      %dma_start3A = arith.constant 0 : i32
      %dma_start3A_74 = tpu.memref_slice %arg6[%add3A_44, %dma_start3A] : memref<10000x128xf32, #tpu.memory_space<vmem_shared>> -> memref<25x128xf32, #tpu.memory_space<vmem_shared>>
      %dma_start3A_75 = arith.constant 0 : i32
      %dma_start3A_76 = tpu.memref_slice %arg6[%add3A_44, %dma_start3A_75] : memref<10000x128xf32, #tpu.memory_space<vmem_shared>> -> memref<25x128xf32, #tpu.memory_space<vmem_shared>>
      tpu.enqueue_dma source(%arg11 : memref<25x128xf32, #tpu.memory_space<vmem>>) target(%dma_start3A_76 : memref<25x128xf32, #tpu.memory_space<vmem_shared>>) target_semaphore(%run_scoped3A : memref<!tpu.dma_semaphore, #tpu.memory_space<semaphore_mem>>)
      %dma_wait3A = arith.constant 0 : i32
      %dma_wait3A_77 = tpu.memref_slice %arg6[%add3A_44, %dma_wait3A] : memref<10000x128xf32, #tpu.memory_space<vmem_shared>> -> memref<25x128xf32, #tpu.memory_space<vmem_shared>>
      %dma_wait3A_78 = arith.constant 0 : i32
      %dma_wait3A_79 = tpu.memref_slice %arg6[%add3A_44, %dma_wait3A_78] : memref<10000x128xf32, #tpu.memory_space<vmem_shared>> -> memref<25x128xf32, #tpu.memory_space<vmem_shared>>
      tpu.wait_dma2 semaphore(%run_scoped3A : memref<!tpu.dma_semaphore, #tpu.memory_space<semaphore_mem>>) src(%arg11 : memref<25x128xf32, #tpu.memory_space<vmem>>) dst(%dma_wait3A_79 : memref<25x128xf32, #tpu.memory_space<vmem_shared>>)
      tpu.yield
    }) : () -> ()
    %add3A_45 = arith.constant 500 : i32
    %add3A_46 = arith.addi %mul3A_5, %add3A_45 : i32
    "tpu.region"() ({
      %run_scoped3A = tpu.sem_alloc : memref<!tpu.dma_semaphore, #tpu.memory_space<semaphore_mem>>
      %dma_start3A = arith.constant 0 : i32
      %dma_start3A_74 = tpu.memref_slice %arg6[%add3A_46, %dma_start3A] : memref<10000x128xf32, #tpu.memory_space<vmem_shared>> -> memref<25x128xf32, #tpu.memory_space<vmem_shared>>
      %dma_start3A_75 = arith.constant 0 : i32
      %dma_start3A_76 = tpu.memref_slice %arg6[%add3A_46, %dma_start3A_75] : memref<10000x128xf32, #tpu.memory_space<vmem_shared>> -> memref<25x128xf32, #tpu.memory_space<vmem_shared>>
      tpu.enqueue_dma source(%arg11 : memref<25x128xf32, #tpu.memory_space<vmem>>) target(%dma_start3A_76 : memref<25x128xf32, #tpu.memory_space<vmem_shared>>) target_semaphore(%run_scoped3A : memref<!tpu.dma_semaphore, #tpu.memory_space<semaphore_mem>>)
      %dma_wait3A = arith.constant 0 : i32
      %dma_wait3A_77 = tpu.memref_slice %arg6[%add3A_46, %dma_wait3A] : memref<10000x128xf32, #tpu.memory_space<vmem_shared>> -> memref<25x128xf32, #tpu.memory_space<vmem_shared>>
      %dma_wait3A_78 = arith.constant 0 : i32
      %dma_wait3A_79 = tpu.memref_slice %arg6[%add3A_46, %dma_wait3A_78] : memref<10000x128xf32, #tpu.memory_space<vmem_shared>> -> memref<25x128xf32, #tpu.memory_space<vmem_shared>>
      tpu.wait_dma2 semaphore(%run_scoped3A : memref<!tpu.dma_semaphore, #tpu.memory_space<semaphore_mem>>) src(%arg11 : memref<25x128xf32, #tpu.memory_space<vmem>>) dst(%dma_wait3A_79 : memref<25x128xf32, #tpu.memory_space<vmem_shared>>)
      tpu.yield
    }) : () -> ()
    %add3A_47 = arith.constant 525 : i32
    %add3A_48 = arith.addi %mul3A_5, %add3A_47 : i32
    "tpu.region"() ({
      %run_scoped3A = tpu.sem_alloc : memref<!tpu.dma_semaphore, #tpu.memory_space<semaphore_mem>>
      %dma_start3A = arith.constant 0 : i32
      %dma_start3A_74 = tpu.memref_slice %arg6[%add3A_48, %dma_start3A] : memref<10000x128xf32, #tpu.memory_space<vmem_shared>> -> memref<25x128xf32, #tpu.memory_space<vmem_shared>>
      %dma_start3A_75 = arith.constant 0 : i32
      %dma_start3A_76 = tpu.memref_slice %arg6[%add3A_48, %dma_start3A_75] : memref<10000x128xf32, #tpu.memory_space<vmem_shared>> -> memref<25x128xf32, #tpu.memory_space<vmem_shared>>
      tpu.enqueue_dma source(%arg11 : memref<25x128xf32, #tpu.memory_space<vmem>>) target(%dma_start3A_76 : memref<25x128xf32, #tpu.memory_space<vmem_shared>>) target_semaphore(%run_scoped3A : memref<!tpu.dma_semaphore, #tpu.memory_space<semaphore_mem>>)
      %dma_wait3A = arith.constant 0 : i32
      %dma_wait3A_77 = tpu.memref_slice %arg6[%add3A_48, %dma_wait3A] : memref<10000x128xf32, #tpu.memory_space<vmem_shared>> -> memref<25x128xf32, #tpu.memory_space<vmem_shared>>
      %dma_wait3A_78 = arith.constant 0 : i32
      %dma_wait3A_79 = tpu.memref_slice %arg6[%add3A_48, %dma_wait3A_78] : memref<10000x128xf32, #tpu.memory_space<vmem_shared>> -> memref<25x128xf32, #tpu.memory_space<vmem_shared>>
      tpu.wait_dma2 semaphore(%run_scoped3A : memref<!tpu.dma_semaphore, #tpu.memory_space<semaphore_mem>>) src(%arg11 : memref<25x128xf32, #tpu.memory_space<vmem>>) dst(%dma_wait3A_79 : memref<25x128xf32, #tpu.memory_space<vmem_shared>>)
      tpu.yield
    }) : () -> ()
    %add3A_49 = arith.constant 550 : i32
    %add3A_50 = arith.addi %mul3A_5, %add3A_49 : i32
    "tpu.region"() ({
      %run_scoped3A = tpu.sem_alloc : memref<!tpu.dma_semaphore, #tpu.memory_space<semaphore_mem>>
      %dma_start3A = arith.constant 0 : i32
      %dma_start3A_74 = tpu.memref_slice %arg6[%add3A_50, %dma_start3A] : memref<10000x128xf32, #tpu.memory_space<vmem_shared>> -> memref<25x128xf32, #tpu.memory_space<vmem_shared>>
      %dma_start3A_75 = arith.constant 0 : i32
      %dma_start3A_76 = tpu.memref_slice %arg6[%add3A_50, %dma_start3A_75] : memref<10000x128xf32, #tpu.memory_space<vmem_shared>> -> memref<25x128xf32, #tpu.memory_space<vmem_shared>>
      tpu.enqueue_dma source(%arg11 : memref<25x128xf32, #tpu.memory_space<vmem>>) target(%dma_start3A_76 : memref<25x128xf32, #tpu.memory_space<vmem_shared>>) target_semaphore(%run_scoped3A : memref<!tpu.dma_semaphore, #tpu.memory_space<semaphore_mem>>)
      %dma_wait3A = arith.constant 0 : i32
      %dma_wait3A_77 = tpu.memref_slice %arg6[%add3A_50, %dma_wait3A] : memref<10000x128xf32, #tpu.memory_space<vmem_shared>> -> memref<25x128xf32, #tpu.memory_space<vmem_shared>>
      %dma_wait3A_78 = arith.constant 0 : i32
      %dma_wait3A_79 = tpu.memref_slice %arg6[%add3A_50, %dma_wait3A_78] : memref<10000x128xf32, #tpu.memory_space<vmem_shared>> -> memref<25x128xf32, #tpu.memory_space<vmem_shared>>
      tpu.wait_dma2 semaphore(%run_scoped3A : memref<!tpu.dma_semaphore, #tpu.memory_space<semaphore_mem>>) src(%arg11 : memref<25x128xf32, #tpu.memory_space<vmem>>) dst(%dma_wait3A_79 : memref<25x128xf32, #tpu.memory_space<vmem_shared>>)
      tpu.yield
    }) : () -> ()
    %add3A_51 = arith.constant 575 : i32
    %add3A_52 = arith.addi %mul3A_5, %add3A_51 : i32
    "tpu.region"() ({
      %run_scoped3A = tpu.sem_alloc : memref<!tpu.dma_semaphore, #tpu.memory_space<semaphore_mem>>
      %dma_start3A = arith.constant 0 : i32
      %dma_start3A_74 = tpu.memref_slice %arg6[%add3A_52, %dma_start3A] : memref<10000x128xf32, #tpu.memory_space<vmem_shared>> -> memref<25x128xf32, #tpu.memory_space<vmem_shared>>
      %dma_start3A_75 = arith.constant 0 : i32
      %dma_start3A_76 = tpu.memref_slice %arg6[%add3A_52, %dma_start3A_75] : memref<10000x128xf32, #tpu.memory_space<vmem_shared>> -> memref<25x128xf32, #tpu.memory_space<vmem_shared>>
      tpu.enqueue_dma source(%arg11 : memref<25x128xf32, #tpu.memory_space<vmem>>) target(%dma_start3A_76 : memref<25x128xf32, #tpu.memory_space<vmem_shared>>) target_semaphore(%run_scoped3A : memref<!tpu.dma_semaphore, #tpu.memory_space<semaphore_mem>>)
      %dma_wait3A = arith.constant 0 : i32
      %dma_wait3A_77 = tpu.memref_slice %arg6[%add3A_52, %dma_wait3A] : memref<10000x128xf32, #tpu.memory_space<vmem_shared>> -> memref<25x128xf32, #tpu.memory_space<vmem_shared>>
      %dma_wait3A_78 = arith.constant 0 : i32
      %dma_wait3A_79 = tpu.memref_slice %arg6[%add3A_52, %dma_wait3A_78] : memref<10000x128xf32, #tpu.memory_space<vmem_shared>> -> memref<25x128xf32, #tpu.memory_space<vmem_shared>>
      tpu.wait_dma2 semaphore(%run_scoped3A : memref<!tpu.dma_semaphore, #tpu.memory_space<semaphore_mem>>) src(%arg11 : memref<25x128xf32, #tpu.memory_space<vmem>>) dst(%dma_wait3A_79 : memref<25x128xf32, #tpu.memory_space<vmem_shared>>)
      tpu.yield
    }) : () -> ()
    %barrier3A = arith.constant 0 : index
    tpu.barrier barrier_id(%barrier3A)
    %mul3A_53 = arith.constant 2560 : i32
    %mul3A_54 = arith.muli %arg0, %mul3A_53 : i32
    %mul3A_55 = arith.constant 160 : i32
    %mul3A_56 = arith.muli %arg1, %mul3A_55 : i32
    %add3A_57 = arith.addi %mul3A_54, %mul3A_56 : i32
    %mul3A_58 = arith.constant 160 : i32
    %mul3A_59 = arith.muli %arg1, %mul3A_58 : i32
    %scan3A_60 = arith.constant 0 : i32
    %scan3A_61 = arith.constant 0 : i32
    %scan3A_62 = arith.constant 10 : i32
    %scan3A_63 = arith.addi %scan3A_61, %scan3A_62 : i32
    %scan3A_64 = arith.constant 1 : i32
    scf.for %scan3A_74 = %scan3A_61 to %scan3A_63 step %scan3A_64  : i32 {
      %mul3A_75 = arith.constant 16 : i32
      %mul3A_76 = arith.muli %scan3A_74, %mul3A_75 : i32
      %add3A_77 = arith.addi %add3A_57, %mul3A_76 : i32
      "tpu.region"() ({
        %run_scoped3A = tpu.sem_alloc : memref<!tpu.dma_semaphore, #tpu.memory_space<semaphore_mem>>
        %dma_start3A = arith.constant 0 : i32
        %dma_start3A_100 = tpu.memref_slice %arg2[%add3A_77, %dma_start3A] : memref<5120x125xi32, #tpu.memory_space<hbm>> -> memref<16x125xi32, #tpu.memory_space<hbm>>
        %dma_start3A_101 = arith.constant 0 : i32
        %dma_start3A_102 = tpu.memref_slice %arg2[%add3A_77, %dma_start3A_101] : memref<5120x125xi32, #tpu.memory_space<hbm>> -> memref<16x125xi32, #tpu.memory_space<hbm>>
        tpu.enqueue_dma source(%dma_start3A_102 : memref<16x125xi32, #tpu.memory_space<hbm>>) target(%arg7 : memref<16x125xi32, #tpu.memory_space<vmem>>) target_semaphore(%run_scoped3A : memref<!tpu.dma_semaphore, #tpu.memory_space<semaphore_mem>>)
        %dma_wait3A_103 = arith.constant 0 : i32
        %dma_wait3A_104 = tpu.memref_slice %arg2[%add3A_77, %dma_wait3A_103] : memref<5120x125xi32, #tpu.memory_space<hbm>> -> memref<16x125xi32, #tpu.memory_space<hbm>>
        %dma_wait3A_105 = arith.constant 0 : i32
        %dma_wait3A_106 = tpu.memref_slice %arg2[%add3A_77, %dma_wait3A_105] : memref<5120x125xi32, #tpu.memory_space<hbm>> -> memref<16x125xi32, #tpu.memory_space<hbm>>
        tpu.wait_dma2 semaphore(%run_scoped3A : memref<!tpu.dma_semaphore, #tpu.memory_space<semaphore_mem>>) src(%dma_wait3A_106 : memref<16x125xi32, #tpu.memory_space<hbm>>) dst(%arg7 : memref<16x125xi32, #tpu.memory_space<vmem>>)
        tpu.yield
      }) : () -> ()
      %mul3A_78 = arith.constant 16 : i32
      %mul3A_79 = arith.muli %scan3A_74, %mul3A_78 : i32
      %add3A_80 = arith.addi %mul3A_59, %mul3A_79 : i32
      "tpu.region"() ({
        %run_scoped3A = tpu.sem_alloc : memref<!tpu.dma_semaphore, #tpu.memory_space<semaphore_mem>>
        %dma_start3A = arith.constant 0 : i32
        %dma_start3A_100 = tpu.memref_slice %arg3[%add3A_80, %dma_start3A] : memref<2560x125xi32, #tpu.memory_space<hbm>> -> memref<16x125xi32, #tpu.memory_space<hbm>>
        %dma_start3A_101 = arith.constant 0 : i32
        %dma_start3A_102 = tpu.memref_slice %arg3[%add3A_80, %dma_start3A_101] : memref<2560x125xi32, #tpu.memory_space<hbm>> -> memref<16x125xi32, #tpu.memory_space<hbm>>
        tpu.enqueue_dma source(%dma_start3A_102 : memref<16x125xi32, #tpu.memory_space<hbm>>) target(%arg8 : memref<16x125xi32, #tpu.memory_space<vmem>>) target_semaphore(%run_scoped3A : memref<!tpu.dma_semaphore, #tpu.memory_space<semaphore_mem>>)
        %dma_wait3A_103 = arith.constant 0 : i32
        %dma_wait3A_104 = tpu.memref_slice %arg3[%add3A_80, %dma_wait3A_103] : memref<2560x125xi32, #tpu.memory_space<hbm>> -> memref<16x125xi32, #tpu.memory_space<hbm>>
        %dma_wait3A_105 = arith.constant 0 : i32
        %dma_wait3A_106 = tpu.memref_slice %arg3[%add3A_80, %dma_wait3A_105] : memref<2560x125xi32, #tpu.memory_space<hbm>> -> memref<16x125xi32, #tpu.memory_space<hbm>>
        tpu.wait_dma2 semaphore(%run_scoped3A : memref<!tpu.dma_semaphore, #tpu.memory_space<semaphore_mem>>) src(%dma_wait3A_106 : memref<16x125xi32, #tpu.memory_space<hbm>>) dst(%arg8 : memref<16x125xi32, #tpu.memory_space<vmem>>)
        tpu.yield
      }) : () -> ()
      %scan3A_81 = arith.constant 0 : i32
      %scan3A_82 = arith.constant 0 : i32
      %scan3A_83 = arith.constant 8 : i32
      %scan3A_84 = arith.addi %scan3A_82, %scan3A_83 : i32
      %scan3A_85 = arith.constant 1 : i32
      scf.for %scan3A_100 = %scan3A_82 to %scan3A_84 step %scan3A_85  : i32 {
        %mul3A_101 = arith.constant 2 : i32
        %mul3A_102 = arith.muli %scan3A_100, %mul3A_101 : i32
        %gt3A = arith.constant 0 : i32
        %gt3A_103 = arith.cmpi sgt, %scan3A_100, %gt3A : i32
        %convert_element_type3A = arith.extui %gt3A_103 : i1 to i32
        %cond3A = arith.constant 0 : i32
        %cond3A_104 = arith.cmpi ne, %convert_element_type3A, %cond3A : i32
        scf.if %cond3A_104 {
          %add3A_157 = arith.constant 0 : i32
          %add3A_158 = arith.addi %mul3A_102, %add3A_157 : i32
          %dma_wait3A_159 = arith.constant 0 : i32
          %dma_wait3A_160 = tpu.memref_slice %arg8[%add3A_158, %dma_wait3A_159] : memref<16x125xi32, #tpu.memory_space<vmem>> -> memref<1x125xi32, #tpu.memory_space<vmem>>
          %dma_wait3A_161 = tpu.memref_squeeze %dma_wait3A_160 : memref<1x125xi32, #tpu.memory_space<vmem>> -> memref<125xi32, #tpu.memory_space<vmem>>
          %dma_wait3A_162 = arith.constant 0 : i32
          %dma_wait3A_163 = arith.constant 0 : i32
          %dma_wait3A_164 = tpu.memref_slice %arg6[%dma_wait3A_162, %dma_wait3A_163] : memref<10000x128xf32, #tpu.memory_space<vmem_shared>> -> memref<10000x128xf32, #tpu.memory_space<vmem_shared>>
          tpu.wait_indirect_dma semaphore(%arg14 : memref<!tpu.dma_semaphore, #tpu.memory_space<semaphore_mem>>) src(%arg9 : memref<125x128xf32, #tpu.memory_space<vmem>>) dst(%dma_wait3A_164 : memref<10000x128xf32, #tpu.memory_space<vmem_shared>>)
        } else {
        }
        %add3A_105 = arith.constant 0 : i32
        %add3A_106 = arith.addi %mul3A_102, %add3A_105 : i32
        %dma_start3A = arith.constant 0 : i32
        %dma_start3A_107 = tpu.memref_slice %arg7[%add3A_106, %dma_start3A] : memref<16x125xi32, #tpu.memory_space<vmem>> -> memref<1x125xi32, #tpu.memory_space<vmem>>
        %dma_start3A_108 = tpu.memref_squeeze %dma_start3A_107 : memref<1x125xi32, #tpu.memory_space<vmem>> -> memref<125xi32, #tpu.memory_space<vmem>>
        %dma_start3A_109 = arith.constant 0 : i32
        %dma_start3A_110 = arith.constant 0 : i32
        %dma_start3A_111 = tpu.memref_slice %arg4[%dma_start3A_109, %dma_start3A_110] : memref<20000x128xf32, #tpu.memory_space<hbm>> -> memref<20000x128xf32, #tpu.memory_space<hbm>>
        tpu.enqueue_indirect_dma source(%dma_start3A_111 : memref<20000x128xf32, #tpu.memory_space<hbm>>) target(%arg9 : memref<125x128xf32, #tpu.memory_space<vmem>>) offsets(%dma_start3A_108 : memref<125xi32, #tpu.memory_space<vmem>>) semaphore(%arg12 : memref<!tpu.dma_semaphore, #tpu.memory_space<semaphore_mem>>)
        %gt3A_112 = arith.constant 0 : i32
        %gt3A_113 = arith.cmpi sgt, %scan3A_100, %gt3A_112 : i32
        %convert_element_type3A_114 = arith.extui %gt3A_113 : i1 to i32
        %cond3A_115 = arith.constant 0 : i32
        %cond3A_116 = arith.cmpi ne, %convert_element_type3A_114, %cond3A_115 : i32
        scf.if %cond3A_116 {
          %add3A_157 = arith.constant 1 : i32
          %add3A_158 = arith.addi %mul3A_102, %add3A_157 : i32
          %dma_wait3A_159 = arith.constant 0 : i32
          %dma_wait3A_160 = tpu.memref_slice %arg8[%add3A_158, %dma_wait3A_159] : memref<16x125xi32, #tpu.memory_space<vmem>> -> memref<1x125xi32, #tpu.memory_space<vmem>>
          %dma_wait3A_161 = tpu.memref_squeeze %dma_wait3A_160 : memref<1x125xi32, #tpu.memory_space<vmem>> -> memref<125xi32, #tpu.memory_space<vmem>>
          %dma_wait3A_162 = arith.constant 0 : i32
          %dma_wait3A_163 = arith.constant 0 : i32
          %dma_wait3A_164 = tpu.memref_slice %arg6[%dma_wait3A_162, %dma_wait3A_163] : memref<10000x128xf32, #tpu.memory_space<vmem_shared>> -> memref<10000x128xf32, #tpu.memory_space<vmem_shared>>
          tpu.wait_indirect_dma semaphore(%arg15 : memref<!tpu.dma_semaphore, #tpu.memory_space<semaphore_mem>>) src(%arg10 : memref<125x128xf32, #tpu.memory_space<vmem>>) dst(%dma_wait3A_164 : memref<10000x128xf32, #tpu.memory_space<vmem_shared>>)
        } else {
        }
        %add3A_117 = arith.constant 1 : i32
        %add3A_118 = arith.addi %mul3A_102, %add3A_117 : i32
        %dma_start3A_119 = arith.constant 0 : i32
        %dma_start3A_120 = tpu.memref_slice %arg7[%add3A_118, %dma_start3A_119] : memref<16x125xi32, #tpu.memory_space<vmem>> -> memref<1x125xi32, #tpu.memory_space<vmem>>
        %dma_start3A_121 = tpu.memref_squeeze %dma_start3A_120 : memref<1x125xi32, #tpu.memory_space<vmem>> -> memref<125xi32, #tpu.memory_space<vmem>>
        %dma_start3A_122 = arith.constant 0 : i32
        %dma_start3A_123 = arith.constant 0 : i32
        %dma_start3A_124 = tpu.memref_slice %arg4[%dma_start3A_122, %dma_start3A_123] : memref<20000x128xf32, #tpu.memory_space<hbm>> -> memref<20000x128xf32, #tpu.memory_space<hbm>>
        tpu.enqueue_indirect_dma source(%dma_start3A_124 : memref<20000x128xf32, #tpu.memory_space<hbm>>) target(%arg10 : memref<125x128xf32, #tpu.memory_space<vmem>>) offsets(%dma_start3A_121 : memref<125xi32, #tpu.memory_space<vmem>>) semaphore(%arg13 : memref<!tpu.dma_semaphore, #tpu.memory_space<semaphore_mem>>)
        %add3A_125 = arith.constant 0 : i32
        %add3A_126 = arith.addi %mul3A_102, %add3A_125 : i32
        %dma_wait3A_127 = arith.constant 0 : i32
        %dma_wait3A_128 = tpu.memref_slice %arg7[%add3A_126, %dma_wait3A_127] : memref<16x125xi32, #tpu.memory_space<vmem>> -> memref<1x125xi32, #tpu.memory_space<vmem>>
        %dma_wait3A_129 = tpu.memref_squeeze %dma_wait3A_128 : memref<1x125xi32, #tpu.memory_space<vmem>> -> memref<125xi32, #tpu.memory_space<vmem>>
        %dma_wait3A_130 = arith.constant 0 : i32
        %dma_wait3A_131 = arith.constant 0 : i32
        %dma_wait3A_132 = tpu.memref_slice %arg4[%dma_wait3A_130, %dma_wait3A_131] : memref<20000x128xf32, #tpu.memory_space<hbm>> -> memref<20000x128xf32, #tpu.memory_space<hbm>>
        tpu.wait_indirect_dma semaphore(%arg12 : memref<!tpu.dma_semaphore, #tpu.memory_space<semaphore_mem>>) src(%dma_wait3A_132 : memref<20000x128xf32, #tpu.memory_space<hbm>>) dst(%arg9 : memref<125x128xf32, #tpu.memory_space<vmem>>)
        %add3A_133 = arith.constant 0 : i32
        %add3A_134 = arith.addi %mul3A_102, %add3A_133 : i32
        %dma_start3A_135 = arith.constant 0 : i32
        %dma_start3A_136 = tpu.memref_slice %arg8[%add3A_134, %dma_start3A_135] : memref<16x125xi32, #tpu.memory_space<vmem>> -> memref<1x125xi32, #tpu.memory_space<vmem>>
        %dma_start3A_137 = tpu.memref_squeeze %dma_start3A_136 : memref<1x125xi32, #tpu.memory_space<vmem>> -> memref<125xi32, #tpu.memory_space<vmem>>
        %dma_start3A_138 = arith.constant 0 : i32
        %dma_start3A_139 = arith.constant 0 : i32
        %dma_start3A_140 = tpu.memref_slice %arg6[%dma_start3A_138, %dma_start3A_139] : memref<10000x128xf32, #tpu.memory_space<vmem_shared>> -> memref<10000x128xf32, #tpu.memory_space<vmem_shared>>
        tpu.enqueue_indirect_dma source(%arg9 : memref<125x128xf32, #tpu.memory_space<vmem>>) target(%dma_start3A_140 : memref<10000x128xf32, #tpu.memory_space<vmem_shared>>) offsets(%dma_start3A_137 : memref<125xi32, #tpu.memory_space<vmem>>) semaphore(%arg14 : memref<!tpu.dma_semaphore, #tpu.memory_space<semaphore_mem>>) {add = true}
        %add3A_141 = arith.constant 1 : i32
        %add3A_142 = arith.addi %mul3A_102, %add3A_141 : i32
        %dma_wait3A_143 = arith.constant 0 : i32
        %dma_wait3A_144 = tpu.memref_slice %arg7[%add3A_142, %dma_wait3A_143] : memref<16x125xi32, #tpu.memory_space<vmem>> -> memref<1x125xi32, #tpu.memory_space<vmem>>
        %dma_wait3A_145 = tpu.memref_squeeze %dma_wait3A_144 : memref<1x125xi32, #tpu.memory_space<vmem>> -> memref<125xi32, #tpu.memory_space<vmem>>
        %dma_wait3A_146 = arith.constant 0 : i32
        %dma_wait3A_147 = arith.constant 0 : i32
        %dma_wait3A_148 = tpu.memref_slice %arg4[%dma_wait3A_146, %dma_wait3A_147] : memref<20000x128xf32, #tpu.memory_space<hbm>> -> memref<20000x128xf32, #tpu.memory_space<hbm>>
        tpu.wait_indirect_dma semaphore(%arg13 : memref<!tpu.dma_semaphore, #tpu.memory_space<semaphore_mem>>) src(%dma_wait3A_148 : memref<20000x128xf32, #tpu.memory_space<hbm>>) dst(%arg10 : memref<125x128xf32, #tpu.memory_space<vmem>>)
        %add3A_149 = arith.constant 1 : i32
        %add3A_150 = arith.addi %mul3A_102, %add3A_149 : i32
        %dma_start3A_151 = arith.constant 0 : i32
        %dma_start3A_152 = tpu.memref_slice %arg8[%add3A_150, %dma_start3A_151] : memref<16x125xi32, #tpu.memory_space<vmem>> -> memref<1x125xi32, #tpu.memory_space<vmem>>
        %dma_start3A_153 = tpu.memref_squeeze %dma_start3A_152 : memref<1x125xi32, #tpu.memory_space<vmem>> -> memref<125xi32, #tpu.memory_space<vmem>>
        %dma_start3A_154 = arith.constant 0 : i32
        %dma_start3A_155 = arith.constant 0 : i32
        %dma_start3A_156 = tpu.memref_slice %arg6[%dma_start3A_154, %dma_start3A_155] : memref<10000x128xf32, #tpu.memory_space<vmem_shared>> -> memref<10000x128xf32, #tpu.memory_space<vmem_shared>>
        tpu.enqueue_indirect_dma source(%arg10 : memref<125x128xf32, #tpu.memory_space<vmem>>) target(%dma_start3A_156 : memref<10000x128xf32, #tpu.memory_space<vmem_shared>>) offsets(%dma_start3A_153 : memref<125xi32, #tpu.memory_space<vmem>>) semaphore(%arg15 : memref<!tpu.dma_semaphore, #tpu.memory_space<semaphore_mem>>) {add = true}
      }
      %scan3A_86 = arith.constant 8 : i32
      %dma_wait3A = arith.constant 0 : i32
      %dma_wait3A_87 = arith.constant 0 : i32
      %dma_wait3A_88 = tpu.memref_slice %arg8[%dma_wait3A, %dma_wait3A_87] : memref<16x125xi32, #tpu.memory_space<vmem>> -> memref<1x125xi32, #tpu.memory_space<vmem>>
      %dma_wait3A_89 = tpu.memref_squeeze %dma_wait3A_88 : memref<1x125xi32, #tpu.memory_space<vmem>> -> memref<125xi32, #tpu.memory_space<vmem>>
      %dma_wait3A_90 = arith.constant 0 : i32
      %dma_wait3A_91 = arith.constant 0 : i32
      %dma_wait3A_92 = tpu.memref_slice %arg6[%dma_wait3A_90, %dma_wait3A_91] : memref<10000x128xf32, #tpu.memory_space<vmem_shared>> -> memref<10000x128xf32, #tpu.memory_space<vmem_shared>>
      tpu.wait_indirect_dma semaphore(%arg14 : memref<!tpu.dma_semaphore, #tpu.memory_space<semaphore_mem>>) src(%arg9 : memref<125x128xf32, #tpu.memory_space<vmem>>) dst(%dma_wait3A_92 : memref<10000x128xf32, #tpu.memory_space<vmem_shared>>)
      %dma_wait3A_93 = arith.constant 0 : i32
      %dma_wait3A_94 = arith.constant 0 : i32
      %dma_wait3A_95 = tpu.memref_slice %arg8[%dma_wait3A_93, %dma_wait3A_94] : memref<16x125xi32, #tpu.memory_space<vmem>> -> memref<1x125xi32, #tpu.memory_space<vmem>>
      %dma_wait3A_96 = tpu.memref_squeeze %dma_wait3A_95 : memref<1x125xi32, #tpu.memory_space<vmem>> -> memref<125xi32, #tpu.memory_space<vmem>>
      %dma_wait3A_97 = arith.constant 0 : i32
      %dma_wait3A_98 = arith.constant 0 : i32
      %dma_wait3A_99 = tpu.memref_slice %arg6[%dma_wait3A_97, %dma_wait3A_98] : memref<10000x128xf32, #tpu.memory_space<vmem_shared>> -> memref<10000x128xf32, #tpu.memory_space<vmem_shared>>
      tpu.wait_indirect_dma semaphore(%arg15 : memref<!tpu.dma_semaphore, #tpu.memory_space<semaphore_mem>>) src(%arg10 : memref<125x128xf32, #tpu.memory_space<vmem>>) dst(%dma_wait3A_99 : memref<10000x128xf32, #tpu.memory_space<vmem_shared>>)
    }
    %scan3A_65 = arith.constant 10 : i32
    %barrier3A_66 = arith.constant 0 : index
    tpu.barrier barrier_id(%barrier3A_66)
    %mul3A_67 = arith.constant 624 : i32
    %mul3A_68 = arith.muli %arg1, %mul3A_67 : i32
    %mul3A_69 = arith.constant 10000 : i32
    %mul3A_70 = arith.muli %arg0, %mul3A_69 : i32
    %mul3A_71 = arith.constant 624 : i32
    %mul3A_72 = arith.muli %arg1, %mul3A_71 : i32
    %add3A_73 = arith.addi %mul3A_70, %mul3A_72 : i32
    "tpu.region"() ({
      %run_scoped3A = tpu.sem_alloc : memref<!tpu.dma_semaphore, #tpu.memory_space<semaphore_mem>>
      %dma_start3A = arith.constant 0 : i32
      %dma_start3A_74 = tpu.memref_slice %arg5[%add3A_73, %dma_start3A] : memref<20000x128xf32, #tpu.memory_space<hbm>> -> memref<624x128xf32, #tpu.memory_space<hbm>>
      %dma_start3A_75 = arith.constant 0 : i32
      %dma_start3A_76 = tpu.memref_slice %arg6[%mul3A_68, %dma_start3A_75] : memref<10000x128xf32, #tpu.memory_space<vmem_shared>> -> memref<624x128xf32, #tpu.memory_space<vmem_shared>>
      tpu.enqueue_dma source(%dma_start3A_76 : memref<624x128xf32, #tpu.memory_space<vmem_shared>>) target(%dma_start3A_74 : memref<624x128xf32, #tpu.memory_space<hbm>>) target_semaphore(%run_scoped3A : memref<!tpu.dma_semaphore, #tpu.memory_space<semaphore_mem>>)
      %dma_wait3A = arith.constant 0 : i32
      %dma_wait3A_77 = tpu.memref_slice %arg5[%add3A_73, %dma_wait3A] : memref<20000x128xf32, #tpu.memory_space<hbm>> -> memref<624x128xf32, #tpu.memory_space<hbm>>
      %dma_wait3A_78 = arith.constant 0 : i32
      %dma_wait3A_79 = tpu.memref_slice %arg6[%mul3A_68, %dma_wait3A_78] : memref<10000x128xf32, #tpu.memory_space<vmem_shared>> -> memref<624x128xf32, #tpu.memory_space<vmem_shared>>
      tpu.wait_dma2 semaphore(%run_scoped3A : memref<!tpu.dma_semaphore, #tpu.memory_space<semaphore_mem>>) src(%dma_wait3A_79 : memref<624x128xf32, #tpu.memory_space<vmem_shared>>) dst(%dma_wait3A_77 : memref<624x128xf32, #tpu.memory_space<hbm>>)
      tpu.yield
    }) : () -> ()
    return
  }
}

#map = affine_map<(d0, d1) -> (0)>
#map1 = affine_map<(d0, d1) -> (0, 0)>
module attributes {stable_mosaic.version = 14 : i64} {
  func.func @_sc_prep(%arg0: i32, %arg1: i32, %arg2: memref<10000xi32, #tpu.memory_space<hbm>>, %arg3: memref<2560x125xi32, #tpu.memory_space<hbm>>, %arg4: memref<2560x125xi32, #tpu.memory_space<hbm>>, %arg5: memref<10000x128xf32, #tpu.memory_space<hbm>>, %arg6: memref<64x128xf32, #tpu.memory_space<hbm>>, %arg7: memref<10000x128xf32, #tpu.memory_space<hbm>>, %arg8: memref<20000x128xf32, #tpu.memory_space<hbm>>, %arg9: memref<10000x128xf32, #tpu.memory_space<vmem_shared>>, %arg10: memref<16x125xi32, #tpu.memory_space<vmem>>, %arg11: memref<16x125xi32, #tpu.memory_space<vmem>>, %arg12: memref<40xi32, #tpu.memory_space<vmem>>, %arg13: memref<40x128xf32, #tpu.memory_space<vmem>>, %arg14: memref<125x128xf32, #tpu.memory_space<vmem>>, %arg15: memref<125x128xf32, #tpu.memory_space<vmem>>, %arg16: memref<25x128xf32, #tpu.memory_space<vmem>>, %arg17: memref<!tpu.dma_semaphore, #tpu.memory_space<semaphore_mem>>, %arg18: memref<!tpu.dma_semaphore, #tpu.memory_space<semaphore_mem>>, %arg19: memref<!tpu.dma_semaphore, #tpu.memory_space<semaphore_mem>>, %arg20: memref<!tpu.dma_semaphore, #tpu.memory_space<semaphore_mem>>, %arg21: memref<!tpu.dma_semaphore, #tpu.memory_space<semaphore_mem>>) attributes {dimension_semantics = [#tpu.dimension_semantics<core_parallel>, #tpu.dimension_semantics<subcore_parallel>], iteration_bounds = array<i64: 2, 16>, scalar_prefetch = 0 : i64, scratch_operands = 13 : i64, tpu.core_type = #tpu.core_type<sc_vector_subcore>, window_params = [{transform_indices = #map}, {transform_indices = #map1}, {transform_indices = #map1}, {transform_indices = #map1}, {transform_indices = #map1}, {transform_indices = #map1}, {transform_indices = #map1}]} {
    %mul3A = arith.constant 16 : i32
    %mul3A_0 = arith.muli %arg0, %mul3A : i32
    %add3A = arith.addi %mul3A_0, %arg1 : i32
    %mul3A_1 = arith.constant 80 : i32
    %mul3A_2 = arith.muli %add3A, %mul3A_1 : i32
    %scan3A = arith.constant 0 : i32
    %scan3A_3 = arith.constant 0 : i32
    %scan3A_4 = arith.constant 25 : i32
    %scan3A_5 = arith.addi %scan3A_3, %scan3A_4 : i32
    %scan3A_6 = arith.constant 1 : i32
    scf.for %scan3A_74 = %scan3A_3 to %scan3A_5 step %scan3A_6  : i32 {
      %broadcast_in_dim3A = arith.constant 0.000000e+00 : f32
      %broadcast_in_dim3A_75 = vector.broadcast %broadcast_in_dim3A : f32 to vector<16xf32>
      %swap3A = arith.index_cast %scan3A_74 : i32 to index
      %swap3A_76 = arith.constant 0 : index
      %swap3A_77 = tpu.vector_load %arg16[%swap3A, %swap3A_76] {strides = array<i32>} : memref<25x128xf32, #tpu.memory_space<vmem>>, vector<1x16xf32>,
      %swap3A_78 = vector.shape_cast %swap3A_77 : vector<1x16xf32> to vector<16xf32>
      %swap3A_79 = vector.shape_cast %broadcast_in_dim3A_75 : vector<16xf32> to vector<1x16xf32>
      tpu.vector_store %arg16[%swap3A, %swap3A_76], %swap3A_79 {strides = array<i32>} : memref<25x128xf32, #tpu.memory_space<vmem>>, vector<1x16xf32>,
      %broadcast_in_dim3A_80 = arith.constant 0.000000e+00 : f32
      %broadcast_in_dim3A_81 = vector.broadcast %broadcast_in_dim3A_80 : f32 to vector<16xf32>
      %swap3A_82 = arith.index_cast %scan3A_74 : i32 to index
      %swap3A_83 = arith.constant 16 : index
      %swap3A_84 = tpu.vector_load %arg16[%swap3A_82, %swap3A_83] {strides = array<i32>} : memref<25x128xf32, #tpu.memory_space<vmem>>, vector<1x16xf32>,
      %swap3A_85 = vector.shape_cast %swap3A_84 : vector<1x16xf32> to vector<16xf32>
      %swap3A_86 = vector.shape_cast %broadcast_in_dim3A_81 : vector<16xf32> to vector<1x16xf32>
      tpu.vector_store %arg16[%swap3A_82, %swap3A_83], %swap3A_86 {strides = array<i32>} : memref<25x128xf32, #tpu.memory_space<vmem>>, vector<1x16xf32>,
      %broadcast_in_dim3A_87 = arith.constant 0.000000e+00 : f32
      %broadcast_in_dim3A_88 = vector.broadcast %broadcast_in_dim3A_87 : f32 to vector<16xf32>
      %swap3A_89 = arith.index_cast %scan3A_74 : i32 to index
      %swap3A_90 = arith.constant 32 : index
      %swap3A_91 = tpu.vector_load %arg16[%swap3A_89, %swap3A_90] {strides = array<i32>} : memref<25x128xf32, #tpu.memory_space<vmem>>, vector<1x16xf32>,
      %swap3A_92 = vector.shape_cast %swap3A_91 : vector<1x16xf32> to vector<16xf32>
      %swap3A_93 = vector.shape_cast %broadcast_in_dim3A_88 : vector<16xf32> to vector<1x16xf32>
      tpu.vector_store %arg16[%swap3A_89, %swap3A_90], %swap3A_93 {strides = array<i32>} : memref<25x128xf32, #tpu.memory_space<vmem>>, vector<1x16xf32>,
      %broadcast_in_dim3A_94 = arith.constant 0.000000e+00 : f32
      %broadcast_in_dim3A_95 = vector.broadcast %broadcast_in_dim3A_94 : f32 to vector<16xf32>
      %swap3A_96 = arith.index_cast %scan3A_74 : i32 to index
      %swap3A_97 = arith.constant 48 : index
      %swap3A_98 = tpu.vector_load %arg16[%swap3A_96, %swap3A_97] {strides = array<i32>} : memref<25x128xf32, #tpu.memory_space<vmem>>, vector<1x16xf32>,
      %swap3A_99 = vector.shape_cast %swap3A_98 : vector<1x16xf32> to vector<16xf32>
      %swap3A_100 = vector.shape_cast %broadcast_in_dim3A_95 : vector<16xf32> to vector<1x16xf32>
      tpu.vector_store %arg16[%swap3A_96, %swap3A_97], %swap3A_100 {strides = array<i32>} : memref<25x128xf32, #tpu.memory_space<vmem>>, vector<1x16xf32>,
      %broadcast_in_dim3A_101 = arith.constant 0.000000e+00 : f32
      %broadcast_in_dim3A_102 = vector.broadcast %broadcast_in_dim3A_101 : f32 to vector<16xf32>
      %swap3A_103 = arith.index_cast %scan3A_74 : i32 to index
      %swap3A_104 = arith.constant 64 : index
      %swap3A_105 = tpu.vector_load %arg16[%swap3A_103, %swap3A_104] {strides = array<i32>} : memref<25x128xf32, #tpu.memory_space<vmem>>, vector<1x16xf32>,
      %swap3A_106 = vector.shape_cast %swap3A_105 : vector<1x16xf32> to vector<16xf32>
      %swap3A_107 = vector.shape_cast %broadcast_in_dim3A_102 : vector<16xf32> to vector<1x16xf32>
      tpu.vector_store %arg16[%swap3A_103, %swap3A_104], %swap3A_107 {strides = array<i32>} : memref<25x128xf32, #tpu.memory_space<vmem>>, vector<1x16xf32>,
      %broadcast_in_dim3A_108 = arith.constant 0.000000e+00 : f32
      %broadcast_in_dim3A_109 = vector.broadcast %broadcast_in_dim3A_108 : f32 to vector<16xf32>
      %swap3A_110 = arith.index_cast %scan3A_74 : i32 to index
      %swap3A_111 = arith.constant 80 : index
      %swap3A_112 = tpu.vector_load %arg16[%swap3A_110, %swap3A_111] {strides = array<i32>} : memref<25x128xf32, #tpu.memory_space<vmem>>, vector<1x16xf32>,
      %swap3A_113 = vector.shape_cast %swap3A_112 : vector<1x16xf32> to vector<16xf32>
      %swap3A_114 = vector.shape_cast %broadcast_in_dim3A_109 : vector<16xf32> to vector<1x16xf32>
      tpu.vector_store %arg16[%swap3A_110, %swap3A_111], %swap3A_114 {strides = array<i32>} : memref<25x128xf32, #tpu.memory_space<vmem>>, vector<1x16xf32>,
      %broadcast_in_dim3A_115 = arith.constant 0.000000e+00 : f32
      %broadcast_in_dim3A_116 = vector.broadcast %broadcast_in_dim3A_115 : f32 to vector<16xf32>
      %swap3A_117 = arith.index_cast %scan3A_74 : i32 to index
      %swap3A_118 = arith.constant 96 : index
      %swap3A_119 = tpu.vector_load %arg16[%swap3A_117, %swap3A_118] {strides = array<i32>} : memref<25x128xf32, #tpu.memory_space<vmem>>, vector<1x16xf32>,
      %swap3A_120 = vector.shape_cast %swap3A_119 : vector<1x16xf32> to vector<16xf32>
      %swap3A_121 = vector.shape_cast %broadcast_in_dim3A_116 : vector<16xf32> to vector<1x16xf32>
      tpu.vector_store %arg16[%swap3A_117, %swap3A_118], %swap3A_121 {strides = array<i32>} : memref<25x128xf32, #tpu.memory_space<vmem>>, vector<1x16xf32>,
      %broadcast_in_dim3A_122 = arith.constant 0.000000e+00 : f32
      %broadcast_in_dim3A_123 = vector.broadcast %broadcast_in_dim3A_122 : f32 to vector<16xf32>
      %swap3A_124 = arith.index_cast %scan3A_74 : i32 to index
      %swap3A_125 = arith.constant 112 : index
      %swap3A_126 = tpu.vector_load %arg16[%swap3A_124, %swap3A_125] {strides = array<i32>} : memref<25x128xf32, #tpu.memory_space<vmem>>, vector<1x16xf32>,
      %swap3A_127 = vector.shape_cast %swap3A_126 : vector<1x16xf32> to vector<16xf32>
      %swap3A_128 = vector.shape_cast %broadcast_in_dim3A_123 : vector<16xf32> to vector<1x16xf32>
      tpu.vector_store %arg16[%swap3A_124, %swap3A_125], %swap3A_128 {strides = array<i32>} : memref<25x128xf32, #tpu.memory_space<vmem>>, vector<1x16xf32>,
    }
    %scan3A_7 = arith.constant 25 : i32
    %mul3A_8 = arith.constant 624 : i32
    %mul3A_9 = arith.muli %arg1, %mul3A_8 : i32
    %add3A_10 = arith.constant 0 : i32
    %add3A_11 = arith.addi %mul3A_9, %add3A_10 : i32
    "tpu.region"() ({
      %run_scoped3A = tpu.sem_alloc : memref<!tpu.dma_semaphore, #tpu.memory_space<semaphore_mem>>
      %dma_start3A = arith.constant 0 : i32
      %dma_start3A_74 = tpu.memref_slice %arg9[%add3A_11, %dma_start3A] : memref<10000x128xf32, #tpu.memory_space<vmem_shared>> -> memref<25x128xf32, #tpu.memory_space<vmem_shared>>
      %dma_start3A_75 = arith.constant 0 : i32
      %dma_start3A_76 = tpu.memref_slice %arg9[%add3A_11, %dma_start3A_75] : memref<10000x128xf32, #tpu.memory_space<vmem_shared>> -> memref<25x128xf32, #tpu.memory_space<vmem_shared>>
      tpu.enqueue_dma source(%arg16 : memref<25x128xf32, #tpu.memory_space<vmem>>) target(%dma_start3A_76 : memref<25x128xf32, #tpu.memory_space<vmem_shared>>) target_semaphore(%run_scoped3A : memref<!tpu.dma_semaphore, #tpu.memory_space<semaphore_mem>>)
      %dma_wait3A = arith.constant 0 : i32
      %dma_wait3A_77 = tpu.memref_slice %arg9[%add3A_11, %dma_wait3A] : memref<10000x128xf32, #tpu.memory_space<vmem_shared>> -> memref<25x128xf32, #tpu.memory_space<vmem_shared>>
      %dma_wait3A_78 = arith.constant 0 : i32
      %dma_wait3A_79 = tpu.memref_slice %arg9[%add3A_11, %dma_wait3A_78] : memref<10000x128xf32, #tpu.memory_space<vmem_shared>> -> memref<25x128xf32, #tpu.memory_space<vmem_shared>>
      tpu.wait_dma2 semaphore(%run_scoped3A : memref<!tpu.dma_semaphore, #tpu.memory_space<semaphore_mem>>) src(%arg16 : memref<25x128xf32, #tpu.memory_space<vmem>>) dst(%dma_wait3A_79 : memref<25x128xf32, #tpu.memory_space<vmem_shared>>)
      tpu.yield
    }) : () -> ()
    %add3A_12 = arith.constant 25 : i32
    %add3A_13 = arith.addi %mul3A_9, %add3A_12 : i32
    "tpu.region"() ({
      %run_scoped3A = tpu.sem_alloc : memref<!tpu.dma_semaphore, #tpu.memory_space<semaphore_mem>>
      %dma_start3A = arith.constant 0 : i32
      %dma_start3A_74 = tpu.memref_slice %arg9[%add3A_13, %dma_start3A] : memref<10000x128xf32, #tpu.memory_space<vmem_shared>> -> memref<25x128xf32, #tpu.memory_space<vmem_shared>>
      %dma_start3A_75 = arith.constant 0 : i32
      %dma_start3A_76 = tpu.memref_slice %arg9[%add3A_13, %dma_start3A_75] : memref<10000x128xf32, #tpu.memory_space<vmem_shared>> -> memref<25x128xf32, #tpu.memory_space<vmem_shared>>
      tpu.enqueue_dma source(%arg16 : memref<25x128xf32, #tpu.memory_space<vmem>>) target(%dma_start3A_76 : memref<25x128xf32, #tpu.memory_space<vmem_shared>>) target_semaphore(%run_scoped3A : memref<!tpu.dma_semaphore, #tpu.memory_space<semaphore_mem>>)
      %dma_wait3A = arith.constant 0 : i32
      %dma_wait3A_77 = tpu.memref_slice %arg9[%add3A_13, %dma_wait3A] : memref<10000x128xf32, #tpu.memory_space<vmem_shared>> -> memref<25x128xf32, #tpu.memory_space<vmem_shared>>
      %dma_wait3A_78 = arith.constant 0 : i32
      %dma_wait3A_79 = tpu.memref_slice %arg9[%add3A_13, %dma_wait3A_78] : memref<10000x128xf32, #tpu.memory_space<vmem_shared>> -> memref<25x128xf32, #tpu.memory_space<vmem_shared>>
      tpu.wait_dma2 semaphore(%run_scoped3A : memref<!tpu.dma_semaphore, #tpu.memory_space<semaphore_mem>>) src(%arg16 : memref<25x128xf32, #tpu.memory_space<vmem>>) dst(%dma_wait3A_79 : memref<25x128xf32, #tpu.memory_space<vmem_shared>>)
      tpu.yield
    }) : () -> ()
    %add3A_14 = arith.constant 50 : i32
    %add3A_15 = arith.addi %mul3A_9, %add3A_14 : i32
    "tpu.region"() ({
      %run_scoped3A = tpu.sem_alloc : memref<!tpu.dma_semaphore, #tpu.memory_space<semaphore_mem>>
      %dma_start3A = arith.constant 0 : i32
      %dma_start3A_74 = tpu.memref_slice %arg9[%add3A_15, %dma_start3A] : memref<10000x128xf32, #tpu.memory_space<vmem_shared>> -> memref<25x128xf32, #tpu.memory_space<vmem_shared>>
      %dma_start3A_75 = arith.constant 0 : i32
      %dma_start3A_76 = tpu.memref_slice %arg9[%add3A_15, %dma_start3A_75] : memref<10000x128xf32, #tpu.memory_space<vmem_shared>> -> memref<25x128xf32, #tpu.memory_space<vmem_shared>>
      tpu.enqueue_dma source(%arg16 : memref<25x128xf32, #tpu.memory_space<vmem>>) target(%dma_start3A_76 : memref<25x128xf32, #tpu.memory_space<vmem_shared>>) target_semaphore(%run_scoped3A : memref<!tpu.dma_semaphore, #tpu.memory_space<semaphore_mem>>)
      %dma_wait3A = arith.constant 0 : i32
      %dma_wait3A_77 = tpu.memref_slice %arg9[%add3A_15, %dma_wait3A] : memref<10000x128xf32, #tpu.memory_space<vmem_shared>> -> memref<25x128xf32, #tpu.memory_space<vmem_shared>>
      %dma_wait3A_78 = arith.constant 0 : i32
      %dma_wait3A_79 = tpu.memref_slice %arg9[%add3A_15, %dma_wait3A_78] : memref<10000x128xf32, #tpu.memory_space<vmem_shared>> -> memref<25x128xf32, #tpu.memory_space<vmem_shared>>
      tpu.wait_dma2 semaphore(%run_scoped3A : memref<!tpu.dma_semaphore, #tpu.memory_space<semaphore_mem>>) src(%arg16 : memref<25x128xf32, #tpu.memory_space<vmem>>) dst(%dma_wait3A_79 : memref<25x128xf32, #tpu.memory_space<vmem_shared>>)
      tpu.yield
    }) : () -> ()
    %add3A_16 = arith.constant 75 : i32
    %add3A_17 = arith.addi %mul3A_9, %add3A_16 : i32
    "tpu.region"() ({
      %run_scoped3A = tpu.sem_alloc : memref<!tpu.dma_semaphore, #tpu.memory_space<semaphore_mem>>
      %dma_start3A = arith.constant 0 : i32
      %dma_start3A_74 = tpu.memref_slice %arg9[%add3A_17, %dma_start3A] : memref<10000x128xf32, #tpu.memory_space<vmem_shared>> -> memref<25x128xf32, #tpu.memory_space<vmem_shared>>
      %dma_start3A_75 = arith.constant 0 : i32
      %dma_start3A_76 = tpu.memref_slice %arg9[%add3A_17, %dma_start3A_75] : memref<10000x128xf32, #tpu.memory_space<vmem_shared>> -> memref<25x128xf32, #tpu.memory_space<vmem_shared>>
      tpu.enqueue_dma source(%arg16 : memref<25x128xf32, #tpu.memory_space<vmem>>) target(%dma_start3A_76 : memref<25x128xf32, #tpu.memory_space<vmem_shared>>) target_semaphore(%run_scoped3A : memref<!tpu.dma_semaphore, #tpu.memory_space<semaphore_mem>>)
      %dma_wait3A = arith.constant 0 : i32
      %dma_wait3A_77 = tpu.memref_slice %arg9[%add3A_17, %dma_wait3A] : memref<10000x128xf32, #tpu.memory_space<vmem_shared>> -> memref<25x128xf32, #tpu.memory_space<vmem_shared>>
      %dma_wait3A_78 = arith.constant 0 : i32
      %dma_wait3A_79 = tpu.memref_slice %arg9[%add3A_17, %dma_wait3A_78] : memref<10000x128xf32, #tpu.memory_space<vmem_shared>> -> memref<25x128xf32, #tpu.memory_space<vmem_shared>>
      tpu.wait_dma2 semaphore(%run_scoped3A : memref<!tpu.dma_semaphore, #tpu.memory_space<semaphore_mem>>) src(%arg16 : memref<25x128xf32, #tpu.memory_space<vmem>>) dst(%dma_wait3A_79 : memref<25x128xf32, #tpu.memory_space<vmem_shared>>)
      tpu.yield
    }) : () -> ()
    %add3A_18 = arith.constant 100 : i32
    %add3A_19 = arith.addi %mul3A_9, %add3A_18 : i32
    "tpu.region"() ({
      %run_scoped3A = tpu.sem_alloc : memref<!tpu.dma_semaphore, #tpu.memory_space<semaphore_mem>>
      %dma_start3A = arith.constant 0 : i32
      %dma_start3A_74 = tpu.memref_slice %arg9[%add3A_19, %dma_start3A] : memref<10000x128xf32, #tpu.memory_space<vmem_shared>> -> memref<25x128xf32, #tpu.memory_space<vmem_shared>>
      %dma_start3A_75 = arith.constant 0 : i32
      %dma_start3A_76 = tpu.memref_slice %arg9[%add3A_19, %dma_start3A_75] : memref<10000x128xf32, #tpu.memory_space<vmem_shared>> -> memref<25x128xf32, #tpu.memory_space<vmem_shared>>
      tpu.enqueue_dma source(%arg16 : memref<25x128xf32, #tpu.memory_space<vmem>>) target(%dma_start3A_76 : memref<25x128xf32, #tpu.memory_space<vmem_shared>>) target_semaphore(%run_scoped3A : memref<!tpu.dma_semaphore, #tpu.memory_space<semaphore_mem>>)
      %dma_wait3A = arith.constant 0 : i32
      %dma_wait3A_77 = tpu.memref_slice %arg9[%add3A_19, %dma_wait3A] : memref<10000x128xf32, #tpu.memory_space<vmem_shared>> -> memref<25x128xf32, #tpu.memory_space<vmem_shared>>
      %dma_wait3A_78 = arith.constant 0 : i32
      %dma_wait3A_79 = tpu.memref_slice %arg9[%add3A_19, %dma_wait3A_78] : memref<10000x128xf32, #tpu.memory_space<vmem_shared>> -> memref<25x128xf32, #tpu.memory_space<vmem_shared>>
      tpu.wait_dma2 semaphore(%run_scoped3A : memref<!tpu.dma_semaphore, #tpu.memory_space<semaphore_mem>>) src(%arg16 : memref<25x128xf32, #tpu.memory_space<vmem>>) dst(%dma_wait3A_79 : memref<25x128xf32, #tpu.memory_space<vmem_shared>>)
      tpu.yield
    }) : () -> ()
    %add3A_20 = arith.constant 125 : i32
    %add3A_21 = arith.addi %mul3A_9, %add3A_20 : i32
    "tpu.region"() ({
      %run_scoped3A = tpu.sem_alloc : memref<!tpu.dma_semaphore, #tpu.memory_space<semaphore_mem>>
      %dma_start3A = arith.constant 0 : i32
      %dma_start3A_74 = tpu.memref_slice %arg9[%add3A_21, %dma_start3A] : memref<10000x128xf32, #tpu.memory_space<vmem_shared>> -> memref<25x128xf32, #tpu.memory_space<vmem_shared>>
      %dma_start3A_75 = arith.constant 0 : i32
      %dma_start3A_76 = tpu.memref_slice %arg9[%add3A_21, %dma_start3A_75] : memref<10000x128xf32, #tpu.memory_space<vmem_shared>> -> memref<25x128xf32, #tpu.memory_space<vmem_shared>>
      tpu.enqueue_dma source(%arg16 : memref<25x128xf32, #tpu.memory_space<vmem>>) target(%dma_start3A_76 : memref<25x128xf32, #tpu.memory_space<vmem_shared>>) target_semaphore(%run_scoped3A : memref<!tpu.dma_semaphore, #tpu.memory_space<semaphore_mem>>)
      %dma_wait3A = arith.constant 0 : i32
      %dma_wait3A_77 = tpu.memref_slice %arg9[%add3A_21, %dma_wait3A] : memref<10000x128xf32, #tpu.memory_space<vmem_shared>> -> memref<25x128xf32, #tpu.memory_space<vmem_shared>>
      %dma_wait3A_78 = arith.constant 0 : i32
      %dma_wait3A_79 = tpu.memref_slice %arg9[%add3A_21, %dma_wait3A_78] : memref<10000x128xf32, #tpu.memory_space<vmem_shared>> -> memref<25x128xf32, #tpu.memory_space<vmem_shared>>
      tpu.wait_dma2 semaphore(%run_scoped3A : memref<!tpu.dma_semaphore, #tpu.memory_space<semaphore_mem>>) src(%arg16 : memref<25x128xf32, #tpu.memory_space<vmem>>) dst(%dma_wait3A_79 : memref<25x128xf32, #tpu.memory_space<vmem_shared>>)
      tpu.yield
    }) : () -> ()
    %add3A_22 = arith.constant 150 : i32
    %add3A_23 = arith.addi %mul3A_9, %add3A_22 : i32
    "tpu.region"() ({
      %run_scoped3A = tpu.sem_alloc : memref<!tpu.dma_semaphore, #tpu.memory_space<semaphore_mem>>
      %dma_start3A = arith.constant 0 : i32
      %dma_start3A_74 = tpu.memref_slice %arg9[%add3A_23, %dma_start3A] : memref<10000x128xf32, #tpu.memory_space<vmem_shared>> -> memref<25x128xf32, #tpu.memory_space<vmem_shared>>
      %dma_start3A_75 = arith.constant 0 : i32
      %dma_start3A_76 = tpu.memref_slice %arg9[%add3A_23, %dma_start3A_75] : memref<10000x128xf32, #tpu.memory_space<vmem_shared>> -> memref<25x128xf32, #tpu.memory_space<vmem_shared>>
      tpu.enqueue_dma source(%arg16 : memref<25x128xf32, #tpu.memory_space<vmem>>) target(%dma_start3A_76 : memref<25x128xf32, #tpu.memory_space<vmem_shared>>) target_semaphore(%run_scoped3A : memref<!tpu.dma_semaphore, #tpu.memory_space<semaphore_mem>>)
      %dma_wait3A = arith.constant 0 : i32
      %dma_wait3A_77 = tpu.memref_slice %arg9[%add3A_23, %dma_wait3A] : memref<10000x128xf32, #tpu.memory_space<vmem_shared>> -> memref<25x128xf32, #tpu.memory_space<vmem_shared>>
      %dma_wait3A_78 = arith.constant 0 : i32
      %dma_wait3A_79 = tpu.memref_slice %arg9[%add3A_23, %dma_wait3A_78] : memref<10000x128xf32, #tpu.memory_space<vmem_shared>> -> memref<25x128xf32, #tpu.memory_space<vmem_shared>>
      tpu.wait_dma2 semaphore(%run_scoped3A : memref<!tpu.dma_semaphore, #tpu.memory_space<semaphore_mem>>) src(%arg16 : memref<25x128xf32, #tpu.memory_space<vmem>>) dst(%dma_wait3A_79 : memref<25x128xf32, #tpu.memory_space<vmem_shared>>)
      tpu.yield
    }) : () -> ()
    %add3A_24 = arith.constant 175 : i32
    %add3A_25 = arith.addi %mul3A_9, %add3A_24 : i32
    "tpu.region"() ({
      %run_scoped3A = tpu.sem_alloc : memref<!tpu.dma_semaphore, #tpu.memory_space<semaphore_mem>>
      %dma_start3A = arith.constant 0 : i32
      %dma_start3A_74 = tpu.memref_slice %arg9[%add3A_25, %dma_start3A] : memref<10000x128xf32, #tpu.memory_space<vmem_shared>> -> memref<25x128xf32, #tpu.memory_space<vmem_shared>>
      %dma_start3A_75 = arith.constant 0 : i32
      %dma_start3A_76 = tpu.memref_slice %arg9[%add3A_25, %dma_start3A_75] : memref<10000x128xf32, #tpu.memory_space<vmem_shared>> -> memref<25x128xf32, #tpu.memory_space<vmem_shared>>
      tpu.enqueue_dma source(%arg16 : memref<25x128xf32, #tpu.memory_space<vmem>>) target(%dma_start3A_76 : memref<25x128xf32, #tpu.memory_space<vmem_shared>>) target_semaphore(%run_scoped3A : memref<!tpu.dma_semaphore, #tpu.memory_space<semaphore_mem>>)
      %dma_wait3A = arith.constant 0 : i32
      %dma_wait3A_77 = tpu.memref_slice %arg9[%add3A_25, %dma_wait3A] : memref<10000x128xf32, #tpu.memory_space<vmem_shared>> -> memref<25x128xf32, #tpu.memory_space<vmem_shared>>
      %dma_wait3A_78 = arith.constant 0 : i32
      %dma_wait3A_79 = tpu.memref_slice %arg9[%add3A_25, %dma_wait3A_78] : memref<10000x128xf32, #tpu.memory_space<vmem_shared>> -> memref<25x128xf32, #tpu.memory_space<vmem_shared>>
      tpu.wait_dma2 semaphore(%run_scoped3A : memref<!tpu.dma_semaphore, #tpu.memory_space<semaphore_mem>>) src(%arg16 : memref<25x128xf32, #tpu.memory_space<vmem>>) dst(%dma_wait3A_79 : memref<25x128xf32, #tpu.memory_space<vmem_shared>>)
      tpu.yield
    }) : () -> ()
    %add3A_26 = arith.constant 200 : i32
    %add3A_27 = arith.addi %mul3A_9, %add3A_26 : i32
    "tpu.region"() ({
      %run_scoped3A = tpu.sem_alloc : memref<!tpu.dma_semaphore, #tpu.memory_space<semaphore_mem>>
      %dma_start3A = arith.constant 0 : i32
      %dma_start3A_74 = tpu.memref_slice %arg9[%add3A_27, %dma_start3A] : memref<10000x128xf32, #tpu.memory_space<vmem_shared>> -> memref<25x128xf32, #tpu.memory_space<vmem_shared>>
      %dma_start3A_75 = arith.constant 0 : i32
      %dma_start3A_76 = tpu.memref_slice %arg9[%add3A_27, %dma_start3A_75] : memref<10000x128xf32, #tpu.memory_space<vmem_shared>> -> memref<25x128xf32, #tpu.memory_space<vmem_shared>>
      tpu.enqueue_dma source(%arg16 : memref<25x128xf32, #tpu.memory_space<vmem>>) target(%dma_start3A_76 : memref<25x128xf32, #tpu.memory_space<vmem_shared>>) target_semaphore(%run_scoped3A : memref<!tpu.dma_semaphore, #tpu.memory_space<semaphore_mem>>)
      %dma_wait3A = arith.constant 0 : i32
      %dma_wait3A_77 = tpu.memref_slice %arg9[%add3A_27, %dma_wait3A] : memref<10000x128xf32, #tpu.memory_space<vmem_shared>> -> memref<25x128xf32, #tpu.memory_space<vmem_shared>>
      %dma_wait3A_78 = arith.constant 0 : i32
      %dma_wait3A_79 = tpu.memref_slice %arg9[%add3A_27, %dma_wait3A_78] : memref<10000x128xf32, #tpu.memory_space<vmem_shared>> -> memref<25x128xf32, #tpu.memory_space<vmem_shared>>
      tpu.wait_dma2 semaphore(%run_scoped3A : memref<!tpu.dma_semaphore, #tpu.memory_space<semaphore_mem>>) src(%arg16 : memref<25x128xf32, #tpu.memory_space<vmem>>) dst(%dma_wait3A_79 : memref<25x128xf32, #tpu.memory_space<vmem_shared>>)
      tpu.yield
    }) : () -> ()
    %add3A_28 = arith.constant 225 : i32
    %add3A_29 = arith.addi %mul3A_9, %add3A_28 : i32
    "tpu.region"() ({
      %run_scoped3A = tpu.sem_alloc : memref<!tpu.dma_semaphore, #tpu.memory_space<semaphore_mem>>
      %dma_start3A = arith.constant 0 : i32
      %dma_start3A_74 = tpu.memref_slice %arg9[%add3A_29, %dma_start3A] : memref<10000x128xf32, #tpu.memory_space<vmem_shared>> -> memref<25x128xf32, #tpu.memory_space<vmem_shared>>
      %dma_start3A_75 = arith.constant 0 : i32
      %dma_start3A_76 = tpu.memref_slice %arg9[%add3A_29, %dma_start3A_75] : memref<10000x128xf32, #tpu.memory_space<vmem_shared>> -> memref<25x128xf32, #tpu.memory_space<vmem_shared>>
      tpu.enqueue_dma source(%arg16 : memref<25x128xf32, #tpu.memory_space<vmem>>) target(%dma_start3A_76 : memref<25x128xf32, #tpu.memory_space<vmem_shared>>) target_semaphore(%run_scoped3A : memref<!tpu.dma_semaphore, #tpu.memory_space<semaphore_mem>>)
      %dma_wait3A = arith.constant 0 : i32
      %dma_wait3A_77 = tpu.memref_slice %arg9[%add3A_29, %dma_wait3A] : memref<10000x128xf32, #tpu.memory_space<vmem_shared>> -> memref<25x128xf32, #tpu.memory_space<vmem_shared>>
      %dma_wait3A_78 = arith.constant 0 : i32
      %dma_wait3A_79 = tpu.memref_slice %arg9[%add3A_29, %dma_wait3A_78] : memref<10000x128xf32, #tpu.memory_space<vmem_shared>> -> memref<25x128xf32, #tpu.memory_space<vmem_shared>>
      tpu.wait_dma2 semaphore(%run_scoped3A : memref<!tpu.dma_semaphore, #tpu.memory_space<semaphore_mem>>) src(%arg16 : memref<25x128xf32, #tpu.memory_space<vmem>>) dst(%dma_wait3A_79 : memref<25x128xf32, #tpu.memory_space<vmem_shared>>)
      tpu.yield
    }) : () -> ()
    %add3A_30 = arith.constant 250 : i32
    %add3A_31 = arith.addi %mul3A_9, %add3A_30 : i32
    "tpu.region"() ({
      %run_scoped3A = tpu.sem_alloc : memref<!tpu.dma_semaphore, #tpu.memory_space<semaphore_mem>>
      %dma_start3A = arith.constant 0 : i32
      %dma_start3A_74 = tpu.memref_slice %arg9[%add3A_31, %dma_start3A] : memref<10000x128xf32, #tpu.memory_space<vmem_shared>> -> memref<25x128xf32, #tpu.memory_space<vmem_shared>>
      %dma_start3A_75 = arith.constant 0 : i32
      %dma_start3A_76 = tpu.memref_slice %arg9[%add3A_31, %dma_start3A_75] : memref<10000x128xf32, #tpu.memory_space<vmem_shared>> -> memref<25x128xf32, #tpu.memory_space<vmem_shared>>
      tpu.enqueue_dma source(%arg16 : memref<25x128xf32, #tpu.memory_space<vmem>>) target(%dma_start3A_76 : memref<25x128xf32, #tpu.memory_space<vmem_shared>>) target_semaphore(%run_scoped3A : memref<!tpu.dma_semaphore, #tpu.memory_space<semaphore_mem>>)
      %dma_wait3A = arith.constant 0 : i32
      %dma_wait3A_77 = tpu.memref_slice %arg9[%add3A_31, %dma_wait3A] : memref<10000x128xf32, #tpu.memory_space<vmem_shared>> -> memref<25x128xf32, #tpu.memory_space<vmem_shared>>
      %dma_wait3A_78 = arith.constant 0 : i32
      %dma_wait3A_79 = tpu.memref_slice %arg9[%add3A_31, %dma_wait3A_78] : memref<10000x128xf32, #tpu.memory_space<vmem_shared>> -> memref<25x128xf32, #tpu.memory_space<vmem_shared>>
      tpu.wait_dma2 semaphore(%run_scoped3A : memref<!tpu.dma_semaphore, #tpu.memory_space<semaphore_mem>>) src(%arg16 : memref<25x128xf32, #tpu.memory_space<vmem>>) dst(%dma_wait3A_79 : memref<25x128xf32, #tpu.memory_space<vmem_shared>>)
      tpu.yield
    }) : () -> ()
    %add3A_32 = arith.constant 275 : i32
    %add3A_33 = arith.addi %mul3A_9, %add3A_32 : i32
    "tpu.region"() ({
      %run_scoped3A = tpu.sem_alloc : memref<!tpu.dma_semaphore, #tpu.memory_space<semaphore_mem>>
      %dma_start3A = arith.constant 0 : i32
      %dma_start3A_74 = tpu.memref_slice %arg9[%add3A_33, %dma_start3A] : memref<10000x128xf32, #tpu.memory_space<vmem_shared>> -> memref<25x128xf32, #tpu.memory_space<vmem_shared>>
      %dma_start3A_75 = arith.constant 0 : i32
      %dma_start3A_76 = tpu.memref_slice %arg9[%add3A_33, %dma_start3A_75] : memref<10000x128xf32, #tpu.memory_space<vmem_shared>> -> memref<25x128xf32, #tpu.memory_space<vmem_shared>>
      tpu.enqueue_dma source(%arg16 : memref<25x128xf32, #tpu.memory_space<vmem>>) target(%dma_start3A_76 : memref<25x128xf32, #tpu.memory_space<vmem_shared>>) target_semaphore(%run_scoped3A : memref<!tpu.dma_semaphore, #tpu.memory_space<semaphore_mem>>)
      %dma_wait3A = arith.constant 0 : i32
      %dma_wait3A_77 = tpu.memref_slice %arg9[%add3A_33, %dma_wait3A] : memref<10000x128xf32, #tpu.memory_space<vmem_shared>> -> memref<25x128xf32, #tpu.memory_space<vmem_shared>>
      %dma_wait3A_78 = arith.constant 0 : i32
      %dma_wait3A_79 = tpu.memref_slice %arg9[%add3A_33, %dma_wait3A_78] : memref<10000x128xf32, #tpu.memory_space<vmem_shared>> -> memref<25x128xf32, #tpu.memory_space<vmem_shared>>
      tpu.wait_dma2 semaphore(%run_scoped3A : memref<!tpu.dma_semaphore, #tpu.memory_space<semaphore_mem>>) src(%arg16 : memref<25x128xf32, #tpu.memory_space<vmem>>) dst(%dma_wait3A_79 : memref<25x128xf32, #tpu.memory_space<vmem_shared>>)
      tpu.yield
    }) : () -> ()
    %add3A_34 = arith.constant 300 : i32
    %add3A_35 = arith.addi %mul3A_9, %add3A_34 : i32
    "tpu.region"() ({
      %run_scoped3A = tpu.sem_alloc : memref<!tpu.dma_semaphore, #tpu.memory_space<semaphore_mem>>
      %dma_start3A = arith.constant 0 : i32
      %dma_start3A_74 = tpu.memref_slice %arg9[%add3A_35, %dma_start3A] : memref<10000x128xf32, #tpu.memory_space<vmem_shared>> -> memref<25x128xf32, #tpu.memory_space<vmem_shared>>
      %dma_start3A_75 = arith.constant 0 : i32
      %dma_start3A_76 = tpu.memref_slice %arg9[%add3A_35, %dma_start3A_75] : memref<10000x128xf32, #tpu.memory_space<vmem_shared>> -> memref<25x128xf32, #tpu.memory_space<vmem_shared>>
      tpu.enqueue_dma source(%arg16 : memref<25x128xf32, #tpu.memory_space<vmem>>) target(%dma_start3A_76 : memref<25x128xf32, #tpu.memory_space<vmem_shared>>) target_semaphore(%run_scoped3A : memref<!tpu.dma_semaphore, #tpu.memory_space<semaphore_mem>>)
      %dma_wait3A = arith.constant 0 : i32
      %dma_wait3A_77 = tpu.memref_slice %arg9[%add3A_35, %dma_wait3A] : memref<10000x128xf32, #tpu.memory_space<vmem_shared>> -> memref<25x128xf32, #tpu.memory_space<vmem_shared>>
      %dma_wait3A_78 = arith.constant 0 : i32
      %dma_wait3A_79 = tpu.memref_slice %arg9[%add3A_35, %dma_wait3A_78] : memref<10000x128xf32, #tpu.memory_space<vmem_shared>> -> memref<25x128xf32, #tpu.memory_space<vmem_shared>>
      tpu.wait_dma2 semaphore(%run_scoped3A : memref<!tpu.dma_semaphore, #tpu.memory_space<semaphore_mem>>) src(%arg16 : memref<25x128xf32, #tpu.memory_space<vmem>>) dst(%dma_wait3A_79 : memref<25x128xf32, #tpu.memory_space<vmem_shared>>)
      tpu.yield
    }) : () -> ()
    %add3A_36 = arith.constant 325 : i32
    %add3A_37 = arith.addi %mul3A_9, %add3A_36 : i32
    "tpu.region"() ({
      %run_scoped3A = tpu.sem_alloc : memref<!tpu.dma_semaphore, #tpu.memory_space<semaphore_mem>>
      %dma_start3A = arith.constant 0 : i32
      %dma_start3A_74 = tpu.memref_slice %arg9[%add3A_37, %dma_start3A] : memref<10000x128xf32, #tpu.memory_space<vmem_shared>> -> memref<25x128xf32, #tpu.memory_space<vmem_shared>>
      %dma_start3A_75 = arith.constant 0 : i32
      %dma_start3A_76 = tpu.memref_slice %arg9[%add3A_37, %dma_start3A_75] : memref<10000x128xf32, #tpu.memory_space<vmem_shared>> -> memref<25x128xf32, #tpu.memory_space<vmem_shared>>
      tpu.enqueue_dma source(%arg16 : memref<25x128xf32, #tpu.memory_space<vmem>>) target(%dma_start3A_76 : memref<25x128xf32, #tpu.memory_space<vmem_shared>>) target_semaphore(%run_scoped3A : memref<!tpu.dma_semaphore, #tpu.memory_space<semaphore_mem>>)
      %dma_wait3A = arith.constant 0 : i32
      %dma_wait3A_77 = tpu.memref_slice %arg9[%add3A_37, %dma_wait3A] : memref<10000x128xf32, #tpu.memory_space<vmem_shared>> -> memref<25x128xf32, #tpu.memory_space<vmem_shared>>
      %dma_wait3A_78 = arith.constant 0 : i32
      %dma_wait3A_79 = tpu.memref_slice %arg9[%add3A_37, %dma_wait3A_78] : memref<10000x128xf32, #tpu.memory_space<vmem_shared>> -> memref<25x128xf32, #tpu.memory_space<vmem_shared>>
      tpu.wait_dma2 semaphore(%run_scoped3A : memref<!tpu.dma_semaphore, #tpu.memory_space<semaphore_mem>>) src(%arg16 : memref<25x128xf32, #tpu.memory_space<vmem>>) dst(%dma_wait3A_79 : memref<25x128xf32, #tpu.memory_space<vmem_shared>>)
      tpu.yield
    }) : () -> ()
    %add3A_38 = arith.constant 350 : i32
    %add3A_39 = arith.addi %mul3A_9, %add3A_38 : i32
    "tpu.region"() ({
      %run_scoped3A = tpu.sem_alloc : memref<!tpu.dma_semaphore, #tpu.memory_space<semaphore_mem>>
      %dma_start3A = arith.constant 0 : i32
      %dma_start3A_74 = tpu.memref_slice %arg9[%add3A_39, %dma_start3A] : memref<10000x128xf32, #tpu.memory_space<vmem_shared>> -> memref<25x128xf32, #tpu.memory_space<vmem_shared>>
      %dma_start3A_75 = arith.constant 0 : i32
      %dma_start3A_76 = tpu.memref_slice %arg9[%add3A_39, %dma_start3A_75] : memref<10000x128xf32, #tpu.memory_space<vmem_shared>> -> memref<25x128xf32, #tpu.memory_space<vmem_shared>>
      tpu.enqueue_dma source(%arg16 : memref<25x128xf32, #tpu.memory_space<vmem>>) target(%dma_start3A_76 : memref<25x128xf32, #tpu.memory_space<vmem_shared>>) target_semaphore(%run_scoped3A : memref<!tpu.dma_semaphore, #tpu.memory_space<semaphore_mem>>)
      %dma_wait3A = arith.constant 0 : i32
      %dma_wait3A_77 = tpu.memref_slice %arg9[%add3A_39, %dma_wait3A] : memref<10000x128xf32, #tpu.memory_space<vmem_shared>> -> memref<25x128xf32, #tpu.memory_space<vmem_shared>>
      %dma_wait3A_78 = arith.constant 0 : i32
      %dma_wait3A_79 = tpu.memref_slice %arg9[%add3A_39, %dma_wait3A_78] : memref<10000x128xf32, #tpu.memory_space<vmem_shared>> -> memref<25x128xf32, #tpu.memory_space<vmem_shared>>
      tpu.wait_dma2 semaphore(%run_scoped3A : memref<!tpu.dma_semaphore, #tpu.memory_space<semaphore_mem>>) src(%arg16 : memref<25x128xf32, #tpu.memory_space<vmem>>) dst(%dma_wait3A_79 : memref<25x128xf32, #tpu.memory_space<vmem_shared>>)
      tpu.yield
    }) : () -> ()
    %add3A_40 = arith.constant 375 : i32
    %add3A_41 = arith.addi %mul3A_9, %add3A_40 : i32
    "tpu.region"() ({
      %run_scoped3A = tpu.sem_alloc : memref<!tpu.dma_semaphore, #tpu.memory_space<semaphore_mem>>
      %dma_start3A = arith.constant 0 : i32
      %dma_start3A_74 = tpu.memref_slice %arg9[%add3A_41, %dma_start3A] : memref<10000x128xf32, #tpu.memory_space<vmem_shared>> -> memref<25x128xf32, #tpu.memory_space<vmem_shared>>
      %dma_start3A_75 = arith.constant 0 : i32
      %dma_start3A_76 = tpu.memref_slice %arg9[%add3A_41, %dma_start3A_75] : memref<10000x128xf32, #tpu.memory_space<vmem_shared>> -> memref<25x128xf32, #tpu.memory_space<vmem_shared>>
      tpu.enqueue_dma source(%arg16 : memref<25x128xf32, #tpu.memory_space<vmem>>) target(%dma_start3A_76 : memref<25x128xf32, #tpu.memory_space<vmem_shared>>) target_semaphore(%run_scoped3A : memref<!tpu.dma_semaphore, #tpu.memory_space<semaphore_mem>>)
      %dma_wait3A = arith.constant 0 : i32
      %dma_wait3A_77 = tpu.memref_slice %arg9[%add3A_41, %dma_wait3A] : memref<10000x128xf32, #tpu.memory_space<vmem_shared>> -> memref<25x128xf32, #tpu.memory_space<vmem_shared>>
      %dma_wait3A_78 = arith.constant 0 : i32
      %dma_wait3A_79 = tpu.memref_slice %arg9[%add3A_41, %dma_wait3A_78] : memref<10000x128xf32, #tpu.memory_space<vmem_shared>> -> memref<25x128xf32, #tpu.memory_space<vmem_shared>>
      tpu.wait_dma2 semaphore(%run_scoped3A : memref<!tpu.dma_semaphore, #tpu.memory_space<semaphore_mem>>) src(%arg16 : memref<25x128xf32, #tpu.memory_space<vmem>>) dst(%dma_wait3A_79 : memref<25x128xf32, #tpu.memory_space<vmem_shared>>)
      tpu.yield
    }) : () -> ()
    %add3A_42 = arith.constant 400 : i32
    %add3A_43 = arith.addi %mul3A_9, %add3A_42 : i32
    "tpu.region"() ({
      %run_scoped3A = tpu.sem_alloc : memref<!tpu.dma_semaphore, #tpu.memory_space<semaphore_mem>>
      %dma_start3A = arith.constant 0 : i32
      %dma_start3A_74 = tpu.memref_slice %arg9[%add3A_43, %dma_start3A] : memref<10000x128xf32, #tpu.memory_space<vmem_shared>> -> memref<25x128xf32, #tpu.memory_space<vmem_shared>>
      %dma_start3A_75 = arith.constant 0 : i32
      %dma_start3A_76 = tpu.memref_slice %arg9[%add3A_43, %dma_start3A_75] : memref<10000x128xf32, #tpu.memory_space<vmem_shared>> -> memref<25x128xf32, #tpu.memory_space<vmem_shared>>
      tpu.enqueue_dma source(%arg16 : memref<25x128xf32, #tpu.memory_space<vmem>>) target(%dma_start3A_76 : memref<25x128xf32, #tpu.memory_space<vmem_shared>>) target_semaphore(%run_scoped3A : memref<!tpu.dma_semaphore, #tpu.memory_space<semaphore_mem>>)
      %dma_wait3A = arith.constant 0 : i32
      %dma_wait3A_77 = tpu.memref_slice %arg9[%add3A_43, %dma_wait3A] : memref<10000x128xf32, #tpu.memory_space<vmem_shared>> -> memref<25x128xf32, #tpu.memory_space<vmem_shared>>
      %dma_wait3A_78 = arith.constant 0 : i32
      %dma_wait3A_79 = tpu.memref_slice %arg9[%add3A_43, %dma_wait3A_78] : memref<10000x128xf32, #tpu.memory_space<vmem_shared>> -> memref<25x128xf32, #tpu.memory_space<vmem_shared>>
      tpu.wait_dma2 semaphore(%run_scoped3A : memref<!tpu.dma_semaphore, #tpu.memory_space<semaphore_mem>>) src(%arg16 : memref<25x128xf32, #tpu.memory_space<vmem>>) dst(%dma_wait3A_79 : memref<25x128xf32, #tpu.memory_space<vmem_shared>>)
      tpu.yield
    }) : () -> ()
    %add3A_44 = arith.constant 425 : i32
    %add3A_45 = arith.addi %mul3A_9, %add3A_44 : i32
    "tpu.region"() ({
      %run_scoped3A = tpu.sem_alloc : memref<!tpu.dma_semaphore, #tpu.memory_space<semaphore_mem>>
      %dma_start3A = arith.constant 0 : i32
      %dma_start3A_74 = tpu.memref_slice %arg9[%add3A_45, %dma_start3A] : memref<10000x128xf32, #tpu.memory_space<vmem_shared>> -> memref<25x128xf32, #tpu.memory_space<vmem_shared>>
      %dma_start3A_75 = arith.constant 0 : i32
      %dma_start3A_76 = tpu.memref_slice %arg9[%add3A_45, %dma_start3A_75] : memref<10000x128xf32, #tpu.memory_space<vmem_shared>> -> memref<25x128xf32, #tpu.memory_space<vmem_shared>>
      tpu.enqueue_dma source(%arg16 : memref<25x128xf32, #tpu.memory_space<vmem>>) target(%dma_start3A_76 : memref<25x128xf32, #tpu.memory_space<vmem_shared>>) target_semaphore(%run_scoped3A : memref<!tpu.dma_semaphore, #tpu.memory_space<semaphore_mem>>)
      %dma_wait3A = arith.constant 0 : i32
      %dma_wait3A_77 = tpu.memref_slice %arg9[%add3A_45, %dma_wait3A] : memref<10000x128xf32, #tpu.memory_space<vmem_shared>> -> memref<25x128xf32, #tpu.memory_space<vmem_shared>>
      %dma_wait3A_78 = arith.constant 0 : i32
      %dma_wait3A_79 = tpu.memref_slice %arg9[%add3A_45, %dma_wait3A_78] : memref<10000x128xf32, #tpu.memory_space<vmem_shared>> -> memref<25x128xf32, #tpu.memory_space<vmem_shared>>
      tpu.wait_dma2 semaphore(%run_scoped3A : memref<!tpu.dma_semaphore, #tpu.memory_space<semaphore_mem>>) src(%arg16 : memref<25x128xf32, #tpu.memory_space<vmem>>) dst(%dma_wait3A_79 : memref<25x128xf32, #tpu.memory_space<vmem_shared>>)
      tpu.yield
    }) : () -> ()
    %add3A_46 = arith.constant 450 : i32
    %add3A_47 = arith.addi %mul3A_9, %add3A_46 : i32
    "tpu.region"() ({
      %run_scoped3A = tpu.sem_alloc : memref<!tpu.dma_semaphore, #tpu.memory_space<semaphore_mem>>
      %dma_start3A = arith.constant 0 : i32
      %dma_start3A_74 = tpu.memref_slice %arg9[%add3A_47, %dma_start3A] : memref<10000x128xf32, #tpu.memory_space<vmem_shared>> -> memref<25x128xf32, #tpu.memory_space<vmem_shared>>
      %dma_start3A_75 = arith.constant 0 : i32
      %dma_start3A_76 = tpu.memref_slice %arg9[%add3A_47, %dma_start3A_75] : memref<10000x128xf32, #tpu.memory_space<vmem_shared>> -> memref<25x128xf32, #tpu.memory_space<vmem_shared>>
      tpu.enqueue_dma source(%arg16 : memref<25x128xf32, #tpu.memory_space<vmem>>) target(%dma_start3A_76 : memref<25x128xf32, #tpu.memory_space<vmem_shared>>) target_semaphore(%run_scoped3A : memref<!tpu.dma_semaphore, #tpu.memory_space<semaphore_mem>>)
      %dma_wait3A = arith.constant 0 : i32
      %dma_wait3A_77 = tpu.memref_slice %arg9[%add3A_47, %dma_wait3A] : memref<10000x128xf32, #tpu.memory_space<vmem_shared>> -> memref<25x128xf32, #tpu.memory_space<vmem_shared>>
      %dma_wait3A_78 = arith.constant 0 : i32
      %dma_wait3A_79 = tpu.memref_slice %arg9[%add3A_47, %dma_wait3A_78] : memref<10000x128xf32, #tpu.memory_space<vmem_shared>> -> memref<25x128xf32, #tpu.memory_space<vmem_shared>>
      tpu.wait_dma2 semaphore(%run_scoped3A : memref<!tpu.dma_semaphore, #tpu.memory_space<semaphore_mem>>) src(%arg16 : memref<25x128xf32, #tpu.memory_space<vmem>>) dst(%dma_wait3A_79 : memref<25x128xf32, #tpu.memory_space<vmem_shared>>)
      tpu.yield
    }) : () -> ()
    %add3A_48 = arith.constant 475 : i32
    %add3A_49 = arith.addi %mul3A_9, %add3A_48 : i32
    "tpu.region"() ({
      %run_scoped3A = tpu.sem_alloc : memref<!tpu.dma_semaphore, #tpu.memory_space<semaphore_mem>>
      %dma_start3A = arith.constant 0 : i32
      %dma_start3A_74 = tpu.memref_slice %arg9[%add3A_49, %dma_start3A] : memref<10000x128xf32, #tpu.memory_space<vmem_shared>> -> memref<25x128xf32, #tpu.memory_space<vmem_shared>>
      %dma_start3A_75 = arith.constant 0 : i32
      %dma_start3A_76 = tpu.memref_slice %arg9[%add3A_49, %dma_start3A_75] : memref<10000x128xf32, #tpu.memory_space<vmem_shared>> -> memref<25x128xf32, #tpu.memory_space<vmem_shared>>
      tpu.enqueue_dma source(%arg16 : memref<25x128xf32, #tpu.memory_space<vmem>>) target(%dma_start3A_76 : memref<25x128xf32, #tpu.memory_space<vmem_shared>>) target_semaphore(%run_scoped3A : memref<!tpu.dma_semaphore, #tpu.memory_space<semaphore_mem>>)
      %dma_wait3A = arith.constant 0 : i32
      %dma_wait3A_77 = tpu.memref_slice %arg9[%add3A_49, %dma_wait3A] : memref<10000x128xf32, #tpu.memory_space<vmem_shared>> -> memref<25x128xf32, #tpu.memory_space<vmem_shared>>
      %dma_wait3A_78 = arith.constant 0 : i32
      %dma_wait3A_79 = tpu.memref_slice %arg9[%add3A_49, %dma_wait3A_78] : memref<10000x128xf32, #tpu.memory_space<vmem_shared>> -> memref<25x128xf32, #tpu.memory_space<vmem_shared>>
      tpu.wait_dma2 semaphore(%run_scoped3A : memref<!tpu.dma_semaphore, #tpu.memory_space<semaphore_mem>>) src(%arg16 : memref<25x128xf32, #tpu.memory_space<vmem>>) dst(%dma_wait3A_79 : memref<25x128xf32, #tpu.memory_space<vmem_shared>>)
      tpu.yield
    }) : () -> ()
    %add3A_50 = arith.constant 500 : i32
    %add3A_51 = arith.addi %mul3A_9, %add3A_50 : i32
    "tpu.region"() ({
      %run_scoped3A = tpu.sem_alloc : memref<!tpu.dma_semaphore, #tpu.memory_space<semaphore_mem>>
      %dma_start3A = arith.constant 0 : i32
      %dma_start3A_74 = tpu.memref_slice %arg9[%add3A_51, %dma_start3A] : memref<10000x128xf32, #tpu.memory_space<vmem_shared>> -> memref<25x128xf32, #tpu.memory_space<vmem_shared>>
      %dma_start3A_75 = arith.constant 0 : i32
      %dma_start3A_76 = tpu.memref_slice %arg9[%add3A_51, %dma_start3A_75] : memref<10000x128xf32, #tpu.memory_space<vmem_shared>> -> memref<25x128xf32, #tpu.memory_space<vmem_shared>>
      tpu.enqueue_dma source(%arg16 : memref<25x128xf32, #tpu.memory_space<vmem>>) target(%dma_start3A_76 : memref<25x128xf32, #tpu.memory_space<vmem_shared>>) target_semaphore(%run_scoped3A : memref<!tpu.dma_semaphore, #tpu.memory_space<semaphore_mem>>)
      %dma_wait3A = arith.constant 0 : i32
      %dma_wait3A_77 = tpu.memref_slice %arg9[%add3A_51, %dma_wait3A] : memref<10000x128xf32, #tpu.memory_space<vmem_shared>> -> memref<25x128xf32, #tpu.memory_space<vmem_shared>>
      %dma_wait3A_78 = arith.constant 0 : i32
      %dma_wait3A_79 = tpu.memref_slice %arg9[%add3A_51, %dma_wait3A_78] : memref<10000x128xf32, #tpu.memory_space<vmem_shared>> -> memref<25x128xf32, #tpu.memory_space<vmem_shared>>
      tpu.wait_dma2 semaphore(%run_scoped3A : memref<!tpu.dma_semaphore, #tpu.memory_space<semaphore_mem>>) src(%arg16 : memref<25x128xf32, #tpu.memory_space<vmem>>) dst(%dma_wait3A_79 : memref<25x128xf32, #tpu.memory_space<vmem_shared>>)
      tpu.yield
    }) : () -> ()
    %add3A_52 = arith.constant 525 : i32
    %add3A_53 = arith.addi %mul3A_9, %add3A_52 : i32
    "tpu.region"() ({
      %run_scoped3A = tpu.sem_alloc : memref<!tpu.dma_semaphore, #tpu.memory_space<semaphore_mem>>
      %dma_start3A = arith.constant 0 : i32
      %dma_start3A_74 = tpu.memref_slice %arg9[%add3A_53, %dma_start3A] : memref<10000x128xf32, #tpu.memory_space<vmem_shared>> -> memref<25x128xf32, #tpu.memory_space<vmem_shared>>
      %dma_start3A_75 = arith.constant 0 : i32
      %dma_start3A_76 = tpu.memref_slice %arg9[%add3A_53, %dma_start3A_75] : memref<10000x128xf32, #tpu.memory_space<vmem_shared>> -> memref<25x128xf32, #tpu.memory_space<vmem_shared>>
      tpu.enqueue_dma source(%arg16 : memref<25x128xf32, #tpu.memory_space<vmem>>) target(%dma_start3A_76 : memref<25x128xf32, #tpu.memory_space<vmem_shared>>) target_semaphore(%run_scoped3A : memref<!tpu.dma_semaphore, #tpu.memory_space<semaphore_mem>>)
      %dma_wait3A = arith.constant 0 : i32
      %dma_wait3A_77 = tpu.memref_slice %arg9[%add3A_53, %dma_wait3A] : memref<10000x128xf32, #tpu.memory_space<vmem_shared>> -> memref<25x128xf32, #tpu.memory_space<vmem_shared>>
      %dma_wait3A_78 = arith.constant 0 : i32
      %dma_wait3A_79 = tpu.memref_slice %arg9[%add3A_53, %dma_wait3A_78] : memref<10000x128xf32, #tpu.memory_space<vmem_shared>> -> memref<25x128xf32, #tpu.memory_space<vmem_shared>>
      tpu.wait_dma2 semaphore(%run_scoped3A : memref<!tpu.dma_semaphore, #tpu.memory_space<semaphore_mem>>) src(%arg16 : memref<25x128xf32, #tpu.memory_space<vmem>>) dst(%dma_wait3A_79 : memref<25x128xf32, #tpu.memory_space<vmem_shared>>)
      tpu.yield
    }) : () -> ()
    %add3A_54 = arith.constant 550 : i32
    %add3A_55 = arith.addi %mul3A_9, %add3A_54 : i32
    "tpu.region"() ({
      %run_scoped3A = tpu.sem_alloc : memref<!tpu.dma_semaphore, #tpu.memory_space<semaphore_mem>>
      %dma_start3A = arith.constant 0 : i32
      %dma_start3A_74 = tpu.memref_slice %arg9[%add3A_55, %dma_start3A] : memref<10000x128xf32, #tpu.memory_space<vmem_shared>> -> memref<25x128xf32, #tpu.memory_space<vmem_shared>>
      %dma_start3A_75 = arith.constant 0 : i32
      %dma_start3A_76 = tpu.memref_slice %arg9[%add3A_55, %dma_start3A_75] : memref<10000x128xf32, #tpu.memory_space<vmem_shared>> -> memref<25x128xf32, #tpu.memory_space<vmem_shared>>
      tpu.enqueue_dma source(%arg16 : memref<25x128xf32, #tpu.memory_space<vmem>>) target(%dma_start3A_76 : memref<25x128xf32, #tpu.memory_space<vmem_shared>>) target_semaphore(%run_scoped3A : memref<!tpu.dma_semaphore, #tpu.memory_space<semaphore_mem>>)
      %dma_wait3A = arith.constant 0 : i32
      %dma_wait3A_77 = tpu.memref_slice %arg9[%add3A_55, %dma_wait3A] : memref<10000x128xf32, #tpu.memory_space<vmem_shared>> -> memref<25x128xf32, #tpu.memory_space<vmem_shared>>
      %dma_wait3A_78 = arith.constant 0 : i32
      %dma_wait3A_79 = tpu.memref_slice %arg9[%add3A_55, %dma_wait3A_78] : memref<10000x128xf32, #tpu.memory_space<vmem_shared>> -> memref<25x128xf32, #tpu.memory_space<vmem_shared>>
      tpu.wait_dma2 semaphore(%run_scoped3A : memref<!tpu.dma_semaphore, #tpu.memory_space<semaphore_mem>>) src(%arg16 : memref<25x128xf32, #tpu.memory_space<vmem>>) dst(%dma_wait3A_79 : memref<25x128xf32, #tpu.memory_space<vmem_shared>>)
      tpu.yield
    }) : () -> ()
    %add3A_56 = arith.constant 575 : i32
    %add3A_57 = arith.addi %mul3A_9, %add3A_56 : i32
    "tpu.region"() ({
      %run_scoped3A = tpu.sem_alloc : memref<!tpu.dma_semaphore, #tpu.memory_space<semaphore_mem>>
      %dma_start3A = arith.constant 0 : i32
      %dma_start3A_74 = tpu.memref_slice %arg9[%add3A_57, %dma_start3A] : memref<10000x128xf32, #tpu.memory_space<vmem_shared>> -> memref<25x128xf32, #tpu.memory_space<vmem_shared>>
      %dma_start3A_75 = arith.constant 0 : i32
      %dma_start3A_76 = tpu.memref_slice %arg9[%add3A_57, %dma_start3A_75] : memref<10000x128xf32, #tpu.memory_space<vmem_shared>> -> memref<25x128xf32, #tpu.memory_space<vmem_shared>>
      tpu.enqueue_dma source(%arg16 : memref<25x128xf32, #tpu.memory_space<vmem>>) target(%dma_start3A_76 : memref<25x128xf32, #tpu.memory_space<vmem_shared>>) target_semaphore(%run_scoped3A : memref<!tpu.dma_semaphore, #tpu.memory_space<semaphore_mem>>)
      %dma_wait3A = arith.constant 0 : i32
      %dma_wait3A_77 = tpu.memref_slice %arg9[%add3A_57, %dma_wait3A] : memref<10000x128xf32, #tpu.memory_space<vmem_shared>> -> memref<25x128xf32, #tpu.memory_space<vmem_shared>>
      %dma_wait3A_78 = arith.constant 0 : i32
      %dma_wait3A_79 = tpu.memref_slice %arg9[%add3A_57, %dma_wait3A_78] : memref<10000x128xf32, #tpu.memory_space<vmem_shared>> -> memref<25x128xf32, #tpu.memory_space<vmem_shared>>
      tpu.wait_dma2 semaphore(%run_scoped3A : memref<!tpu.dma_semaphore, #tpu.memory_space<semaphore_mem>>) src(%arg16 : memref<25x128xf32, #tpu.memory_space<vmem>>) dst(%dma_wait3A_79 : memref<25x128xf32, #tpu.memory_space<vmem_shared>>)
      tpu.yield
    }) : () -> ()
    %eq3A = arith.constant 0 : i32
    %eq3A_58 = arith.cmpi eq, %arg0, %eq3A : i32
    %convert_element_type3A = arith.extui %eq3A_58 : i1 to i32
    %cond3A = arith.constant 0 : i32
    %cond3A_59 = arith.cmpi ne, %convert_element_type3A, %cond3A : i32
    scf.if %cond3A_59 {
      %scan3A_74 = arith.constant 0 : i32
      %scan3A_75 = arith.constant 0 : i32
      %scan3A_76 = arith.constant 16 : i32
      %scan3A_77 = arith.addi %scan3A_75, %scan3A_76 : i32
      %scan3A_78 = arith.constant 1 : i32
      scf.for %scan3A_80 = %scan3A_75 to %scan3A_77 step %scan3A_78  : i32 {
        %mul3A_81 = arith.constant 640 : i32
        %mul3A_82 = arith.muli %arg1, %mul3A_81 : i32
        %mul3A_83 = arith.constant 40 : i32
        %mul3A_84 = arith.muli %scan3A_80, %mul3A_83 : i32
        %add3A_85 = arith.addi %mul3A_82, %mul3A_84 : i32
        %lt3A = arith.constant 10000 : i32
        %lt3A_86 = arith.cmpi slt, %add3A_85, %lt3A : i32
        %convert_element_type3A_87 = arith.extui %lt3A_86 : i1 to i32
        %cond3A_88 = arith.constant 0 : i32
        %cond3A_89 = arith.cmpi ne, %convert_element_type3A_87, %cond3A_88 : i32
        scf.if %cond3A_89 {
          "tpu.region"() ({
            %run_scoped3A = tpu.sem_alloc : memref<!tpu.dma_semaphore, #tpu.memory_space<semaphore_mem>>
            %dma_start3A_94 = tpu.memref_slice %arg2[%add3A_85] : memref<10000xi32, #tpu.memory_space<hbm>> -> memref<40xi32, #tpu.memory_space<hbm>>
            %dma_start3A_95 = tpu.memref_slice %arg2[%add3A_85] : memref<10000xi32, #tpu.memory_space<hbm>> -> memref<40xi32, #tpu.memory_space<hbm>>
            tpu.enqueue_dma source(%dma_start3A_95 : memref<40xi32, #tpu.memory_space<hbm>>) target(%arg12 : memref<40xi32, #tpu.memory_space<vmem>>) target_semaphore(%run_scoped3A : memref<!tpu.dma_semaphore, #tpu.memory_space<semaphore_mem>>)
            %dma_wait3A_96 = tpu.memref_slice %arg2[%add3A_85] : memref<10000xi32, #tpu.memory_space<hbm>> -> memref<40xi32, #tpu.memory_space<hbm>>
            %dma_wait3A_97 = tpu.memref_slice %arg2[%add3A_85] : memref<10000xi32, #tpu.memory_space<hbm>> -> memref<40xi32, #tpu.memory_space<hbm>>
            tpu.wait_dma2 semaphore(%run_scoped3A : memref<!tpu.dma_semaphore, #tpu.memory_space<semaphore_mem>>) src(%dma_wait3A_97 : memref<40xi32, #tpu.memory_space<hbm>>) dst(%arg12 : memref<40xi32, #tpu.memory_space<vmem>>)
            tpu.yield
          }) : () -> ()
          %dma_start3A = arith.constant 0 : i32
          %dma_start3A_90 = arith.constant 0 : i32
          %dma_start3A_91 = tpu.memref_slice %arg5[%dma_start3A, %dma_start3A_90] : memref<10000x128xf32, #tpu.memory_space<hbm>> -> memref<10000x128xf32, #tpu.memory_space<hbm>>
          tpu.enqueue_indirect_dma source(%dma_start3A_91 : memref<10000x128xf32, #tpu.memory_space<hbm>>) target(%arg13 : memref<40x128xf32, #tpu.memory_space<vmem>>) offsets(%arg12 : memref<40xi32, #tpu.memory_space<vmem>>) semaphore(%arg17 : memref<!tpu.dma_semaphore, #tpu.memory_space<semaphore_mem>>)
          %dma_wait3A = arith.constant 0 : i32
          %dma_wait3A_92 = arith.constant 0 : i32
          %dma_wait3A_93 = tpu.memref_slice %arg5[%dma_wait3A, %dma_wait3A_92] : memref<10000x128xf32, #tpu.memory_space<hbm>> -> memref<10000x128xf32, #tpu.memory_space<hbm>>
          tpu.wait_indirect_dma semaphore(%arg17 : memref<!tpu.dma_semaphore, #tpu.memory_space<semaphore_mem>>) src(%dma_wait3A_93 : memref<10000x128xf32, #tpu.memory_space<hbm>>) dst(%arg13 : memref<40x128xf32, #tpu.memory_space<vmem>>)
          "tpu.region"() ({
            %run_scoped3A = tpu.sem_alloc : memref<!tpu.dma_semaphore, #tpu.memory_space<semaphore_mem>>
            %dma_start3A_94 = arith.constant 0 : i32
            %dma_start3A_95 = tpu.memref_slice %arg7[%add3A_85, %dma_start3A_94] : memref<10000x128xf32, #tpu.memory_space<hbm>> -> memref<40x128xf32, #tpu.memory_space<hbm>>
            %dma_start3A_96 = arith.constant 0 : i32
            %dma_start3A_97 = tpu.memref_slice %arg7[%add3A_85, %dma_start3A_96] : memref<10000x128xf32, #tpu.memory_space<hbm>> -> memref<40x128xf32, #tpu.memory_space<hbm>>
            tpu.enqueue_dma source(%arg13 : memref<40x128xf32, #tpu.memory_space<vmem>>) target(%dma_start3A_97 : memref<40x128xf32, #tpu.memory_space<hbm>>) target_semaphore(%run_scoped3A : memref<!tpu.dma_semaphore, #tpu.memory_space<semaphore_mem>>)
            %dma_wait3A_98 = arith.constant 0 : i32
            %dma_wait3A_99 = tpu.memref_slice %arg7[%add3A_85, %dma_wait3A_98] : memref<10000x128xf32, #tpu.memory_space<hbm>> -> memref<40x128xf32, #tpu.memory_space<hbm>>
            %dma_wait3A_100 = arith.constant 0 : i32
            %dma_wait3A_101 = tpu.memref_slice %arg7[%add3A_85, %dma_wait3A_100] : memref<10000x128xf32, #tpu.memory_space<hbm>> -> memref<40x128xf32, #tpu.memory_space<hbm>>
            tpu.wait_dma2 semaphore(%run_scoped3A : memref<!tpu.dma_semaphore, #tpu.memory_space<semaphore_mem>>) src(%arg13 : memref<40x128xf32, #tpu.memory_space<vmem>>) dst(%dma_wait3A_101 : memref<40x128xf32, #tpu.memory_space<hbm>>)
            tpu.yield
          }) : () -> ()
        } else {
        }
      }
      %scan3A_79 = arith.constant 16 : i32
    } else {
    }
    %barrier3A = arith.constant 0 : index
    tpu.barrier barrier_id(%barrier3A)
    %scan3A_60 = arith.constant 0 : i32
    %scan3A_61 = arith.constant 0 : i32
    %scan3A_62 = arith.constant 5 : i32
    %scan3A_63 = arith.addi %scan3A_61, %scan3A_62 : i32
    %scan3A_64 = arith.constant 1 : i32
    scf.for %scan3A_74 = %scan3A_61 to %scan3A_63 step %scan3A_64  : i32 {
      %mul3A_75 = arith.constant 16 : i32
      %mul3A_76 = arith.muli %scan3A_74, %mul3A_75 : i32
      %add3A_77 = arith.addi %mul3A_2, %mul3A_76 : i32
      "tpu.region"() ({
        %run_scoped3A = tpu.sem_alloc : memref<!tpu.dma_semaphore, #tpu.memory_space<semaphore_mem>>
        %dma_start3A = arith.constant 0 : i32
        %dma_start3A_100 = tpu.memref_slice %arg4[%add3A_77, %dma_start3A] : memref<2560x125xi32, #tpu.memory_space<hbm>> -> memref<16x125xi32, #tpu.memory_space<hbm>>
        %dma_start3A_101 = arith.constant 0 : i32
        %dma_start3A_102 = tpu.memref_slice %arg4[%add3A_77, %dma_start3A_101] : memref<2560x125xi32, #tpu.memory_space<hbm>> -> memref<16x125xi32, #tpu.memory_space<hbm>>
        tpu.enqueue_dma source(%dma_start3A_102 : memref<16x125xi32, #tpu.memory_space<hbm>>) target(%arg10 : memref<16x125xi32, #tpu.memory_space<vmem>>) target_semaphore(%run_scoped3A : memref<!tpu.dma_semaphore, #tpu.memory_space<semaphore_mem>>)
        %dma_wait3A_103 = arith.constant 0 : i32
        %dma_wait3A_104 = tpu.memref_slice %arg4[%add3A_77, %dma_wait3A_103] : memref<2560x125xi32, #tpu.memory_space<hbm>> -> memref<16x125xi32, #tpu.memory_space<hbm>>
        %dma_wait3A_105 = arith.constant 0 : i32
        %dma_wait3A_106 = tpu.memref_slice %arg4[%add3A_77, %dma_wait3A_105] : memref<2560x125xi32, #tpu.memory_space<hbm>> -> memref<16x125xi32, #tpu.memory_space<hbm>>
        tpu.wait_dma2 semaphore(%run_scoped3A : memref<!tpu.dma_semaphore, #tpu.memory_space<semaphore_mem>>) src(%dma_wait3A_106 : memref<16x125xi32, #tpu.memory_space<hbm>>) dst(%arg10 : memref<16x125xi32, #tpu.memory_space<vmem>>)
        tpu.yield
      }) : () -> ()
      %mul3A_78 = arith.constant 16 : i32
      %mul3A_79 = arith.muli %scan3A_74, %mul3A_78 : i32
      %add3A_80 = arith.addi %mul3A_2, %mul3A_79 : i32
      "tpu.region"() ({
        %run_scoped3A = tpu.sem_alloc : memref<!tpu.dma_semaphore, #tpu.memory_space<semaphore_mem>>
        %dma_start3A = arith.constant 0 : i32
        %dma_start3A_100 = tpu.memref_slice %arg3[%add3A_80, %dma_start3A] : memref<2560x125xi32, #tpu.memory_space<hbm>> -> memref<16x125xi32, #tpu.memory_space<hbm>>
        %dma_start3A_101 = arith.constant 0 : i32
        %dma_start3A_102 = tpu.memref_slice %arg3[%add3A_80, %dma_start3A_101] : memref<2560x125xi32, #tpu.memory_space<hbm>> -> memref<16x125xi32, #tpu.memory_space<hbm>>
        tpu.enqueue_dma source(%dma_start3A_102 : memref<16x125xi32, #tpu.memory_space<hbm>>) target(%arg11 : memref<16x125xi32, #tpu.memory_space<vmem>>) target_semaphore(%run_scoped3A : memref<!tpu.dma_semaphore, #tpu.memory_space<semaphore_mem>>)
        %dma_wait3A_103 = arith.constant 0 : i32
        %dma_wait3A_104 = tpu.memref_slice %arg3[%add3A_80, %dma_wait3A_103] : memref<2560x125xi32, #tpu.memory_space<hbm>> -> memref<16x125xi32, #tpu.memory_space<hbm>>
        %dma_wait3A_105 = arith.constant 0 : i32
        %dma_wait3A_106 = tpu.memref_slice %arg3[%add3A_80, %dma_wait3A_105] : memref<2560x125xi32, #tpu.memory_space<hbm>> -> memref<16x125xi32, #tpu.memory_space<hbm>>
        tpu.wait_dma2 semaphore(%run_scoped3A : memref<!tpu.dma_semaphore, #tpu.memory_space<semaphore_mem>>) src(%dma_wait3A_106 : memref<16x125xi32, #tpu.memory_space<hbm>>) dst(%arg11 : memref<16x125xi32, #tpu.memory_space<vmem>>)
        tpu.yield
      }) : () -> ()
      %scan3A_81 = arith.constant 0 : i32
      %scan3A_82 = arith.constant 0 : i32
      %scan3A_83 = arith.constant 8 : i32
      %scan3A_84 = arith.addi %scan3A_82, %scan3A_83 : i32
      %scan3A_85 = arith.constant 1 : i32
      scf.for %scan3A_100 = %scan3A_82 to %scan3A_84 step %scan3A_85  : i32 {
        %mul3A_101 = arith.constant 2 : i32
        %mul3A_102 = arith.muli %scan3A_100, %mul3A_101 : i32
        %gt3A = arith.constant 0 : i32
        %gt3A_103 = arith.cmpi sgt, %scan3A_100, %gt3A : i32
        %convert_element_type3A_104 = arith.extui %gt3A_103 : i1 to i32
        %cond3A_105 = arith.constant 0 : i32
        %cond3A_106 = arith.cmpi ne, %convert_element_type3A_104, %cond3A_105 : i32
        scf.if %cond3A_106 {
          %add3A_159 = arith.constant 0 : i32
          %add3A_160 = arith.addi %mul3A_102, %add3A_159 : i32
          %dma_wait3A_161 = arith.constant 0 : i32
          %dma_wait3A_162 = tpu.memref_slice %arg11[%add3A_160, %dma_wait3A_161] : memref<16x125xi32, #tpu.memory_space<vmem>> -> memref<1x125xi32, #tpu.memory_space<vmem>>
          %dma_wait3A_163 = tpu.memref_squeeze %dma_wait3A_162 : memref<1x125xi32, #tpu.memory_space<vmem>> -> memref<125xi32, #tpu.memory_space<vmem>>
          %dma_wait3A_164 = arith.constant 0 : i32
          %dma_wait3A_165 = arith.constant 0 : i32
          %dma_wait3A_166 = tpu.memref_slice %arg9[%dma_wait3A_164, %dma_wait3A_165] : memref<10000x128xf32, #tpu.memory_space<vmem_shared>> -> memref<10000x128xf32, #tpu.memory_space<vmem_shared>>
          tpu.wait_indirect_dma semaphore(%arg20 : memref<!tpu.dma_semaphore, #tpu.memory_space<semaphore_mem>>) src(%arg14 : memref<125x128xf32, #tpu.memory_space<vmem>>) dst(%dma_wait3A_166 : memref<10000x128xf32, #tpu.memory_space<vmem_shared>>)
        } else {
        }
        %add3A_107 = arith.constant 0 : i32
        %add3A_108 = arith.addi %mul3A_102, %add3A_107 : i32
        %dma_start3A = arith.constant 0 : i32
        %dma_start3A_109 = tpu.memref_slice %arg10[%add3A_108, %dma_start3A] : memref<16x125xi32, #tpu.memory_space<vmem>> -> memref<1x125xi32, #tpu.memory_space<vmem>>
        %dma_start3A_110 = tpu.memref_squeeze %dma_start3A_109 : memref<1x125xi32, #tpu.memory_space<vmem>> -> memref<125xi32, #tpu.memory_space<vmem>>
        %dma_start3A_111 = arith.constant 0 : i32
        %dma_start3A_112 = arith.constant 0 : i32
        %dma_start3A_113 = tpu.memref_slice %arg6[%dma_start3A_111, %dma_start3A_112] : memref<64x128xf32, #tpu.memory_space<hbm>> -> memref<64x128xf32, #tpu.memory_space<hbm>>
        tpu.enqueue_indirect_dma source(%dma_start3A_113 : memref<64x128xf32, #tpu.memory_space<hbm>>) target(%arg14 : memref<125x128xf32, #tpu.memory_space<vmem>>) offsets(%dma_start3A_110 : memref<125xi32, #tpu.memory_space<vmem>>) semaphore(%arg18 : memref<!tpu.dma_semaphore, #tpu.memory_space<semaphore_mem>>)
        %gt3A_114 = arith.constant 0 : i32
        %gt3A_115 = arith.cmpi sgt, %scan3A_100, %gt3A_114 : i32
        %convert_element_type3A_116 = arith.extui %gt3A_115 : i1 to i32
        %cond3A_117 = arith.constant 0 : i32
        %cond3A_118 = arith.cmpi ne, %convert_element_type3A_116, %cond3A_117 : i32
        scf.if %cond3A_118 {
          %add3A_159 = arith.constant 1 : i32
          %add3A_160 = arith.addi %mul3A_102, %add3A_159 : i32
          %dma_wait3A_161 = arith.constant 0 : i32
          %dma_wait3A_162 = tpu.memref_slice %arg11[%add3A_160, %dma_wait3A_161] : memref<16x125xi32, #tpu.memory_space<vmem>> -> memref<1x125xi32, #tpu.memory_space<vmem>>
          %dma_wait3A_163 = tpu.memref_squeeze %dma_wait3A_162 : memref<1x125xi32, #tpu.memory_space<vmem>> -> memref<125xi32, #tpu.memory_space<vmem>>
          %dma_wait3A_164 = arith.constant 0 : i32
          %dma_wait3A_165 = arith.constant 0 : i32
          %dma_wait3A_166 = tpu.memref_slice %arg9[%dma_wait3A_164, %dma_wait3A_165] : memref<10000x128xf32, #tpu.memory_space<vmem_shared>> -> memref<10000x128xf32, #tpu.memory_space<vmem_shared>>
          tpu.wait_indirect_dma semaphore(%arg21 : memref<!tpu.dma_semaphore, #tpu.memory_space<semaphore_mem>>) src(%arg15 : memref<125x128xf32, #tpu.memory_space<vmem>>) dst(%dma_wait3A_166 : memref<10000x128xf32, #tpu.memory_space<vmem_shared>>)
        } else {
        }
        %add3A_119 = arith.constant 1 : i32
        %add3A_120 = arith.addi %mul3A_102, %add3A_119 : i32
        %dma_start3A_121 = arith.constant 0 : i32
        %dma_start3A_122 = tpu.memref_slice %arg10[%add3A_120, %dma_start3A_121] : memref<16x125xi32, #tpu.memory_space<vmem>> -> memref<1x125xi32, #tpu.memory_space<vmem>>
        %dma_start3A_123 = tpu.memref_squeeze %dma_start3A_122 : memref<1x125xi32, #tpu.memory_space<vmem>> -> memref<125xi32, #tpu.memory_space<vmem>>
        %dma_start3A_124 = arith.constant 0 : i32
        %dma_start3A_125 = arith.constant 0 : i32
        %dma_start3A_126 = tpu.memref_slice %arg6[%dma_start3A_124, %dma_start3A_125] : memref<64x128xf32, #tpu.memory_space<hbm>> -> memref<64x128xf32, #tpu.memory_space<hbm>>
        tpu.enqueue_indirect_dma source(%dma_start3A_126 : memref<64x128xf32, #tpu.memory_space<hbm>>) target(%arg15 : memref<125x128xf32, #tpu.memory_space<vmem>>) offsets(%dma_start3A_123 : memref<125xi32, #tpu.memory_space<vmem>>) semaphore(%arg19 : memref<!tpu.dma_semaphore, #tpu.memory_space<semaphore_mem>>)
        %add3A_127 = arith.constant 0 : i32
        %add3A_128 = arith.addi %mul3A_102, %add3A_127 : i32
        %dma_wait3A_129 = arith.constant 0 : i32
        %dma_wait3A_130 = tpu.memref_slice %arg10[%add3A_128, %dma_wait3A_129] : memref<16x125xi32, #tpu.memory_space<vmem>> -> memref<1x125xi32, #tpu.memory_space<vmem>>
        %dma_wait3A_131 = tpu.memref_squeeze %dma_wait3A_130 : memref<1x125xi32, #tpu.memory_space<vmem>> -> memref<125xi32, #tpu.memory_space<vmem>>
        %dma_wait3A_132 = arith.constant 0 : i32
        %dma_wait3A_133 = arith.constant 0 : i32
        %dma_wait3A_134 = tpu.memref_slice %arg6[%dma_wait3A_132, %dma_wait3A_133] : memref<64x128xf32, #tpu.memory_space<hbm>> -> memref<64x128xf32, #tpu.memory_space<hbm>>
        tpu.wait_indirect_dma semaphore(%arg18 : memref<!tpu.dma_semaphore, #tpu.memory_space<semaphore_mem>>) src(%dma_wait3A_134 : memref<64x128xf32, #tpu.memory_space<hbm>>) dst(%arg14 : memref<125x128xf32, #tpu.memory_space<vmem>>)
        %add3A_135 = arith.constant 0 : i32
        %add3A_136 = arith.addi %mul3A_102, %add3A_135 : i32
        %dma_start3A_137 = arith.constant 0 : i32
        %dma_start3A_138 = tpu.memref_slice %arg11[%add3A_136, %dma_start3A_137] : memref<16x125xi32, #tpu.memory_space<vmem>> -> memref<1x125xi32, #tpu.memory_space<vmem>>
        %dma_start3A_139 = tpu.memref_squeeze %dma_start3A_138 : memref<1x125xi32, #tpu.memory_space<vmem>> -> memref<125xi32, #tpu.memory_space<vmem>>
        %dma_start3A_140 = arith.constant 0 : i32
        %dma_start3A_141 = arith.constant 0 : i32
        %dma_start3A_142 = tpu.memref_slice %arg9[%dma_start3A_140, %dma_start3A_141] : memref<10000x128xf32, #tpu.memory_space<vmem_shared>> -> memref<10000x128xf32, #tpu.memory_space<vmem_shared>>
        tpu.enqueue_indirect_dma source(%arg14 : memref<125x128xf32, #tpu.memory_space<vmem>>) target(%dma_start3A_142 : memref<10000x128xf32, #tpu.memory_space<vmem_shared>>) offsets(%dma_start3A_139 : memref<125xi32, #tpu.memory_space<vmem>>) semaphore(%arg20 : memref<!tpu.dma_semaphore, #tpu.memory_space<semaphore_mem>>) {add = true}
        %add3A_143 = arith.constant 1 : i32
        %add3A_144 = arith.addi %mul3A_102, %add3A_143 : i32
        %dma_wait3A_145 = arith.constant 0 : i32
        %dma_wait3A_146 = tpu.memref_slice %arg10[%add3A_144, %dma_wait3A_145] : memref<16x125xi32, #tpu.memory_space<vmem>> -> memref<1x125xi32, #tpu.memory_space<vmem>>
        %dma_wait3A_147 = tpu.memref_squeeze %dma_wait3A_146 : memref<1x125xi32, #tpu.memory_space<vmem>> -> memref<125xi32, #tpu.memory_space<vmem>>
        %dma_wait3A_148 = arith.constant 0 : i32
        %dma_wait3A_149 = arith.constant 0 : i32
        %dma_wait3A_150 = tpu.memref_slice %arg6[%dma_wait3A_148, %dma_wait3A_149] : memref<64x128xf32, #tpu.memory_space<hbm>> -> memref<64x128xf32, #tpu.memory_space<hbm>>
        tpu.wait_indirect_dma semaphore(%arg19 : memref<!tpu.dma_semaphore, #tpu.memory_space<semaphore_mem>>) src(%dma_wait3A_150 : memref<64x128xf32, #tpu.memory_space<hbm>>) dst(%arg15 : memref<125x128xf32, #tpu.memory_space<vmem>>)
        %add3A_151 = arith.constant 1 : i32
        %add3A_152 = arith.addi %mul3A_102, %add3A_151 : i32
        %dma_start3A_153 = arith.constant 0 : i32
        %dma_start3A_154 = tpu.memref_slice %arg11[%add3A_152, %dma_start3A_153] : memref<16x125xi32, #tpu.memory_space<vmem>> -> memref<1x125xi32, #tpu.memory_space<vmem>>
        %dma_start3A_155 = tpu.memref_squeeze %dma_start3A_154 : memref<1x125xi32, #tpu.memory_space<vmem>> -> memref<125xi32, #tpu.memory_space<vmem>>
        %dma_start3A_156 = arith.constant 0 : i32
        %dma_start3A_157 = arith.constant 0 : i32
        %dma_start3A_158 = tpu.memref_slice %arg9[%dma_start3A_156, %dma_start3A_157] : memref<10000x128xf32, #tpu.memory_space<vmem_shared>> -> memref<10000x128xf32, #tpu.memory_space<vmem_shared>>
        tpu.enqueue_indirect_dma source(%arg15 : memref<125x128xf32, #tpu.memory_space<vmem>>) target(%dma_start3A_158 : memref<10000x128xf32, #tpu.memory_space<vmem_shared>>) offsets(%dma_start3A_155 : memref<125xi32, #tpu.memory_space<vmem>>) semaphore(%arg21 : memref<!tpu.dma_semaphore, #tpu.memory_space<semaphore_mem>>) {add = true}
      }
      %scan3A_86 = arith.constant 8 : i32
      %dma_wait3A = arith.constant 0 : i32
      %dma_wait3A_87 = arith.constant 0 : i32
      %dma_wait3A_88 = tpu.memref_slice %arg11[%dma_wait3A, %dma_wait3A_87] : memref<16x125xi32, #tpu.memory_space<vmem>> -> memref<1x125xi32, #tpu.memory_space<vmem>>
      %dma_wait3A_89 = tpu.memref_squeeze %dma_wait3A_88 : memref<1x125xi32, #tpu.memory_space<vmem>> -> memref<125xi32, #tpu.memory_space<vmem>>
      %dma_wait3A_90 = arith.constant 0 : i32
      %dma_wait3A_91 = arith.constant 0 : i32
      %dma_wait3A_92 = tpu.memref_slice %arg9[%dma_wait3A_90, %dma_wait3A_91] : memref<10000x128xf32, #tpu.memory_space<vmem_shared>> -> memref<10000x128xf32, #tpu.memory_space<vmem_shared>>
      tpu.wait_indirect_dma semaphore(%arg20 : memref<!tpu.dma_semaphore, #tpu.memory_space<semaphore_mem>>) src(%arg14 : memref<125x128xf32, #tpu.memory_space<vmem>>) dst(%dma_wait3A_92 : memref<10000x128xf32, #tpu.memory_space<vmem_shared>>)
      %dma_wait3A_93 = arith.constant 0 : i32
      %dma_wait3A_94 = arith.constant 0 : i32
      %dma_wait3A_95 = tpu.memref_slice %arg11[%dma_wait3A_93, %dma_wait3A_94] : memref<16x125xi32, #tpu.memory_space<vmem>> -> memref<1x125xi32, #tpu.memory_space<vmem>>
      %dma_wait3A_96 = tpu.memref_squeeze %dma_wait3A_95 : memref<1x125xi32, #tpu.memory_space<vmem>> -> memref<125xi32, #tpu.memory_space<vmem>>
      %dma_wait3A_97 = arith.constant 0 : i32
      %dma_wait3A_98 = arith.constant 0 : i32
      %dma_wait3A_99 = tpu.memref_slice %arg9[%dma_wait3A_97, %dma_wait3A_98] : memref<10000x128xf32, #tpu.memory_space<vmem_shared>> -> memref<10000x128xf32, #tpu.memory_space<vmem_shared>>
      tpu.wait_indirect_dma semaphore(%arg21 : memref<!tpu.dma_semaphore, #tpu.memory_space<semaphore_mem>>) src(%arg15 : memref<125x128xf32, #tpu.memory_space<vmem>>) dst(%dma_wait3A_99 : memref<10000x128xf32, #tpu.memory_space<vmem_shared>>)
    }
    %scan3A_65 = arith.constant 5 : i32
    %barrier3A_66 = arith.constant 0 : index
    tpu.barrier barrier_id(%barrier3A_66)
    %mul3A_67 = arith.constant 624 : i32
    %mul3A_68 = arith.muli %arg1, %mul3A_67 : i32
    %mul3A_69 = arith.constant 10000 : i32
    %mul3A_70 = arith.muli %arg0, %mul3A_69 : i32
    %mul3A_71 = arith.constant 624 : i32
    %mul3A_72 = arith.muli %arg1, %mul3A_71 : i32
    %add3A_73 = arith.addi %mul3A_70, %mul3A_72 : i32
    "tpu.region"() ({
      %run_scoped3A = tpu.sem_alloc : memref<!tpu.dma_semaphore, #tpu.memory_space<semaphore_mem>>
      %dma_start3A = arith.constant 0 : i32
      %dma_start3A_74 = tpu.memref_slice %arg8[%add3A_73, %dma_start3A] : memref<20000x128xf32, #tpu.memory_space<hbm>> -> memref<624x128xf32, #tpu.memory_space<hbm>>
      %dma_start3A_75 = arith.constant 0 : i32
      %dma_start3A_76 = tpu.memref_slice %arg9[%mul3A_68, %dma_start3A_75] : memref<10000x128xf32, #tpu.memory_space<vmem_shared>> -> memref<624x128xf32, #tpu.memory_space<vmem_shared>>
      tpu.enqueue_dma source(%dma_start3A_76 : memref<624x128xf32, #tpu.memory_space<vmem_shared>>) target(%dma_start3A_74 : memref<624x128xf32, #tpu.memory_space<hbm>>) target_semaphore(%run_scoped3A : memref<!tpu.dma_semaphore, #tpu.memory_space<semaphore_mem>>)
      %dma_wait3A = arith.constant 0 : i32
      %dma_wait3A_77 = tpu.memref_slice %arg8[%add3A_73, %dma_wait3A] : memref<20000x128xf32, #tpu.memory_space<hbm>> -> memref<624x128xf32, #tpu.memory_space<hbm>>
      %dma_wait3A_78 = arith.constant 0 : i32
      %dma_wait3A_79 = tpu.memref_slice %arg9[%mul3A_68, %dma_wait3A_78] : memref<10000x128xf32, #tpu.memory_space<vmem_shared>> -> memref<624x128xf32, #tpu.memory_space<vmem_shared>>
      tpu.wait_dma2 semaphore(%run_scoped3A : memref<!tpu.dma_semaphore, #tpu.memory_space<semaphore_mem>>) src(%dma_wait3A_79 : memref<624x128xf32, #tpu.memory_space<vmem_shared>>) dst(%dma_wait3A_77 : memref<624x128xf32, #tpu.memory_space<hbm>>)
      tpu.yield
    }) : () -> ()
    return
  }
}

module attributes {stable_mosaic.version = 14 : i64} {
  func.func @_tc_layer1_body(%arg0: i32, %arg1: memref<1000x128xf32, #tpu.memory_space<vmem>>, %arg2: memref<1000x128xf32, #tpu.memory_space<vmem>>, %arg3: memref<1000x128xf32, #tpu.memory_space<vmem>>, %arg4: memref<1000x128xf32, #tpu.memory_space<vmem>>, %arg5: memref<1000x128xf32, #tpu.memory_space<vmem>>, %arg6: memref<128x256xf32, #tpu.memory_space<vmem>>, %arg7: memref<16x256xf32, #tpu.memory_space<vmem>>, %arg8: memref<1x256xf32, #tpu.memory_space<vmem>>, %arg9: memref<1x16xf32, #tpu.memory_space<vmem>>, %arg10: memref<1000x256xf32, #tpu.memory_space<vmem>>) attributes {dimension_semantics = [#tpu.dimension_semantics<arbitrary>], iteration_bounds = array<i64: 10>, scalar_prefetch = 0 : i64, scratch_operands = 0 : i64, tpu.core_type = #tpu.core_type<tc>, window_params = [{transform_indices = @transform_0, window_bounds = array<i64: 1000, 128>}, {transform_indices = @transform_1, window_bounds = array<i64: 1000, 128>}, {transform_indices = @transform_2, window_bounds = array<i64: 1000, 128>}, {transform_indices = @transform_3, window_bounds = array<i64: 1000, 128>}, {transform_indices = @transform_4, window_bounds = array<i64: 1000, 128>}, {pipeline_mode = #tpu.pipeline_mode<synchronous>, transform_indices = @transform_5, window_bounds = array<i64: 128, 256>}, {pipeline_mode = #tpu.pipeline_mode<synchronous>, transform_indices = @transform_6, window_bounds = array<i64: 16, 256>}, {pipeline_mode = #tpu.pipeline_mode<synchronous>, transform_indices = @transform_7, window_bounds = array<i64: 1, 256>}, {pipeline_mode = #tpu.pipeline_mode<synchronous>, transform_indices = @transform_8, window_bounds = array<i64: 1, 16>}, {transform_indices = @transform_9, window_bounds = array<i64: 1000, 256>}]} {
    %get3A = arith.constant 0 : index
    %get3A_0 = arith.constant 0 : index
    %get3A_1 = vector.load %arg4[%get3A, %get3A_0] : memref<1000x128xf32, #tpu.memory_space<vmem>>, vector<1000x128xf32>
    %get3A_2 = arith.constant 0 : index
    %get3A_3 = arith.constant 0 : index
    %get3A_4 = vector.load %arg5[%get3A_2, %get3A_3] : memref<1000x128xf32, #tpu.memory_space<vmem>>, vector<1000x128xf32>
    %add3A = arith.addf %get3A_1, %get3A_4 : vector<1000x128xf32>
    %slice3A = vector.extract_strided_slice %add3A {offsets = [0, 0], sizes = [1000, 16], strides = [1, 1]} : vector<1000x128xf32> to vector<1000x16xf32>
    %get3A_5 = arith.constant 0 : index
    %get3A_6 = arith.constant 0 : index
    %get3A_7 = vector.load %arg9[%get3A_5, %get3A_6] : memref<1x16xf32, #tpu.memory_space<vmem>>, vector<1x16xf32>
    %add3A_8 = vector.broadcast %get3A_7 : vector<1x16xf32> to vector<1000x16xf32>
    %add3A_9 = arith.addf %slice3A, %add3A_8 : vector<1000x16xf32>
    %slice3A_10 = vector.extract_strided_slice %add3A {offsets = [0, 16], sizes = [1000, 1], strides = [1, 1]} : vector<1000x128xf32> to vector<1000x1xf32>
    %add3A_11 = arith.constant 1.000000e+00 : f32
    %add3A_12 = vector.broadcast %add3A_11 : f32 to vector<1000x1xf32>
    %add3A_13 = arith.addf %slice3A_10, %add3A_12 : vector<1000x1xf32>
    %get3A_14 = arith.constant 0 : index
    %get3A_15 = arith.constant 0 : index
    %get3A_16 = vector.load %arg2[%get3A_14, %get3A_15] : memref<1000x128xf32, #tpu.memory_space<vmem>>, vector<1000x128xf32>
    %get3A_17 = arith.constant 0 : index
    %get3A_18 = arith.constant 0 : index
    %get3A_19 = vector.load %arg3[%get3A_17, %get3A_18] : memref<1000x128xf32, #tpu.memory_space<vmem>>, vector<1000x128xf32>
    %add3A_20 = arith.addf %get3A_16, %get3A_19 : vector<1000x128xf32>
    %get3A_21 = arith.constant 0 : index
    %get3A_22 = arith.constant 0 : index
    %get3A_23 = vector.load %arg1[%get3A_21, %get3A_22] : memref<1000x128xf32, #tpu.memory_space<vmem>>, vector<1000x128xf32>
    %add3A_24 = arith.addf %add3A_20, %get3A_23 : vector<1000x128xf32>
    %get3A_25 = arith.constant 0 : index
    %get3A_26 = arith.constant 0 : index
    %get3A_27 = vector.load %arg6[%get3A_25, %get3A_26] : memref<128x256xf32, #tpu.memory_space<vmem>>, vector<128x256xf32>
    %dot_general3A = arith.constant dense<0.000000e+00> : vector<1000x256xf32>
    %dot_general3A_28 = tpu.matmul %add3A_24, %get3A_27, %dot_general3A {dimension_numbers = #tpu.dot_dimension_numbers<[1], [0], [0], [1], [0, 0, 1, 1], [], []>, transpose_lhs_hint = false} : vector<1000x128xf32>, vector<128x256xf32>, vector<1000x256xf32> -> vector<1000x256xf32>
    %get3A_29 = arith.constant 0 : index
    %get3A_30 = arith.constant 0 : index
    %get3A_31 = vector.load %arg7[%get3A_29, %get3A_30] : memref<16x256xf32, #tpu.memory_space<vmem>>, vector<16x256xf32>
    %dot_general3A_32 = arith.constant dense<0.000000e+00> : vector<1000x256xf32>
    %dot_general3A_33 = tpu.matmul %add3A_9, %get3A_31, %dot_general3A_32 {dimension_numbers = #tpu.dot_dimension_numbers<[1], [0], [0], [1], [0, 0, 1, 1], [], []>, transpose_lhs_hint = false} : vector<1000x16xf32>, vector<16x256xf32>, vector<1000x256xf32> -> vector<1000x256xf32>
    %add3A_34 = arith.addf %dot_general3A_28, %dot_general3A_33 : vector<1000x256xf32>
    %div3A = vector.broadcast %add3A_13 : vector<1000x1xf32> to vector<1000x256xf32>
    %div3A_35 = arith.divf %add3A_34, %div3A : vector<1000x256xf32>
    %get3A_36 = arith.constant 0 : index
    %get3A_37 = arith.constant 0 : index
    %get3A_38 = vector.load %arg8[%get3A_36, %get3A_37] : memref<1x256xf32, #tpu.memory_space<vmem>>, vector<1x256xf32>
    %add3A_39 = vector.broadcast %get3A_38 : vector<1x256xf32> to vector<1000x256xf32>
    %add3A_40 = arith.addf %div3A_35, %add3A_39 : vector<1000x256xf32>
    %jit3A = arith.constant 0.000000e+00 : f32
    %jit3A_41 = arith.constant 6.000000e+00 : f32
    %max3A = vector.broadcast %jit3A : f32 to vector<1000x256xf32>
    %max3A_42 = arith.maximumf %max3A, %add3A_40 : vector<1000x256xf32>
    %min3A = vector.broadcast %jit3A_41 : f32 to vector<1000x256xf32>
    %min3A_43 = arith.minimumf %min3A, %max3A_42 : vector<1000x256xf32>
    %swap3A = arith.constant 0 : index
    %swap3A_44 = arith.constant 0 : index
    %swap3A_45 = vector.load %arg10[%swap3A, %swap3A_44] : memref<1000x256xf32, #tpu.memory_space<vmem>>, vector<1000x256xf32>
    tpu.vector_store %arg10[%swap3A, %swap3A_44], %min3A_43 {strides = array<i32>} : memref<1000x256xf32, #tpu.memory_space<vmem>>, vector<1000x256xf32>,
    return
  }
  func.func @transform_0(%arg0: i32) -> (i32, i32) {
    %c0_i32 = arith.constant 0 : i32
    %c0_i32_0 = arith.constant 0 : i32
    return %arg0, %c0_i32 : i32, i32
  }
  func.func @transform_1(%arg0: i32) -> (i32, i32) {
    %c0_i32 = arith.constant 0 : i32
    %c0_i32_0 = arith.constant 0 : i32
    return %arg0, %c0_i32 : i32, i32
  }
  func.func @transform_2(%arg0: i32) -> (i32, i32) {
    %c0_i32 = arith.constant 0 : i32
    %c0_i32_0 = arith.constant 0 : i32
    return %arg0, %c0_i32 : i32, i32
  }
  func.func @transform_3(%arg0: i32) -> (i32, i32) {
    %c0_i32 = arith.constant 0 : i32
    %c0_i32_0 = arith.constant 0 : i32
    return %arg0, %c0_i32 : i32, i32
  }
  func.func @transform_4(%arg0: i32) -> (i32, i32) {
    %c0_i32 = arith.constant 0 : i32
    %c0_i32_0 = arith.constant 0 : i32
    return %arg0, %c0_i32 : i32, i32
  }
  func.func @transform_5(%arg0: i32) -> (i32, i32) {
    %c0_i32 = arith.constant 0 : i32
    %c0_i32_0 = arith.constant 0 : i32
    %c0_i32_1 = arith.constant 0 : i32
    return %c0_i32, %c0_i32_0 : i32, i32
  }
  func.func @transform_6(%arg0: i32) -> (i32, i32) {
    %c0_i32 = arith.constant 0 : i32
    %c0_i32_0 = arith.constant 0 : i32
    %c0_i32_1 = arith.constant 0 : i32
    return %c0_i32, %c0_i32_0 : i32, i32
  }
  func.func @transform_7(%arg0: i32) -> (i32, i32) {
    %c0_i32 = arith.constant 0 : i32
    %c0_i32_0 = arith.constant 0 : i32
    %c0_i32_1 = arith.constant 0 : i32
    return %c0_i32, %c0_i32_0 : i32, i32
  }
  func.func @transform_8(%arg0: i32) -> (i32, i32) {
    %c0_i32 = arith.constant 0 : i32
    %c0_i32_0 = arith.constant 0 : i32
    %c0_i32_1 = arith.constant 0 : i32
    return %c0_i32, %c0_i32_0 : i32, i32
  }
  func.func @transform_9(%arg0: i32) -> (i32, i32) {
    %c0_i32 = arith.constant 0 : i32
    %c0_i32_0 = arith.constant 0 : i32
    return %arg0, %c0_i32 : i32, i32
  }
}

module attributes {stable_mosaic.version = 14 : i64} {
  func.func @_tc_layer2_body(%arg0: i32, %arg1: memref<1000x256xf32, #tpu.memory_space<vmem>>, %arg2: memref<1000x128xf32, #tpu.memory_space<vmem>>, %arg3: memref<1000x128xf32, #tpu.memory_space<vmem>>, %arg4: memref<1000x128xf32, #tpu.memory_space<vmem>>, %arg5: memref<1000x128xf32, #tpu.memory_space<vmem>>, %arg6: memref<1000x1xi32, #tpu.memory_space<vmem>>, %arg7: memref<128x128xf32, #tpu.memory_space<vmem>>, %arg8: memref<128x128xf32, #tpu.memory_space<vmem>>, %arg9: memref<16x128xf32, #tpu.memory_space<vmem>>, %arg10: memref<1x128xf32, #tpu.memory_space<vmem>>, %arg11: memref<1x16xf32, #tpu.memory_space<vmem>>, %arg12: memref<64x128xf32, #tpu.memory_space<vmem>>, %arg13: memref<64x128xf32, #tpu.memory_space<vmem>>, %arg14: memref<64x128xf32, #tpu.memory_space<vmem>>) attributes {dimension_semantics = [#tpu.dimension_semantics<arbitrary>], iteration_bounds = array<i64: 10>, scalar_prefetch = 0 : i64, scratch_operands = 2 : i64, tpu.core_type = #tpu.core_type<tc>, window_params = [{transform_indices = @transform_0, window_bounds = array<i64: 1000, 256>}, {transform_indices = @transform_1, window_bounds = array<i64: 1000, 128>}, {transform_indices = @transform_2, window_bounds = array<i64: 1000, 128>}, {transform_indices = @transform_3, window_bounds = array<i64: 1000, 128>}, {transform_indices = @transform_4, window_bounds = array<i64: 1000, 128>}, {transform_indices = @transform_5, window_bounds = array<i64: 1000, 1>}, {pipeline_mode = #tpu.pipeline_mode<synchronous>, transform_indices = @transform_6, window_bounds = array<i64: 128, 128>}, {pipeline_mode = #tpu.pipeline_mode<synchronous>, transform_indices = @transform_7, window_bounds = array<i64: 128, 128>}, {pipeline_mode = #tpu.pipeline_mode<synchronous>, transform_indices = @transform_8, window_bounds = array<i64: 16, 128>}, {pipeline_mode = #tpu.pipeline_mode<synchronous>, transform_indices = @transform_9, window_bounds = array<i64: 1, 128>}, {pipeline_mode = #tpu.pipeline_mode<synchronous>, transform_indices = @transform_10, window_bounds = array<i64: 1, 16>}, {pipeline_mode = #tpu.pipeline_mode<synchronous>, transform_indices = @transform_11, window_bounds = array<i64: 64, 128>}]} {
    %get3A = arith.constant 0 : index
    %get3A_0 = arith.constant 0 : index
    %get3A_1 = vector.load %arg4[%get3A, %get3A_0] : memref<1000x128xf32, #tpu.memory_space<vmem>>, vector<1000x128xf32>
    %get3A_2 = arith.constant 0 : index
    %get3A_3 = arith.constant 0 : index
    %get3A_4 = vector.load %arg5[%get3A_2, %get3A_3] : memref<1000x128xf32, #tpu.memory_space<vmem>>, vector<1000x128xf32>
    %add3A = arith.addf %get3A_1, %get3A_4 : vector<1000x128xf32>
    %slice3A = vector.extract_strided_slice %add3A {offsets = [0, 0], sizes = [1000, 16], strides = [1, 1]} : vector<1000x128xf32> to vector<1000x16xf32>
    %get3A_5 = arith.constant 0 : index
    %get3A_6 = arith.constant 0 : index
    %get3A_7 = vector.load %arg11[%get3A_5, %get3A_6] : memref<1x16xf32, #tpu.memory_space<vmem>>, vector<1x16xf32>
    %add3A_8 = vector.broadcast %get3A_7 : vector<1x16xf32> to vector<1000x16xf32>
    %add3A_9 = arith.addf %slice3A, %add3A_8 : vector<1000x16xf32>
    %slice3A_10 = vector.extract_strided_slice %add3A {offsets = [0, 16], sizes = [1000, 1], strides = [1, 1]} : vector<1000x128xf32> to vector<1000x1xf32>
    %add3A_11 = arith.constant 1.000000e+00 : f32
    %add3A_12 = vector.broadcast %add3A_11 : f32 to vector<1000x1xf32>
    %add3A_13 = arith.addf %slice3A_10, %add3A_12 : vector<1000x1xf32>
    %get3A_14 = arith.constant 0 : index
    %get3A_15 = arith.constant 0 : index
    %get3A_16 = vector.load %arg1[%get3A_14, %get3A_15] : memref<1000x256xf32, #tpu.memory_space<vmem>>, vector<1000x256xf32>
    %get3A_17 = arith.constant 0 : index
    %get3A_18 = arith.constant 0 : index
    %get3A_19 = vector.load %arg2[%get3A_17, %get3A_18] : memref<1000x128xf32, #tpu.memory_space<vmem>>, vector<1000x128xf32>
    %slice3A_20 = vector.extract_strided_slice %get3A_16 {offsets = [0, 0], sizes = [1000, 128], strides = [1, 1]} : vector<1000x256xf32> to vector<1000x128xf32>
    %add3A_21 = arith.addf %get3A_19, %slice3A_20 : vector<1000x128xf32>
    %get3A_22 = arith.constant 0 : index
    %get3A_23 = arith.constant 0 : index
    %get3A_24 = vector.load %arg7[%get3A_22, %get3A_23] : memref<128x128xf32, #tpu.memory_space<vmem>>, vector<128x128xf32>
    %dot_general3A = arith.constant dense<0.000000e+00> : vector<1000x128xf32>
    %dot_general3A_25 = tpu.matmul %add3A_21, %get3A_24, %dot_general3A {dimension_numbers = #tpu.dot_dimension_numbers<[1], [0], [0], [1], [0, 0, 1, 1], [], []>, transpose_lhs_hint = false} : vector<1000x128xf32>, vector<128x128xf32>, vector<1000x128xf32> -> vector<1000x128xf32>
    %get3A_26 = arith.constant 0 : index
    %get3A_27 = arith.constant 0 : index
    %get3A_28 = vector.load %arg3[%get3A_26, %get3A_27] : memref<1000x128xf32, #tpu.memory_space<vmem>>, vector<1000x128xf32>
    %slice3A_29 = vector.extract_strided_slice %get3A_16 {offsets = [0, 128], sizes = [1000, 128], strides = [1, 1]} : vector<1000x256xf32> to vector<1000x128xf32>
    %add3A_30 = arith.addf %get3A_28, %slice3A_29 : vector<1000x128xf32>
    %get3A_31 = arith.constant 0 : index
    %get3A_32 = arith.constant 0 : index
    %get3A_33 = vector.load %arg8[%get3A_31, %get3A_32] : memref<128x128xf32, #tpu.memory_space<vmem>>, vector<128x128xf32>
    %dot_general3A_34 = arith.constant dense<0.000000e+00> : vector<1000x128xf32>
    %dot_general3A_35 = tpu.matmul %add3A_30, %get3A_33, %dot_general3A_34 {dimension_numbers = #tpu.dot_dimension_numbers<[1], [0], [0], [1], [0, 0, 1, 1], [], []>, transpose_lhs_hint = false} : vector<1000x128xf32>, vector<128x128xf32>, vector<1000x128xf32> -> vector<1000x128xf32>
    %add3A_36 = arith.addf %dot_general3A_25, %dot_general3A_35 : vector<1000x128xf32>
    %get3A_37 = arith.constant 0 : index
    %get3A_38 = arith.constant 0 : index
    %get3A_39 = vector.load %arg9[%get3A_37, %get3A_38] : memref<16x128xf32, #tpu.memory_space<vmem>>, vector<16x128xf32>
    %dot_general3A_40 = arith.constant dense<0.000000e+00> : vector<1000x128xf32>
    %dot_general3A_41 = tpu.matmul %add3A_9, %get3A_39, %dot_general3A_40 {dimension_numbers = #tpu.dot_dimension_numbers<[1], [0], [0], [1], [0, 0, 1, 1], [], []>, transpose_lhs_hint = false} : vector<1000x16xf32>, vector<16x128xf32>, vector<1000x128xf32> -> vector<1000x128xf32>
    %add3A_42 = arith.addf %add3A_36, %dot_general3A_41 : vector<1000x128xf32>
    %div3A = vector.broadcast %add3A_13 : vector<1000x1xf32> to vector<1000x128xf32>
    %div3A_43 = arith.divf %add3A_42, %div3A : vector<1000x128xf32>
    %get3A_44 = arith.constant 0 : index
    %get3A_45 = arith.constant 0 : index
    %get3A_46 = vector.load %arg10[%get3A_44, %get3A_45] : memref<1x128xf32, #tpu.memory_space<vmem>>, vector<1x128xf32>
    %add3A_47 = vector.broadcast %get3A_46 : vector<1x128xf32> to vector<1000x128xf32>
    %add3A_48 = arith.addf %div3A_43, %add3A_47 : vector<1000x128xf32>
    %max3A = arith.constant 0.000000e+00 : f32
    %max3A_49 = vector.broadcast %max3A : f32 to vector<1000x128xf32>
    %max3A_50 = arith.maximumf %add3A_48, %max3A_49 : vector<1000x128xf32>
    %iota3A = tpu.iota {dimensions = array<i32: 1>} : vector<1x64xi32>
    %get3A_51 = arith.constant 0 : index
    %get3A_52 = arith.constant 0 : index
    %get3A_53 = vector.load %arg6[%get3A_51, %get3A_52] : memref<1000x1xi32, #tpu.memory_space<vmem>>, vector<1000x1xi32>
    %eq3A = vector.broadcast %get3A_53 : vector<1000x1xi32> to vector<1000x64xi32>
    %eq3A_54 = vector.broadcast %iota3A : vector<1x64xi32> to vector<1000x64xi32>
    %eq3A_55 = arith.cmpi eq, %eq3A, %eq3A_54 : vector<1000x64xi32>
    %convert_element_type3A = arith.extui %eq3A_55 : vector<1000x64xi1> to vector<1000x64xi32>
    %convert_element_type3A_56 = arith.sitofp %convert_element_type3A : vector<1000x64xi32> to vector<1000x64xf32>
    %dot_general3A_57 = arith.constant dense<0.000000e+00> : vector<64x128xf32>
    %dot_general3A_58 = tpu.matmul %convert_element_type3A_56, %max3A_50, %dot_general3A_57 {dimension_numbers = #tpu.dot_dimension_numbers<[0], [0], [1], [1], [0, 1, 1, 1], [], []>, transpose_lhs_hint = false} : vector<1000x64xf32>, vector<1000x128xf32>, vector<64x128xf32> -> vector<64x128xf32>
    %broadcast_in_dim3A = arith.constant 1.000000e+00 : f32
    %broadcast_in_dim3A_59 = vector.broadcast %broadcast_in_dim3A : f32 to vector<1000x128xf32>
    %dot_general3A_60 = arith.constant dense<0.000000e+00> : vector<64x128xf32>
    %dot_general3A_61 = tpu.matmul %convert_element_type3A_56, %broadcast_in_dim3A_59, %dot_general3A_60 {dimension_numbers = #tpu.dot_dimension_numbers<[0], [0], [1], [1], [0, 1, 1, 1], [], []>, transpose_lhs_hint = false} : vector<1000x64xf32>, vector<1000x128xf32>, vector<64x128xf32> -> vector<64x128xf32>
    %eq3A_62 = arith.constant 0 : i32
    %eq3A_63 = arith.cmpi eq, %arg0, %eq3A_62 : i32
    %convert_element_type3A_64 = arith.extui %eq3A_63 : i1 to i32
    %cond3A = arith.constant 0 : i32
    %cond3A_65 = arith.cmpi ne, %convert_element_type3A_64, %cond3A : i32
    scf.if %cond3A_65 {
      %broadcast_in_dim3A_84 = arith.constant 0.000000e+00 : f32
      %broadcast_in_dim3A_85 = vector.broadcast %broadcast_in_dim3A_84 : f32 to vector<64x128xf32>
      %swap3A_86 = arith.constant 0 : index
      %swap3A_87 = arith.constant 0 : index
      %swap3A_88 = vector.load %arg13[%swap3A_86, %swap3A_87] : memref<64x128xf32, #tpu.memory_space<vmem>>, vector<64x128xf32>
      tpu.vector_store %arg13[%swap3A_86, %swap3A_87], %broadcast_in_dim3A_85 {strides = array<i32>} : memref<64x128xf32, #tpu.memory_space<vmem>>, vector<64x128xf32>,
      %broadcast_in_dim3A_89 = arith.constant 0.000000e+00 : f32
      %broadcast_in_dim3A_90 = vector.broadcast %broadcast_in_dim3A_89 : f32 to vector<64x128xf32>
      %swap3A_91 = arith.constant 0 : index
      %swap3A_92 = arith.constant 0 : index
      %swap3A_93 = vector.load %arg14[%swap3A_91, %swap3A_92] : memref<64x128xf32, #tpu.memory_space<vmem>>, vector<64x128xf32>
      tpu.vector_store %arg14[%swap3A_91, %swap3A_92], %broadcast_in_dim3A_90 {strides = array<i32>} : memref<64x128xf32, #tpu.memory_space<vmem>>, vector<64x128xf32>,
    } else {
    }
    %get3A_66 = arith.constant 0 : index
    %get3A_67 = arith.constant 0 : index
    %get3A_68 = vector.load %arg13[%get3A_66, %get3A_67] : memref<64x128xf32, #tpu.memory_space<vmem>>, vector<64x128xf32>
    %add3A_69 = arith.addf %get3A_68, %dot_general3A_58 : vector<64x128xf32>
    %swap3A = arith.constant 0 : index
    %swap3A_70 = arith.constant 0 : index
    %swap3A_71 = vector.load %arg13[%swap3A, %swap3A_70] : memref<64x128xf32, #tpu.memory_space<vmem>>, vector<64x128xf32>
    tpu.vector_store %arg13[%swap3A, %swap3A_70], %add3A_69 {strides = array<i32>} : memref<64x128xf32, #tpu.memory_space<vmem>>, vector<64x128xf32>,
    %get3A_72 = arith.constant 0 : index
    %get3A_73 = arith.constant 0 : index
    %get3A_74 = vector.load %arg14[%get3A_72, %get3A_73] : memref<64x128xf32, #tpu.memory_space<vmem>>, vector<64x128xf32>
    %add3A_75 = arith.addf %get3A_74, %dot_general3A_61 : vector<64x128xf32>
    %swap3A_76 = arith.constant 0 : index
    %swap3A_77 = arith.constant 0 : index
    %swap3A_78 = vector.load %arg14[%swap3A_76, %swap3A_77] : memref<64x128xf32, #tpu.memory_space<vmem>>, vector<64x128xf32>
    tpu.vector_store %arg14[%swap3A_76, %swap3A_77], %add3A_75 {strides = array<i32>} : memref<64x128xf32, #tpu.memory_space<vmem>>, vector<64x128xf32>,
    %eq3A_79 = arith.constant 9 : i32
    %eq3A_80 = arith.cmpi eq, %arg0, %eq3A_79 : i32
    %convert_element_type3A_81 = arith.extui %eq3A_80 : i1 to i32
    %cond3A_82 = arith.constant 0 : i32
    %cond3A_83 = arith.cmpi ne, %convert_element_type3A_81, %cond3A_82 : i32
    scf.if %cond3A_83 {
      %get3A_84 = arith.constant 0 : index
      %get3A_85 = arith.constant 0 : index
      %get3A_86 = vector.load %arg13[%get3A_84, %get3A_85] : memref<64x128xf32, #tpu.memory_space<vmem>>, vector<64x128xf32>
      %get3A_87 = arith.constant 0 : index
      %get3A_88 = arith.constant 0 : index
      %get3A_89 = vector.load %arg14[%get3A_87, %get3A_88] : memref<64x128xf32, #tpu.memory_space<vmem>>, vector<64x128xf32>
      %max3A_90 = arith.constant 1.000000e+00 : f32
      %max3A_91 = vector.broadcast %max3A_90 : f32 to vector<64x128xf32>
      %max3A_92 = arith.maximumf %get3A_89, %max3A_91 : vector<64x128xf32>
      %div3A_93 = arith.divf %get3A_86, %max3A_92 : vector<64x128xf32>
      %reduce_max3A = arith.constant dense<0xFF800000> : vector<64xf32>
      %reduce_max3A_94 = vector.multi_reduction <maximumf>, %div3A_93, %reduce_max3A [1] : vector<64x128xf32> to vector<64xf32>
      %broadcast_in_dim3A_95 = vector.shape_cast %reduce_max3A_94 : vector<64xf32> to vector<64x1xf32>
      %sub3A = vector.broadcast %broadcast_in_dim3A_95 : vector<64x1xf32> to vector<64x128xf32>
      %sub3A_96 = arith.subf %div3A_93, %sub3A : vector<64x128xf32>
      %exp3A = math.exp %sub3A_96 : vector<64x128xf32>
      %reduce_sum3A = arith.constant dense<0.000000e+00> : vector<64xf32>
      %reduce_sum3A_97 = vector.multi_reduction <add>, %exp3A, %reduce_sum3A [1] : vector<64x128xf32> to vector<64xf32>
      %broadcast_in_dim3A_98 = vector.shape_cast %reduce_sum3A_97 : vector<64xf32> to vector<64x1xf32>
      %log3A = math.log %broadcast_in_dim3A_98 : vector<64x1xf32>
      %sub3A_99 = vector.broadcast %log3A : vector<64x1xf32> to vector<64x128xf32>
      %sub3A_100 = arith.subf %sub3A_96, %sub3A_99 : vector<64x128xf32>
      %swap3A_101 = arith.constant 0 : index
      %swap3A_102 = arith.constant 0 : index
      %swap3A_103 = vector.load %arg12[%swap3A_101, %swap3A_102] : memref<64x128xf32, #tpu.memory_space<vmem>>, vector<64x128xf32>
      tpu.vector_store %arg12[%swap3A_101, %swap3A_102], %sub3A_100 {strides = array<i32>} : memref<64x128xf32, #tpu.memory_space<vmem>>, vector<64x128xf32>,
    } else {
    }
    return
  }
  func.func @transform_0(%arg0: i32) -> (i32, i32) {
    %c0_i32 = arith.constant 0 : i32
    %c0_i32_0 = arith.constant 0 : i32
    return %arg0, %c0_i32 : i32, i32
  }
  func.func @transform_1(%arg0: i32) -> (i32, i32) {
    %c0_i32 = arith.constant 0 : i32
    %c0_i32_0 = arith.constant 0 : i32
    return %arg0, %c0_i32 : i32, i32
  }
  func.func @transform_2(%arg0: i32) -> (i32, i32) {
    %c0_i32 = arith.constant 0 : i32
    %c0_i32_0 = arith.constant 0 : i32
    return %arg0, %c0_i32 : i32, i32
  }
  func.func @transform_3(%arg0: i32) -> (i32, i32) {
    %c0_i32 = arith.constant 0 : i32
    %c0_i32_0 = arith.constant 0 : i32
    return %arg0, %c0_i32 : i32, i32
  }
  func.func @transform_4(%arg0: i32) -> (i32, i32) {
    %c0_i32 = arith.constant 0 : i32
    %c0_i32_0 = arith.constant 0 : i32
    return %arg0, %c0_i32 : i32, i32
  }
  func.func @transform_5(%arg0: i32) -> (i32, i32) {
    %c0_i32 = arith.constant 0 : i32
    %c0_i32_0 = arith.constant 0 : i32
    return %arg0, %c0_i32 : i32, i32
  }
  func.func @transform_6(%arg0: i32) -> (i32, i32) {
    %c0_i32 = arith.constant 0 : i32
    %c0_i32_0 = arith.constant 0 : i32
    %c0_i32_1 = arith.constant 0 : i32
    return %c0_i32, %c0_i32_0 : i32, i32
  }
  func.func @transform_7(%arg0: i32) -> (i32, i32) {
    %c0_i32 = arith.constant 0 : i32
    %c0_i32_0 = arith.constant 0 : i32
    %c0_i32_1 = arith.constant 0 : i32
    return %c0_i32, %c0_i32_0 : i32, i32
  }
  func.func @transform_8(%arg0: i32) -> (i32, i32) {
    %c0_i32 = arith.constant 0 : i32
    %c0_i32_0 = arith.constant 0 : i32
    %c0_i32_1 = arith.constant 0 : i32
    return %c0_i32, %c0_i32_0 : i32, i32
  }
  func.func @transform_9(%arg0: i32) -> (i32, i32) {
    %c0_i32 = arith.constant 0 : i32
    %c0_i32_0 = arith.constant 0 : i32
    %c0_i32_1 = arith.constant 0 : i32
    return %c0_i32, %c0_i32_0 : i32, i32
  }
  func.func @transform_10(%arg0: i32) -> (i32, i32) {
    %c0_i32 = arith.constant 0 : i32
    %c0_i32_0 = arith.constant 0 : i32
    %c0_i32_1 = arith.constant 0 : i32
    return %c0_i32, %c0_i32_0 : i32, i32
  }
  func.func @transform_11(%arg0: i32) -> (i32, i32) {
    %c0_i32 = arith.constant 0 : i32
    %c0_i32_0 = arith.constant 0 : i32
    %c0_i32_1 = arith.constant 0 : i32
    return %c0_i32, %c0_i32_0 : i32, i32
  }
}

</mosaic_0001>

<sc_bundles>
// kernel: kernel.10.cloned.1.call-start
scs
__scs_entry_jumppad:
0x0: {  	(pc) =	sbr.rel $0x88, $3  }
0x1: {  	(tag) =	ssettag $0x0;
	lr =	simm.s32 $0x1  }
0x2: {  	[smem:$0x3F97] =	sst lr;
	_ =	strace $0xD0000000  }
0x3: {  	_ = 	snop  }
0x4: {  	_ = 	snop  }
0x5: {  	_ = 	snop  }
0x6: {  	_ = 	snop  }
0x7: {  	_ = 	snop  }
__scs_overlays_trampoline_lowered:
0x8: {  	[smem:$0x3FA6] =	sst s0  }
0x9: {  	[smem:$0x3FA7] =	sst s1  }
0xa: {  	[smem:$0x3FA8] =	sst s2  }
0xb: {  	[smem:$0x3FA9] =	sst s3  }
0xc: {  	[smem:$0x3FAA] =	sst s4  }
0xd: {  	[smem:$0x3FAB] =	sst s5  }
0xe: {  	[smem:$0x3FAC] =	sst s6  }
0xf: {  	[smem:$0x3FAD] =	sst s7  }
0x10: {  	[smem:$0x3FAE] =	sst s8  }
0x11: {  	[smem:$0x3FAF] =	sst s9;
	s0 =	simm.s32 @!p0 $0x0  }
0x12: {  	s1 =	sld [smem:$0x3F95];
	s0 =	simm.s32 @p0 $0x1  }
0x13: {  	[smem:$0x3FB0] =	sst s0;
	s0 =	simm.s32 @!p1 $0x0  }
0x14: {  	s2 =	sld [smem:$0x3F94];
	s0 =	simm.s32 @p1 $0x1  }
0x15: {  	[smem:$0x3FB1] =	sst s0;
	s0 =	simm.s32 @!p2 $0x0  }
0x16: {  	s3 =	sld [smem:$0x3FDB];
	s0 =	simm.s32 @p2 $0x1  }
0x17: {  	s4 =	simm.s32 $0x1BF5;
	[smem:$0x3FB3] =	sst s0  }
0x18: {  	s0 =	sld [smem:$0x3F96];
	_ =	swait.ge [sflag:s4], $0x0  }
0x19: {  	s7 =	sld [smem:$0x3F97]  }
0x1a: {  	s8 =	sadd.s32 $0xFFFFE003, lr  }
0x1b: {  	s9 =	sadd.s32 $0xFFFFFEF7, lr;
	s5 =	simm.s32 $0xFFFFFFFF;
	p2 =	slt.u32 s8, $0xFFFFF086  }
0x1c: {  	p1 =	slt.u32 s9, $0xF7A;
	s5 =	simm.s32 @!p2 $0x0  }
0x1d: {  	s5 =	simm.s32 @p1 $0x1;
	p0 =	seq.s32 s7, s2  }
0x1e: {  	s7 =	smul.u32 @!p0 $0xF7A, s2;
	p2 =	seq.s32 @!p0 s5, $0x0  }
0x1f: {  	s9 =	smul.u32 $0xF7A, s1;
	s8 =	simm.s32 @!p0 $0x1BF5;
	p2 =	por !p2, p0  }
0x20: {  	[sflag:s8] =	ssyncset.s32 @!p0 $0xFFFFF086;
	s6 =	sadd.s32 @!p0 s3, s7;
	s7 =	simm.s32 @!p0 $0x108  }
0x21: {  	s3 =	sadd.s32 s3, s9;
	s6 =	sadd.s32 @!p0 $0x88, s6;
	s7 =	simm.s32 @p2 $0x1082  }
0x22: {  	[simem:s7], [sflag:s8] =	dma.local @!p0 [hbm:s6], $0xF7A  }
0x23: {  	s9 =	sor.u32 $0xD0000000, s2;
	s6 =	simm.s32 $0x108;
	_ =	swait.ge @!p0 [sflag:s8], $0x0  }
0x24: {  	s3 =	sadd.s32 $0x88, s3;
	s6 =	simm.s32 @!p1 $0x1082;
	[sflag:s4] =	ssyncset.s32 $0xFFFFF086  }
0x25: {  	[simem:s6], [sflag:s4] =	dma.local [hbm:s3], $0xF7A  }
0x26: {  	[smem:$0x3F97] =	sst s1;
	(tag) =	ssettag s2;
	_ =	strace s9  }
0x27: {  	s1 =	sld [smem:$0x3FA7]  }
0x28: {  	s2 =	sld [smem:$0x3FA8]  }
0x29: {  	s4 =	sld [smem:$0x3FAA]  }
0x2a: {  	p0 =	seq.s32 s5, $0x0;
	s5 =	sld [smem:$0x3FAB]  }
0x2b: {  	s6 =	sld [smem:$0x3FAC]  }
0x2c: {  	s7 =	sld [smem:$0x3FAD]  }
0x2d: {  	s3 =	simm.s32 $0x108;
	s8 =	sld [smem:$0x3FAE]  }
0x2e: {  	s3 =	simm.s32 @!p0 $0x1082;
	s9 =	sld [smem:$0x3FAF]  }
0x2f: {  	lr =	sadd.s32 s0, s3;
	s0 =	sld [smem:$0x3FA6]  }
0x30: {  	s3 =	sld [smem:$0x3FA9]  }
0x31: {  	[smem:$0x3FB2] =	sst s10  }
0x32: {  	s10 =	sld [smem:$0x3FB0];
	_ =	sdelay $0x3  }
0x33: {  	p0 =	seq.s32 s10, $0x1;
	s10 =	sld [smem:$0x3FB2];
	_ =	sdelay $0x3  }
0x34: {  	[smem:$0x3FB2] =	sst s10  }
0x35: {  	s10 =	sld [smem:$0x3FB1];
	_ =	sdelay $0x3  }
0x36: {  	p1 =	seq.s32 s10, $0x1;
	s10 =	sld [smem:$0x3FB2];
	_ =	sdelay $0x3  }
0x37: {  	[smem:$0x3FB2] =	sst s10  }
0x38: {  	s10 =	sld [smem:$0x3FB3]  }
0x39: {  	_ = 	snop;
	(pc) =	sbr.ind lr, $3  }
0x3a: {  	_ = 	snop  }
0x3b: {  	_ = 	snop  }
0x3c: {  	p2 =	seq.s32 s10, $0x1;
	s10 =	sld [smem:$0x3FB2]  }
0x3d: {  	_ =	shalt  }
0x3e: {  	_ =	shalt  }
0x3f: {  	_ =	shalt  }
0x40: {  	_ =	shalt  }
0x41: {  	_ =	shalt  }
0x42: {  	_ =	shalt  }
0x43: {  	_ =	shalt  }
0x44: {  	_ =	shalt  }
0x45: {  	_ =	shalt  }
0x46: {  	_ =	shalt  }
0x47: {  	_ =	shalt  }
0x48: {  	_ =	shalt  }
0x49: {  	_ =	shalt  }
0x4a: {  	_ =	shalt  }
0x4b: {  	_ =	shalt  }
0x4c: {  	_ =	shalt  }
0x4d: {  	_ =	shalt  }
0x4e: {  	_ =	shalt  }
0x4f: {  	_ =	shalt  }
0x50: {  	_ =	shalt  }
0x51: {  	_ =	shalt  }
0x52: {  	_ =	shalt  }
0x53: {  	_ =	shalt  }
0x54: {  	_ =	shalt  }
0x55: {  	_ =	shalt  }
0x56: {  	_ =	shalt  }
0x57: {  	_ =	shalt  }
0x58: {  	_ =	shalt  }
0x59: {  	_ =	shalt  }
0x5a: {  	_ =	shalt  }
0x5b: {  	_ =	shalt  }
0x5c: {  	_ =	shalt  }
0x5d: {  	_ =	shalt  }
0x5e: {  	_ =	shalt  }
0x5f: {  	_ =	shalt  }
0x60: {  	_ =	shalt  }
0x61: {  	_ =	shalt  }
0x62: {  	_ =	shalt  }
0x63: {  	_ =	shalt  }
0x64: {  	_ =	shalt  }
0x65: {  	_ =	shalt  }
0x66: {  	_ =	shalt  }
0x67: {  	_ =	shalt  }
0x68: {  	_ =	shalt  }
0x69: {  	_ =	shalt  }
0x6a: {  	_ =	shalt  }
0x6b: {  	_ =	shalt  }
0x6c: {  	_ =	shalt  }
0x6d: {  	_ =	shalt  }
0x6e: {  	_ =	shalt  }
0x6f: {  	_ =	shalt  }
0x70: {  	_ =	shalt  }
0x71: {  	_ =	shalt  }
0x72: {  	_ =	shalt  }
0x73: {  	_ =	shalt  }
0x74: {  	_ =	shalt  }
0x75: {  	_ =	shalt  }
0x76: {  	_ =	shalt  }
0x77: {  	_ =	shalt  }
0x78: {  	_ =	shalt  }
0x79: {  	_ =	shalt  }
0x7a: {  	_ =	shalt  }
0x7b: {  	_ =	shalt  }
0x7c: {  	_ =	shalt  }
0x7d: {  	_ =	shalt  }
0x7e: {  	_ =	shalt  }
0x7f: {  	_ =	shalt  }
0x80: {  	_ =	shalt  }
0x81: {  	_ =	shalt  }
0x82: {  	_ =	shalt  }
0x83: {  	_ =	shalt  }
0x84: {  	_ =	shalt  }
0x85: {  	_ =	shalt  }
0x86: {  	_ =	shalt  }
0x87: {  	_ =	shalt  }
.Lfunc_end0:
.L_simem_size_0:
called_computation.1_lowered:
.L_overlay_start_0:
0x88: {  	s2 =	sld [smem:$0x3FD9]  }
0x89: {  	s3 =	sld [smem:$0x3FFE];
	_ =	sdelay $0x1  }
0x8a: {  	s1 =	srdreg.scid  }
0x8b: {  	s0 =	sand.u32 $0x1, s1  }
0x8c: {  	s16 =	sshll.u32 s0, $0xA;
	s2 =	sadd.s32 s3, s2  }
0x8d: {  	s2 =	sadd.s32 s2, s16  }
0x8e: {  	[smem:$0x3FBE] =	sst s2  }
0x8f: {  	_ = 	snop  }
0x90: {  	(tm) =	ssettm $0x1  }
0x91: {  	s17 =	sld [smem:$0x3FFB];
	_ =	sdelay $0x3  }
0x92: {  	_ =	strace s17  }
0x93: {  	s2 =	sld [smem:$0x3FFC];
	_ =	sdelay $0x3  }
0x94: {  	_ =	strace s2  }
0x95: {  	s2 =	sld [smem:$0x3FFD];
	_ =	sdelay $0x3  }
0x96: {  	_ =	strace s2  }
0x97: {  	_ =	strace $0x8FFFFFFF  }
0x98: {  	s18 =	sld [smem:$0x3FDB];
	_ =	sdelay $0x1  }
0x99: {  	s19 =	simm.s32 $_scs_section_size  }
0x9a: {  	s4 =	simm.s32 $_size__tile_overlayer_lowered;
	s5 =	simm.s32 $_tile_overlayer_lowered  }
0x9b: {  	s22 =	simm.s32 $0x1BFF;
	s21 =	sshll.u32 s5, $0x1;
	s2 =	sadd.s32 s19, s18  }
0x9c: {  	s6 =	simm.s32 $0x0;
	s20 =	sshll.u32 s4, $0x1;
	s4 =	sadd.s32 s21, s2  }
0x9d: {  	[timem:s6], [sflag:s22] =	dma.local [hbm:s4], s20  }
0x9e: {  	_ =	swait.ge [sflag:s22], s20  }
0x9f: {  	s3 =	ssub.s32 $0x0, s20;
	[sflag:s22] =	ssyncset.done $0x0  }
0xa0: {  	[sflag:s22] =	ssyncadd.s32 s3;
	_ =	sdelay $0x1  }
0xa1: {  	s23 =	simm.s32 $0x1B8B  }
0xa2: {  	_ =	swait.ge [sflag:s23], $0x1  }
0xa3: {  	[sflag:s23] =	ssyncset.done $0x0  }
0xa4: {  	s25 =	simm.s32 $0x1B8E;
	s24 =	sld [smem:$0x3FFE];
	[sflag:s23] =	ssyncadd.s32 $0xFFFFFFFF  }
0xa5: {  	s26 =	simm.s32 $execute0_lowered;
	[smem:$0x3FD2] =	sst s25  }
0xa6: {  	s4 =	sshll.u32 s26, $0x1;
	_ =	strace $0x80000049;
	[dreg:$0x1] =	wrdreg $0xFFFFFFFF  }
0xa7: {  	s28 =	simm.s32 $_size_execute0_lowered;
	s2 =	sadd.s32 s2, s4;
	[dreg:$0x0] =	wrdreg $0x0  }
0xa8: {  	s4 =	sshll.u32 s28, $0x1;
	[dreg:$0x2] =	wrdreg s2  }
0xa9: {  	[dreg:$0x3] =	wrdreg s4  }
0xaa: {  	[dreg:$0x4] =	wrdreg $0xC0  }
0xab: {  	_ =	task [dreg:s6], $0x5FFFF  }
0xac: {  	[dreg:$0x1] =	wrdreg $0xFFFFFFFF  }
0xad: {  	[dreg:$0x0] =	wrdreg $0x60  }
0xae: {  	[dreg:$0x2] =	wrdreg s24  }
0xaf: {  	[dreg:$0x3] =	wrdreg $0x0  }
0xb0: {  	[dreg:$0x4] =	wrdreg $0x9  }
0xb1: {  	_ =	task.clear_ibuf [dreg:s6], $0x5FFFF;
	_ =	strace $0x90000049  }
0xb2: {  	s29 =	simm.s32 $0x9;
	_ =	strace $0x8000004B  }
0xb3: {  	_ =	swait.ge [sflag:s29], $0x1  }
0xb4: {  	[sflag:s29] =	ssyncadd.s32 $0xFFFFFFFF  }
0xb5: {  	_ =	strace $0x9000004B  }
0xb6: {  	_ =	sfence  }
0xb7: {  	s30 =	sld [smem:$0x0];
	_ =	sdelay $0x2  }
0xb8: {  	s31 =	sshll.u32 s1, $0xD;
	s1 =	sshrl.u32 s1, $0x2  }
0xb9: {  	s3 =	sand.u32 $0x4000, s31;
	s1 =	sadd.s32 s1, s30  }
0xba: {  	s0 =	sor.u32 s3, s0;
	s1 =	sshll.u32 s1, $0x11  }
0xbb: {  	s0 =	sor.u32 s1, s0  }
0xbc: {  	s0 =	sadd.s32 $0x8F2B, s0  }
0xbd: {  	[sflag:s0] =	ssyncadd.remote.s32 $0x1  }
0xbe: {  	_ =	sfence.sel $0xFFFF  }
0xbf: {  	[dreg:$0x0] =	wrdreg $0xFFFFFFFF;
	(pc) =	sbr.abs _section_cstart, $3  }
0xc0: {  	[dreg:$0x1] =	wrdreg $0xFFFFFFFF  }
0xc1: {  	_ =	task.clear_ibuf [dreg:s6], $0x2FFFF;
	_ =	strace $0x9FFFFFFF  }
0xc2: {  	(tm) =	ssettm $0x7FFFFFFF  }
0xc3: {  	_ =	shalt  }
tec
execute0_lowered:
.L_overlay_start_1:
0x0: {  	(tag) =	ssettag $0x1  }
0x1: {  	s0 =	srdreg.scid;
	s1 =	rddreg [dreg:$0x0]  }
0x2: {  	s8 =	stileid.u32;
	s2 =	rddreg [dreg:$0x1];
	s3 =	simm.s32 $0x0  }
0x3: {  	s11 =	simm.s32 $0x13900;
	s13 =	simm.s32 $0x14100;
	[smem:$0x7FF] =	sst s3  }
0x4: {  	s15 =	simm.s32 $0x13980;
	_ =	strace $0x8000004A;
	[dreg:$0x5] =	wrdreg s11  }
0x5: {  	s17 =	simm.s32 $0x13A00;
	s19 =	simm.s32 $0x14180;
	[dreg:$0x6] =	wrdreg s13  }
0x6: {  	s21 =	simm.s32 $0x14200;
	s5 =	smul.u32 $0x2800, s8;
	[dreg:$0x7] =	wrdreg s15  }
0x7: {  	s0 =	sand.u32 $0x1, s0;
	s25 =	smul.u32 $0x2700, s8;
	[dreg:$0x8] =	wrdreg s17  }
0x8: {  	s23 =	simm.s32 $0x13A80;
	s4 =	smul.u32 $0x28000, s0;
	[dreg:$0x9] =	wrdreg s19  }
0x9: {  	s6 =	smul.u32 $0x27100, s0;
	s0 =	ssub.s32 $0x2, s0;
	[dreg:$0xa] =	wrdreg s21  }
0xa: {  	s26 =	smul.u32 $0x4E000, s8;
	[dreg:$0xb] =	wrdreg s23;
	s31 =	sshrl.u32 s0, $0x1  }
0xb: {  	s4 =	sadd.s32 s5, s4;
	s5 =	sadd.s32 s25, s6;
	s25 =	simm.s32 $0x13B00  }
0xc: {  	s0 =	ssub.s32 s0, s31;
	s31 =	simm.s32 $0x14280;
	[dreg:$0xc] =	wrdreg s25  }
0xd: {  	s6 =	sshrl.u32 s26, $0x2;
	[dreg:$0xd] =	wrdreg s31;
	s0 =	smax.u32 s0, $0x1  }
0xe: {  	s30 =	sadd.s32 s6, s2;
	[smem:$0x7F8] =	sst s0  }
0xf: {  	s10 =	sadd.s32 $0xC80, s30;
	[dreg:$0x15] =	wrdreg s30  }
0x10: {  	s12 =	sadd.s32 $0x1900, s30;
	[dreg:$0x16] =	wrdreg s10  }
0x11: {  	s14 =	sadd.s32 $0x2580, s30;
	[dreg:$0x17] =	wrdreg s12  }
0x12: {  	s16 =	sadd.s32 $0x3200, s30;
	[dreg:$0x18] =	wrdreg s14  }
0x13: {  	s18 =	sadd.s32 $0x3E80, s30;
	[dreg:$0x19] =	wrdreg s16  }
0x14: {  	s20 =	sadd.s32 $0x4B00, s30;
	[dreg:$0x1a] =	wrdreg s18  }
0x15: {  	s22 =	sadd.s32 $0x5780, s30;
	[dreg:$0x1b] =	wrdreg s20  }
0x16: {  	s24 =	sadd.s32 $0x6400, s30;
	[dreg:$0x1c] =	wrdreg s22  }
0x17: {  	s26 =	sadd.s32 $0x7080, s30;
	[dreg:$0x1d] =	wrdreg s24  }
0x18: {  	s11 =	sadd.s32 $0x9600, s30;
	[dreg:$0x1e] =	wrdreg s26  }
0x19: {  	s13 =	sadd.s32 $0xA280, s30;
	[smem:$0x7F0] =	sst s11  }
0x1a: {  	s15 =	sadd.s32 $0xAF00, s30;
	[smem:$0x7F1] =	sst s13  }
0x1b: {  	s28 =	simm.s32 $0x14780;
	s17 =	sadd.s32 $0xBB80, s30;
	[smem:$0x7F2] =	sst s15  }
0x1c: {  	s29 =	simm.s32 $0x14800;
	s19 =	sadd.s32 $0xC800, s30;
	[smem:$0x7F3] =	sst s17  }
0x1d: {  	s4 =	sshrl.u32 s4, $0x3;
	s21 =	sadd.s32 $0xD480, s30;
	[smem:$0x7F4] =	sst s19  }
0x1e: {  	s6 =	simm.s32 $0x13880;
	s23 =	sadd.s32 $0xED80, s30;
	[smem:$0x7F5] =	sst s21  }
0x1f: {  	s7 =	sadd.s32 s4, s1;
	s25 =	sadd.s32 $0x10680, s30;
	[smem:$0x7F9] =	sst s23  }
0x20: {  	s4 =	sadd.s32 $0x65400, s1;
	s31 =	sadd.s32 $0x11F80, s30;
	[smem:$0x7FB] =	sst s25  }
0x21: {  	s1 =	sadd.s32 s5, s1;
	s8 =	sadd.s32 $0x3200, s7;
	[smem:$0x7FD] =	sst s31  }
0x22: {  	s0 =	simm.s32 $0x5;
	s9 =	sadd.s32 $0x8C600, s7;
	[dreg:$0x3] =	wrdreg s8  }
0x23: {  	s5 =	simm.s32 $0x0;
	s7 =	sadd.s32 $0x7D00, s30;
	[dreg:$0x4] =	wrdreg s9  }
0x24: {  	s10 =	simm.s32 $0x13B80;
	s12 =	simm.s32 $0x13C00;
	[dreg:$0x1f] =	wrdreg s7  }
0x25: {  	s14 =	simm.s32 $0x14380;
	s16 =	simm.s32 $0x14400;
	[dreg:$0xf] =	wrdreg s10  }
0x26: {  	s18 =	simm.s32 $0x13C80;
	s20 =	simm.s32 $0x13D00;
	[dreg:$0x10] =	wrdreg s12  }
0x27: {  	s22 =	sadd.s32 $0xE100, s30;
	s1 =	sadd.s32 $0x96600, s1;
	[dreg:$0x11] =	wrdreg s14  }
0x28: {  	s24 =	sadd.s32 $0xFA00, s30;
	s26 =	sadd.s32 $0x11300, s30;
	[dreg:$0x12] =	wrdreg s16  }
0x29: {  	s11 =	simm.s32 $0x1;
	s13 =	simm.s32 $0x3;
	[dreg:$0x13] =	wrdreg s18  }
0x2a: {  	s15 =	simm.s32 $0x14480;
	s17 =	simm.s32 $0x13D80;
	[dreg:$0x14] =	wrdreg s20  }
0x2b: {  	s19 =	simm.s32 $0x14580;
	s21 =	simm.s32 $0x13E80;
	[smem:$0x7F6] =	sst s22  }
0x2c: {  	s23 =	simm.s32 $0x14680;
	s25 =	simm.s32 $0x13F80;
	[smem:$0x7F7] =	sst s1  }
0x2d: {  	s8 =	simm.s32 $0x14300;
	s9 =	sadd.s32 $0x8980, s30;
	[smem:$0x7FA] =	sst s24  }
0x2e: {  	[smem:$0x7FC] =	sst s26;
	s7 =	simm.s32 $0x14080;
	s10 =	simm.s32 $0x18880  }
0x2f: {  	s12 =	simm.s32 $0x2;
	s14 =	simm.s32 $0x4;
	s16 =	simm.s32 $0x14500  }
0x30: {  	s18 =	simm.s32 $0x13E00;
	s20 =	simm.s32 $0x14600;
	s22 =	simm.s32 $0x13F00  }
0x31: {  	s24 =	simm.s32 $0x14700;
	s26 =	simm.s32 $0x14000;
	[smem:$0x7EF] =	sst s9  }
0x32: {  	v0 =	vimm.f32 $0.0e+00;
	[dreg:$0xe] =	wrdreg s8;
	s8 =	simm.s32 $0x7D;
	s9 =	simm.s32 $0x14880  }
.LBB2_1:
0x33: {  	[smem:$0x7EE] =	sst s5;
	s5 =	simm.s32 $0x0;
	s31 =	simm.s32 $0x200  }
.LBB2_2:
0x34: {  	p0 =	sne.s32 s31, $0x3000;
	[tilespmem:s5+$0x1C8F0] =	vst v0  }
0x35: {  	[tilespmem:s5+$0x1C880] =	vst v0  }
0x36: {  	[tilespmem:s5+$0x1C890] =	vst v0  }
.Ltmp0:
0x37: {  	[tilespmem:s5+$0x1C8A0] =	vst v0;
	(pc) =	sbr.rel @p0 .LBB2_2-.Ltmp0, $4  }
0x38: {  	[tilespmem:s5+$0x1C8B0] =	vst v0  }
0x39: {  	[tilespmem:s5+$0x1C8C0] =	vst v0  }
0x3a: {  	[tilespmem:s5+$0x1C8D0] =	vst v0  }
0x3b: {  	[tilespmem:s5+$0x1C8E0] =	vst v0;
	s5 =	sshra.s32 s31, $0x2;
	s31 =	sadd.s32 $0x200, s31  }
0x3c: {  	[tilespmem:s5+$0x1C8F0] =	vst v0  }
0x3d: {  	[tilespmem:s5+$0x1C880] =	vst v0  }
0x3e: {  	[tilespmem:s5+$0x1C890] =	vst v0  }
0x3f: {  	[tilespmem:s5+$0x1C8A0] =	vst v0  }
0x40: {  	[tilespmem:s5+$0x1C8B0] =	vst v0  }
0x41: {  	[tilespmem:s5+$0x1C8C0] =	vst v0  }
0x42: {  	[tilespmem:s5+$0x1C8D0] =	vst v0  }
0x43: {  	[tilespmem:s5+$0x1C8E0] =	vst v0;
	s5 =	simm.s32 $0x1C880  }
0x44: {  	[spmem:s30] =	stream.linear.scatter [tilespmem:s5], [sflag:$0x5], $0xC80, $0x38;
	[tilespmem:$0x1D880] =	vst v63  }
0x45: {  	_ =	swait.ge [sflag:s0], $0xC80  }
0x46: {  	[sflag:s0] =	ssyncset.done $0x0  }
0x47: {  	s1 =	rddreg [dreg:$0x16];
	[sflag:s0] =	ssyncadd.s32 $0xFFFFF380  }
0x48: {  	[spmem:s1] =	stream.linear.scatter [tilespmem:s5], [sflag:$0x5], $0xC80, $0x38;
	[tilespmem:$0x1D880] =	vst v63  }
0x49: {  	_ =	swait.ge [sflag:s0], $0xC80  }
0x4a: {  	[sflag:s0] =	ssyncset.done $0x0  }
0x4b: {  	s1 =	rddreg [dreg:$0x17];
	[sflag:s0] =	ssyncadd.s32 $0xFFFFF380  }
0x4c: {  	[spmem:s1] =	stream.linear.scatter [tilespmem:s5], [sflag:$0x5], $0xC80, $0x38;
	[tilespmem:$0x1D880] =	vst v63  }
0x4d: {  	_ =	swait.ge [sflag:s0], $0xC80  }
0x4e: {  	[sflag:s0] =	ssyncset.done $0x0  }
0x4f: {  	s1 =	rddreg [dreg:$0x18];
	[sflag:s0] =	ssyncadd.s32 $0xFFFFF380  }
0x50: {  	[spmem:s1] =	stream.linear.scatter [tilespmem:s5], [sflag:$0x5], $0xC80, $0x38;
	[tilespmem:$0x1D880] =	vst v63  }
0x51: {  	_ =	swait.ge [sflag:s0], $0xC80  }
0x52: {  	[sflag:s0] =	ssyncset.done $0x0  }
0x53: {  	s1 =	rddreg [dreg:$0x19];
	[sflag:s0] =	ssyncadd.s32 $0xFFFFF380  }
0x54: {  	[spmem:s1] =	stream.linear.scatter [tilespmem:s5], [sflag:$0x5], $0xC80, $0x38;
	[tilespmem:$0x1D880] =	vst v63  }
0x55: {  	_ =	swait.ge [sflag:s0], $0xC80  }
0x56: {  	[sflag:s0] =	ssyncset.done $0x0  }
0x57: {  	s1 =	rddreg [dreg:$0x1a];
	[sflag:s0] =	ssyncadd.s32 $0xFFFFF380  }
0x58: {  	[spmem:s1] =	stream.linear.scatter [tilespmem:s5], [sflag:$0x5], $0xC80, $0x38;
	[tilespmem:$0x1D880] =	vst v63  }
0x59: {  	_ =	swait.ge [sflag:s0], $0xC80  }
0x5a: {  	[sflag:s0] =	ssyncset.done $0x0  }
0x5b: {  	s1 =	rddreg [dreg:$0x1b];
	[sflag:s0] =	ssyncadd.s32 $0xFFFFF380  }
0x5c: {  	[spmem:s1] =	stream.linear.scatter [tilespmem:s5], [sflag:$0x5], $0xC80, $0x38;
	[tilespmem:$0x1D880] =	vst v63  }
0x5d: {  	_ =	swait.ge [sflag:s0], $0xC80  }
0x5e: {  	[sflag:s0] =	ssyncset.done $0x0  }
0x5f: {  	s1 =	rddreg [dreg:$0x1c];
	[sflag:s0] =	ssyncadd.s32 $0xFFFFF380  }
0x60: {  	[spmem:s1] =	stream.linear.scatter [tilespmem:s5], [sflag:$0x5], $0xC80, $0x38;
	[tilespmem:$0x1D880] =	vst v63  }
0x61: {  	_ =	swait.ge [sflag:s0], $0xC80  }
0x62: {  	[sflag:s0] =	ssyncset.done $0x0  }
0x63: {  	s1 =	rddreg [dreg:$0x1d];
	[sflag:s0] =	ssyncadd.s32 $0xFFFFF380  }
0x64: {  	[spmem:s1] =	stream.linear.scatter [tilespmem:s5], [sflag:$0x5], $0xC80, $0x38;
	[tilespmem:$0x1D880] =	vst v63  }
0x65: {  	_ =	swait.ge [sflag:s0], $0xC80  }
0x66: {  	[sflag:s0] =	ssyncset.done $0x0  }
0x67: {  	s1 =	rddreg [dreg:$0x1e];
	[sflag:s0] =	ssyncadd.s32 $0xFFFFF380  }
0x68: {  	[spmem:s1] =	stream.linear.scatter [tilespmem:s5], [sflag:$0x5], $0xC80, $0x38;
	[tilespmem:$0x1D880] =	vst v63  }
0x69: {  	_ =	swait.ge [sflag:s0], $0xC80  }
0x6a: {  	[sflag:s0] =	ssyncset.done $0x0  }
0x6b: {  	s1 =	rddreg [dreg:$0x1f];
	[sflag:s0] =	ssyncadd.s32 $0xFFFFF380  }
0x6c: {  	[spmem:s1] =	stream.linear.scatter [tilespmem:s5], [sflag:$0x5], $0xC80, $0x38;
	[tilespmem:$0x1D880] =	vst v63  }
0x6d: {  	_ =	swait.ge [sflag:s0], $0xC80  }
0x6e: {  	s1 =	sld [smem:$0x7EF]  }
0x6f: {  	[sflag:s0] =	ssyncset.done $0x0  }
0x70: {  	[sflag:s0] =	ssyncadd.s32 $0xFFFFF380  }
0x71: {  	[spmem:s1] =	stream.linear.scatter [tilespmem:s5], [sflag:$0x5], $0xC80, $0x38;
	[tilespmem:$0x1D880] =	vst v63  }
0x72: {  	_ =	swait.ge [sflag:s0], $0xC80  }
0x73: {  	s1 =	sld [smem:$0x7F0]  }
0x74: {  	[sflag:s0] =	ssyncset.done $0x0  }
0x75: {  	[sflag:s0] =	ssyncadd.s32 $0xFFFFF380  }
0x76: {  	[spmem:s1] =	stream.linear.scatter [tilespmem:s5], [sflag:$0x5], $0xC80, $0x38;
	[tilespmem:$0x1D880] =	vst v63  }
0x77: {  	_ =	swait.ge [sflag:s0], $0xC80  }
0x78: {  	s1 =	sld [smem:$0x7F1]  }
0x79: {  	[sflag:s0] =	ssyncset.done $0x0  }
0x7a: {  	[sflag:s0] =	ssyncadd.s32 $0xFFFFF380  }
0x7b: {  	[spmem:s1] =	stream.linear.scatter [tilespmem:s5], [sflag:$0x5], $0xC80, $0x38;
	[tilespmem:$0x1D880] =	vst v63  }
0x7c: {  	_ =	swait.ge [sflag:s0], $0xC80  }
0x7d: {  	s1 =	sld [smem:$0x7F2]  }
0x7e: {  	[sflag:s0] =	ssyncset.done $0x0  }
0x7f: {  	[sflag:s0] =	ssyncadd.s32 $0xFFFFF380  }
0x80: {  	[spmem:s1] =	stream.linear.scatter [tilespmem:s5], [sflag:$0x5], $0xC80, $0x38;
	[tilespmem:$0x1D880] =	vst v63  }
0x81: {  	_ =	swait.ge [sflag:s0], $0xC80  }
0x82: {  	s1 =	sld [smem:$0x7F3]  }
0x83: {  	[sflag:s0] =	ssyncset.done $0x0  }
0x84: {  	[sflag:s0] =	ssyncadd.s32 $0xFFFFF380  }
0x85: {  	[spmem:s1] =	stream.linear.scatter [tilespmem:s5], [sflag:$0x5], $0xC80, $0x38;
	[tilespmem:$0x1D880] =	vst v63  }
0x86: {  	_ =	swait.ge [sflag:s0], $0xC80  }
0x87: {  	s1 =	sld [smem:$0x7F4]  }
0x88: {  	[sflag:s0] =	ssyncset.done $0x0  }
0x89: {  	[sflag:s0] =	ssyncadd.s32 $0xFFFFF380  }
0x8a: {  	[spmem:s1] =	stream.linear.scatter [tilespmem:s5], [sflag:$0x5], $0xC80, $0x38;
	[tilespmem:$0x1D880] =	vst v63  }
0x8b: {  	_ =	swait.ge [sflag:s0], $0xC80  }
0x8c: {  	s1 =	sld [smem:$0x7F5]  }
0x8d: {  	[sflag:s0] =	ssyncset.done $0x0  }
0x8e: {  	[sflag:s0] =	ssyncadd.s32 $0xFFFFF380  }
0x8f: {  	[spmem:s1] =	stream.linear.scatter [tilespmem:s5], [sflag:$0x5], $0xC80, $0x38;
	[tilespmem:$0x1D880] =	vst v63  }
0x90: {  	_ =	swait.ge [sflag:s0], $0xC80  }
0x91: {  	s1 =	sld [smem:$0x7F6]  }
0x92: {  	[sflag:s0] =	ssyncset.done $0x0  }
0x93: {  	[sflag:s0] =	ssyncadd.s32 $0xFFFFF380  }
0x94: {  	[spmem:s1] =	stream.linear.scatter [tilespmem:s5], [sflag:$0x5], $0xC80, $0x38;
	[tilespmem:$0x1D880] =	vst v63  }
0x95: {  	_ =	swait.ge [sflag:s0], $0xC80  }
0x96: {  	s1 =	sld [smem:$0x7F9]  }
0x97: {  	[sflag:s0] =	ssyncset.done $0x0  }
0x98: {  	[sflag:s0] =	ssyncadd.s32 $0xFFFFF380  }
0x99: {  	[spmem:s1] =	stream.linear.scatter [tilespmem:s5], [sflag:$0x5], $0xC80, $0x38;
	[tilespmem:$0x1D880] =	vst v63  }
0x9a: {  	_ =	swait.ge [sflag:s0], $0xC80  }
0x9b: {  	s1 =	sld [smem:$0x7FA]  }
0x9c: {  	[sflag:s0] =	ssyncset.done $0x0  }
0x9d: {  	[sflag:s0] =	ssyncadd.s32 $0xFFFFF380  }
0x9e: {  	[spmem:s1] =	stream.linear.scatter [tilespmem:s5], [sflag:$0x5], $0xC80, $0x38;
	[tilespmem:$0x1D880] =	vst v63  }
0x9f: {  	_ =	swait.ge [sflag:s0], $0xC80  }
0xa0: {  	s1 =	sld [smem:$0x7FB]  }
0xa1: {  	[sflag:s0] =	ssyncset.done $0x0  }
0xa2: {  	[sflag:s0] =	ssyncadd.s32 $0xFFFFF380  }
0xa3: {  	[spmem:s1] =	stream.linear.scatter [tilespmem:s5], [sflag:$0x5], $0xC80, $0x38;
	[tilespmem:$0x1D880] =	vst v63  }
0xa4: {  	_ =	swait.ge [sflag:s0], $0xC80  }
0xa5: {  	s1 =	sld [smem:$0x7FC]  }
0xa6: {  	[sflag:s0] =	ssyncset.done $0x0  }
0xa7: {  	[sflag:s0] =	ssyncadd.s32 $0xFFFFF380  }
0xa8: {  	[spmem:s1] =	stream.linear.scatter [tilespmem:s5], [sflag:$0x5], $0xC80, $0x38;
	[tilespmem:$0x1D880] =	vst v63  }
0xa9: {  	_ =	swait.ge [sflag:s0], $0xC80  }
0xaa: {  	s1 =	sld [smem:$0x7FD]  }
0xab: {  	[sflag:s0] =	ssyncset.done $0x0  }
0xac: {  	[sflag:s0] =	ssyncadd.s32 $0xFFFFF380  }
0xad: {  	[spmem:s1] =	stream.linear.scatter [tilespmem:s5], [sflag:$0x5], $0xC80, $0x38;
	[tilespmem:$0x1D880] =	vst v63  }
0xae: {  	_ =	swait.ge [sflag:s0], $0xC80  }
0xaf: {  	[sflag:s0] =	ssyncset.done $0x0  }
0xb0: {  	[sflag:s0] =	ssyncadd.s32 $0xFFFFF380  }
0xb1: {  	[bflag:$0x0] =	sbarrier.arrive $0xFFFF  }
0xb2: {  	s1 =	rddreg [dreg:$0x4]  }
0xb3: {  	s5 =	sadd.s32 $0x0, s1  }
0xb4: {  	[tilespmem:s6], [sflag:$0x5] =	stream.linear.gather [hbm4b:s5+s3], $0x800, $0x38;
	[tilespmem:$0x1D880] =	vst v63  }
0xb5: {  	_ =	swait.ge [sflag:s0], $0x800  }
0xb6: {  	s1 =	rddreg [dreg:$0x3];
	[sflag:s0] =	ssyncset.done $0x0  }
0xb7: {  	[sflag:s0] =	ssyncadd.s32 $0xFFFFF800;
	s5 =	sadd.s32 $0x0, s1  }
0xb8: {  	[tilespmem:s7], [sflag:$0x5] =	stream.linear.gather [hbm4b:s5+s3], $0x800, $0x38;
	[tilespmem:$0x1D880] =	vst v63  }
0xb9: {  	_ =	swait.ge [sflag:s0], $0x800  }
0xba: {  	[sflag:s0] =	ssyncset.done $0x0  }
0xbb: {  	[sflag:s0] =	ssyncadd.s32 $0xFFFFF800  }
0xbc: {  	[tilespmem:s9], [sflag:$0x1] =	stream.indirect.gather [hbm4b:s4+s8], $0x80, s6, s8, $0xb8;
	[tilespmem:$0x1D880] =	vst v63  }
0xbd: {  	s1 =	rddreg [dreg:$0x5]  }
0xbe: {  	[tilespmem:s10], [sflag:$0x2] =	stream.indirect.gather [hbm4b:s4+s8], $0x80, s1, s8, $0xb8;
	[tilespmem:$0x1D880] =	vst v63  }
0xbf: {  	_ =	swait.ge [sflag:s11], $0x3E80  }
0xc0: {  	[sflag:s11] =	ssyncset.done $0x0  }
0xc1: {  	[sflag:s11] =	ssyncadd.s32 $0xFFFFC180  }
0xc2: {  	[spmem:s2] =	stream.indirect.scatter.add.f32 [tilespmem:s9], [sflag:$0x3], $0x80, s7, s8, $0xb8;
	[tilespmem:$0x1D880] =	vst v63  }
0xc3: {  	_ =	swait.ge [sflag:s12], $0x3E80  }
0xc4: {  	[sflag:s12] =	ssyncset.done $0x0  }
0xc5: {  	s1 =	rddreg [dreg:$0x6];
	[sflag:s12] =	ssyncadd.s32 $0xFFFFC180  }
0xc6: {  	[spmem:s2] =	stream.indirect.scatter.add.f32 [tilespmem:s10], [sflag:$0x4], $0x80, s1, s8, $0xb8;
	[tilespmem:$0x1D880] =	vst v63  }
0xc7: {  	_ =	swait.ge [sflag:s13], $0x3E80  }
0xc8: {  	[sflag:s13] =	ssyncset.done $0x0  }
0xc9: {  	s1 =	rddreg [dreg:$0x7];
	[sflag:s13] =	ssyncadd.s32 $0xFFFFC180  }
0xca: {  	[tilespmem:s9], [sflag:$0x1] =	stream.indirect.gather [hbm4b:s4+s8], $0x80, s1, s8, $0xb8;
	[tilespmem:$0x1D880] =	vst v63  }
0xcb: {  	_ =	swait.ge [sflag:s14], $0x3E80  }
0xcc: {  	[sflag:s14] =	ssyncset.done $0x0  }
0xcd: {  	s1 =	rddreg [dreg:$0x8];
	[sflag:s14] =	ssyncadd.s32 $0xFFFFC180  }
0xce: {  	[tilespmem:s10], [sflag:$0x2] =	stream.indirect.gather [hbm4b:s4+s8], $0x80, s1, s8, $0xb8;
	[tilespmem:$0x1D880] =	vst v63  }
0xcf: {  	_ =	swait.ge [sflag:s11], $0x3E80  }
0xd0: {  	[sflag:s11] =	ssyncset.done $0x0  }
0xd1: {  	s1 =	rddreg [dreg:$0x9];
	[sflag:s11] =	ssyncadd.s32 $0xFFFFC180  }
0xd2: {  	[spmem:s2] =	stream.indirect.scatter.add.f32 [tilespmem:s9], [sflag:$0x3], $0x80, s1, s8, $0xb8;
	[tilespmem:$0x1D880] =	vst v63  }
0xd3: {  	_ =	swait.ge [sflag:s12], $0x3E80  }
0xd4: {  	[sflag:s12] =	ssyncset.done $0x0  }
0xd5: {  	s1 =	rddreg [dreg:$0xa];
	[sflag:s12] =	ssyncadd.s32 $0xFFFFC180  }
0xd6: {  	[spmem:s2] =	stream.indirect.scatter.add.f32 [tilespmem:s10], [sflag:$0x4], $0x80, s1, s8, $0xb8;
	[tilespmem:$0x1D880] =	vst v63  }
0xd7: {  	_ =	swait.ge [sflag:s13], $0x3E80  }
0xd8: {  	[sflag:s13] =	ssyncset.done $0x0  }
0xd9: {  	s1 =	rddreg [dreg:$0xb];
	[sflag:s13] =	ssyncadd.s32 $0xFFFFC180  }
0xda: {  	[tilespmem:s9], [sflag:$0x1] =	stream.indirect.gather [hbm4b:s4+s8], $0x80, s1, s8, $0xb8;
	[tilespmem:$0x1D880] =	vst v63  }
0xdb: {  	_ =	swait.ge [sflag:s14], $0x3E80  }
0xdc: {  	[sflag:s14] =	ssyncset.done $0x0  }
0xdd: {  	s1 =	rddreg [dreg:$0xc];
	[sflag:s14] =	ssyncadd.s32 $0xFFFFC180  }
0xde: {  	[tilespmem:s10], [sflag:$0x2] =	stream.indirect.gather [hbm4b:s4+s8], $0x80, s1, s8, $0xb8;
	[tilespmem:$0x1D880] =	vst v63  }
0xdf: {  	_ =	swait.ge [sflag:s11], $0x3E80  }
0xe0: {  	[sflag:s11] =	ssyncset.done $0x0  }
0xe1: {  	s1 =	rddreg [dreg:$0xd];
	[sflag:s11] =	ssyncadd.s32 $0xFFFFC180  }
0xe2: {  	[spmem:s2] =	stream.indirect.scatter.add.f32 [tilespmem:s9], [sflag:$0x3], $0x80, s1, s8, $0xb8;
	[tilespmem:$0x1D880] =	vst v63  }
0xe3: {  	_ =	swait.ge [sflag:s12], $0x3E80  }
0xe4: {  	[sflag:s12] =	ssyncset.done $0x0  }
0xe5: {  	s1 =	rddreg [dreg:$0xe];
	[sflag:s12] =	ssyncadd.s32 $0xFFFFC180  }
0xe6: {  	[spmem:s2] =	stream.indirect.scatter.add.f32 [tilespmem:s10], [sflag:$0x4], $0x80, s1, s8, $0xb8;
	[tilespmem:$0x1D880] =	vst v63  }
0xe7: {  	_ =	swait.ge [sflag:s13], $0x3E80  }
0xe8: {  	[sflag:s13] =	ssyncset.done $0x0  }
0xe9: {  	s1 =	rddreg [dreg:$0xf];
	[sflag:s13] =	ssyncadd.s32 $0xFFFFC180  }
0xea: {  	[tilespmem:s9], [sflag:$0x1] =	stream.indirect.gather [hbm4b:s4+s8], $0x80, s1, s8, $0xb8;
	[tilespmem:$0x1D880] =	vst v63  }
0xeb: {  	_ =	swait.ge [sflag:s14], $0x3E80  }
0xec: {  	[sflag:s14] =	ssyncset.done $0x0  }
0xed: {  	s1 =	rddreg [dreg:$0x10];
	[sflag:s14] =	ssyncadd.s32 $0xFFFFC180  }
0xee: {  	[tilespmem:s10], [sflag:$0x2] =	stream.indirect.gather [hbm4b:s4+s8], $0x80, s1, s8, $0xb8;
	[tilespmem:$0x1D880] =	vst v63  }
0xef: {  	_ =	swait.ge [sflag:s11], $0x3E80  }
0xf0: {  	[sflag:s11] =	ssyncset.done $0x0  }
0xf1: {  	s1 =	rddreg [dreg:$0x11];
	[sflag:s11] =	ssyncadd.s32 $0xFFFFC180  }
0xf2: {  	[spmem:s2] =	stream.indirect.scatter.add.f32 [tilespmem:s9], [sflag:$0x3], $0x80, s1, s8, $0xb8;
	[tilespmem:$0x1D880] =	vst v63  }
0xf3: {  	_ =	swait.ge [sflag:s12], $0x3E80  }
0xf4: {  	[sflag:s12] =	ssyncset.done $0x0  }
0xf5: {  	s1 =	rddreg [dreg:$0x12];
	[sflag:s12] =	ssyncadd.s32 $0xFFFFC180  }
0xf6: {  	[spmem:s2] =	stream.indirect.scatter.add.f32 [tilespmem:s10], [sflag:$0x4], $0x80, s1, s8, $0xb8;
	[tilespmem:$0x1D880] =	vst v63  }
0xf7: {  	_ =	swait.ge [sflag:s13], $0x3E80  }
0xf8: {  	[sflag:s13] =	ssyncset.done $0x0  }
0xf9: {  	s1 =	rddreg [dreg:$0x13];
	[sflag:s13] =	ssyncadd.s32 $0xFFFFC180  }
0xfa: {  	[tilespmem:s9], [sflag:$0x1] =	stream.indirect.gather [hbm4b:s4+s8], $0x80, s1, s8, $0xb8;
	[tilespmem:$0x1D880] =	vst v63  }
0xfb: {  	_ =	swait.ge [sflag:s14], $0x3E80  }
0xfc: {  	[sflag:s14] =	ssyncset.done $0x0  }
0xfd: {  	s1 =	rddreg [dreg:$0x14];
	[sflag:s14] =	ssyncadd.s32 $0xFFFFC180  }
0xfe: {  	[tilespmem:s10], [sflag:$0x2] =	stream.indirect.gather [hbm4b:s4+s8], $0x80, s1, s8, $0xb8;
	[tilespmem:$0x1D880] =	vst v63  }
0xff: {  	_ =	swait.ge [sflag:s11], $0x3E80  }
0x100: {  	[sflag:s11] =	ssyncset.done $0x0  }
0x101: {  	[sflag:s11] =	ssyncadd.s32 $0xFFFFC180  }
0x102: {  	[spmem:s2] =	stream.indirect.scatter.add.f32 [tilespmem:s9], [sflag:$0x3], $0x80, s15, s8, $0xb8;
	[tilespmem:$0x1D880] =	vst v63  }
0x103: {  	_ =	swait.ge [sflag:s12], $0x3E80  }
0x104: {  	[sflag:s12] =	ssyncset.done $0x0  }
0x105: {  	[sflag:s12] =	ssyncadd.s32 $0xFFFFC180  }
0x106: {  	[spmem:s2] =	stream.indirect.scatter.add.f32 [tilespmem:s10], [sflag:$0x4], $0x80, s16, s8, $0xb8;
	[tilespmem:$0x1D880] =	vst v63  }
0x107: {  	_ =	swait.ge [sflag:s13], $0x3E80  }
0x108: {  	[sflag:s13] =	ssyncset.done $0x0  }
0x109: {  	[sflag:s13] =	ssyncadd.s32 $0xFFFFC180  }
0x10a: {  	[tilespmem:s9], [sflag:$0x1] =	stream.indirect.gather [hbm4b:s4+s8], $0x80, s17, s8, $0xb8;
	[tilespmem:$0x1D880] =	vst v63  }
0x10b: {  	_ =	swait.ge [sflag:s14], $0x3E80  }
0x10c: {  	[sflag:s14] =	ssyncset.done $0x0  }
0x10d: {  	[sflag:s14] =	ssyncadd.s32 $0xFFFFC180  }
0x10e: {  	[tilespmem:s10], [sflag:$0x2] =	stream.indirect.gather [hbm4b:s4+s8], $0x80, s18, s8, $0xb8;
	[tilespmem:$0x1D880] =	vst v63  }
0x10f: {  	_ =	swait.ge [sflag:s11], $0x3E80  }
0x110: {  	[sflag:s11] =	ssyncset.done $0x0  }
0x111: {  	[sflag:s11] =	ssyncadd.s32 $0xFFFFC180  }
0x112: {  	[spmem:s2] =	stream.indirect.scatter.add.f32 [tilespmem:s9], [sflag:$0x3], $0x80, s19, s8, $0xb8;
	[tilespmem:$0x1D880] =	vst v63  }
0x113: {  	_ =	swait.ge [sflag:s12], $0x3E80  }
0x114: {  	[sflag:s12] =	ssyncset.done $0x0  }
0x115: {  	[sflag:s12] =	ssyncadd.s32 $0xFFFFC180  }
0x116: {  	[spmem:s2] =	stream.indirect.scatter.add.f32 [tilespmem:s10], [sflag:$0x4], $0x80, s20, s8, $0xb8;
	[tilespmem:$0x1D880] =	vst v63  }
0x117: {  	_ =	swait.ge [sflag:s13], $0x3E80  }
0x118: {  	[sflag:s13] =	ssyncset.done $0x0  }
0x119: {  	[sflag:s13] =	ssyncadd.s32 $0xFFFFC180  }
0x11a: {  	[tilespmem:s9], [sflag:$0x1] =	stream.indirect.gather [hbm4b:s4+s8], $0x80, s21, s8, $0xb8;
	[tilespmem:$0x1D880] =	vst v63  }
0x11b: {  	_ =	swait.ge [sflag:s14], $0x3E80  }
0x11c: {  	[sflag:s14] =	ssyncset.done $0x0  }
0x11d: {  	[sflag:s14] =	ssyncadd.s32 $0xFFFFC180  }
0x11e: {  	[tilespmem:s10], [sflag:$0x2] =	stream.indirect.gather [hbm4b:s4+s8], $0x80, s22, s8, $0xb8;
	[tilespmem:$0x1D880] =	vst v63  }
0x11f: {  	_ =	swait.ge [sflag:s11], $0x3E80  }
0x120: {  	[sflag:s11] =	ssyncset.done $0x0  }
0x121: {  	[sflag:s11] =	ssyncadd.s32 $0xFFFFC180  }
0x122: {  	[spmem:s2] =	stream.indirect.scatter.add.f32 [tilespmem:s9], [sflag:$0x3], $0x80, s23, s8, $0xb8;
	[tilespmem:$0x1D880] =	vst v63  }
0x123: {  	_ =	swait.ge [sflag:s12], $0x3E80  }
0x124: {  	[sflag:s12] =	ssyncset.done $0x0  }
0x125: {  	[sflag:s12] =	ssyncadd.s32 $0xFFFFC180  }
0x126: {  	[spmem:s2] =	stream.indirect.scatter.add.f32 [tilespmem:s10], [sflag:$0x4], $0x80, s24, s8, $0xb8;
	[tilespmem:$0x1D880] =	vst v63  }
0x127: {  	_ =	swait.ge [sflag:s13], $0x3E80  }
0x128: {  	[sflag:s13] =	ssyncset.done $0x0  }
0x129: {  	[sflag:s13] =	ssyncadd.s32 $0xFFFFC180  }
0x12a: {  	[tilespmem:s9], [sflag:$0x1] =	stream.indirect.gather [hbm4b:s4+s8], $0x80, s25, s8, $0xb8;
	[tilespmem:$0x1D880] =	vst v63  }
0x12b: {  	_ =	swait.ge [sflag:s14], $0x3E80  }
0x12c: {  	[sflag:s14] =	ssyncset.done $0x0  }
0x12d: {  	[sflag:s14] =	ssyncadd.s32 $0xFFFFC180  }
0x12e: {  	[tilespmem:s10], [sflag:$0x2] =	stream.indirect.gather [hbm4b:s4+s8], $0x80, s26, s8, $0xb8;
	[tilespmem:$0x1D880] =	vst v63  }
0x12f: {  	_ =	swait.ge [sflag:s11], $0x3E80  }
0x130: {  	[sflag:s11] =	ssyncset.done $0x0  }
0x131: {  	[sflag:s11] =	ssyncadd.s32 $0xFFFFC180  }
0x132: {  	[spmem:s2] =	stream.indirect.scatter.add.f32 [tilespmem:s9], [sflag:$0x3], $0x80, s28, s8, $0xb8;
	[tilespmem:$0x1D880] =	vst v63  }
0x133: {  	_ =	swait.ge [sflag:s12], $0x3E80  }
0x134: {  	[sflag:s12] =	ssyncset.done $0x0  }
0x135: {  	[sflag:s12] =	ssyncadd.s32 $0xFFFFC180  }
0x136: {  	[spmem:s2] =	stream.indirect.scatter.add.f32 [tilespmem:s10], [sflag:$0x4], $0x80, s29, s8, $0xb8;
	[tilespmem:$0x1D880] =	vst v63  }
0x137: {  	_ =	swait.ge [sflag:s13], $0x3E80  }
0x138: {  	[sflag:s13] =	ssyncset.done $0x0  }
0x139: {  	[sflag:s13] =	ssyncadd.s32 $0xFFFFC180  }
0x13a: {  	s31 =	simm.s32 $0x100;
	_ =	swait.ge [sflag:s14], $0x3E80  }
0x13b: {  	s5 =	simm.s32 $0x200;
	s30 =	rddreg [dreg:$0x4];
	[sflag:s14] =	ssyncset.done $0x0  }
.LBB2_4:
0x13c: {  	[sflag:s14] =	ssyncadd.s32 $0xFFFFC180;
	s30 =	sadd.s32 s31, s30  }
0x13d: {  	[tilespmem:s6], [sflag:$0x5] =	stream.linear.gather [hbm4b:s30+s3], $0x800, $0x38;
	[tilespmem:$0x1D880] =	vst v63  }
0x13e: {  	_ =	swait.ge [sflag:s0], $0x800  }
0x13f: {  	s30 =	rddreg [dreg:$0x3];
	[sflag:s0] =	ssyncset.done $0x0  }
0x140: {  	[sflag:s0] =	ssyncadd.s32 $0xFFFFF800;
	s30 =	sadd.s32 s31, s30  }
0x141: {  	[tilespmem:s7], [sflag:$0x5] =	stream.linear.gather [hbm4b:s30+s3], $0x800, $0x38;
	[tilespmem:$0x1D880] =	vst v63  }
0x142: {  	_ =	swait.ge [sflag:s0], $0x800  }
0x143: {  	[sflag:s0] =	ssyncset.done $0x0  }
0x144: {  	s1 =	smov.u32 s5;
	[sflag:s0] =	ssyncadd.s32 $0xFFFFF800  }
0x145: {  	[tilespmem:s9], [sflag:$0x1] =	stream.indirect.gather [hbm4b:s4+s8], $0x80, s6, s8, $0xb8;
	[tilespmem:$0x1D880] =	vst v63  }
0x146: {  	s31 =	smov.u32 s1;
	s1 =	rddreg [dreg:$0x5]  }
0x147: {  	[tilespmem:s10], [sflag:$0x2] =	stream.indirect.gather [hbm4b:s4+s8], $0x80, s1, s8, $0xb8;
	[tilespmem:$0x1D880] =	vst v63  }
0x148: {  	_ =	swait.ge [sflag:s11], $0x3E80  }
0x149: {  	[sflag:s11] =	ssyncset.done $0x0  }
0x14a: {  	[sflag:s11] =	ssyncadd.s32 $0xFFFFC180  }
0x14b: {  	[spmem:s2] =	stream.indirect.scatter.add.f32 [tilespmem:s9], [sflag:$0x3], $0x80, s7, s8, $0xb8;
	[tilespmem:$0x1D880] =	vst v63  }
0x14c: {  	_ =	swait.ge [sflag:s12], $0x3E80  }
0x14d: {  	[sflag:s12] =	ssyncset.done $0x0  }
0x14e: {  	s1 =	rddreg [dreg:$0x6];
	[sflag:s12] =	ssyncadd.s32 $0xFFFFC180  }
0x14f: {  	[spmem:s2] =	stream.indirect.scatter.add.f32 [tilespmem:s10], [sflag:$0x4], $0x80, s1, s8, $0xb8;
	[tilespmem:$0x1D880] =	vst v63  }
0x150: {  	_ =	swait.ge [sflag:s13], $0x3E80  }
0x151: {  	[sflag:s13] =	ssyncset.done $0x0  }
0x152: {  	s1 =	rddreg [dreg:$0x7];
	[sflag:s13] =	ssyncadd.s32 $0xFFFFC180  }
0x153: {  	[tilespmem:s9], [sflag:$0x1] =	stream.indirect.gather [hbm4b:s4+s8], $0x80, s1, s8, $0xb8;
	[tilespmem:$0x1D880] =	vst v63  }
0x154: {  	_ =	swait.ge [sflag:s14], $0x3E80  }
0x155: {  	[sflag:s14] =	ssyncset.done $0x0  }
0x156: {  	s1 =	rddreg [dreg:$0x8];
	[sflag:s14] =	ssyncadd.s32 $0xFFFFC180  }
0x157: {  	[tilespmem:s10], [sflag:$0x2] =	stream.indirect.gather [hbm4b:s4+s8], $0x80, s1, s8, $0xb8;
	[tilespmem:$0x1D880] =	vst v63  }
0x158: {  	_ =	swait.ge [sflag:s11], $0x3E80  }
0x159: {  	[sflag:s11] =	ssyncset.done $0x0  }
0x15a: {  	s1 =	rddreg [dreg:$0x9];
	[sflag:s11] =	ssyncadd.s32 $0xFFFFC180  }
0x15b: {  	[spmem:s2] =	stream.indirect.scatter.add.f32 [tilespmem:s9], [sflag:$0x3], $0x80, s1, s8, $0xb8;
	[tilespmem:$0x1D880] =	vst v63  }
0x15c: {  	_ =	swait.ge [sflag:s12], $0x3E80  }
0x15d: {  	[sflag:s12] =	ssyncset.done $0x0  }
0x15e: {  	s1 =	rddreg [dreg:$0xa];
	[sflag:s12] =	ssyncadd.s32 $0xFFFFC180  }
0x15f: {  	[spmem:s2] =	stream.indirect.scatter.add.f32 [tilespmem:s10], [sflag:$0x4], $0x80, s1, s8, $0xb8;
	[tilespmem:$0x1D880] =	vst v63  }
0x160: {  	_ =	swait.ge [sflag:s13], $0x3E80  }
0x161: {  	[sflag:s13] =	ssyncset.done $0x0  }
0x162: {  	s1 =	rddreg [dreg:$0xb];
	[sflag:s13] =	ssyncadd.s32 $0xFFFFC180  }
0x163: {  	[tilespmem:s9], [sflag:$0x1] =	stream.indirect.gather [hbm4b:s4+s8], $0x80, s1, s8, $0xb8;
	[tilespmem:$0x1D880] =	vst v63  }
0x164: {  	_ =	swait.ge [sflag:s14], $0x3E80  }
0x165: {  	[sflag:s14] =	ssyncset.done $0x0  }
0x166: {  	s1 =	rddreg [dreg:$0xc];
	[sflag:s14] =	ssyncadd.s32 $0xFFFFC180  }
0x167: {  	[tilespmem:s10], [sflag:$0x2] =	stream.indirect.gather [hbm4b:s4+s8], $0x80, s1, s8, $0xb8;
	[tilespmem:$0x1D880] =	vst v63  }
0x168: {  	_ =	swait.ge [sflag:s11], $0x3E80  }
0x169: {  	[sflag:s11] =	ssyncset.done $0x0  }
0x16a: {  	s1 =	rddreg [dreg:$0xd];
	[sflag:s11] =	ssyncadd.s32 $0xFFFFC180  }
0x16b: {  	[spmem:s2] =	stream.indirect.scatter.add.f32 [tilespmem:s9], [sflag:$0x3], $0x80, s1, s8, $0xb8;
	[tilespmem:$0x1D880] =	vst v63  }
0x16c: {  	_ =	swait.ge [sflag:s12], $0x3E80  }
0x16d: {  	[sflag:s12] =	ssyncset.done $0x0  }
0x16e: {  	s1 =	rddreg [dreg:$0xe];
	[sflag:s12] =	ssyncadd.s32 $0xFFFFC180  }
0x16f: {  	[spmem:s2] =	stream.indirect.scatter.add.f32 [tilespmem:s10], [sflag:$0x4], $0x80, s1, s8, $0xb8;
	[tilespmem:$0x1D880] =	vst v63  }
0x170: {  	_ =	swait.ge [sflag:s13], $0x3E80  }
0x171: {  	[sflag:s13] =	ssyncset.done $0x0  }
0x172: {  	s1 =	rddreg [dreg:$0xf];
	[sflag:s13] =	ssyncadd.s32 $0xFFFFC180  }
0x173: {  	[tilespmem:s9], [sflag:$0x1] =	stream.indirect.gather [hbm4b:s4+s8], $0x80, s1, s8, $0xb8;
	[tilespmem:$0x1D880] =	vst v63  }
0x174: {  	_ =	swait.ge [sflag:s14], $0x3E80  }
0x175: {  	[sflag:s14] =	ssyncset.done $0x0  }
0x176: {  	s1 =	rddreg [dreg:$0x10];
	[sflag:s14] =	ssyncadd.s32 $0xFFFFC180  }
0x177: {  	[tilespmem:s10], [sflag:$0x2] =	stream.indirect.gather [hbm4b:s4+s8], $0x80, s1, s8, $0xb8;
	[tilespmem:$0x1D880] =	vst v63  }
0x178: {  	_ =	swait.ge [sflag:s11], $0x3E80  }
0x179: {  	[sflag:s11] =	ssyncset.done $0x0  }
0x17a: {  	s1 =	rddreg [dreg:$0x11];
	[sflag:s11] =	ssyncadd.s32 $0xFFFFC180  }
0x17b: {  	[spmem:s2] =	stream.indirect.scatter.add.f32 [tilespmem:s9], [sflag:$0x3], $0x80, s1, s8, $0xb8;
	[tilespmem:$0x1D880] =	vst v63  }
0x17c: {  	_ =	swait.ge [sflag:s12], $0x3E80  }
0x17d: {  	[sflag:s12] =	ssyncset.done $0x0  }
0x17e: {  	s1 =	rddreg [dreg:$0x12];
	[sflag:s12] =	ssyncadd.s32 $0xFFFFC180  }
0x17f: {  	[spmem:s2] =	stream.indirect.scatter.add.f32 [tilespmem:s10], [sflag:$0x4], $0x80, s1, s8, $0xb8;
	[tilespmem:$0x1D880] =	vst v63  }
0x180: {  	_ =	swait.ge [sflag:s13], $0x3E80  }
0x181: {  	[sflag:s13] =	ssyncset.done $0x0  }
0x182: {  	s1 =	rddreg [dreg:$0x13];
	[sflag:s13] =	ssyncadd.s32 $0xFFFFC180  }
0x183: {  	[tilespmem:s9], [sflag:$0x1] =	stream.indirect.gather [hbm4b:s4+s8], $0x80, s1, s8, $0xb8;
	[tilespmem:$0x1D880] =	vst v63  }
0x184: {  	_ =	swait.ge [sflag:s14], $0x3E80  }
0x185: {  	[sflag:s14] =	ssyncset.done $0x0  }
0x186: {  	s1 =	rddreg [dreg:$0x14];
	[sflag:s14] =	ssyncadd.s32 $0xFFFFC180  }
0x187: {  	[tilespmem:s10], [sflag:$0x2] =	stream.indirect.gather [hbm4b:s4+s8], $0x80, s1, s8, $0xb8;
	[tilespmem:$0x1D880] =	vst v63  }
0x188: {  	_ =	swait.ge [sflag:s11], $0x3E80  }
0x189: {  	[sflag:s11] =	ssyncset.done $0x0  }
0x18a: {  	[sflag:s11] =	ssyncadd.s32 $0xFFFFC180  }
0x18b: {  	[spmem:s2] =	stream.indirect.scatter.add.f32 [tilespmem:s9], [sflag:$0x3], $0x80, s15, s8, $0xb8;
	[tilespmem:$0x1D880] =	vst v63  }
0x18c: {  	_ =	swait.ge [sflag:s12], $0x3E80  }
0x18d: {  	[sflag:s12] =	ssyncset.done $0x0  }
0x18e: {  	[sflag:s12] =	ssyncadd.s32 $0xFFFFC180  }
0x18f: {  	[spmem:s2] =	stream.indirect.scatter.add.f32 [tilespmem:s10], [sflag:$0x4], $0x80, s16, s8, $0xb8;
	[tilespmem:$0x1D880] =	vst v63  }
0x190: {  	_ =	swait.ge [sflag:s13], $0x3E80  }
0x191: {  	[sflag:s13] =	ssyncset.done $0x0  }
0x192: {  	[sflag:s13] =	ssyncadd.s32 $0xFFFFC180  }
0x193: {  	[tilespmem:s9], [sflag:$0x1] =	stream.indirect.gather [hbm4b:s4+s8], $0x80, s17, s8, $0xb8;
	[tilespmem:$0x1D880] =	vst v63  }
0x194: {  	_ =	swait.ge [sflag:s14], $0x3E80  }
0x195: {  	[sflag:s14] =	ssyncset.done $0x0  }
0x196: {  	[sflag:s14] =	ssyncadd.s32 $0xFFFFC180  }
0x197: {  	[tilespmem:s10], [sflag:$0x2] =	stream.indirect.gather [hbm4b:s4+s8], $0x80, s18, s8, $0xb8;
	[tilespmem:$0x1D880] =	vst v63  }
0x198: {  	_ =	swait.ge [sflag:s11], $0x3E80  }
0x199: {  	[sflag:s11] =	ssyncset.done $0x0  }
0x19a: {  	[sflag:s11] =	ssyncadd.s32 $0xFFFFC180  }
0x19b: {  	[spmem:s2] =	stream.indirect.scatter.add.f32 [tilespmem:s9], [sflag:$0x3], $0x80, s19, s8, $0xb8;
	[tilespmem:$0x1D880] =	vst v63  }
0x19c: {  	_ =	swait.ge [sflag:s12], $0x3E80  }
0x19d: {  	[sflag:s12] =	ssyncset.done $0x0  }
0x19e: {  	[sflag:s12] =	ssyncadd.s32 $0xFFFFC180  }
0x19f: {  	[spmem:s2] =	stream.indirect.scatter.add.f32 [tilespmem:s10], [sflag:$0x4], $0x80, s20, s8, $0xb8;
	[tilespmem:$0x1D880] =	vst v63  }
0x1a0: {  	_ =	swait.ge [sflag:s13], $0x3E80  }
0x1a1: {  	[sflag:s13] =	ssyncset.done $0x0  }
0x1a2: {  	[sflag:s13] =	ssyncadd.s32 $0xFFFFC180  }
0x1a3: {  	[tilespmem:s9], [sflag:$0x1] =	stream.indirect.gather [hbm4b:s4+s8], $0x80, s21, s8, $0xb8;
	[tilespmem:$0x1D880] =	vst v63  }
0x1a4: {  	_ =	swait.ge [sflag:s14], $0x3E80  }
0x1a5: {  	[sflag:s14] =	ssyncset.done $0x0  }
0x1a6: {  	[sflag:s14] =	ssyncadd.s32 $0xFFFFC180  }
0x1a7: {  	[tilespmem:s10], [sflag:$0x2] =	stream.indirect.gather [hbm4b:s4+s8], $0x80, s22, s8, $0xb8;
	[tilespmem:$0x1D880] =	vst v63  }
0x1a8: {  	_ =	swait.ge [sflag:s11], $0x3E80  }
0x1a9: {  	[sflag:s11] =	ssyncset.done $0x0  }
0x1aa: {  	[sflag:s11] =	ssyncadd.s32 $0xFFFFC180  }
0x1ab: {  	[spmem:s2] =	stream.indirect.scatter.add.f32 [tilespmem:s9], [sflag:$0x3], $0x80, s23, s8, $0xb8;
	[tilespmem:$0x1D880] =	vst v63  }
0x1ac: {  	_ =	swait.ge [sflag:s12], $0x3E80  }
0x1ad: {  	[sflag:s12] =	ssyncset.done $0x0  }
0x1ae: {  	[sflag:s12] =	ssyncadd.s32 $0xFFFFC180  }
0x1af: {  	[spmem:s2] =	stream.indirect.scatter.add.f32 [tilespmem:s10], [sflag:$0x4], $0x80, s24, s8, $0xb8;
	[tilespmem:$0x1D880] =	vst v63  }
0x1b0: {  	_ =	swait.ge [sflag:s13], $0x3E80  }
0x1b1: {  	[sflag:s13] =	ssyncset.done $0x0  }
0x1b2: {  	[sflag:s13] =	ssyncadd.s32 $0xFFFFC180  }
0x1b3: {  	[tilespmem:s9], [sflag:$0x1] =	stream.indirect.gather [hbm4b:s4+s8], $0x80, s25, s8, $0xb8;
	[tilespmem:$0x1D880] =	vst v63  }
0x1b4: {  	_ =	swait.ge [sflag:s14], $0x3E80  }
0x1b5: {  	[sflag:s14] =	ssyncset.done $0x0  }
0x1b6: {  	[sflag:s14] =	ssyncadd.s32 $0xFFFFC180  }
0x1b7: {  	[tilespmem:s10], [sflag:$0x2] =	stream.indirect.gather [hbm4b:s4+s8], $0x80, s26, s8, $0xb8;
	[tilespmem:$0x1D880] =	vst v63  }
0x1b8: {  	_ =	swait.ge [sflag:s11], $0x3E80  }
0x1b9: {  	[sflag:s11] =	ssyncset.done $0x0  }
0x1ba: {  	[sflag:s11] =	ssyncadd.s32 $0xFFFFC180  }
0x1bb: {  	[spmem:s2] =	stream.indirect.scatter.add.f32 [tilespmem:s9], [sflag:$0x3], $0x80, s28, s8, $0xb8;
	[tilespmem:$0x1D880] =	vst v63  }
0x1bc: {  	_ =	swait.ge [sflag:s12], $0x3E80  }
0x1bd: {  	[sflag:s12] =	ssyncset.done $0x0  }
0x1be: {  	p0 =	sne.s32 s5, $0x400;
	[sflag:s12] =	ssyncadd.s32 $0xFFFFC180  }
0x1bf: {  	[spmem:s2] =	stream.indirect.scatter.add.f32 [tilespmem:s10], [sflag:$0x4], $0x80, s29, s8, $0xb8;
	[tilespmem:$0x1D880] =	vst v63  }
.Ltmp1:
0x1c0: {  	_ =	swait.ge [sflag:s13], $0x3E80;
	(pc) =	sbr.rel @p0 .LBB2_4-.Ltmp1, $4  }
0x1c1: {  	[sflag:s13] =	ssyncset.done $0x0  }
0x1c2: {  	[sflag:s13] =	ssyncadd.s32 $0xFFFFC180  }
0x1c3: {  	_ =	swait.ge [sflag:s14], $0x3E80  }
0x1c4: {  	s5 =	sadd.s32 $0x100, s5;
	s30 =	rddreg [dreg:$0x4];
	[sflag:s14] =	ssyncset.done $0x0  }
0x1c5: {  	[sflag:s14] =	ssyncadd.s32 $0xFFFFC180;
	s1 =	sadd.s32 s31, s30  }
0x1c6: {  	[tilespmem:s6], [sflag:$0x5] =	stream.linear.gather [hbm4b:s1+s3], $0x800, $0x38;
	[tilespmem:$0x1D880] =	vst v63  }
0x1c7: {  	_ =	swait.ge [sflag:s0], $0x800  }
0x1c8: {  	s5 =	rddreg [dreg:$0x3];
	[sflag:s0] =	ssyncset.done $0x0  }
0x1c9: {  	[sflag:s0] =	ssyncadd.s32 $0xFFFFF800;
	s1 =	sadd.s32 s31, s5  }
0x1ca: {  	[tilespmem:s7], [sflag:$0x5] =	stream.linear.gather [hbm4b:s1+s3], $0x800, $0x38;
	[tilespmem:$0x1D880] =	vst v63  }
0x1cb: {  	_ =	swait.ge [sflag:s0], $0x800  }
0x1cc: {  	[sflag:s0] =	ssyncset.done $0x0  }
0x1cd: {  	[sflag:s0] =	ssyncadd.s32 $0xFFFFF800  }
0x1ce: {  	[tilespmem:s9], [sflag:$0x1] =	stream.indirect.gather [hbm4b:s4+s8], $0x80, s6, s8, $0xb8;
	[tilespmem:$0x1D880] =	vst v63  }
0x1cf: {  	s31 =	rddreg [dreg:$0x5]  }
0x1d0: {  	[tilespmem:s10], [sflag:$0x2] =	stream.indirect.gather [hbm4b:s4+s8], $0x80, s31, s8, $0xb8;
	[tilespmem:$0x1D880] =	vst v63  }
0x1d1: {  	_ =	swait.ge [sflag:s11], $0x3E80  }
0x1d2: {  	[sflag:s11] =	ssyncset.done $0x0  }
0x1d3: {  	[sflag:s11] =	ssyncadd.s32 $0xFFFFC180  }
0x1d4: {  	[spmem:s2] =	stream.indirect.scatter.add.f32 [tilespmem:s9], [sflag:$0x3], $0x80, s7, s8, $0xb8;
	[tilespmem:$0x1D880] =	vst v63  }
0x1d5: {  	_ =	swait.ge [sflag:s12], $0x3E80  }
0x1d6: {  	[sflag:s12] =	ssyncset.done $0x0  }
0x1d7: {  	s5 =	rddreg [dreg:$0x6];
	[sflag:s12] =	ssyncadd.s32 $0xFFFFC180  }
0x1d8: {  	[spmem:s2] =	stream.indirect.scatter.add.f32 [tilespmem:s10], [sflag:$0x4], $0x80, s5, s8, $0xb8;
	[tilespmem:$0x1D880] =	vst v63  }
0x1d9: {  	_ =	swait.ge [sflag:s13], $0x3E80  }
0x1da: {  	[sflag:s13] =	ssyncset.done $0x0  }
0x1db: {  	s31 =	rddreg [dreg:$0x7];
	[sflag:s13] =	ssyncadd.s32 $0xFFFFC180  }
0x1dc: {  	[tilespmem:s9], [sflag:$0x1] =	stream.indirect.gather [hbm4b:s4+s8], $0x80, s31, s8, $0xb8;
	[tilespmem:$0x1D880] =	vst v63  }
0x1dd: {  	_ =	swait.ge [sflag:s14], $0x3E80  }
0x1de: {  	[sflag:s14] =	ssyncset.done $0x0  }
0x1df: {  	s5 =	rddreg [dreg:$0x8];
	[sflag:s14] =	ssyncadd.s32 $0xFFFFC180  }
0x1e0: {  	[tilespmem:s10], [sflag:$0x2] =	stream.indirect.gather [hbm4b:s4+s8], $0x80, s5, s8, $0xb8;
	[tilespmem:$0x1D880] =	vst v63  }
0x1e1: {  	_ =	swait.ge [sflag:s11], $0x3E80  }
0x1e2: {  	[sflag:s11] =	ssyncset.done $0x0  }
0x1e3: {  	s31 =	rddreg [dreg:$0x9];
	[sflag:s11] =	ssyncadd.s32 $0xFFFFC180  }
0x1e4: {  	[spmem:s2] =	stream.indirect.scatter.add.f32 [tilespmem:s9], [sflag:$0x3], $0x80, s31, s8, $0xb8;
	[tilespmem:$0x1D880] =	vst v63  }
0x1e5: {  	_ =	swait.ge [sflag:s12], $0x3E80  }
0x1e6: {  	[sflag:s12] =	ssyncset.done $0x0  }
0x1e7: {  	s5 =	rddreg [dreg:$0xa];
	[sflag:s12] =	ssyncadd.s32 $0xFFFFC180  }
0x1e8: {  	[spmem:s2] =	stream.indirect.scatter.add.f32 [tilespmem:s10], [sflag:$0x4], $0x80, s5, s8, $0xb8;
	[tilespmem:$0x1D880] =	vst v63  }
0x1e9: {  	_ =	swait.ge [sflag:s13], $0x3E80  }
0x1ea: {  	[sflag:s13] =	ssyncset.done $0x0  }
0x1eb: {  	s31 =	rddreg [dreg:$0xb];
	[sflag:s13] =	ssyncadd.s32 $0xFFFFC180  }
0x1ec: {  	[tilespmem:s9], [sflag:$0x1] =	stream.indirect.gather [hbm4b:s4+s8], $0x80, s31, s8, $0xb8;
	[tilespmem:$0x1D880] =	vst v63  }
0x1ed: {  	_ =	swait.ge [sflag:s14], $0x3E80  }
0x1ee: {  	[sflag:s14] =	ssyncset.done $0x0  }
0x1ef: {  	s5 =	rddreg [dreg:$0xc];
	[sflag:s14] =	ssyncadd.s32 $0xFFFFC180  }
0x1f0: {  	[tilespmem:s10], [sflag:$0x2] =	stream.indirect.gather [hbm4b:s4+s8], $0x80, s5, s8, $0xb8;
	[tilespmem:$0x1D880] =	vst v63  }
0x1f1: {  	_ =	swait.ge [sflag:s11], $0x3E80  }
0x1f2: {  	[sflag:s11] =	ssyncset.done $0x0  }
0x1f3: {  	s31 =	rddreg [dreg:$0xd];
	[sflag:s11] =	ssyncadd.s32 $0xFFFFC180  }
0x1f4: {  	[spmem:s2] =	stream.indirect.scatter.add.f32 [tilespmem:s9], [sflag:$0x3], $0x80, s31, s8, $0xb8;
	[tilespmem:$0x1D880] =	vst v63  }
0x1f5: {  	_ =	swait.ge [sflag:s12], $0x3E80  }
0x1f6: {  	[sflag:s12] =	ssyncset.done $0x0  }
0x1f7: {  	s5 =	rddreg [dreg:$0xe];
	[sflag:s12] =	ssyncadd.s32 $0xFFFFC180  }
0x1f8: {  	[spmem:s2] =	stream.indirect.scatter.add.f32 [tilespmem:s10], [sflag:$0x4], $0x80, s5, s8, $0xb8;
	[tilespmem:$0x1D880] =	vst v63  }
0x1f9: {  	_ =	swait.ge [sflag:s13], $0x3E80  }
0x1fa: {  	[sflag:s13] =	ssyncset.done $0x0  }
0x1fb: {  	s31 =	rddreg [dreg:$0xf];
	[sflag:s13] =	ssyncadd.s32 $0xFFFFC180  }
0x1fc: {  	[tilespmem:s9], [sflag:$0x1] =	stream.indirect.gather [hbm4b:s4+s8], $0x80, s31, s8, $0xb8;
	[tilespmem:$0x1D880] =	vst v63  }
0x1fd: {  	_ =	swait.ge [sflag:s14], $0x3E80  }
0x1fe: {  	[sflag:s14] =	ssyncset.done $0x0  }
0x1ff: {  	s5 =	rddreg [dreg:$0x10];
	[sflag:s14] =	ssyncadd.s32 $0xFFFFC180  }
0x200: {  	[tilespmem:s10], [sflag:$0x2] =	stream.indirect.gather [hbm4b:s4+s8], $0x80, s5, s8, $0xb8;
	[tilespmem:$0x1D880] =	vst v63  }
0x201: {  	_ =	swait.ge [sflag:s11], $0x3E80  }
0x202: {  	[sflag:s11] =	ssyncset.done $0x0  }
0x203: {  	s31 =	rddreg [dreg:$0x11];
	[sflag:s11] =	ssyncadd.s32 $0xFFFFC180  }
0x204: {  	[spmem:s2] =	stream.indirect.scatter.add.f32 [tilespmem:s9], [sflag:$0x3], $0x80, s31, s8, $0xb8;
	[tilespmem:$0x1D880] =	vst v63  }
0x205: {  	_ =	swait.ge [sflag:s12], $0x3E80  }
0x206: {  	[sflag:s12] =	ssyncset.done $0x0  }
0x207: {  	s5 =	rddreg [dreg:$0x12];
	[sflag:s12] =	ssyncadd.s32 $0xFFFFC180  }
0x208: {  	[spmem:s2] =	stream.indirect.scatter.add.f32 [tilespmem:s10], [sflag:$0x4], $0x80, s5, s8, $0xb8;
	[tilespmem:$0x1D880] =	vst v63  }
0x209: {  	_ =	swait.ge [sflag:s13], $0x3E80  }
0x20a: {  	[sflag:s13] =	ssyncset.done $0x0  }
0x20b: {  	s31 =	rddreg [dreg:$0x13];
	[sflag:s13] =	ssyncadd.s32 $0xFFFFC180  }
0x20c: {  	[tilespmem:s9], [sflag:$0x1] =	stream.indirect.gather [hbm4b:s4+s8], $0x80, s31, s8, $0xb8;
	[tilespmem:$0x1D880] =	vst v63  }
0x20d: {  	_ =	swait.ge [sflag:s14], $0x3E80  }
0x20e: {  	[sflag:s14] =	ssyncset.done $0x0  }
0x20f: {  	s5 =	rddreg [dreg:$0x14];
	[sflag:s14] =	ssyncadd.s32 $0xFFFFC180  }
0x210: {  	[tilespmem:s10], [sflag:$0x2] =	stream.indirect.gather [hbm4b:s4+s8], $0x80, s5, s8, $0xb8;
	[tilespmem:$0x1D880] =	vst v63  }
0x211: {  	_ =	swait.ge [sflag:s11], $0x3E80  }
0x212: {  	[sflag:s11] =	ssyncset.done $0x0  }
0x213: {  	[sflag:s11] =	ssyncadd.s32 $0xFFFFC180  }
0x214: {  	[spmem:s2] =	stream.indirect.scatter.add.f32 [tilespmem:s9], [sflag:$0x3], $0x80, s15, s8, $0xb8;
	[tilespmem:$0x1D880] =	vst v63  }
0x215: {  	_ =	swait.ge [sflag:s12], $0x3E80  }
0x216: {  	[sflag:s12] =	ssyncset.done $0x0  }
0x217: {  	[sflag:s12] =	ssyncadd.s32 $0xFFFFC180  }
0x218: {  	[spmem:s2] =	stream.indirect.scatter.add.f32 [tilespmem:s10], [sflag:$0x4], $0x80, s16, s8, $0xb8;
	[tilespmem:$0x1D880] =	vst v63  }
0x219: {  	_ =	swait.ge [sflag:s13], $0x3E80  }
0x21a: {  	[sflag:s13] =	ssyncset.done $0x0  }
0x21b: {  	[sflag:s13] =	ssyncadd.s32 $0xFFFFC180  }
0x21c: {  	[tilespmem:s9], [sflag:$0x1] =	stream.indirect.gather [hbm4b:s4+s8], $0x80, s17, s8, $0xb8;
	[tilespmem:$0x1D880] =	vst v63  }
0x21d: {  	_ =	swait.ge [sflag:s14], $0x3E80  }
0x21e: {  	[sflag:s14] =	ssyncset.done $0x0  }
0x21f: {  	[sflag:s14] =	ssyncadd.s32 $0xFFFFC180  }
0x220: {  	[tilespmem:s10], [sflag:$0x2] =	stream.indirect.gather [hbm4b:s4+s8], $0x80, s18, s8, $0xb8;
	[tilespmem:$0x1D880] =	vst v63  }
0x221: {  	_ =	swait.ge [sflag:s11], $0x3E80  }
0x222: {  	[sflag:s11] =	ssyncset.done $0x0  }
0x223: {  	[sflag:s11] =	ssyncadd.s32 $0xFFFFC180  }
0x224: {  	[spmem:s2] =	stream.indirect.scatter.add.f32 [tilespmem:s9], [sflag:$0x3], $0x80, s19, s8, $0xb8;
	[tilespmem:$0x1D880] =	vst v63  }
0x225: {  	_ =	swait.ge [sflag:s12], $0x3E80  }
0x226: {  	[sflag:s12] =	ssyncset.done $0x0  }
0x227: {  	[sflag:s12] =	ssyncadd.s32 $0xFFFFC180  }
0x228: {  	[spmem:s2] =	stream.indirect.scatter.add.f32 [tilespmem:s10], [sflag:$0x4], $0x80, s20, s8, $0xb8;
	[tilespmem:$0x1D880] =	vst v63  }
0x229: {  	_ =	swait.ge [sflag:s13], $0x3E80  }
0x22a: {  	[sflag:s13] =	ssyncset.done $0x0  }
0x22b: {  	[sflag:s13] =	ssyncadd.s32 $0xFFFFC180  }
0x22c: {  	[tilespmem:s9], [sflag:$0x1] =	stream.indirect.gather [hbm4b:s4+s8], $0x80, s21, s8, $0xb8;
	[tilespmem:$0x1D880] =	vst v63  }
0x22d: {  	_ =	swait.ge [sflag:s14], $0x3E80  }
0x22e: {  	[sflag:s14] =	ssyncset.done $0x0  }
0x22f: {  	[sflag:s14] =	ssyncadd.s32 $0xFFFFC180  }
0x230: {  	[tilespmem:s10], [sflag:$0x2] =	stream.indirect.gather [hbm4b:s4+s8], $0x80, s22, s8, $0xb8;
	[tilespmem:$0x1D880] =	vst v63  }
0x231: {  	_ =	swait.ge [sflag:s11], $0x3E80  }
0x232: {  	[sflag:s11] =	ssyncset.done $0x0  }
0x233: {  	[sflag:s11] =	ssyncadd.s32 $0xFFFFC180  }
0x234: {  	[spmem:s2] =	stream.indirect.scatter.add.f32 [tilespmem:s9], [sflag:$0x3], $0x80, s23, s8, $0xb8;
	[tilespmem:$0x1D880] =	vst v63  }
0x235: {  	_ =	swait.ge [sflag:s12], $0x3E80  }
0x236: {  	[sflag:s12] =	ssyncset.done $0x0  }
0x237: {  	[sflag:s12] =	ssyncadd.s32 $0xFFFFC180  }
0x238: {  	[spmem:s2] =	stream.indirect.scatter.add.f32 [tilespmem:s10], [sflag:$0x4], $0x80, s24, s8, $0xb8;
	[tilespmem:$0x1D880] =	vst v63  }
0x239: {  	_ =	swait.ge [sflag:s13], $0x3E80  }
0x23a: {  	[sflag:s13] =	ssyncset.done $0x0  }
0x23b: {  	[sflag:s13] =	ssyncadd.s32 $0xFFFFC180  }
0x23c: {  	[tilespmem:s9], [sflag:$0x1] =	stream.indirect.gather [hbm4b:s4+s8], $0x80, s25, s8, $0xb8;
	[tilespmem:$0x1D880] =	vst v63  }
0x23d: {  	_ =	swait.ge [sflag:s14], $0x3E80  }
0x23e: {  	[sflag:s14] =	ssyncset.done $0x0  }
0x23f: {  	[sflag:s14] =	ssyncadd.s32 $0xFFFFC180  }
0x240: {  	[tilespmem:s10], [sflag:$0x2] =	stream.indirect.gather [hbm4b:s4+s8], $0x80, s26, s8, $0xb8;
	[tilespmem:$0x1D880] =	vst v63  }
0x241: {  	_ =	swait.ge [sflag:s11], $0x3E80  }
0x242: {  	[sflag:s11] =	ssyncset.done $0x0  }
0x243: {  	[sflag:s11] =	ssyncadd.s32 $0xFFFFC180  }
0x244: {  	[spmem:s2] =	stream.indirect.scatter.add.f32 [tilespmem:s9], [sflag:$0x3], $0x80, s28, s8, $0xb8;
	[tilespmem:$0x1D880] =	vst v63  }
0x245: {  	_ =	swait.ge [sflag:s12], $0x3E80  }
0x246: {  	[sflag:s12] =	ssyncset.done $0x0  }
0x247: {  	[sflag:s12] =	ssyncadd.s32 $0xFFFFC180  }
0x248: {  	[spmem:s2] =	stream.indirect.scatter.add.f32 [tilespmem:s10], [sflag:$0x4], $0x80, s29, s8, $0xb8;
	[tilespmem:$0x1D880] =	vst v63  }
0x249: {  	_ =	swait.ge [sflag:s13], $0x3E80  }
0x24a: {  	[sflag:s13] =	ssyncset.done $0x0  }
0x24b: {  	[sflag:s13] =	ssyncadd.s32 $0xFFFFC180  }
0x24c: {  	_ =	swait.ge [sflag:s14], $0x3E80  }
0x24d: {  	[sflag:s14] =	ssyncset.done $0x0  }
0x24e: {  	[sflag:s14] =	ssyncadd.s32 $0xFFFFC180  }
0x24f: {  	s31 =	stileid.u32;
	[bflag:$0x0] =	sbarrier.arrive $0xFFFF  }
0x250: {  	s1 =	sshll.u32 s31, $0x6;
	s31 =	sld [smem:$0x7F7]  }
0x251: {  	s30 =	rddreg [dreg:$0x15]  }
0x252: {  	s1 =	sor.u32 $0x1C05, s1;
	s5 =	sshrl.u32 s30, $0x3  }
0x253: {  	[hbm:s31], [sflag:s1] =	dma.local [spmem:s5], $0x2700  }
0x254: {  	_ =	swait.ge [sflag:s0], $0x2700  }
0x255: {  	s1 =	sld [smem:$0x7EE]  }
0x256: {  	s31 =	sld [smem:$0x7F8];
	_ =	sdelay $0x1  }
0x257: {  	s5 =	sadd.s32 $0x1, s1  }
0x258: {  	p0 =	sne.s32 s5, s31  }
.Ltmp2:
0x259: {  	_ = 	snop;
	(pc) =	sbr.rel @p0 .LBB2_1-.Ltmp2, $3  }
0x25a: {  	_ =	sdelay $0x1  }
0x25b: {  	[sflag:s0] =	ssyncset.done $0x0  }
0x25c: {  	[sflag:s0] =	ssyncadd.s32 $0xFFFFD900  }
0x25d: {  	_ =	sfence.sel $0x180000  }
0x25e: {  	[bflag:$0x0] =	sbarrier.arrive $0xFFFF  }
0x25f: {  	_ =	strace $0x9000004A  }
0x260: {  	s0 =	stileid.u32;
	[bflag:$0x2] =	sbarrier.arrive $0xFFFF  }
0x261: {  	p0 =	sne.s32 s0, $0x0;
	s0 =	rddreg [dreg:$0x2]  }
0x262: {  	s0 =	sadd.s32 @!p0 $0x100000, s0  }
0x263: {  	[sflag:s0] =	ssyncadd.tile.s32 @!p0 $0x1;
	_ =	shalt  }
.Lfunc_end2:
_tile_overlayer_lowered:
.L_overlay_start_2:
0x264: {  	(tag) =	ssettag $0x2  }
0x265: {  	s0 =	rddreg [dreg:$0x0];
	s2 =	stileid.u32  }
0x266: {  	s1 =	rddreg [dreg:$0x1];
	p0 =	sne.s32 s2, $0x0  }
0x267: {  	s3 =	rddreg [dreg:$0x2];
	[bflag:$0x3] =	sbarrier.arrive $0xFFFF;
	s2 =	simm.s32 @!p0 $0x1C05  }
0x268: {  	[timem:s3], [sflag:s2] =	dma.local @!p0 [hbm:s0], s1  }
0x269: {  	s0 =	simm.s32 @!p0 $0x5  }
0x26a: {  	_ =	swait.ge @!p0 [sflag:s0], s1  }
0x26b: {  	s1 =	ssub.s32 @!p0 $0x0, s1;
	[sflag:s0] =	ssyncset.done @!p0 $0x0  }
0x26c: {  	[sflag:s0] =	ssyncadd.s32 @!p0 s1  }
0x26d: {  	[bflag:$0x3] =	sbarrier.arrive $0xFFFF  }
0x26e: {  	_ =	shalt  }

// kernel: kernel.13.cloned.1.call-start
scs
__scs_entry_jumppad:
0x0: {  	(pc) =	sbr.rel $0x88, $3  }
0x1: {  	(tag) =	ssettag $0x0;
	lr =	simm.s32 $0x1  }
0x2: {  	[smem:$0x3F97] =	sst lr;
	_ =	strace $0xD0000000  }
0x3: {  	_ = 	snop  }
0x4: {  	_ = 	snop  }
0x5: {  	_ = 	snop  }
0x6: {  	_ = 	snop  }
0x7: {  	_ = 	snop  }
__scs_overlays_trampoline_lowered:
0x8: {  	[smem:$0x3FA6] =	sst s0  }
0x9: {  	[smem:$0x3FA7] =	sst s1  }
0xa: {  	[smem:$0x3FA8] =	sst s2  }
0xb: {  	[smem:$0x3FA9] =	sst s3  }
0xc: {  	[smem:$0x3FAA] =	sst s4  }
0xd: {  	[smem:$0x3FAB] =	sst s5  }
0xe: {  	[smem:$0x3FAC] =	sst s6  }
0xf: {  	[smem:$0x3FAD] =	sst s7  }
0x10: {  	[smem:$0x3FAE] =	sst s8  }
0x11: {  	[smem:$0x3FAF] =	sst s9;
	s0 =	simm.s32 @!p0 $0x0  }
0x12: {  	s1 =	sld [smem:$0x3F95];
	s0 =	simm.s32 @p0 $0x1  }
0x13: {  	[smem:$0x3FB0] =	sst s0;
	s0 =	simm.s32 @!p1 $0x0  }
0x14: {  	s2 =	sld [smem:$0x3F94];
	s0 =	simm.s32 @p1 $0x1  }
0x15: {  	[smem:$0x3FB1] =	sst s0;
	s0 =	simm.s32 @!p2 $0x0  }
0x16: {  	s3 =	sld [smem:$0x3FDB];
	s0 =	simm.s32 @p2 $0x1  }
0x17: {  	s4 =	simm.s32 $0x1BF5;
	[smem:$0x3FB3] =	sst s0  }
0x18: {  	s0 =	sld [smem:$0x3F96];
	_ =	swait.ge [sflag:s4], $0x0  }
0x19: {  	s7 =	sld [smem:$0x3F97]  }
0x1a: {  	s8 =	sadd.s32 $0xFFFFE003, lr  }
0x1b: {  	s9 =	sadd.s32 $0xFFFFFEF7, lr;
	s5 =	simm.s32 $0xFFFFFFFF;
	p2 =	slt.u32 s8, $0xFFFFF086  }
0x1c: {  	p1 =	slt.u32 s9, $0xF7A;
	s5 =	simm.s32 @!p2 $0x0  }
0x1d: {  	s5 =	simm.s32 @p1 $0x1;
	p0 =	seq.s32 s7, s2  }
0x1e: {  	s7 =	smul.u32 @!p0 $0xF7A, s2;
	p2 =	seq.s32 @!p0 s5, $0x0  }
0x1f: {  	s9 =	smul.u32 $0xF7A, s1;
	s8 =	simm.s32 @!p0 $0x1BF5;
	p2 =	por !p2, p0  }
0x20: {  	[sflag:s8] =	ssyncset.s32 @!p0 $0xFFFFF086;
	s6 =	sadd.s32 @!p0 s3, s7;
	s7 =	simm.s32 @!p0 $0x108  }
0x21: {  	s3 =	sadd.s32 s3, s9;
	s6 =	sadd.s32 @!p0 $0x88, s6;
	s7 =	simm.s32 @p2 $0x1082  }
0x22: {  	[simem:s7], [sflag:s8] =	dma.local @!p0 [hbm:s6], $0xF7A  }
0x23: {  	s9 =	sor.u32 $0xD0000000, s2;
	s6 =	simm.s32 $0x108;
	_ =	swait.ge @!p0 [sflag:s8], $0x0  }
0x24: {  	s3 =	sadd.s32 $0x88, s3;
	s6 =	simm.s32 @!p1 $0x1082;
	[sflag:s4] =	ssyncset.s32 $0xFFFFF086  }
0x25: {  	[simem:s6], [sflag:s4] =	dma.local [hbm:s3], $0xF7A  }
0x26: {  	[smem:$0x3F97] =	sst s1;
	(tag) =	ssettag s2;
	_ =	strace s9  }
0x27: {  	s1 =	sld [smem:$0x3FA7]  }
0x28: {  	s2 =	sld [smem:$0x3FA8]  }
0x29: {  	s4 =	sld [smem:$0x3FAA]  }
0x2a: {  	p0 =	seq.s32 s5, $0x0;
	s5 =	sld [smem:$0x3FAB]  }
0x2b: {  	s6 =	sld [smem:$0x3FAC]  }
0x2c: {  	s7 =	sld [smem:$0x3FAD]  }
0x2d: {  	s3 =	simm.s32 $0x108;
	s8 =	sld [smem:$0x3FAE]  }
0x2e: {  	s3 =	simm.s32 @!p0 $0x1082;
	s9 =	sld [smem:$0x3FAF]  }
0x2f: {  	lr =	sadd.s32 s0, s3;
	s0 =	sld [smem:$0x3FA6]  }
0x30: {  	s3 =	sld [smem:$0x3FA9]  }
0x31: {  	[smem:$0x3FB2] =	sst s10  }
0x32: {  	s10 =	sld [smem:$0x3FB0];
	_ =	sdelay $0x3  }
0x33: {  	p0 =	seq.s32 s10, $0x1;
	s10 =	sld [smem:$0x3FB2];
	_ =	sdelay $0x3  }
0x34: {  	[smem:$0x3FB2] =	sst s10  }
0x35: {  	s10 =	sld [smem:$0x3FB1];
	_ =	sdelay $0x3  }
0x36: {  	p1 =	seq.s32 s10, $0x1;
	s10 =	sld [smem:$0x3FB2];
	_ =	sdelay $0x3  }
0x37: {  	[smem:$0x3FB2] =	sst s10  }
0x38: {  	s10 =	sld [smem:$0x3FB3]  }
0x39: {  	_ = 	snop;
	(pc) =	sbr.ind lr, $3  }
0x3a: {  	_ = 	snop  }
0x3b: {  	_ = 	snop  }
0x3c: {  	p2 =	seq.s32 s10, $0x1;
	s10 =	sld [smem:$0x3FB2]  }
0x3d: {  	_ =	shalt  }
0x3e: {  	_ =	shalt  }
0x3f: {  	_ =	shalt  }
0x40: {  	_ =	shalt  }
0x41: {  	_ =	shalt  }
0x42: {  	_ =	shalt  }
0x43: {  	_ =	shalt  }
0x44: {  	_ =	shalt  }
0x45: {  	_ =	shalt  }
0x46: {  	_ =	shalt  }
0x47: {  	_ =	shalt  }
0x48: {  	_ =	shalt  }
0x49: {  	_ =	shalt  }
0x4a: {  	_ =	shalt  }
0x4b: {  	_ =	shalt  }
0x4c: {  	_ =	shalt  }
0x4d: {  	_ =	shalt  }
0x4e: {  	_ =	shalt  }
0x4f: {  	_ =	shalt  }
0x50: {  	_ =	shalt  }
0x51: {  	_ =	shalt  }
0x52: {  	_ =	shalt  }
0x53: {  	_ =	shalt  }
0x54: {  	_ =	shalt  }
0x55: {  	_ =	shalt  }
0x56: {  	_ =	shalt  }
0x57: {  	_ =	shalt  }
0x58: {  	_ =	shalt  }
0x59: {  	_ =	shalt  }
0x5a: {  	_ =	shalt  }
0x5b: {  	_ =	shalt  }
0x5c: {  	_ =	shalt  }
0x5d: {  	_ =	shalt  }
0x5e: {  	_ =	shalt  }
0x5f: {  	_ =	shalt  }
0x60: {  	_ =	shalt  }
0x61: {  	_ =	shalt  }
0x62: {  	_ =	shalt  }
0x63: {  	_ =	shalt  }
0x64: {  	_ =	shalt  }
0x65: {  	_ =	shalt  }
0x66: {  	_ =	shalt  }
0x67: {  	_ =	shalt  }
0x68: {  	_ =	shalt  }
0x69: {  	_ =	shalt  }
0x6a: {  	_ =	shalt  }
0x6b: {  	_ =	shalt  }
0x6c: {  	_ =	shalt  }
0x6d: {  	_ =	shalt  }
0x6e: {  	_ =	shalt  }
0x6f: {  	_ =	shalt  }
0x70: {  	_ =	shalt  }
0x71: {  	_ =	shalt  }
0x72: {  	_ =	shalt  }
0x73: {  	_ =	shalt  }
0x74: {  	_ =	shalt  }
0x75: {  	_ =	shalt  }
0x76: {  	_ =	shalt  }
0x77: {  	_ =	shalt  }
0x78: {  	_ =	shalt  }
0x79: {  	_ =	shalt  }
0x7a: {  	_ =	shalt  }
0x7b: {  	_ =	shalt  }
0x7c: {  	_ =	shalt  }
0x7d: {  	_ =	shalt  }
0x7e: {  	_ =	shalt  }
0x7f: {  	_ =	shalt  }
0x80: {  	_ =	shalt  }
0x81: {  	_ =	shalt  }
0x82: {  	_ =	shalt  }
0x83: {  	_ =	shalt  }
0x84: {  	_ =	shalt  }
0x85: {  	_ =	shalt  }
0x86: {  	_ =	shalt  }
0x87: {  	_ =	shalt  }
.Lfunc_end0:
.L_simem_size_0:
called_computation.2_lowered:
.L_overlay_start_0:
0x88: {  	s2 =	sld [smem:$0x3FD9]  }
0x89: {  	s3 =	sld [smem:$0x3FFE];
	_ =	sdelay $0x1  }
0x8a: {  	s1 =	srdreg.scid  }
0x8b: {  	s0 =	sand.u32 $0x1, s1  }
0x8c: {  	s16 =	sshll.u32 s0, $0xA;
	s2 =	sadd.s32 s3, s2  }
0x8d: {  	s2 =	sadd.s32 s2, s16  }
0x8e: {  	[smem:$0x3FBE] =	sst s2  }
0x8f: {  	_ = 	snop  }
0x90: {  	(tm) =	ssettm $0x1  }
0x91: {  	s17 =	sld [smem:$0x3FFB];
	_ =	sdelay $0x3  }
0x92: {  	_ =	strace s17  }
0x93: {  	s2 =	sld [smem:$0x3FFC];
	_ =	sdelay $0x3  }
0x94: {  	_ =	strace s2  }
0x95: {  	s2 =	sld [smem:$0x3FFD];
	_ =	sdelay $0x3  }
0x96: {  	_ =	strace s2  }
0x97: {  	_ =	strace $0x8FFFFFFF  }
0x98: {  	s18 =	sld [smem:$0x3FDB];
	_ =	sdelay $0x1  }
0x99: {  	s19 =	simm.s32 $_scs_section_size  }
0x9a: {  	s4 =	simm.s32 $_size__tile_overlayer_lowered;
	s5 =	simm.s32 $_tile_overlayer_lowered  }
0x9b: {  	s22 =	simm.s32 $0x1BFF;
	s21 =	sshll.u32 s5, $0x1;
	s2 =	sadd.s32 s19, s18  }
0x9c: {  	s6 =	simm.s32 $0x0;
	s20 =	sshll.u32 s4, $0x1;
	s4 =	sadd.s32 s21, s2  }
0x9d: {  	[timem:s6], [sflag:s22] =	dma.local [hbm:s4], s20  }
0x9e: {  	_ =	swait.ge [sflag:s22], s20  }
0x9f: {  	s3 =	ssub.s32 $0x0, s20;
	[sflag:s22] =	ssyncset.done $0x0  }
0xa0: {  	[sflag:s22] =	ssyncadd.s32 s3;
	_ =	sdelay $0x1  }
0xa1: {  	s23 =	simm.s32 $0x1B8B  }
0xa2: {  	_ =	swait.ge [sflag:s23], $0x1  }
0xa3: {  	[sflag:s23] =	ssyncset.done $0x0  }
0xa4: {  	s25 =	simm.s32 $0x1B8E;
	s24 =	sld [smem:$0x3FFE];
	[sflag:s23] =	ssyncadd.s32 $0xFFFFFFFF  }
0xa5: {  	s26 =	simm.s32 $execute0_lowered;
	[smem:$0x3FD2] =	sst s25  }
0xa6: {  	s4 =	sshll.u32 s26, $0x1;
	_ =	strace $0x8000004C;
	[dreg:$0x1] =	wrdreg $0xFFFFFFFF  }
0xa7: {  	s28 =	simm.s32 $_size_execute0_lowered;
	s2 =	sadd.s32 s2, s4;
	[dreg:$0x0] =	wrdreg $0x0  }
0xa8: {  	s4 =	sshll.u32 s28, $0x1;
	[dreg:$0x2] =	wrdreg s2  }
0xa9: {  	[dreg:$0x3] =	wrdreg s4  }
0xaa: {  	[dreg:$0x4] =	wrdreg $0xC0  }
0xab: {  	_ =	task [dreg:s6], $0x5FFFF  }
0xac: {  	[dreg:$0x1] =	wrdreg $0xFFFFFFFF  }
0xad: {  	[dreg:$0x0] =	wrdreg $0x60  }
0xae: {  	[dreg:$0x2] =	wrdreg s24  }
0xaf: {  	[dreg:$0x3] =	wrdreg $0x0  }
0xb0: {  	[dreg:$0x4] =	wrdreg $0x9  }
0xb1: {  	_ =	task.clear_ibuf [dreg:s6], $0x5FFFF;
	_ =	strace $0x9000004C  }
0xb2: {  	s29 =	simm.s32 $0x9;
	_ =	strace $0x8000004E  }
0xb3: {  	_ =	swait.ge [sflag:s29], $0x1  }
0xb4: {  	[sflag:s29] =	ssyncadd.s32 $0xFFFFFFFF  }
0xb5: {  	_ =	strace $0x9000004E  }
0xb6: {  	_ =	sfence  }
0xb7: {  	s30 =	sld [smem:$0x0];
	_ =	sdelay $0x2  }
0xb8: {  	s31 =	sshll.u32 s1, $0xD;
	s1 =	sshrl.u32 s1, $0x2  }
0xb9: {  	s3 =	sand.u32 $0x4000, s31;
	s1 =	sadd.s32 s1, s30  }
0xba: {  	s0 =	sor.u32 s3, s0;
	s1 =	sshll.u32 s1, $0x11  }
0xbb: {  	s0 =	sor.u32 s1, s0  }
0xbc: {  	s0 =	sadd.s32 $0x8F2B, s0  }
0xbd: {  	[sflag:s0] =	ssyncadd.remote.s32 $0x1  }
0xbe: {  	_ =	sfence.sel $0xFFFF  }
0xbf: {  	[dreg:$0x0] =	wrdreg $0xFFFFFFFF;
	(pc) =	sbr.abs _section_cstart, $3  }
0xc0: {  	[dreg:$0x1] =	wrdreg $0xFFFFFFFF  }
0xc1: {  	_ =	task.clear_ibuf [dreg:s6], $0x2FFFF;
	_ =	strace $0x9FFFFFFF  }
0xc2: {  	(tm) =	ssettm $0x7FFFFFFF  }
0xc3: {  	_ =	shalt  }
tec
execute0_lowered:
.L_overlay_start_1:
0x0: {  	(tag) =	ssettag $0x1  }
0x1: {  	s0 =	rddreg [dreg:$0x0]  }
0x2: {  	s2 =	rddreg [dreg:$0x1]  }
0x3: {  	s9 =	stileid.u32;
	s3 =	simm.s32 $0x0;
	s4 =	srdreg.scid  }
0x4: {  	s10 =	simm.s32 $0x13900;
	s12 =	simm.s32 $0x14100;
	[smem:$0x7FF] =	sst s3  }
0x5: {  	s14 =	simm.s32 $0x13980;
	_ =	strace $0x8000004D;
	[dreg:$0x5] =	wrdreg s10  }
0x6: {  	s16 =	simm.s32 $0x13A00;
	s18 =	simm.s32 $0x14180;
	[dreg:$0x6] =	wrdreg s12  }
0x7: {  	s20 =	simm.s32 $0x14200;
	s1 =	smul.u32 $0xA00, s9;
	[dreg:$0x7] =	wrdreg s14  }
0x8: {  	s22 =	simm.s32 $0x13A80;
	s6 =	smul.u32 $0x2700, s9;
	[dreg:$0x8] =	wrdreg s16  }
0x9: {  	s5 =	sand.u32 $0x1, s4;
	s26 =	smul.u32 $0x4E000, s9;
	[dreg:$0x9] =	wrdreg s18  }
0xa: {  	s24 =	simm.s32 $0x13B00;
	s7 =	smul.u32 $0x27100, s5;
	[dreg:$0xa] =	wrdreg s20  }
0xb: {  	s8 =	smul.u32 $0xA000, s5;
	s5 =	ssub.s32 $0x2, s5;
	[dreg:$0xb] =	wrdreg s22  }
0xc: {  	[dreg:$0xc] =	wrdreg s24;
	s1 =	sadd.s32 s1, s0;
	s31 =	sshrl.u32 s5, $0x1  }
0xd: {  	s6 =	sadd.s32 s6, s7;
	s8 =	sadd.s32 s8, s1;
	s1 =	sadd.s32 $0x3200, s1  }
0xe: {  	s7 =	sshrl.u32 s26, $0x2;
	s26 =	simm.s32 $0x14280;
	[dreg:$0x4] =	wrdreg s1  }
0xf: {  	s5 =	ssub.s32 s5, s31;
	s9 =	sadd.s32 $0xE4800, s8;
	[dreg:$0xd] =	wrdreg s26  }
0x10: {  	s30 =	sadd.s32 s7, s2;
	s7 =	simm.s32 $0x14300;
	[dreg:$0x3] =	wrdreg s9  }
0x11: {  	s22 =	smax.u32 s5, $0x1;
	[dreg:$0xe] =	wrdreg s7  }
0x12: {  	s4 =	sadd.s32 $0x82600, s0;
	[smem:$0x7F8] =	sst s22  }
0x13: {  	s0 =	sadd.s32 s6, s0;
	s6 =	sadd.s32 $0xC80, s30;
	[dreg:$0x15] =	wrdreg s30  }
0x14: {  	s11 =	sadd.s32 $0x1900, s30;
	[dreg:$0x16] =	wrdreg s6  }
0x15: {  	s13 =	sadd.s32 $0x2580, s30;
	[dreg:$0x17] =	wrdreg s11  }
0x16: {  	s15 =	sadd.s32 $0x3200, s30;
	[dreg:$0x18] =	wrdreg s13  }
0x17: {  	s17 =	sadd.s32 $0x3E80, s30;
	[dreg:$0x19] =	wrdreg s15  }
0x18: {  	s19 =	sadd.s32 $0x4B00, s30;
	[dreg:$0x1a] =	wrdreg s17  }
0x19: {  	s21 =	sadd.s32 $0x5780, s30;
	[dreg:$0x1b] =	wrdreg s19  }
0x1a: {  	s23 =	sadd.s32 $0x6400, s30;
	[dreg:$0x1c] =	wrdreg s21  }
0x1b: {  	s25 =	sadd.s32 $0x7080, s30;
	[dreg:$0x1d] =	wrdreg s23  }
0x1c: {  	s31 =	sadd.s32 $0x7D00, s30;
	[dreg:$0x1e] =	wrdreg s25  }
0x1d: {  	s8 =	sadd.s32 $0x8980, s30;
	[dreg:$0x1f] =	wrdreg s31  }
0x1e: {  	s10 =	sadd.s32 $0x9600, s30;
	[smem:$0x7EF] =	sst s8  }
0x1f: {  	s9 =	simm.s32 $0x13B80;
	[smem:$0x7F0] =	sst s10  }
0x20: {  	s28 =	simm.s32 $0x14780;
	s12 =	sadd.s32 $0xA280, s30;
	[dreg:$0xf] =	wrdreg s9  }
0x21: {  	s29 =	simm.s32 $0x14800;
	s14 =	sadd.s32 $0xAF00, s30;
	[smem:$0x7F1] =	sst s12  }
0x22: {  	s1 =	simm.s32 $0x5;
	s16 =	sadd.s32 $0xBB80, s30;
	[smem:$0x7F2] =	sst s14  }
0x23: {  	s5 =	simm.s32 $0x0;
	s18 =	sadd.s32 $0xC800, s30;
	[smem:$0x7F3] =	sst s16  }
0x24: {  	s20 =	sadd.s32 $0xD480, s30;
	s0 =	sadd.s32 $0xF8800, s0;
	[smem:$0x7F4] =	sst s18  }
0x25: {  	s24 =	sadd.s32 $0xFA00, s30;
	s26 =	sadd.s32 $0x11300, s30;
	[smem:$0x7F5] =	sst s20  }
0x26: {  	s7 =	simm.s32 $0x14080;
	s22 =	simm.s32 $0x13F00;
	[smem:$0x7F7] =	sst s0  }
0x27: {  	s11 =	simm.s32 $0x13C00;
	s13 =	simm.s32 $0x14380;
	[smem:$0x7FA] =	sst s24  }
0x28: {  	s15 =	simm.s32 $0x14400;
	s17 =	simm.s32 $0x13C80;
	[smem:$0x7FC] =	sst s26  }
0x29: {  	s19 =	simm.s32 $0x13D00;
	s21 =	sadd.s32 $0xE100, s30;
	[dreg:$0x10] =	wrdreg s11  }
0x2a: {  	s23 =	sadd.s32 $0xED80, s30;
	s25 =	sadd.s32 $0x10680, s30;
	[dreg:$0x11] =	wrdreg s13  }
0x2b: {  	s31 =	sadd.s32 $0x11F80, s30;
	s6 =	simm.s32 $0x13880;
	[dreg:$0x12] =	wrdreg s15  }
0x2c: {  	s8 =	simm.s32 $0x7D;
	s9 =	simm.s32 $0x14880;
	[dreg:$0x13] =	wrdreg s17  }
0x2d: {  	s10 =	simm.s32 $0x18880;
	s12 =	simm.s32 $0x2;
	[dreg:$0x14] =	wrdreg s19  }
0x2e: {  	s14 =	simm.s32 $0x4;
	s16 =	simm.s32 $0x14500;
	[smem:$0x7F6] =	sst s21  }
0x2f: {  	s18 =	simm.s32 $0x13E00;
	s20 =	simm.s32 $0x14600;
	[smem:$0x7F9] =	sst s23  }
0x30: {  	s24 =	simm.s32 $0x14700;
	s26 =	simm.s32 $0x14000;
	[smem:$0x7FB] =	sst s25  }
0x31: {  	[smem:$0x7FD] =	sst s31;
	s11 =	simm.s32 $0x1;
	s13 =	simm.s32 $0x3  }
0x32: {  	s15 =	simm.s32 $0x14480;
	s17 =	simm.s32 $0x13D80;
	s19 =	simm.s32 $0x14580  }
0x33: {  	v0 =	vimm.f32 $0.0e+00;
	s21 =	simm.s32 $0x13E80;
	s23 =	simm.s32 $0x14680;
	s25 =	simm.s32 $0x13F80  }
.LBB2_1:
0x34: {  	[smem:$0x7EE] =	sst s5;
	s5 =	simm.s32 $0x0;
	s31 =	simm.s32 $0x200  }
.LBB2_2:
0x35: {  	p0 =	sne.s32 s31, $0x3000;
	[tilespmem:s5+$0x1C8F0] =	vst v0  }
0x36: {  	[tilespmem:s5+$0x1C880] =	vst v0  }
0x37: {  	[tilespmem:s5+$0x1C890] =	vst v0  }
.Ltmp0:
0x38: {  	[tilespmem:s5+$0x1C8A0] =	vst v0;
	(pc) =	sbr.rel @p0 .LBB2_2-.Ltmp0, $4  }
0x39: {  	[tilespmem:s5+$0x1C8B0] =	vst v0  }
0x3a: {  	[tilespmem:s5+$0x1C8C0] =	vst v0  }
0x3b: {  	[tilespmem:s5+$0x1C8D0] =	vst v0  }
0x3c: {  	[tilespmem:s5+$0x1C8E0] =	vst v0;
	s5 =	sshra.s32 s31, $0x2;
	s31 =	sadd.s32 $0x200, s31  }
0x3d: {  	[tilespmem:s5+$0x1C8F0] =	vst v0  }
0x3e: {  	[tilespmem:s5+$0x1C880] =	vst v0  }
0x3f: {  	[tilespmem:s5+$0x1C890] =	vst v0  }
0x40: {  	[tilespmem:s5+$0x1C8A0] =	vst v0  }
0x41: {  	[tilespmem:s5+$0x1C8B0] =	vst v0  }
0x42: {  	[tilespmem:s5+$0x1C8C0] =	vst v0  }
0x43: {  	[tilespmem:s5+$0x1C8D0] =	vst v0  }
0x44: {  	[tilespmem:s5+$0x1C8E0] =	vst v0;
	s5 =	simm.s32 $0x1C880  }
0x45: {  	[spmem:s30] =	stream.linear.scatter [tilespmem:s5], [sflag:$0x5], $0xC80, $0x38;
	[tilespmem:$0x1D880] =	vst v63  }
0x46: {  	_ =	swait.ge [sflag:s1], $0xC80  }
0x47: {  	[sflag:s1] =	ssyncset.done $0x0  }
0x48: {  	s0 =	rddreg [dreg:$0x16];
	[sflag:s1] =	ssyncadd.s32 $0xFFFFF380  }
0x49: {  	[spmem:s0] =	stream.linear.scatter [tilespmem:s5], [sflag:$0x5], $0xC80, $0x38;
	[tilespmem:$0x1D880] =	vst v63  }
0x4a: {  	_ =	swait.ge [sflag:s1], $0xC80  }
0x4b: {  	[sflag:s1] =	ssyncset.done $0x0  }
0x4c: {  	s0 =	rddreg [dreg:$0x17];
	[sflag:s1] =	ssyncadd.s32 $0xFFFFF380  }
0x4d: {  	[spmem:s0] =	stream.linear.scatter [tilespmem:s5], [sflag:$0x5], $0xC80, $0x38;
	[tilespmem:$0x1D880] =	vst v63  }
0x4e: {  	_ =	swait.ge [sflag:s1], $0xC80  }
0x4f: {  	[sflag:s1] =	ssyncset.done $0x0  }
0x50: {  	s0 =	rddreg [dreg:$0x18];
	[sflag:s1] =	ssyncadd.s32 $0xFFFFF380  }
0x51: {  	[spmem:s0] =	stream.linear.scatter [tilespmem:s5], [sflag:$0x5], $0xC80, $0x38;
	[tilespmem:$0x1D880] =	vst v63  }
0x52: {  	_ =	swait.ge [sflag:s1], $0xC80  }
0x53: {  	[sflag:s1] =	ssyncset.done $0x0  }
0x54: {  	s0 =	rddreg [dreg:$0x19];
	[sflag:s1] =	ssyncadd.s32 $0xFFFFF380  }
0x55: {  	[spmem:s0] =	stream.linear.scatter [tilespmem:s5], [sflag:$0x5], $0xC80, $0x38;
	[tilespmem:$0x1D880] =	vst v63  }
0x56: {  	_ =	swait.ge [sflag:s1], $0xC80  }
0x57: {  	[sflag:s1] =	ssyncset.done $0x0  }
0x58: {  	s0 =	rddreg [dreg:$0x1a];
	[sflag:s1] =	ssyncadd.s32 $0xFFFFF380  }
0x59: {  	[spmem:s0] =	stream.linear.scatter [tilespmem:s5], [sflag:$0x5], $0xC80, $0x38;
	[tilespmem:$0x1D880] =	vst v63  }
0x5a: {  	_ =	swait.ge [sflag:s1], $0xC80  }
0x5b: {  	[sflag:s1] =	ssyncset.done $0x0  }
0x5c: {  	s0 =	rddreg [dreg:$0x1b];
	[sflag:s1] =	ssyncadd.s32 $0xFFFFF380  }
0x5d: {  	[spmem:s0] =	stream.linear.scatter [tilespmem:s5], [sflag:$0x5], $0xC80, $0x38;
	[tilespmem:$0x1D880] =	vst v63  }
0x5e: {  	_ =	swait.ge [sflag:s1], $0xC80  }
0x5f: {  	[sflag:s1] =	ssyncset.done $0x0  }
0x60: {  	s0 =	rddreg [dreg:$0x1c];
	[sflag:s1] =	ssyncadd.s32 $0xFFFFF380  }
0x61: {  	[spmem:s0] =	stream.linear.scatter [tilespmem:s5], [sflag:$0x5], $0xC80, $0x38;
	[tilespmem:$0x1D880] =	vst v63  }
0x62: {  	_ =	swait.ge [sflag:s1], $0xC80  }
0x63: {  	[sflag:s1] =	ssyncset.done $0x0  }
0x64: {  	s0 =	rddreg [dreg:$0x1d];
	[sflag:s1] =	ssyncadd.s32 $0xFFFFF380  }
0x65: {  	[spmem:s0] =	stream.linear.scatter [tilespmem:s5], [sflag:$0x5], $0xC80, $0x38;
	[tilespmem:$0x1D880] =	vst v63  }
0x66: {  	_ =	swait.ge [sflag:s1], $0xC80  }
0x67: {  	[sflag:s1] =	ssyncset.done $0x0  }
0x68: {  	s0 =	rddreg [dreg:$0x1e];
	[sflag:s1] =	ssyncadd.s32 $0xFFFFF380  }
0x69: {  	[spmem:s0] =	stream.linear.scatter [tilespmem:s5], [sflag:$0x5], $0xC80, $0x38;
	[tilespmem:$0x1D880] =	vst v63  }
0x6a: {  	_ =	swait.ge [sflag:s1], $0xC80  }
0x6b: {  	[sflag:s1] =	ssyncset.done $0x0  }
0x6c: {  	s0 =	rddreg [dreg:$0x1f];
	[sflag:s1] =	ssyncadd.s32 $0xFFFFF380  }
0x6d: {  	[spmem:s0] =	stream.linear.scatter [tilespmem:s5], [sflag:$0x5], $0xC80, $0x38;
	[tilespmem:$0x1D880] =	vst v63  }
0x6e: {  	_ =	swait.ge [sflag:s1], $0xC80  }
0x6f: {  	s0 =	sld [smem:$0x7EF]  }
0x70: {  	[sflag:s1] =	ssyncset.done $0x0  }
0x71: {  	[sflag:s1] =	ssyncadd.s32 $0xFFFFF380  }
0x72: {  	[spmem:s0] =	stream.linear.scatter [tilespmem:s5], [sflag:$0x5], $0xC80, $0x38;
	[tilespmem:$0x1D880] =	vst v63  }
0x73: {  	_ =	swait.ge [sflag:s1], $0xC80  }
0x74: {  	s0 =	sld [smem:$0x7F0]  }
0x75: {  	[sflag:s1] =	ssyncset.done $0x0  }
0x76: {  	[sflag:s1] =	ssyncadd.s32 $0xFFFFF380  }
0x77: {  	[spmem:s0] =	stream.linear.scatter [tilespmem:s5], [sflag:$0x5], $0xC80, $0x38;
	[tilespmem:$0x1D880] =	vst v63  }
0x78: {  	_ =	swait.ge [sflag:s1], $0xC80  }
0x79: {  	s0 =	sld [smem:$0x7F1]  }
0x7a: {  	[sflag:s1] =	ssyncset.done $0x0  }
0x7b: {  	[sflag:s1] =	ssyncadd.s32 $0xFFFFF380  }
0x7c: {  	[spmem:s0] =	stream.linear.scatter [tilespmem:s5], [sflag:$0x5], $0xC80, $0x38;
	[tilespmem:$0x1D880] =	vst v63  }
0x7d: {  	_ =	swait.ge [sflag:s1], $0xC80  }
0x7e: {  	s0 =	sld [smem:$0x7F2]  }
0x7f: {  	[sflag:s1] =	ssyncset.done $0x0  }
0x80: {  	[sflag:s1] =	ssyncadd.s32 $0xFFFFF380  }
0x81: {  	[spmem:s0] =	stream.linear.scatter [tilespmem:s5], [sflag:$0x5], $0xC80, $0x38;
	[tilespmem:$0x1D880] =	vst v63  }
0x82: {  	_ =	swait.ge [sflag:s1], $0xC80  }
0x83: {  	s0 =	sld [smem:$0x7F3]  }
0x84: {  	[sflag:s1] =	ssyncset.done $0x0  }
0x85: {  	[sflag:s1] =	ssyncadd.s32 $0xFFFFF380  }
0x86: {  	[spmem:s0] =	stream.linear.scatter [tilespmem:s5], [sflag:$0x5], $0xC80, $0x38;
	[tilespmem:$0x1D880] =	vst v63  }
0x87: {  	_ =	swait.ge [sflag:s1], $0xC80  }
0x88: {  	s0 =	sld [smem:$0x7F4]  }
0x89: {  	[sflag:s1] =	ssyncset.done $0x0  }
0x8a: {  	[sflag:s1] =	ssyncadd.s32 $0xFFFFF380  }
0x8b: {  	[spmem:s0] =	stream.linear.scatter [tilespmem:s5], [sflag:$0x5], $0xC80, $0x38;
	[tilespmem:$0x1D880] =	vst v63  }
0x8c: {  	_ =	swait.ge [sflag:s1], $0xC80  }
0x8d: {  	s0 =	sld [smem:$0x7F5]  }
0x8e: {  	[sflag:s1] =	ssyncset.done $0x0  }
0x8f: {  	[sflag:s1] =	ssyncadd.s32 $0xFFFFF380  }
0x90: {  	[spmem:s0] =	stream.linear.scatter [tilespmem:s5], [sflag:$0x5], $0xC80, $0x38;
	[tilespmem:$0x1D880] =	vst v63  }
0x91: {  	_ =	swait.ge [sflag:s1], $0xC80  }
0x92: {  	s0 =	sld [smem:$0x7F6]  }
0x93: {  	[sflag:s1] =	ssyncset.done $0x0  }
0x94: {  	[sflag:s1] =	ssyncadd.s32 $0xFFFFF380  }
0x95: {  	[spmem:s0] =	stream.linear.scatter [tilespmem:s5], [sflag:$0x5], $0xC80, $0x38;
	[tilespmem:$0x1D880] =	vst v63  }
0x96: {  	_ =	swait.ge [sflag:s1], $0xC80  }
0x97: {  	s0 =	sld [smem:$0x7F9]  }
0x98: {  	[sflag:s1] =	ssyncset.done $0x0  }
0x99: {  	[sflag:s1] =	ssyncadd.s32 $0xFFFFF380  }
0x9a: {  	[spmem:s0] =	stream.linear.scatter [tilespmem:s5], [sflag:$0x5], $0xC80, $0x38;
	[tilespmem:$0x1D880] =	vst v63  }
0x9b: {  	_ =	swait.ge [sflag:s1], $0xC80  }
0x9c: {  	s0 =	sld [smem:$0x7FA]  }
0x9d: {  	[sflag:s1] =	ssyncset.done $0x0  }
0x9e: {  	[sflag:s1] =	ssyncadd.s32 $0xFFFFF380  }
0x9f: {  	[spmem:s0] =	stream.linear.scatter [tilespmem:s5], [sflag:$0x5], $0xC80, $0x38;
	[tilespmem:$0x1D880] =	vst v63  }
0xa0: {  	_ =	swait.ge [sflag:s1], $0xC80  }
0xa1: {  	s0 =	sld [smem:$0x7FB]  }
0xa2: {  	[sflag:s1] =	ssyncset.done $0x0  }
0xa3: {  	[sflag:s1] =	ssyncadd.s32 $0xFFFFF380  }
0xa4: {  	[spmem:s0] =	stream.linear.scatter [tilespmem:s5], [sflag:$0x5], $0xC80, $0x38;
	[tilespmem:$0x1D880] =	vst v63  }
0xa5: {  	_ =	swait.ge [sflag:s1], $0xC80  }
0xa6: {  	s0 =	sld [smem:$0x7FC]  }
0xa7: {  	[sflag:s1] =	ssyncset.done $0x0  }
0xa8: {  	[sflag:s1] =	ssyncadd.s32 $0xFFFFF380  }
0xa9: {  	[spmem:s0] =	stream.linear.scatter [tilespmem:s5], [sflag:$0x5], $0xC80, $0x38;
	[tilespmem:$0x1D880] =	vst v63  }
0xaa: {  	_ =	swait.ge [sflag:s1], $0xC80  }
0xab: {  	s0 =	sld [smem:$0x7FD]  }
0xac: {  	[sflag:s1] =	ssyncset.done $0x0  }
0xad: {  	[sflag:s1] =	ssyncadd.s32 $0xFFFFF380  }
0xae: {  	[spmem:s0] =	stream.linear.scatter [tilespmem:s5], [sflag:$0x5], $0xC80, $0x38;
	[tilespmem:$0x1D880] =	vst v63  }
0xaf: {  	_ =	swait.ge [sflag:s1], $0xC80  }
0xb0: {  	[sflag:s1] =	ssyncset.done $0x0  }
0xb1: {  	[sflag:s1] =	ssyncadd.s32 $0xFFFFF380  }
0xb2: {  	[bflag:$0x0] =	sbarrier.arrive $0xFFFF  }
0xb3: {  	s0 =	rddreg [dreg:$0x3]  }
0xb4: {  	s5 =	sadd.s32 $0x0, s0  }
0xb5: {  	[tilespmem:s6], [sflag:$0x5] =	stream.linear.gather [hbm4b:s5+s3], $0x800, $0x38;
	[tilespmem:$0x1D880] =	vst v63  }
0xb6: {  	_ =	swait.ge [sflag:s1], $0x800  }
0xb7: {  	s0 =	rddreg [dreg:$0x4];
	[sflag:s1] =	ssyncset.done $0x0  }
0xb8: {  	[sflag:s1] =	ssyncadd.s32 $0xFFFFF800;
	s5 =	sadd.s32 $0x0, s0  }
0xb9: {  	[tilespmem:s7], [sflag:$0x5] =	stream.linear.gather [hbm4b:s5+s3], $0x800, $0x38;
	[tilespmem:$0x1D880] =	vst v63  }
0xba: {  	_ =	swait.ge [sflag:s1], $0x800  }
0xbb: {  	[sflag:s1] =	ssyncset.done $0x0  }
0xbc: {  	[sflag:s1] =	ssyncadd.s32 $0xFFFFF800  }
0xbd: {  	[tilespmem:s9], [sflag:$0x1] =	stream.indirect.gather [hbm4b:s4+s8], $0x80, s6, s8, $0xb8;
	[tilespmem:$0x1D880] =	vst v63  }
0xbe: {  	s0 =	rddreg [dreg:$0x5]  }
0xbf: {  	[tilespmem:s10], [sflag:$0x2] =	stream.indirect.gather [hbm4b:s4+s8], $0x80, s0, s8, $0xb8;
	[tilespmem:$0x1D880] =	vst v63  }
0xc0: {  	_ =	swait.ge [sflag:s11], $0x3E80  }
0xc1: {  	[sflag:s11] =	ssyncset.done $0x0  }
0xc2: {  	[sflag:s11] =	ssyncadd.s32 $0xFFFFC180  }
0xc3: {  	[spmem:s2] =	stream.indirect.scatter.add.f32 [tilespmem:s9], [sflag:$0x3], $0x80, s7, s8, $0xb8;
	[tilespmem:$0x1D880] =	vst v63  }
0xc4: {  	_ =	swait.ge [sflag:s12], $0x3E80  }
0xc5: {  	[sflag:s12] =	ssyncset.done $0x0  }
0xc6: {  	s0 =	rddreg [dreg:$0x6];
	[sflag:s12] =	ssyncadd.s32 $0xFFFFC180  }
0xc7: {  	[spmem:s2] =	stream.indirect.scatter.add.f32 [tilespmem:s10], [sflag:$0x4], $0x80, s0, s8, $0xb8;
	[tilespmem:$0x1D880] =	vst v63  }
0xc8: {  	_ =	swait.ge [sflag:s13], $0x3E80  }
0xc9: {  	[sflag:s13] =	ssyncset.done $0x0  }
0xca: {  	s0 =	rddreg [dreg:$0x7];
	[sflag:s13] =	ssyncadd.s32 $0xFFFFC180  }
0xcb: {  	[tilespmem:s9], [sflag:$0x1] =	stream.indirect.gather [hbm4b:s4+s8], $0x80, s0, s8, $0xb8;
	[tilespmem:$0x1D880] =	vst v63  }
0xcc: {  	_ =	swait.ge [sflag:s14], $0x3E80  }
0xcd: {  	[sflag:s14] =	ssyncset.done $0x0  }
0xce: {  	s0 =	rddreg [dreg:$0x8];
	[sflag:s14] =	ssyncadd.s32 $0xFFFFC180  }
0xcf: {  	[tilespmem:s10], [sflag:$0x2] =	stream.indirect.gather [hbm4b:s4+s8], $0x80, s0, s8, $0xb8;
	[tilespmem:$0x1D880] =	vst v63  }
0xd0: {  	_ =	swait.ge [sflag:s11], $0x3E80  }
0xd1: {  	[sflag:s11] =	ssyncset.done $0x0  }
0xd2: {  	s0 =	rddreg [dreg:$0x9];
	[sflag:s11] =	ssyncadd.s32 $0xFFFFC180  }
0xd3: {  	[spmem:s2] =	stream.indirect.scatter.add.f32 [tilespmem:s9], [sflag:$0x3], $0x80, s0, s8, $0xb8;
	[tilespmem:$0x1D880] =	vst v63  }
0xd4: {  	_ =	swait.ge [sflag:s12], $0x3E80  }
0xd5: {  	[sflag:s12] =	ssyncset.done $0x0  }
0xd6: {  	s0 =	rddreg [dreg:$0xa];
	[sflag:s12] =	ssyncadd.s32 $0xFFFFC180  }
0xd7: {  	[spmem:s2] =	stream.indirect.scatter.add.f32 [tilespmem:s10], [sflag:$0x4], $0x80, s0, s8, $0xb8;
	[tilespmem:$0x1D880] =	vst v63  }
0xd8: {  	_ =	swait.ge [sflag:s13], $0x3E80  }
0xd9: {  	[sflag:s13] =	ssyncset.done $0x0  }
0xda: {  	s0 =	rddreg [dreg:$0xb];
	[sflag:s13] =	ssyncadd.s32 $0xFFFFC180  }
0xdb: {  	[tilespmem:s9], [sflag:$0x1] =	stream.indirect.gather [hbm4b:s4+s8], $0x80, s0, s8, $0xb8;
	[tilespmem:$0x1D880] =	vst v63  }
0xdc: {  	_ =	swait.ge [sflag:s14], $0x3E80  }
0xdd: {  	[sflag:s14] =	ssyncset.done $0x0  }
0xde: {  	s0 =	rddreg [dreg:$0xc];
	[sflag:s14] =	ssyncadd.s32 $0xFFFFC180  }
0xdf: {  	[tilespmem:s10], [sflag:$0x2] =	stream.indirect.gather [hbm4b:s4+s8], $0x80, s0, s8, $0xb8;
	[tilespmem:$0x1D880] =	vst v63  }
0xe0: {  	_ =	swait.ge [sflag:s11], $0x3E80  }
0xe1: {  	[sflag:s11] =	ssyncset.done $0x0  }
0xe2: {  	s0 =	rddreg [dreg:$0xd];
	[sflag:s11] =	ssyncadd.s32 $0xFFFFC180  }
0xe3: {  	[spmem:s2] =	stream.indirect.scatter.add.f32 [tilespmem:s9], [sflag:$0x3], $0x80, s0, s8, $0xb8;
	[tilespmem:$0x1D880] =	vst v63  }
0xe4: {  	_ =	swait.ge [sflag:s12], $0x3E80  }
0xe5: {  	[sflag:s12] =	ssyncset.done $0x0  }
0xe6: {  	s0 =	rddreg [dreg:$0xe];
	[sflag:s12] =	ssyncadd.s32 $0xFFFFC180  }
0xe7: {  	[spmem:s2] =	stream.indirect.scatter.add.f32 [tilespmem:s10], [sflag:$0x4], $0x80, s0, s8, $0xb8;
	[tilespmem:$0x1D880] =	vst v63  }
0xe8: {  	_ =	swait.ge [sflag:s13], $0x3E80  }
0xe9: {  	[sflag:s13] =	ssyncset.done $0x0  }
0xea: {  	s0 =	rddreg [dreg:$0xf];
	[sflag:s13] =	ssyncadd.s32 $0xFFFFC180  }
0xeb: {  	[tilespmem:s9], [sflag:$0x1] =	stream.indirect.gather [hbm4b:s4+s8], $0x80, s0, s8, $0xb8;
	[tilespmem:$0x1D880] =	vst v63  }
0xec: {  	_ =	swait.ge [sflag:s14], $0x3E80  }
0xed: {  	[sflag:s14] =	ssyncset.done $0x0  }
0xee: {  	s0 =	rddreg [dreg:$0x10];
	[sflag:s14] =	ssyncadd.s32 $0xFFFFC180  }
0xef: {  	[tilespmem:s10], [sflag:$0x2] =	stream.indirect.gather [hbm4b:s4+s8], $0x80, s0, s8, $0xb8;
	[tilespmem:$0x1D880] =	vst v63  }
0xf0: {  	_ =	swait.ge [sflag:s11], $0x3E80  }
0xf1: {  	[sflag:s11] =	ssyncset.done $0x0  }
0xf2: {  	s0 =	rddreg [dreg:$0x11];
	[sflag:s11] =	ssyncadd.s32 $0xFFFFC180  }
0xf3: {  	[spmem:s2] =	stream.indirect.scatter.add.f32 [tilespmem:s9], [sflag:$0x3], $0x80, s0, s8, $0xb8;
	[tilespmem:$0x1D880] =	vst v63  }
0xf4: {  	_ =	swait.ge [sflag:s12], $0x3E80  }
0xf5: {  	[sflag:s12] =	ssyncset.done $0x0  }
0xf6: {  	s0 =	rddreg [dreg:$0x12];
	[sflag:s12] =	ssyncadd.s32 $0xFFFFC180  }
0xf7: {  	[spmem:s2] =	stream.indirect.scatter.add.f32 [tilespmem:s10], [sflag:$0x4], $0x80, s0, s8, $0xb8;
	[tilespmem:$0x1D880] =	vst v63  }
0xf8: {  	_ =	swait.ge [sflag:s13], $0x3E80  }
0xf9: {  	[sflag:s13] =	ssyncset.done $0x0  }
0xfa: {  	s0 =	rddreg [dreg:$0x13];
	[sflag:s13] =	ssyncadd.s32 $0xFFFFC180  }
0xfb: {  	[tilespmem:s9], [sflag:$0x1] =	stream.indirect.gather [hbm4b:s4+s8], $0x80, s0, s8, $0xb8;
	[tilespmem:$0x1D880] =	vst v63  }
0xfc: {  	_ =	swait.ge [sflag:s14], $0x3E80  }
0xfd: {  	[sflag:s14] =	ssyncset.done $0x0  }
0xfe: {  	s0 =	rddreg [dreg:$0x14];
	[sflag:s14] =	ssyncadd.s32 $0xFFFFC180  }
0xff: {  	[tilespmem:s10], [sflag:$0x2] =	stream.indirect.gather [hbm4b:s4+s8], $0x80, s0, s8, $0xb8;
	[tilespmem:$0x1D880] =	vst v63  }
0x100: {  	_ =	swait.ge [sflag:s11], $0x3E80  }
0x101: {  	[sflag:s11] =	ssyncset.done $0x0  }
0x102: {  	[sflag:s11] =	ssyncadd.s32 $0xFFFFC180  }
0x103: {  	[spmem:s2] =	stream.indirect.scatter.add.f32 [tilespmem:s9], [sflag:$0x3], $0x80, s15, s8, $0xb8;
	[tilespmem:$0x1D880] =	vst v63  }
0x104: {  	_ =	swait.ge [sflag:s12], $0x3E80  }
0x105: {  	[sflag:s12] =	ssyncset.done $0x0  }
0x106: {  	[sflag:s12] =	ssyncadd.s32 $0xFFFFC180  }
0x107: {  	[spmem:s2] =	stream.indirect.scatter.add.f32 [tilespmem:s10], [sflag:$0x4], $0x80, s16, s8, $0xb8;
	[tilespmem:$0x1D880] =	vst v63  }
0x108: {  	_ =	swait.ge [sflag:s13], $0x3E80  }
0x109: {  	[sflag:s13] =	ssyncset.done $0x0  }
0x10a: {  	[sflag:s13] =	ssyncadd.s32 $0xFFFFC180  }
0x10b: {  	[tilespmem:s9], [sflag:$0x1] =	stream.indirect.gather [hbm4b:s4+s8], $0x80, s17, s8, $0xb8;
	[tilespmem:$0x1D880] =	vst v63  }
0x10c: {  	_ =	swait.ge [sflag:s14], $0x3E80  }
0x10d: {  	[sflag:s14] =	ssyncset.done $0x0  }
0x10e: {  	[sflag:s14] =	ssyncadd.s32 $0xFFFFC180  }
0x10f: {  	[tilespmem:s10], [sflag:$0x2] =	stream.indirect.gather [hbm4b:s4+s8], $0x80, s18, s8, $0xb8;
	[tilespmem:$0x1D880] =	vst v63  }
0x110: {  	_ =	swait.ge [sflag:s11], $0x3E80  }
0x111: {  	[sflag:s11] =	ssyncset.done $0x0  }
0x112: {  	[sflag:s11] =	ssyncadd.s32 $0xFFFFC180  }
0x113: {  	[spmem:s2] =	stream.indirect.scatter.add.f32 [tilespmem:s9], [sflag:$0x3], $0x80, s19, s8, $0xb8;
	[tilespmem:$0x1D880] =	vst v63  }
0x114: {  	_ =	swait.ge [sflag:s12], $0x3E80  }
0x115: {  	[sflag:s12] =	ssyncset.done $0x0  }
0x116: {  	[sflag:s12] =	ssyncadd.s32 $0xFFFFC180  }
0x117: {  	[spmem:s2] =	stream.indirect.scatter.add.f32 [tilespmem:s10], [sflag:$0x4], $0x80, s20, s8, $0xb8;
	[tilespmem:$0x1D880] =	vst v63  }
0x118: {  	_ =	swait.ge [sflag:s13], $0x3E80  }
0x119: {  	[sflag:s13] =	ssyncset.done $0x0  }
0x11a: {  	[sflag:s13] =	ssyncadd.s32 $0xFFFFC180  }
0x11b: {  	[tilespmem:s9], [sflag:$0x1] =	stream.indirect.gather [hbm4b:s4+s8], $0x80, s21, s8, $0xb8;
	[tilespmem:$0x1D880] =	vst v63  }
0x11c: {  	_ =	swait.ge [sflag:s14], $0x3E80  }
0x11d: {  	[sflag:s14] =	ssyncset.done $0x0  }
0x11e: {  	[sflag:s14] =	ssyncadd.s32 $0xFFFFC180  }
0x11f: {  	[tilespmem:s10], [sflag:$0x2] =	stream.indirect.gather [hbm4b:s4+s8], $0x80, s22, s8, $0xb8;
	[tilespmem:$0x1D880] =	vst v63  }
0x120: {  	_ =	swait.ge [sflag:s11], $0x3E80  }
0x121: {  	[sflag:s11] =	ssyncset.done $0x0  }
0x122: {  	[sflag:s11] =	ssyncadd.s32 $0xFFFFC180  }
0x123: {  	[spmem:s2] =	stream.indirect.scatter.add.f32 [tilespmem:s9], [sflag:$0x3], $0x80, s23, s8, $0xb8;
	[tilespmem:$0x1D880] =	vst v63  }
0x124: {  	_ =	swait.ge [sflag:s12], $0x3E80  }
0x125: {  	[sflag:s12] =	ssyncset.done $0x0  }
0x126: {  	[sflag:s12] =	ssyncadd.s32 $0xFFFFC180  }
0x127: {  	[spmem:s2] =	stream.indirect.scatter.add.f32 [tilespmem:s10], [sflag:$0x4], $0x80, s24, s8, $0xb8;
	[tilespmem:$0x1D880] =	vst v63  }
0x128: {  	_ =	swait.ge [sflag:s13], $0x3E80  }
0x129: {  	[sflag:s13] =	ssyncset.done $0x0  }
0x12a: {  	[sflag:s13] =	ssyncadd.s32 $0xFFFFC180  }
0x12b: {  	[tilespmem:s9], [sflag:$0x1] =	stream.indirect.gather [hbm4b:s4+s8], $0x80, s25, s8, $0xb8;
	[tilespmem:$0x1D880] =	vst v63  }
0x12c: {  	_ =	swait.ge [sflag:s14], $0x3E80  }
0x12d: {  	[sflag:s14] =	ssyncset.done $0x0  }
0x12e: {  	[sflag:s14] =	ssyncadd.s32 $0xFFFFC180  }
0x12f: {  	[tilespmem:s10], [sflag:$0x2] =	stream.indirect.gather [hbm4b:s4+s8], $0x80, s26, s8, $0xb8;
	[tilespmem:$0x1D880] =	vst v63  }
0x130: {  	_ =	swait.ge [sflag:s11], $0x3E80  }
0x131: {  	[sflag:s11] =	ssyncset.done $0x0  }
0x132: {  	[sflag:s11] =	ssyncadd.s32 $0xFFFFC180  }
0x133: {  	[spmem:s2] =	stream.indirect.scatter.add.f32 [tilespmem:s9], [sflag:$0x3], $0x80, s28, s8, $0xb8;
	[tilespmem:$0x1D880] =	vst v63  }
0x134: {  	_ =	swait.ge [sflag:s12], $0x3E80  }
0x135: {  	[sflag:s12] =	ssyncset.done $0x0  }
0x136: {  	[sflag:s12] =	ssyncadd.s32 $0xFFFFC180  }
0x137: {  	[spmem:s2] =	stream.indirect.scatter.add.f32 [tilespmem:s10], [sflag:$0x4], $0x80, s29, s8, $0xb8;
	[tilespmem:$0x1D880] =	vst v63  }
0x138: {  	_ =	swait.ge [sflag:s13], $0x3E80  }
0x139: {  	[sflag:s13] =	ssyncset.done $0x0  }
0x13a: {  	[sflag:s13] =	ssyncadd.s32 $0xFFFFC180  }
0x13b: {  	s31 =	simm.s32 $0x100;
	_ =	swait.ge [sflag:s14], $0x3E80  }
0x13c: {  	s5 =	simm.s32 $0x200;
	s30 =	rddreg [dreg:$0x3];
	[sflag:s14] =	ssyncset.done $0x0  }
.LBB2_4:
0x13d: {  	[sflag:s14] =	ssyncadd.s32 $0xFFFFC180;
	s30 =	sadd.s32 s31, s30  }
0x13e: {  	[tilespmem:s6], [sflag:$0x5] =	stream.linear.gather [hbm4b:s30+s3], $0x800, $0x38;
	[tilespmem:$0x1D880] =	vst v63  }
0x13f: {  	_ =	swait.ge [sflag:s1], $0x800  }
0x140: {  	s30 =	rddreg [dreg:$0x4];
	[sflag:s1] =	ssyncset.done $0x0  }
0x141: {  	[sflag:s1] =	ssyncadd.s32 $0xFFFFF800;
	s30 =	sadd.s32 s31, s30  }
0x142: {  	[tilespmem:s7], [sflag:$0x5] =	stream.linear.gather [hbm4b:s30+s3], $0x800, $0x38;
	[tilespmem:$0x1D880] =	vst v63  }
0x143: {  	_ =	swait.ge [sflag:s1], $0x800  }
0x144: {  	[sflag:s1] =	ssyncset.done $0x0  }
0x145: {  	s0 =	smov.u32 s5;
	[sflag:s1] =	ssyncadd.s32 $0xFFFFF800  }
0x146: {  	[tilespmem:s9], [sflag:$0x1] =	stream.indirect.gather [hbm4b:s4+s8], $0x80, s6, s8, $0xb8;
	[tilespmem:$0x1D880] =	vst v63  }
0x147: {  	s31 =	smov.u32 s0;
	s0 =	rddreg [dreg:$0x5]  }
0x148: {  	[tilespmem:s10], [sflag:$0x2] =	stream.indirect.gather [hbm4b:s4+s8], $0x80, s0, s8, $0xb8;
	[tilespmem:$0x1D880] =	vst v63  }
0x149: {  	_ =	swait.ge [sflag:s11], $0x3E80  }
0x14a: {  	[sflag:s11] =	ssyncset.done $0x0  }
0x14b: {  	[sflag:s11] =	ssyncadd.s32 $0xFFFFC180  }
0x14c: {  	[spmem:s2] =	stream.indirect.scatter.add.f32 [tilespmem:s9], [sflag:$0x3], $0x80, s7, s8, $0xb8;
	[tilespmem:$0x1D880] =	vst v63  }
0x14d: {  	_ =	swait.ge [sflag:s12], $0x3E80  }
0x14e: {  	[sflag:s12] =	ssyncset.done $0x0  }
0x14f: {  	s0 =	rddreg [dreg:$0x6];
	[sflag:s12] =	ssyncadd.s32 $0xFFFFC180  }
0x150: {  	[spmem:s2] =	stream.indirect.scatter.add.f32 [tilespmem:s10], [sflag:$0x4], $0x80, s0, s8, $0xb8;
	[tilespmem:$0x1D880] =	vst v63  }
0x151: {  	_ =	swait.ge [sflag:s13], $0x3E80  }
0x152: {  	[sflag:s13] =	ssyncset.done $0x0  }
0x153: {  	s0 =	rddreg [dreg:$0x7];
	[sflag:s13] =	ssyncadd.s32 $0xFFFFC180  }
0x154: {  	[tilespmem:s9], [sflag:$0x1] =	stream.indirect.gather [hbm4b:s4+s8], $0x80, s0, s8, $0xb8;
	[tilespmem:$0x1D880] =	vst v63  }
0x155: {  	_ =	swait.ge [sflag:s14], $0x3E80  }
0x156: {  	[sflag:s14] =	ssyncset.done $0x0  }
0x157: {  	s0 =	rddreg [dreg:$0x8];
	[sflag:s14] =	ssyncadd.s32 $0xFFFFC180  }
0x158: {  	[tilespmem:s10], [sflag:$0x2] =	stream.indirect.gather [hbm4b:s4+s8], $0x80, s0, s8, $0xb8;
	[tilespmem:$0x1D880] =	vst v63  }
0x159: {  	_ =	swait.ge [sflag:s11], $0x3E80  }
0x15a: {  	[sflag:s11] =	ssyncset.done $0x0  }
0x15b: {  	s0 =	rddreg [dreg:$0x9];
	[sflag:s11] =	ssyncadd.s32 $0xFFFFC180  }
0x15c: {  	[spmem:s2] =	stream.indirect.scatter.add.f32 [tilespmem:s9], [sflag:$0x3], $0x80, s0, s8, $0xb8;
	[tilespmem:$0x1D880] =	vst v63  }
0x15d: {  	_ =	swait.ge [sflag:s12], $0x3E80  }
0x15e: {  	[sflag:s12] =	ssyncset.done $0x0  }
0x15f: {  	s0 =	rddreg [dreg:$0xa];
	[sflag:s12] =	ssyncadd.s32 $0xFFFFC180  }
0x160: {  	[spmem:s2] =	stream.indirect.scatter.add.f32 [tilespmem:s10], [sflag:$0x4], $0x80, s0, s8, $0xb8;
	[tilespmem:$0x1D880] =	vst v63  }
0x161: {  	_ =	swait.ge [sflag:s13], $0x3E80  }
0x162: {  	[sflag:s13] =	ssyncset.done $0x0  }
0x163: {  	s0 =	rddreg [dreg:$0xb];
	[sflag:s13] =	ssyncadd.s32 $0xFFFFC180  }
0x164: {  	[tilespmem:s9], [sflag:$0x1] =	stream.indirect.gather [hbm4b:s4+s8], $0x80, s0, s8, $0xb8;
	[tilespmem:$0x1D880] =	vst v63  }
0x165: {  	_ =	swait.ge [sflag:s14], $0x3E80  }
0x166: {  	[sflag:s14] =	ssyncset.done $0x0  }
0x167: {  	s0 =	rddreg [dreg:$0xc];
	[sflag:s14] =	ssyncadd.s32 $0xFFFFC180  }
0x168: {  	[tilespmem:s10], [sflag:$0x2] =	stream.indirect.gather [hbm4b:s4+s8], $0x80, s0, s8, $0xb8;
	[tilespmem:$0x1D880] =	vst v63  }
0x169: {  	_ =	swait.ge [sflag:s11], $0x3E80  }
0x16a: {  	[sflag:s11] =	ssyncset.done $0x0  }
0x16b: {  	s0 =	rddreg [dreg:$0xd];
	[sflag:s11] =	ssyncadd.s32 $0xFFFFC180  }
0x16c: {  	[spmem:s2] =	stream.indirect.scatter.add.f32 [tilespmem:s9], [sflag:$0x3], $0x80, s0, s8, $0xb8;
	[tilespmem:$0x1D880] =	vst v63  }
0x16d: {  	_ =	swait.ge [sflag:s12], $0x3E80  }
0x16e: {  	[sflag:s12] =	ssyncset.done $0x0  }
0x16f: {  	s0 =	rddreg [dreg:$0xe];
	[sflag:s12] =	ssyncadd.s32 $0xFFFFC180  }
0x170: {  	[spmem:s2] =	stream.indirect.scatter.add.f32 [tilespmem:s10], [sflag:$0x4], $0x80, s0, s8, $0xb8;
	[tilespmem:$0x1D880] =	vst v63  }
0x171: {  	_ =	swait.ge [sflag:s13], $0x3E80  }
0x172: {  	[sflag:s13] =	ssyncset.done $0x0  }
0x173: {  	s0 =	rddreg [dreg:$0xf];
	[sflag:s13] =	ssyncadd.s32 $0xFFFFC180  }
0x174: {  	[tilespmem:s9], [sflag:$0x1] =	stream.indirect.gather [hbm4b:s4+s8], $0x80, s0, s8, $0xb8;
	[tilespmem:$0x1D880] =	vst v63  }
0x175: {  	_ =	swait.ge [sflag:s14], $0x3E80  }
0x176: {  	[sflag:s14] =	ssyncset.done $0x0  }
0x177: {  	s0 =	rddreg [dreg:$0x10];
	[sflag:s14] =	ssyncadd.s32 $0xFFFFC180  }
0x178: {  	[tilespmem:s10], [sflag:$0x2] =	stream.indirect.gather [hbm4b:s4+s8], $0x80, s0, s8, $0xb8;
	[tilespmem:$0x1D880] =	vst v63  }
0x179: {  	_ =	swait.ge [sflag:s11], $0x3E80  }
0x17a: {  	[sflag:s11] =	ssyncset.done $0x0  }
0x17b: {  	s0 =	rddreg [dreg:$0x11];
	[sflag:s11] =	ssyncadd.s32 $0xFFFFC180  }
0x17c: {  	[spmem:s2] =	stream.indirect.scatter.add.f32 [tilespmem:s9], [sflag:$0x3], $0x80, s0, s8, $0xb8;
	[tilespmem:$0x1D880] =	vst v63  }
0x17d: {  	_ =	swait.ge [sflag:s12], $0x3E80  }
0x17e: {  	[sflag:s12] =	ssyncset.done $0x0  }
0x17f: {  	s0 =	rddreg [dreg:$0x12];
	[sflag:s12] =	ssyncadd.s32 $0xFFFFC180  }
0x180: {  	[spmem:s2] =	stream.indirect.scatter.add.f32 [tilespmem:s10], [sflag:$0x4], $0x80, s0, s8, $0xb8;
	[tilespmem:$0x1D880] =	vst v63  }
0x181: {  	_ =	swait.ge [sflag:s13], $0x3E80  }
0x182: {  	[sflag:s13] =	ssyncset.done $0x0  }
0x183: {  	s0 =	rddreg [dreg:$0x13];
	[sflag:s13] =	ssyncadd.s32 $0xFFFFC180  }
0x184: {  	[tilespmem:s9], [sflag:$0x1] =	stream.indirect.gather [hbm4b:s4+s8], $0x80, s0, s8, $0xb8;
	[tilespmem:$0x1D880] =	vst v63  }
0x185: {  	_ =	swait.ge [sflag:s14], $0x3E80  }
0x186: {  	[sflag:s14] =	ssyncset.done $0x0  }
0x187: {  	s0 =	rddreg [dreg:$0x14];
	[sflag:s14] =	ssyncadd.s32 $0xFFFFC180  }
0x188: {  	[tilespmem:s10], [sflag:$0x2] =	stream.indirect.gather [hbm4b:s4+s8], $0x80, s0, s8, $0xb8;
	[tilespmem:$0x1D880] =	vst v63  }
0x189: {  	_ =	swait.ge [sflag:s11], $0x3E80  }
0x18a: {  	[sflag:s11] =	ssyncset.done $0x0  }
0x18b: {  	[sflag:s11] =	ssyncadd.s32 $0xFFFFC180  }
0x18c: {  	[spmem:s2] =	stream.indirect.scatter.add.f32 [tilespmem:s9], [sflag:$0x3], $0x80, s15, s8, $0xb8;
	[tilespmem:$0x1D880] =	vst v63  }
0x18d: {  	_ =	swait.ge [sflag:s12], $0x3E80  }
0x18e: {  	[sflag:s12] =	ssyncset.done $0x0  }
0x18f: {  	[sflag:s12] =	ssyncadd.s32 $0xFFFFC180  }
0x190: {  	[spmem:s2] =	stream.indirect.scatter.add.f32 [tilespmem:s10], [sflag:$0x4], $0x80, s16, s8, $0xb8;
	[tilespmem:$0x1D880] =	vst v63  }
0x191: {  	_ =	swait.ge [sflag:s13], $0x3E80  }
0x192: {  	[sflag:s13] =	ssyncset.done $0x0  }
0x193: {  	[sflag:s13] =	ssyncadd.s32 $0xFFFFC180  }
0x194: {  	[tilespmem:s9], [sflag:$0x1] =	stream.indirect.gather [hbm4b:s4+s8], $0x80, s17, s8, $0xb8;
	[tilespmem:$0x1D880] =	vst v63  }
0x195: {  	_ =	swait.ge [sflag:s14], $0x3E80  }
0x196: {  	[sflag:s14] =	ssyncset.done $0x0  }
0x197: {  	[sflag:s14] =	ssyncadd.s32 $0xFFFFC180  }
0x198: {  	[tilespmem:s10], [sflag:$0x2] =	stream.indirect.gather [hbm4b:s4+s8], $0x80, s18, s8, $0xb8;
	[tilespmem:$0x1D880] =	vst v63  }
0x199: {  	_ =	swait.ge [sflag:s11], $0x3E80  }
0x19a: {  	[sflag:s11] =	ssyncset.done $0x0  }
0x19b: {  	[sflag:s11] =	ssyncadd.s32 $0xFFFFC180  }
0x19c: {  	[spmem:s2] =	stream.indirect.scatter.add.f32 [tilespmem:s9], [sflag:$0x3], $0x80, s19, s8, $0xb8;
	[tilespmem:$0x1D880] =	vst v63  }
0x19d: {  	_ =	swait.ge [sflag:s12], $0x3E80  }
0x19e: {  	[sflag:s12] =	ssyncset.done $0x0  }
0x19f: {  	[sflag:s12] =	ssyncadd.s32 $0xFFFFC180  }
0x1a0: {  	[spmem:s2] =	stream.indirect.scatter.add.f32 [tilespmem:s10], [sflag:$0x4], $0x80, s20, s8, $0xb8;
	[tilespmem:$0x1D880] =	vst v63  }
0x1a1: {  	_ =	swait.ge [sflag:s13], $0x3E80  }
0x1a2: {  	[sflag:s13] =	ssyncset.done $0x0  }
0x1a3: {  	[sflag:s13] =	ssyncadd.s32 $0xFFFFC180  }
0x1a4: {  	[tilespmem:s9], [sflag:$0x1] =	stream.indirect.gather [hbm4b:s4+s8], $0x80, s21, s8, $0xb8;
	[tilespmem:$0x1D880] =	vst v63  }
0x1a5: {  	_ =	swait.ge [sflag:s14], $0x3E80  }
0x1a6: {  	[sflag:s14] =	ssyncset.done $0x0  }
0x1a7: {  	[sflag:s14] =	ssyncadd.s32 $0xFFFFC180  }
0x1a8: {  	[tilespmem:s10], [sflag:$0x2] =	stream.indirect.gather [hbm4b:s4+s8], $0x80, s22, s8, $0xb8;
	[tilespmem:$0x1D880] =	vst v63  }
0x1a9: {  	_ =	swait.ge [sflag:s11], $0x3E80  }
0x1aa: {  	[sflag:s11] =	ssyncset.done $0x0  }
0x1ab: {  	[sflag:s11] =	ssyncadd.s32 $0xFFFFC180  }
0x1ac: {  	[spmem:s2] =	stream.indirect.scatter.add.f32 [tilespmem:s9], [sflag:$0x3], $0x80, s23, s8, $0xb8;
	[tilespmem:$0x1D880] =	vst v63  }
0x1ad: {  	_ =	swait.ge [sflag:s12], $0x3E80  }
0x1ae: {  	[sflag:s12] =	ssyncset.done $0x0  }
0x1af: {  	[sflag:s12] =	ssyncadd.s32 $0xFFFFC180  }
0x1b0: {  	[spmem:s2] =	stream.indirect.scatter.add.f32 [tilespmem:s10], [sflag:$0x4], $0x80, s24, s8, $0xb8;
	[tilespmem:$0x1D880] =	vst v63  }
0x1b1: {  	_ =	swait.ge [sflag:s13], $0x3E80  }
0x1b2: {  	[sflag:s13] =	ssyncset.done $0x0  }
0x1b3: {  	[sflag:s13] =	ssyncadd.s32 $0xFFFFC180  }
0x1b4: {  	[tilespmem:s9], [sflag:$0x1] =	stream.indirect.gather [hbm4b:s4+s8], $0x80, s25, s8, $0xb8;
	[tilespmem:$0x1D880] =	vst v63  }
0x1b5: {  	_ =	swait.ge [sflag:s14], $0x3E80  }
0x1b6: {  	[sflag:s14] =	ssyncset.done $0x0  }
0x1b7: {  	[sflag:s14] =	ssyncadd.s32 $0xFFFFC180  }
0x1b8: {  	[tilespmem:s10], [sflag:$0x2] =	stream.indirect.gather [hbm4b:s4+s8], $0x80, s26, s8, $0xb8;
	[tilespmem:$0x1D880] =	vst v63  }
0x1b9: {  	_ =	swait.ge [sflag:s11], $0x3E80  }
0x1ba: {  	[sflag:s11] =	ssyncset.done $0x0  }
0x1bb: {  	[sflag:s11] =	ssyncadd.s32 $0xFFFFC180  }
0x1bc: {  	[spmem:s2] =	stream.indirect.scatter.add.f32 [tilespmem:s9], [sflag:$0x3], $0x80, s28, s8, $0xb8;
	[tilespmem:$0x1D880] =	vst v63  }
0x1bd: {  	_ =	swait.ge [sflag:s12], $0x3E80  }
0x1be: {  	[sflag:s12] =	ssyncset.done $0x0  }
0x1bf: {  	p0 =	sne.s32 s5, $0x900;
	[sflag:s12] =	ssyncadd.s32 $0xFFFFC180  }
0x1c0: {  	[spmem:s2] =	stream.indirect.scatter.add.f32 [tilespmem:s10], [sflag:$0x4], $0x80, s29, s8, $0xb8;
	[tilespmem:$0x1D880] =	vst v63  }
.Ltmp1:
0x1c1: {  	_ =	swait.ge [sflag:s13], $0x3E80;
	(pc) =	sbr.rel @p0 .LBB2_4-.Ltmp1, $4  }
0x1c2: {  	[sflag:s13] =	ssyncset.done $0x0  }
0x1c3: {  	[sflag:s13] =	ssyncadd.s32 $0xFFFFC180  }
0x1c4: {  	_ =	swait.ge [sflag:s14], $0x3E80  }
0x1c5: {  	s5 =	sadd.s32 $0x100, s5;
	s30 =	rddreg [dreg:$0x3];
	[sflag:s14] =	ssyncset.done $0x0  }
0x1c6: {  	[sflag:s14] =	ssyncadd.s32 $0xFFFFC180;
	s0 =	sadd.s32 s31, s30  }
0x1c7: {  	[tilespmem:s6], [sflag:$0x5] =	stream.linear.gather [hbm4b:s0+s3], $0x800, $0x38;
	[tilespmem:$0x1D880] =	vst v63  }
0x1c8: {  	_ =	swait.ge [sflag:s1], $0x800  }
0x1c9: {  	s5 =	rddreg [dreg:$0x4];
	[sflag:s1] =	ssyncset.done $0x0  }
0x1ca: {  	[sflag:s1] =	ssyncadd.s32 $0xFFFFF800;
	s0 =	sadd.s32 s31, s5  }
0x1cb: {  	[tilespmem:s7], [sflag:$0x5] =	stream.linear.gather [hbm4b:s0+s3], $0x800, $0x38;
	[tilespmem:$0x1D880] =	vst v63  }
0x1cc: {  	_ =	swait.ge [sflag:s1], $0x800  }
0x1cd: {  	[sflag:s1] =	ssyncset.done $0x0  }
0x1ce: {  	[sflag:s1] =	ssyncadd.s32 $0xFFFFF800  }
0x1cf: {  	[tilespmem:s9], [sflag:$0x1] =	stream.indirect.gather [hbm4b:s4+s8], $0x80, s6, s8, $0xb8;
	[tilespmem:$0x1D880] =	vst v63  }
0x1d0: {  	s31 =	rddreg [dreg:$0x5]  }
0x1d1: {  	[tilespmem:s10], [sflag:$0x2] =	stream.indirect.gather [hbm4b:s4+s8], $0x80, s31, s8, $0xb8;
	[tilespmem:$0x1D880] =	vst v63  }
0x1d2: {  	_ =	swait.ge [sflag:s11], $0x3E80  }
0x1d3: {  	[sflag:s11] =	ssyncset.done $0x0  }
0x1d4: {  	[sflag:s11] =	ssyncadd.s32 $0xFFFFC180  }
0x1d5: {  	[spmem:s2] =	stream.indirect.scatter.add.f32 [tilespmem:s9], [sflag:$0x3], $0x80, s7, s8, $0xb8;
	[tilespmem:$0x1D880] =	vst v63  }
0x1d6: {  	_ =	swait.ge [sflag:s12], $0x3E80  }
0x1d7: {  	[sflag:s12] =	ssyncset.done $0x0  }
0x1d8: {  	s5 =	rddreg [dreg:$0x6];
	[sflag:s12] =	ssyncadd.s32 $0xFFFFC180  }
0x1d9: {  	[spmem:s2] =	stream.indirect.scatter.add.f32 [tilespmem:s10], [sflag:$0x4], $0x80, s5, s8, $0xb8;
	[tilespmem:$0x1D880] =	vst v63  }
0x1da: {  	_ =	swait.ge [sflag:s13], $0x3E80  }
0x1db: {  	[sflag:s13] =	ssyncset.done $0x0  }
0x1dc: {  	s31 =	rddreg [dreg:$0x7];
	[sflag:s13] =	ssyncadd.s32 $0xFFFFC180  }
0x1dd: {  	[tilespmem:s9], [sflag:$0x1] =	stream.indirect.gather [hbm4b:s4+s8], $0x80, s31, s8, $0xb8;
	[tilespmem:$0x1D880] =	vst v63  }
0x1de: {  	_ =	swait.ge [sflag:s14], $0x3E80  }
0x1df: {  	[sflag:s14] =	ssyncset.done $0x0  }
0x1e0: {  	s5 =	rddreg [dreg:$0x8];
	[sflag:s14] =	ssyncadd.s32 $0xFFFFC180  }
0x1e1: {  	[tilespmem:s10], [sflag:$0x2] =	stream.indirect.gather [hbm4b:s4+s8], $0x80, s5, s8, $0xb8;
	[tilespmem:$0x1D880] =	vst v63  }
0x1e2: {  	_ =	swait.ge [sflag:s11], $0x3E80  }
0x1e3: {  	[sflag:s11] =	ssyncset.done $0x0  }
0x1e4: {  	s31 =	rddreg [dreg:$0x9];
	[sflag:s11] =	ssyncadd.s32 $0xFFFFC180  }
0x1e5: {  	[spmem:s2] =	stream.indirect.scatter.add.f32 [tilespmem:s9], [sflag:$0x3], $0x80, s31, s8, $0xb8;
	[tilespmem:$0x1D880] =	vst v63  }
0x1e6: {  	_ =	swait.ge [sflag:s12], $0x3E80  }
0x1e7: {  	[sflag:s12] =	ssyncset.done $0x0  }
0x1e8: {  	s5 =	rddreg [dreg:$0xa];
	[sflag:s12] =	ssyncadd.s32 $0xFFFFC180  }
0x1e9: {  	[spmem:s2] =	stream.indirect.scatter.add.f32 [tilespmem:s10], [sflag:$0x4], $0x80, s5, s8, $0xb8;
	[tilespmem:$0x1D880] =	vst v63  }
0x1ea: {  	_ =	swait.ge [sflag:s13], $0x3E80  }
0x1eb: {  	[sflag:s13] =	ssyncset.done $0x0  }
0x1ec: {  	s31 =	rddreg [dreg:$0xb];
	[sflag:s13] =	ssyncadd.s32 $0xFFFFC180  }
0x1ed: {  	[tilespmem:s9], [sflag:$0x1] =	stream.indirect.gather [hbm4b:s4+s8], $0x80, s31, s8, $0xb8;
	[tilespmem:$0x1D880] =	vst v63  }
0x1ee: {  	_ =	swait.ge [sflag:s14], $0x3E80  }
0x1ef: {  	[sflag:s14] =	ssyncset.done $0x0  }
0x1f0: {  	s5 =	rddreg [dreg:$0xc];
	[sflag:s14] =	ssyncadd.s32 $0xFFFFC180  }
0x1f1: {  	[tilespmem:s10], [sflag:$0x2] =	stream.indirect.gather [hbm4b:s4+s8], $0x80, s5, s8, $0xb8;
	[tilespmem:$0x1D880] =	vst v63  }
0x1f2: {  	_ =	swait.ge [sflag:s11], $0x3E80  }
0x1f3: {  	[sflag:s11] =	ssyncset.done $0x0  }
0x1f4: {  	s31 =	rddreg [dreg:$0xd];
	[sflag:s11] =	ssyncadd.s32 $0xFFFFC180  }
0x1f5: {  	[spmem:s2] =	stream.indirect.scatter.add.f32 [tilespmem:s9], [sflag:$0x3], $0x80, s31, s8, $0xb8;
	[tilespmem:$0x1D880] =	vst v63  }
0x1f6: {  	_ =	swait.ge [sflag:s12], $0x3E80  }
0x1f7: {  	[sflag:s12] =	ssyncset.done $0x0  }
0x1f8: {  	s5 =	rddreg [dreg:$0xe];
	[sflag:s12] =	ssyncadd.s32 $0xFFFFC180  }
0x1f9: {  	[spmem:s2] =	stream.indirect.scatter.add.f32 [tilespmem:s10], [sflag:$0x4], $0x80, s5, s8, $0xb8;
	[tilespmem:$0x1D880] =	vst v63  }
0x1fa: {  	_ =	swait.ge [sflag:s13], $0x3E80  }
0x1fb: {  	[sflag:s13] =	ssyncset.done $0x0  }
0x1fc: {  	s31 =	rddreg [dreg:$0xf];
	[sflag:s13] =	ssyncadd.s32 $0xFFFFC180  }
0x1fd: {  	[tilespmem:s9], [sflag:$0x1] =	stream.indirect.gather [hbm4b:s4+s8], $0x80, s31, s8, $0xb8;
	[tilespmem:$0x1D880] =	vst v63  }
0x1fe: {  	_ =	swait.ge [sflag:s14], $0x3E80  }
0x1ff: {  	[sflag:s14] =	ssyncset.done $0x0  }
0x200: {  	s5 =	rddreg [dreg:$0x10];
	[sflag:s14] =	ssyncadd.s32 $0xFFFFC180  }
0x201: {  	[tilespmem:s10], [sflag:$0x2] =	stream.indirect.gather [hbm4b:s4+s8], $0x80, s5, s8, $0xb8;
	[tilespmem:$0x1D880] =	vst v63  }
0x202: {  	_ =	swait.ge [sflag:s11], $0x3E80  }
0x203: {  	[sflag:s11] =	ssyncset.done $0x0  }
0x204: {  	s31 =	rddreg [dreg:$0x11];
	[sflag:s11] =	ssyncadd.s32 $0xFFFFC180  }
0x205: {  	[spmem:s2] =	stream.indirect.scatter.add.f32 [tilespmem:s9], [sflag:$0x3], $0x80, s31, s8, $0xb8;
	[tilespmem:$0x1D880] =	vst v63  }
0x206: {  	_ =	swait.ge [sflag:s12], $0x3E80  }
0x207: {  	[sflag:s12] =	ssyncset.done $0x0  }
0x208: {  	s5 =	rddreg [dreg:$0x12];
	[sflag:s12] =	ssyncadd.s32 $0xFFFFC180  }
0x209: {  	[spmem:s2] =	stream.indirect.scatter.add.f32 [tilespmem:s10], [sflag:$0x4], $0x80, s5, s8, $0xb8;
	[tilespmem:$0x1D880] =	vst v63  }
0x20a: {  	_ =	swait.ge [sflag:s13], $0x3E80  }
0x20b: {  	[sflag:s13] =	ssyncset.done $0x0  }
0x20c: {  	s31 =	rddreg [dreg:$0x13];
	[sflag:s13] =	ssyncadd.s32 $0xFFFFC180  }
0x20d: {  	[tilespmem:s9], [sflag:$0x1] =	stream.indirect.gather [hbm4b:s4+s8], $0x80, s31, s8, $0xb8;
	[tilespmem:$0x1D880] =	vst v63  }
0x20e: {  	_ =	swait.ge [sflag:s14], $0x3E80  }
0x20f: {  	[sflag:s14] =	ssyncset.done $0x0  }
0x210: {  	s5 =	rddreg [dreg:$0x14];
	[sflag:s14] =	ssyncadd.s32 $0xFFFFC180  }
0x211: {  	[tilespmem:s10], [sflag:$0x2] =	stream.indirect.gather [hbm4b:s4+s8], $0x80, s5, s8, $0xb8;
	[tilespmem:$0x1D880] =	vst v63  }
0x212: {  	_ =	swait.ge [sflag:s11], $0x3E80  }
0x213: {  	[sflag:s11] =	ssyncset.done $0x0  }
0x214: {  	[sflag:s11] =	ssyncadd.s32 $0xFFFFC180  }
0x215: {  	[spmem:s2] =	stream.indirect.scatter.add.f32 [tilespmem:s9], [sflag:$0x3], $0x80, s15, s8, $0xb8;
	[tilespmem:$0x1D880] =	vst v63  }
0x216: {  	_ =	swait.ge [sflag:s12], $0x3E80  }
0x217: {  	[sflag:s12] =	ssyncset.done $0x0  }
0x218: {  	[sflag:s12] =	ssyncadd.s32 $0xFFFFC180  }
0x219: {  	[spmem:s2] =	stream.indirect.scatter.add.f32 [tilespmem:s10], [sflag:$0x4], $0x80, s16, s8, $0xb8;
	[tilespmem:$0x1D880] =	vst v63  }
0x21a: {  	_ =	swait.ge [sflag:s13], $0x3E80  }
0x21b: {  	[sflag:s13] =	ssyncset.done $0x0  }
0x21c: {  	[sflag:s13] =	ssyncadd.s32 $0xFFFFC180  }
0x21d: {  	[tilespmem:s9], [sflag:$0x1] =	stream.indirect.gather [hbm4b:s4+s8], $0x80, s17, s8, $0xb8;
	[tilespmem:$0x1D880] =	vst v63  }
0x21e: {  	_ =	swait.ge [sflag:s14], $0x3E80  }
0x21f: {  	[sflag:s14] =	ssyncset.done $0x0  }
0x220: {  	[sflag:s14] =	ssyncadd.s32 $0xFFFFC180  }
0x221: {  	[tilespmem:s10], [sflag:$0x2] =	stream.indirect.gather [hbm4b:s4+s8], $0x80, s18, s8, $0xb8;
	[tilespmem:$0x1D880] =	vst v63  }
0x222: {  	_ =	swait.ge [sflag:s11], $0x3E80  }
0x223: {  	[sflag:s11] =	ssyncset.done $0x0  }
0x224: {  	[sflag:s11] =	ssyncadd.s32 $0xFFFFC180  }
0x225: {  	[spmem:s2] =	stream.indirect.scatter.add.f32 [tilespmem:s9], [sflag:$0x3], $0x80, s19, s8, $0xb8;
	[tilespmem:$0x1D880] =	vst v63  }
0x226: {  	_ =	swait.ge [sflag:s12], $0x3E80  }
0x227: {  	[sflag:s12] =	ssyncset.done $0x0  }
0x228: {  	[sflag:s12] =	ssyncadd.s32 $0xFFFFC180  }
0x229: {  	[spmem:s2] =	stream.indirect.scatter.add.f32 [tilespmem:s10], [sflag:$0x4], $0x80, s20, s8, $0xb8;
	[tilespmem:$0x1D880] =	vst v63  }
0x22a: {  	_ =	swait.ge [sflag:s13], $0x3E80  }
0x22b: {  	[sflag:s13] =	ssyncset.done $0x0  }
0x22c: {  	[sflag:s13] =	ssyncadd.s32 $0xFFFFC180  }
0x22d: {  	[tilespmem:s9], [sflag:$0x1] =	stream.indirect.gather [hbm4b:s4+s8], $0x80, s21, s8, $0xb8;
	[tilespmem:$0x1D880] =	vst v63  }
0x22e: {  	_ =	swait.ge [sflag:s14], $0x3E80  }
0x22f: {  	[sflag:s14] =	ssyncset.done $0x0  }
0x230: {  	[sflag:s14] =	ssyncadd.s32 $0xFFFFC180  }
0x231: {  	[tilespmem:s10], [sflag:$0x2] =	stream.indirect.gather [hbm4b:s4+s8], $0x80, s22, s8, $0xb8;
	[tilespmem:$0x1D880] =	vst v63  }
0x232: {  	_ =	swait.ge [sflag:s11], $0x3E80  }
0x233: {  	[sflag:s11] =	ssyncset.done $0x0  }
0x234: {  	[sflag:s11] =	ssyncadd.s32 $0xFFFFC180  }
0x235: {  	[spmem:s2] =	stream.indirect.scatter.add.f32 [tilespmem:s9], [sflag:$0x3], $0x80, s23, s8, $0xb8;
	[tilespmem:$0x1D880] =	vst v63  }
0x236: {  	_ =	swait.ge [sflag:s12], $0x3E80  }
0x237: {  	[sflag:s12] =	ssyncset.done $0x0  }
0x238: {  	[sflag:s12] =	ssyncadd.s32 $0xFFFFC180  }
0x239: {  	[spmem:s2] =	stream.indirect.scatter.add.f32 [tilespmem:s10], [sflag:$0x4], $0x80, s24, s8, $0xb8;
	[tilespmem:$0x1D880] =	vst v63  }
0x23a: {  	_ =	swait.ge [sflag:s13], $0x3E80  }
0x23b: {  	[sflag:s13] =	ssyncset.done $0x0  }
0x23c: {  	[sflag:s13] =	ssyncadd.s32 $0xFFFFC180  }
0x23d: {  	[tilespmem:s9], [sflag:$0x1] =	stream.indirect.gather [hbm4b:s4+s8], $0x80, s25, s8, $0xb8;
	[tilespmem:$0x1D880] =	vst v63  }
0x23e: {  	_ =	swait.ge [sflag:s14], $0x3E80  }
0x23f: {  	[sflag:s14] =	ssyncset.done $0x0  }
0x240: {  	[sflag:s14] =	ssyncadd.s32 $0xFFFFC180  }
0x241: {  	[tilespmem:s10], [sflag:$0x2] =	stream.indirect.gather [hbm4b:s4+s8], $0x80, s26, s8, $0xb8;
	[tilespmem:$0x1D880] =	vst v63  }
0x242: {  	_ =	swait.ge [sflag:s11], $0x3E80  }
0x243: {  	[sflag:s11] =	ssyncset.done $0x0  }
0x244: {  	[sflag:s11] =	ssyncadd.s32 $0xFFFFC180  }
0x245: {  	[spmem:s2] =	stream.indirect.scatter.add.f32 [tilespmem:s9], [sflag:$0x3], $0x80, s28, s8, $0xb8;
	[tilespmem:$0x1D880] =	vst v63  }
0x246: {  	_ =	swait.ge [sflag:s12], $0x3E80  }
0x247: {  	[sflag:s12] =	ssyncset.done $0x0  }
0x248: {  	[sflag:s12] =	ssyncadd.s32 $0xFFFFC180  }
0x249: {  	[spmem:s2] =	stream.indirect.scatter.add.f32 [tilespmem:s10], [sflag:$0x4], $0x80, s29, s8, $0xb8;
	[tilespmem:$0x1D880] =	vst v63  }
0x24a: {  	_ =	swait.ge [sflag:s13], $0x3E80  }
0x24b: {  	[sflag:s13] =	ssyncset.done $0x0  }
0x24c: {  	[sflag:s13] =	ssyncadd.s32 $0xFFFFC180  }
0x24d: {  	_ =	swait.ge [sflag:s14], $0x3E80  }
0x24e: {  	[sflag:s14] =	ssyncset.done $0x0  }
0x24f: {  	[sflag:s14] =	ssyncadd.s32 $0xFFFFC180  }
0x250: {  	s31 =	stileid.u32;
	[bflag:$0x0] =	sbarrier.arrive $0xFFFF  }
0x251: {  	s0 =	sshll.u32 s31, $0x6;
	s31 =	sld [smem:$0x7F7]  }
0x252: {  	s30 =	rddreg [dreg:$0x15]  }
0x253: {  	s0 =	sor.u32 $0x1C05, s0;
	s5 =	sshrl.u32 s30, $0x3  }
0x254: {  	[hbm:s31], [sflag:s0] =	dma.local [spmem:s5], $0x2700  }
0x255: {  	_ =	swait.ge [sflag:s1], $0x2700  }
0x256: {  	s0 =	sld [smem:$0x7EE]  }
0x257: {  	s31 =	sld [smem:$0x7F8];
	_ =	sdelay $0x1  }
0x258: {  	s5 =	sadd.s32 $0x1, s0  }
0x259: {  	p0 =	sne.s32 s5, s31  }
.Ltmp2:
0x25a: {  	_ = 	snop;
	(pc) =	sbr.rel @p0 .LBB2_1-.Ltmp2, $3  }
0x25b: {  	_ =	sdelay $0x1  }
0x25c: {  	[sflag:s1] =	ssyncset.done $0x0  }
0x25d: {  	[sflag:s1] =	ssyncadd.s32 $0xFFFFD900  }
0x25e: {  	_ =	sfence.sel $0x180000  }
0x25f: {  	[bflag:$0x0] =	sbarrier.arrive $0xFFFF  }
0x260: {  	_ =	strace $0x9000004D  }
0x261: {  	s0 =	stileid.u32;
	[bflag:$0x2] =	sbarrier.arrive $0xFFFF  }
0x262: {  	p0 =	sne.s32 s0, $0x0;
	s0 =	rddreg [dreg:$0x2]  }
0x263: {  	s0 =	sadd.s32 @!p0 $0x100000, s0  }
0x264: {  	[sflag:s0] =	ssyncadd.tile.s32 @!p0 $0x1;
	_ =	shalt  }
.Lfunc_end2:
_tile_overlayer_lowered:
.L_overlay_start_2:
0x265: {  	(tag) =	ssettag $0x2  }
0x266: {  	s0 =	rddreg [dreg:$0x0];
	s2 =	stileid.u32  }
0x267: {  	s1 =	rddreg [dreg:$0x1];
	p0 =	sne.s32 s2, $0x0  }
0x268: {  	s3 =	rddreg [dreg:$0x2];
	[bflag:$0x3] =	sbarrier.arrive $0xFFFF;
	s2 =	simm.s32 @!p0 $0x1C05  }
0x269: {  	[timem:s3], [sflag:s2] =	dma.local @!p0 [hbm:s0], s1  }
0x26a: {  	s0 =	simm.s32 @!p0 $0x5  }
0x26b: {  	_ =	swait.ge @!p0 [sflag:s0], s1  }
0x26c: {  	s1 =	ssub.s32 @!p0 $0x0, s1;
	[sflag:s0] =	ssyncset.done @!p0 $0x0  }
0x26d: {  	[sflag:s0] =	ssyncadd.s32 @!p0 s1  }
0x26e: {  	[bflag:$0x3] =	sbarrier.arrive $0xFFFF  }
0x26f: {  	_ =	shalt  }

// kernel: kernel.7.cloned.1.call-start
scs
__scs_entry_jumppad:
0x0: {  	(pc) =	sbr.rel $0x88, $3  }
0x1: {  	(tag) =	ssettag $0x0;
	lr =	simm.s32 $0x1  }
0x2: {  	[smem:$0x3F97] =	sst lr;
	_ =	strace $0xD0000000  }
0x3: {  	_ = 	snop  }
0x4: {  	_ = 	snop  }
0x5: {  	_ = 	snop  }
0x6: {  	_ = 	snop  }
0x7: {  	_ = 	snop  }
__scs_overlays_trampoline_lowered:
0x8: {  	[smem:$0x3FA6] =	sst s0  }
0x9: {  	[smem:$0x3FA7] =	sst s1  }
0xa: {  	[smem:$0x3FA8] =	sst s2  }
0xb: {  	[smem:$0x3FA9] =	sst s3  }
0xc: {  	[smem:$0x3FAA] =	sst s4  }
0xd: {  	[smem:$0x3FAB] =	sst s5  }
0xe: {  	[smem:$0x3FAC] =	sst s6  }
0xf: {  	[smem:$0x3FAD] =	sst s7  }
0x10: {  	[smem:$0x3FAE] =	sst s8  }
0x11: {  	[smem:$0x3FAF] =	sst s9;
	s0 =	simm.s32 @!p0 $0x0  }
0x12: {  	s1 =	sld [smem:$0x3F95];
	s0 =	simm.s32 @p0 $0x1  }
0x13: {  	[smem:$0x3FB0] =	sst s0;
	s0 =	simm.s32 @!p1 $0x0  }
0x14: {  	s2 =	sld [smem:$0x3F94];
	s0 =	simm.s32 @p1 $0x1  }
0x15: {  	[smem:$0x3FB1] =	sst s0;
	s0 =	simm.s32 @!p2 $0x0  }
0x16: {  	s3 =	sld [smem:$0x3FDB];
	s0 =	simm.s32 @p2 $0x1  }
0x17: {  	s4 =	simm.s32 $0x1BF5;
	[smem:$0x3FB3] =	sst s0  }
0x18: {  	s0 =	sld [smem:$0x3F96];
	_ =	swait.ge [sflag:s4], $0x0  }
0x19: {  	s7 =	sld [smem:$0x3F97]  }
0x1a: {  	s8 =	sadd.s32 $0xFFFFE003, lr  }
0x1b: {  	s9 =	sadd.s32 $0xFFFFFEF7, lr;
	s5 =	simm.s32 $0xFFFFFFFF;
	p2 =	slt.u32 s8, $0xFFFFF086  }
0x1c: {  	p1 =	slt.u32 s9, $0xF7A;
	s5 =	simm.s32 @!p2 $0x0  }
0x1d: {  	s5 =	simm.s32 @p1 $0x1;
	p0 =	seq.s32 s7, s2  }
0x1e: {  	s7 =	smul.u32 @!p0 $0xF7A, s2;
	p2 =	seq.s32 @!p0 s5, $0x0  }
0x1f: {  	s9 =	smul.u32 $0xF7A, s1;
	s8 =	simm.s32 @!p0 $0x1BF5;
	p2 =	por !p2, p0  }
0x20: {  	[sflag:s8] =	ssyncset.s32 @!p0 $0xFFFFF086;
	s6 =	sadd.s32 @!p0 s3, s7;
	s7 =	simm.s32 @!p0 $0x108  }
0x21: {  	s3 =	sadd.s32 s3, s9;
	s6 =	sadd.s32 @!p0 $0x88, s6;
	s7 =	simm.s32 @p2 $0x1082  }
0x22: {  	[simem:s7], [sflag:s8] =	dma.local @!p0 [hbm:s6], $0xF7A  }
0x23: {  	s9 =	sor.u32 $0xD0000000, s2;
	s6 =	simm.s32 $0x108;
	_ =	swait.ge @!p0 [sflag:s8], $0x0  }
0x24: {  	s3 =	sadd.s32 $0x88, s3;
	s6 =	simm.s32 @!p1 $0x1082;
	[sflag:s4] =	ssyncset.s32 $0xFFFFF086  }
0x25: {  	[simem:s6], [sflag:s4] =	dma.local [hbm:s3], $0xF7A  }
0x26: {  	[smem:$0x3F97] =	sst s1;
	(tag) =	ssettag s2;
	_ =	strace s9  }
0x27: {  	s1 =	sld [smem:$0x3FA7]  }
0x28: {  	s2 =	sld [smem:$0x3FA8]  }
0x29: {  	s4 =	sld [smem:$0x3FAA]  }
0x2a: {  	p0 =	seq.s32 s5, $0x0;
	s5 =	sld [smem:$0x3FAB]  }
0x2b: {  	s6 =	sld [smem:$0x3FAC]  }
0x2c: {  	s7 =	sld [smem:$0x3FAD]  }
0x2d: {  	s3 =	simm.s32 $0x108;
	s8 =	sld [smem:$0x3FAE]  }
0x2e: {  	s3 =	simm.s32 @!p0 $0x1082;
	s9 =	sld [smem:$0x3FAF]  }
0x2f: {  	lr =	sadd.s32 s0, s3;
	s0 =	sld [smem:$0x3FA6]  }
0x30: {  	s3 =	sld [smem:$0x3FA9]  }
0x31: {  	[smem:$0x3FB2] =	sst s10  }
0x32: {  	s10 =	sld [smem:$0x3FB0];
	_ =	sdelay $0x3  }
0x33: {  	p0 =	seq.s32 s10, $0x1;
	s10 =	sld [smem:$0x3FB2];
	_ =	sdelay $0x3  }
0x34: {  	[smem:$0x3FB2] =	sst s10  }
0x35: {  	s10 =	sld [smem:$0x3FB1];
	_ =	sdelay $0x3  }
0x36: {  	p1 =	seq.s32 s10, $0x1;
	s10 =	sld [smem:$0x3FB2];
	_ =	sdelay $0x3  }
0x37: {  	[smem:$0x3FB2] =	sst s10  }
0x38: {  	s10 =	sld [smem:$0x3FB3]  }
0x39: {  	_ = 	snop;
	(pc) =	sbr.ind lr, $3  }
0x3a: {  	_ = 	snop  }
0x3b: {  	_ = 	snop  }
0x3c: {  	p2 =	seq.s32 s10, $0x1;
	s10 =	sld [smem:$0x3FB2]  }
0x3d: {  	_ =	shalt  }
0x3e: {  	_ =	shalt  }
0x3f: {  	_ =	shalt  }
0x40: {  	_ =	shalt  }
0x41: {  	_ =	shalt  }
0x42: {  	_ =	shalt  }
0x43: {  	_ =	shalt  }
0x44: {  	_ =	shalt  }
0x45: {  	_ =	shalt  }
0x46: {  	_ =	shalt  }
0x47: {  	_ =	shalt  }
0x48: {  	_ =	shalt  }
0x49: {  	_ =	shalt  }
0x4a: {  	_ =	shalt  }
0x4b: {  	_ =	shalt  }
0x4c: {  	_ =	shalt  }
0x4d: {  	_ =	shalt  }
0x4e: {  	_ =	shalt  }
0x4f: {  	_ =	shalt  }
0x50: {  	_ =	shalt  }
0x51: {  	_ =	shalt  }
0x52: {  	_ =	shalt  }
0x53: {  	_ =	shalt  }
0x54: {  	_ =	shalt  }
0x55: {  	_ =	shalt  }
0x56: {  	_ =	shalt  }
0x57: {  	_ =	shalt  }
0x58: {  	_ =	shalt  }
0x59: {  	_ =	shalt  }
0x5a: {  	_ =	shalt  }
0x5b: {  	_ =	shalt  }
0x5c: {  	_ =	shalt  }
0x5d: {  	_ =	shalt  }
0x5e: {  	_ =	shalt  }
0x5f: {  	_ =	shalt  }
0x60: {  	_ =	shalt  }
0x61: {  	_ =	shalt  }
0x62: {  	_ =	shalt  }
0x63: {  	_ =	shalt  }
0x64: {  	_ =	shalt  }
0x65: {  	_ =	shalt  }
0x66: {  	_ =	shalt  }
0x67: {  	_ =	shalt  }
0x68: {  	_ =	shalt  }
0x69: {  	_ =	shalt  }
0x6a: {  	_ =	shalt  }
0x6b: {  	_ =	shalt  }
0x6c: {  	_ =	shalt  }
0x6d: {  	_ =	shalt  }
0x6e: {  	_ =	shalt  }
0x6f: {  	_ =	shalt  }
0x70: {  	_ =	shalt  }
0x71: {  	_ =	shalt  }
0x72: {  	_ =	shalt  }
0x73: {  	_ =	shalt  }
0x74: {  	_ =	shalt  }
0x75: {  	_ =	shalt  }
0x76: {  	_ =	shalt  }
0x77: {  	_ =	shalt  }
0x78: {  	_ =	shalt  }
0x79: {  	_ =	shalt  }
0x7a: {  	_ =	shalt  }
0x7b: {  	_ =	shalt  }
0x7c: {  	_ =	shalt  }
0x7d: {  	_ =	shalt  }
0x7e: {  	_ =	shalt  }
0x7f: {  	_ =	shalt  }
0x80: {  	_ =	shalt  }
0x81: {  	_ =	shalt  }
0x82: {  	_ =	shalt  }
0x83: {  	_ =	shalt  }
0x84: {  	_ =	shalt  }
0x85: {  	_ =	shalt  }
0x86: {  	_ =	shalt  }
0x87: {  	_ =	shalt  }
.Lfunc_end0:
.L_simem_size_0:
called_computation_lowered:
.L_overlay_start_0:
0x88: {  	s2 =	sld [smem:$0x3FD9]  }
0x89: {  	s3 =	sld [smem:$0x3FFE];
	_ =	sdelay $0x1  }
0x8a: {  	s1 =	srdreg.scid  }
0x8b: {  	s0 =	sand.u32 $0x1, s1  }
0x8c: {  	s17 =	sshll.u32 s0, $0xA;
	s2 =	sadd.s32 s3, s2  }
0x8d: {  	s2 =	sadd.s32 s2, s17  }
0x8e: {  	[smem:$0x3FBE] =	sst s2  }
0x8f: {  	_ = 	snop  }
0x90: {  	s2 =	sld [smem:$0x3FC9]  }
0x91: {  	s18 =	sld [smem:$0x3FC5]  }
0x92: {  	s4 =	sld [smem:$0x3FD0];
	(tm) =	ssettm $0x1  }
0x93: {  	s5 =	sld [smem:$0x3FFB];
	_ =	sdelay $0x3  }
0x94: {  	_ =	strace s5  }
0x95: {  	s5 =	sld [smem:$0x3FFC];
	_ =	sdelay $0x3  }
0x96: {  	_ =	strace s5  }
0x97: {  	s5 =	sld [smem:$0x3FFD];
	_ =	sdelay $0x3  }
0x98: {  	_ =	strace s5  }
0x99: {  	_ =	strace $0x8FFFFFFF  }
0x9a: {  	s19 =	sld [smem:$0x3FDB];
	_ =	sdelay $0x1  }
0x9b: {  	s6 =	simm.s32 $_scs_section_size  }
0x9c: {  	s7 =	simm.s32 $_size__tile_overlayer_lowered;
	s8 =	simm.s32 $_tile_overlayer_lowered  }
0x9d: {  	s22 =	simm.s32 $0x1BFF;
	s21 =	sshll.u32 s8, $0x1;
	s5 =	sadd.s32 s6, s19  }
0x9e: {  	s9 =	simm.s32 $0x0;
	s20 =	sshll.u32 s7, $0x1;
	s7 =	sadd.s32 s21, s5  }
0x9f: {  	[timem:s9], [sflag:s22] =	dma.local [hbm:s7], s20  }
0xa0: {  	_ =	swait.ge [sflag:s22], s20  }
0xa1: {  	s6 =	ssub.s32 $0x0, s20;
	[sflag:s22] =	ssyncset.done $0x0  }
0xa2: {  	[sflag:s22] =	ssyncadd.s32 s6;
	_ =	sdelay $0x1  }
0xa3: {  	s23 =	simm.s32 $0x1B8B  }
0xa4: {  	_ =	swait.ge [sflag:s23], $0x1  }
0xa5: {  	[sflag:s23] =	ssyncset.done $0x0  }
0xa6: {  	s25 =	simm.s32 $0x1B8E;
	s24 =	sld [smem:$0x3FFE];
	[sflag:s23] =	ssyncadd.s32 $0xFFFFFFFF  }
0xa7: {  	s26 =	simm.s32 $execute0_lowered;
	[smem:$0x3FD2] =	sst s25  }
0xa8: {  	s7 =	sshll.u32 s26, $0x1;
	_ =	strace $0x80000046;
	[dreg:$0x1] =	wrdreg $0xFFFFFFFF  }
0xa9: {  	s28 =	simm.s32 $_size_execute0_lowered;
	s5 =	sadd.s32 s5, s7;
	[dreg:$0x0] =	wrdreg $0x0  }
0xaa: {  	s7 =	sshll.u32 s28, $0x1;
	[dreg:$0x2] =	wrdreg s5  }
0xab: {  	[dreg:$0x3] =	wrdreg s7  }
0xac: {  	[dreg:$0x4] =	wrdreg $0xC0  }
0xad: {  	_ =	task [dreg:s9], $0x5FFFF  }
0xae: {  	[dreg:$0x1] =	wrdreg $0xFFFFFFFF  }
0xaf: {  	[dreg:$0x0] =	wrdreg $0x60  }
0xb0: {  	[dreg:$0x2] =	wrdreg s2  }
0xb1: {  	[dreg:$0x3] =	wrdreg s24  }
0xb2: {  	[dreg:$0x4] =	wrdreg s18  }
0xb3: {  	[dreg:$0x5] =	wrdreg s4  }
0xb4: {  	[dreg:$0x6] =	wrdreg $0x0  }
0xb5: {  	[dreg:$0x7] =	wrdreg $0x9  }
0xb6: {  	_ =	task.clear_ibuf [dreg:s9], $0x8FFFF;
	_ =	strace $0x90000046  }
0xb7: {  	s29 =	simm.s32 $0x9;
	_ =	strace $0x80000048  }
0xb8: {  	_ =	swait.ge [sflag:s29], $0x1  }
0xb9: {  	[sflag:s29] =	ssyncadd.s32 $0xFFFFFFFF  }
0xba: {  	_ =	strace $0x90000048  }
0xbb: {  	_ =	sfence  }
0xbc: {  	s30 =	sld [smem:$0x0];
	_ =	sdelay $0x2  }
0xbd: {  	s31 =	sshll.u32 s1, $0xD;
	s1 =	sshrl.u32 s1, $0x2  }
0xbe: {  	s3 =	sand.u32 $0x4000, s31;
	s1 =	sadd.s32 s1, s30  }
0xbf: {  	s0 =	sor.u32 s3, s0;
	s1 =	sshll.u32 s1, $0x11  }
0xc0: {  	s0 =	sor.u32 s1, s0  }
0xc1: {  	s0 =	sadd.s32 $0x8F2B, s0  }
0xc2: {  	[sflag:s0] =	ssyncadd.remote.s32 $0x1  }
0xc3: {  	_ =	sfence.sel $0xFFFF  }
0xc4: {  	[dreg:$0x0] =	wrdreg $0xFFFFFFFF;
	(pc) =	sbr.abs _section_cstart, $3  }
0xc5: {  	[dreg:$0x1] =	wrdreg $0xFFFFFFFF  }
0xc6: {  	_ =	task.clear_ibuf [dreg:s9], $0x2FFFF;
	_ =	strace $0x9FFFFFFF  }
0xc7: {  	(tm) =	ssettm $0x7FFFFFFF  }
tec
execute0_lowered:
.L_overlay_start_1:
0x0: {  	(tag) =	ssettag $0x1  }
0x1: {  	s2 =	rddreg [dreg:$0x0]  }
0x2: {  	s1 =	rddreg [dreg:$0x1]  }
0x3: {  	s23 =	rddreg [dreg:$0x2]  }
0x4: {  	s3 =	rddreg [dreg:$0x3]  }
0x5: {  	s4 =	rddreg [dreg:$0x4];
	s5 =	simm.s32 $0x0  }
0x6: {  	s17 =	simm.s32 $0x13900;
	[smem:$0x7FF] =	sst s5  }
0x7: {  	s18 =	simm.s32 $0x14100;
	_ =	strace $0x80000047;
	[dreg:$0x8] =	wrdreg s17  }
0x8: {  	s19 =	simm.s32 $0x13980;
	[dreg:$0x9] =	wrdreg s18  }
0x9: {  	s0 =	srdreg.scid;
	s20 =	simm.s32 $0x13A00;
	[dreg:$0xa] =	wrdreg s19  }
0xa: {  	s12 =	stileid.u32;
	s13 =	simm.s32 $0x14200;
	[dreg:$0xb] =	wrdreg s20  }
0xb: {  	s11 =	smul.u32 $0x4E000, s12;
	[dreg:$0xd] =	wrdreg s13;
	s17 =	simm.s32 $0x13B00  }
0xc: {  	s0 =	sand.u32 $0x1, s0;
	s19 =	simm.s32 $0x14280;
	[dreg:$0xf] =	wrdreg s17  }
0xd: {  	s16 =	sshrl.u32 s11, $0x2;
	[dreg:$0x10] =	wrdreg s19;
	s17 =	simm.s32 $0x14400  }
0xe: {  	s6 =	smul.u32 $0x2800, s12;
	s21 =	sadd.s32 s16, s4;
	[dreg:$0x15] =	wrdreg s17  }
0xf: {  	s8 =	smul.u32 $0x2700, s12;
	s26 =	sadd.s32 $0x3200, s21;
	[dreg:$0x19] =	wrdreg s21  }
0x10: {  	s7 =	smul.u32 $0x28000, s0;
	s11 =	sadd.s32 $0x3E80, s21;
	[dreg:$0x1d] =	wrdreg s26  }
0x11: {  	s9 =	smul.u32 $0x27100, s0;
	s16 =	sadd.s32 $0x5780, s21;
	[dreg:$0x1e] =	wrdreg s11  }
0x12: {  	s10 =	ssub.s32 $0x2, s0;
	s18 =	sadd.s32 $0x6400, s21;
	[smem:$0x7E9] =	sst s16  }
0x13: {  	s14 =	sshrl.u32 s10, $0x1;
	s20 =	sadd.s32 $0x7080, s21;
	[smem:$0x7EA] =	sst s18  }
0x14: {  	s7 =	sadd.s32 s6, s7;
	s13 =	sadd.s32 $0x8980, s21;
	[smem:$0x7EB] =	sst s20  }
0x15: {  	s6 =	sadd.s32 s6, s1;
	s19 =	sadd.s32 $0xA280, s21;
	[smem:$0x7ED] =	sst s13  }
0x16: {  	s8 =	sadd.s32 s8, s9;
	s17 =	sadd.s32 $0xFA00, s21;
	[smem:$0x7EF] =	sst s19  }
0x17: {  	s7 =	sshrl.u32 s7, $0x3;
	s22 =	sadd.s32 $0xC80, s21;
	[smem:$0x7F9] =	sst s17  }
0x18: {  	s24 =	sadd.s32 $0x1900, s21;
	s25 =	sadd.s32 $0x2580, s21;
	[dreg:$0x1a] =	wrdreg s22  }
0x19: {  	s7 =	sadd.s32 s7, s1;
	s1 =	sadd.s32 s8, s1;
	[dreg:$0x1b] =	wrdreg s24  }
0x1a: {  	s8 =	ssub.s32 s10, s14;
	s10 =	simm.s32 $0x14180;
	[dreg:$0x1c] =	wrdreg s25  }
0x1b: {  	s14 =	sadd.s32 $0x4B00, s21;
	[dreg:$0xc] =	wrdreg s10  }
0x1c: {  	s26 =	simm.s32 $0x14300;
	[dreg:$0x1f] =	wrdreg s14  }
0x1d: {  	s11 =	simm.s32 $0x13B80;
	[dreg:$0x11] =	wrdreg s26  }
0x1e: {  	s16 =	simm.s32 $0x14380;
	[dreg:$0x12] =	wrdreg s11  }
0x1f: {  	s18 =	simm.s32 $0x13C80;
	[dreg:$0x14] =	wrdreg s16  }
0x20: {  	s20 =	simm.s32 $0x13D00;
	[dreg:$0x16] =	wrdreg s18  }
0x21: {  	s28 =	simm.s32 $0x13E80;
	s13 =	sadd.s32 $0xC800, s21;
	[dreg:$0x17] =	wrdreg s20  }
0x22: {  	s29 =	simm.s32 $0x13F00;
	s19 =	sadd.s32 $0x11300, s21;
	[smem:$0x7F5] =	sst s13  }
0x23: {  	s30 =	simm.s32 $0x14680;
	s15 =	sadd.s32 $0x3200, s7;
	[smem:$0x7FB] =	sst s19  }
0x24: {  	s31 =	simm.s32 $0x14700;
	s7 =	sadd.s32 $0xD200, s7;
	[dreg:$0x6] =	wrdreg s15  }
0x25: {  	p0 =	sne.s32 s0, $0x0;
	s10 =	sadd.s32 $0x7D00, s21;
	[dreg:$0x7] =	wrdreg s7  }
0x26: {  	s0 =	simm.s32 $0x14000;
	s14 =	simm.s32 $0x13C00;
	[smem:$0x7EC] =	sst s10  }
0x27: {  	s17 =	simm.s32 $0x3;
	s26 =	sadd.s32 $0xAF00, s21;
	[dreg:$0x13] =	wrdreg s14  }
0x28: {  	s9 =	sadd.s32 $0x17200, s1;
	s11 =	sadd.s32 $0x65400, s6;
	[smem:$0x7F0] =	sst s26  }
0x29: {  	s16 =	sadd.s32 $0xED80, s21;
	s18 =	sadd.s32 $0x10680, s21;
	[smem:$0x7F2] =	sst s9  }
0x2a: {  	s20 =	sadd.s32 $0x11F80, s21;
	s13 =	simm.s32 $0x7D;
	[smem:$0x7F4] =	sst s11  }
0x2b: {  	s19 =	simm.s32 $0x14480;
	s6 =	simm.s32 $0x0;
	[smem:$0x7F8] =	sst s16  }
0x2c: {  	s15 =	simm.s32 $0x13A80;
	s10 =	sadd.s32 $0x9600, s21;
	[smem:$0x7FA] =	sst s18  }
0x2d: {  	s7 =	sadd.s32 $0xBB80, s21;
	s14 =	sadd.s32 $0xD480, s21;
	[smem:$0x7FC] =	sst s20  }
0x2e: {  	s26 =	smul.u32 $0x280, s12;
	s11 =	simm.s32 $0x13880;
	[dreg:$0xe] =	wrdreg s15  }
0x2f: {  	s16 =	simm.s32 $0x2;
	s18 =	simm.s32 $0x4;
	[smem:$0x7EE] =	sst s10  }
0x30: {  	s20 =	simm.s32 $0x5;
	s15 =	smul.u32 $0x50, s12;
	[smem:$0x7F1] =	sst s7  }
0x31: {  	s10 =	smax.u32 s8, $0x1;
	[smem:$0x7F6] =	sst s14;
	s12 =	simm.s32 $0x14080  }
0x32: {  	s14 =	simm.s32 $0x15D00;
	s7 =	simm.s32 $0x14780;
	[smem:$0x7F3] =	sst s10  }
0x33: {  	s8 =	simm.s32 $0x14800;
	[smem:$0x7FD] =	sst s26;
	s2 =	sadd.s32 s15, s2  }
0x34: {  	s10 =	simm.s32 $0x6;
	s15 =	sadd.s32 $0xE100, s21;
	[dreg:$0x18] =	wrdreg s2  }
0x35: {  	v0 =	vimm.f32 $0.0e+00;
	[smem:$0x7F7] =	sst s15;
	s15 =	simm.s32 $0x19D00;
	s2 =	simm.s32 $0x13F80  }
.LBB2_1:
0x36: {  	[smem:$0x7E8] =	sst s6;
	s1 =	simm.s32 $0x0;
	s6 =	simm.s32 $0x200  }
.LBB2_2:
0x37: {  	p1 =	sne.s32 s6, $0x3000;
	[tilespmem:s1+$0x1DD70] =	vst v0  }
0x38: {  	[tilespmem:s1+$0x1DD00] =	vst v0  }
0x39: {  	[tilespmem:s1+$0x1DD10] =	vst v0  }
.Ltmp0:
0x3a: {  	[tilespmem:s1+$0x1DD20] =	vst v0;
	(pc) =	sbr.rel @p1 .LBB2_2-.Ltmp0, $4  }
0x3b: {  	[tilespmem:s1+$0x1DD30] =	vst v0  }
0x3c: {  	[tilespmem:s1+$0x1DD40] =	vst v0  }
0x3d: {  	[tilespmem:s1+$0x1DD50] =	vst v0  }
0x3e: {  	[tilespmem:s1+$0x1DD60] =	vst v0;
	s1 =	sshra.s32 s6, $0x2;
	s6 =	sadd.s32 $0x200, s6  }
0x3f: {  	[tilespmem:s1+$0x1DD70] =	vst v0  }
0x40: {  	[tilespmem:s1+$0x1DD00] =	vst v0  }
0x41: {  	[tilespmem:s1+$0x1DD10] =	vst v0  }
0x42: {  	[tilespmem:s1+$0x1DD20] =	vst v0  }
0x43: {  	[tilespmem:s1+$0x1DD30] =	vst v0  }
0x44: {  	[tilespmem:s1+$0x1DD40] =	vst v0  }
0x45: {  	[tilespmem:s1+$0x1DD50] =	vst v0  }
0x46: {  	[tilespmem:s1+$0x1DD60] =	vst v0;
	s6 =	simm.s32 $0x1DD00  }
0x47: {  	[spmem:s21] =	stream.linear.scatter [tilespmem:s6], [sflag:$0x6], $0xC80, $0x38;
	[tilespmem:$0x1ED00] =	vst v63  }
0x48: {  	_ =	swait.ge [sflag:s10], $0xC80  }
0x49: {  	[sflag:s10] =	ssyncset.done $0x0  }
0x4a: {  	[sflag:s10] =	ssyncadd.s32 $0xFFFFF380  }
0x4b: {  	[spmem:s22] =	stream.linear.scatter [tilespmem:s6], [sflag:$0x6], $0xC80, $0x38;
	[tilespmem:$0x1ED00] =	vst v63  }
0x4c: {  	_ =	swait.ge [sflag:s10], $0xC80  }
0x4d: {  	[sflag:s10] =	ssyncset.done $0x0  }
0x4e: {  	[sflag:s10] =	ssyncadd.s32 $0xFFFFF380  }
0x4f: {  	[spmem:s24] =	stream.linear.scatter [tilespmem:s6], [sflag:$0x6], $0xC80, $0x38;
	[tilespmem:$0x1ED00] =	vst v63  }
0x50: {  	_ =	swait.ge [sflag:s10], $0xC80  }
0x51: {  	[sflag:s10] =	ssyncset.done $0x0  }
0x52: {  	[sflag:s10] =	ssyncadd.s32 $0xFFFFF380  }
0x53: {  	[spmem:s25] =	stream.linear.scatter [tilespmem:s6], [sflag:$0x6], $0xC80, $0x38;
	[tilespmem:$0x1ED00] =	vst v63  }
0x54: {  	_ =	swait.ge [sflag:s10], $0xC80  }
0x55: {  	[sflag:s10] =	ssyncset.done $0x0  }
0x56: {  	s25 =	rddreg [dreg:$0x1d];
	[sflag:s10] =	ssyncadd.s32 $0xFFFFF380  }
0x57: {  	[spmem:s25] =	stream.linear.scatter [tilespmem:s6], [sflag:$0x6], $0xC80, $0x38;
	[tilespmem:$0x1ED00] =	vst v63  }
0x58: {  	_ =	swait.ge [sflag:s10], $0xC80  }
0x59: {  	[sflag:s10] =	ssyncset.done $0x0  }
0x5a: {  	s26 =	rddreg [dreg:$0x1e];
	[sflag:s10] =	ssyncadd.s32 $0xFFFFF380  }
0x5b: {  	[spmem:s26] =	stream.linear.scatter [tilespmem:s6], [sflag:$0x6], $0xC80, $0x38;
	[tilespmem:$0x1ED00] =	vst v63  }
0x5c: {  	_ =	swait.ge [sflag:s10], $0xC80  }
0x5d: {  	[sflag:s10] =	ssyncset.done $0x0  }
0x5e: {  	s9 =	rddreg [dreg:$0x1f];
	[sflag:s10] =	ssyncadd.s32 $0xFFFFF380  }
0x5f: {  	[spmem:s9] =	stream.linear.scatter [tilespmem:s6], [sflag:$0x6], $0xC80, $0x38;
	[tilespmem:$0x1ED00] =	vst v63  }
0x60: {  	_ =	swait.ge [sflag:s10], $0xC80  }
0x61: {  	s21 =	sld [smem:$0x7E9]  }
0x62: {  	[sflag:s10] =	ssyncset.done $0x0  }
0x63: {  	[sflag:s10] =	ssyncadd.s32 $0xFFFFF380  }
0x64: {  	[spmem:s21] =	stream.linear.scatter [tilespmem:s6], [sflag:$0x6], $0xC80, $0x38;
	[tilespmem:$0x1ED00] =	vst v63  }
0x65: {  	_ =	swait.ge [sflag:s10], $0xC80  }
0x66: {  	s22 =	sld [smem:$0x7EA]  }
0x67: {  	[sflag:s10] =	ssyncset.done $0x0  }
0x68: {  	[sflag:s10] =	ssyncadd.s32 $0xFFFFF380  }
0x69: {  	[spmem:s22] =	stream.linear.scatter [tilespmem:s6], [sflag:$0x6], $0xC80, $0x38;
	[tilespmem:$0x1ED00] =	vst v63  }
0x6a: {  	_ =	swait.ge [sflag:s10], $0xC80  }
0x6b: {  	s24 =	sld [smem:$0x7EB]  }
0x6c: {  	[sflag:s10] =	ssyncset.done $0x0  }
0x6d: {  	[sflag:s10] =	ssyncadd.s32 $0xFFFFF380  }
0x6e: {  	[spmem:s24] =	stream.linear.scatter [tilespmem:s6], [sflag:$0x6], $0xC80, $0x38;
	[tilespmem:$0x1ED00] =	vst v63  }
0x6f: {  	_ =	swait.ge [sflag:s10], $0xC80  }
0x70: {  	s25 =	sld [smem:$0x7EC]  }
0x71: {  	[sflag:s10] =	ssyncset.done $0x0  }
0x72: {  	[sflag:s10] =	ssyncadd.s32 $0xFFFFF380  }
0x73: {  	[spmem:s25] =	stream.linear.scatter [tilespmem:s6], [sflag:$0x6], $0xC80, $0x38;
	[tilespmem:$0x1ED00] =	vst v63  }
0x74: {  	_ =	swait.ge [sflag:s10], $0xC80  }
0x75: {  	s26 =	sld [smem:$0x7ED]  }
0x76: {  	[sflag:s10] =	ssyncset.done $0x0  }
0x77: {  	[sflag:s10] =	ssyncadd.s32 $0xFFFFF380  }
0x78: {  	[spmem:s26] =	stream.linear.scatter [tilespmem:s6], [sflag:$0x6], $0xC80, $0x38;
	[tilespmem:$0x1ED00] =	vst v63  }
0x79: {  	_ =	swait.ge [sflag:s10], $0xC80  }
0x7a: {  	s9 =	sld [smem:$0x7EE]  }
0x7b: {  	[sflag:s10] =	ssyncset.done $0x0  }
0x7c: {  	[sflag:s10] =	ssyncadd.s32 $0xFFFFF380  }
0x7d: {  	[spmem:s9] =	stream.linear.scatter [tilespmem:s6], [sflag:$0x6], $0xC80, $0x38;
	[tilespmem:$0x1ED00] =	vst v63  }
0x7e: {  	_ =	swait.ge [sflag:s10], $0xC80  }
0x7f: {  	s21 =	sld [smem:$0x7EF]  }
0x80: {  	[sflag:s10] =	ssyncset.done $0x0  }
0x81: {  	[sflag:s10] =	ssyncadd.s32 $0xFFFFF380  }
0x82: {  	[spmem:s21] =	stream.linear.scatter [tilespmem:s6], [sflag:$0x6], $0xC80, $0x38;
	[tilespmem:$0x1ED00] =	vst v63  }
0x83: {  	_ =	swait.ge [sflag:s10], $0xC80  }
0x84: {  	s22 =	sld [smem:$0x7F0]  }
0x85: {  	[sflag:s10] =	ssyncset.done $0x0  }
0x86: {  	[sflag:s10] =	ssyncadd.s32 $0xFFFFF380  }
0x87: {  	[spmem:s22] =	stream.linear.scatter [tilespmem:s6], [sflag:$0x6], $0xC80, $0x38;
	[tilespmem:$0x1ED00] =	vst v63  }
0x88: {  	_ =	swait.ge [sflag:s10], $0xC80  }
0x89: {  	s24 =	sld [smem:$0x7F1]  }
0x8a: {  	[sflag:s10] =	ssyncset.done $0x0  }
0x8b: {  	[sflag:s10] =	ssyncadd.s32 $0xFFFFF380  }
0x8c: {  	[spmem:s24] =	stream.linear.scatter [tilespmem:s6], [sflag:$0x6], $0xC80, $0x38;
	[tilespmem:$0x1ED00] =	vst v63  }
0x8d: {  	_ =	swait.ge [sflag:s10], $0xC80  }
0x8e: {  	s25 =	sld [smem:$0x7F5]  }
0x8f: {  	[sflag:s10] =	ssyncset.done $0x0  }
0x90: {  	[sflag:s10] =	ssyncadd.s32 $0xFFFFF380  }
0x91: {  	[spmem:s25] =	stream.linear.scatter [tilespmem:s6], [sflag:$0x6], $0xC80, $0x38;
	[tilespmem:$0x1ED00] =	vst v63  }
0x92: {  	_ =	swait.ge [sflag:s10], $0xC80  }
0x93: {  	s26 =	sld [smem:$0x7F6]  }
0x94: {  	[sflag:s10] =	ssyncset.done $0x0  }
0x95: {  	[sflag:s10] =	ssyncadd.s32 $0xFFFFF380  }
0x96: {  	[spmem:s26] =	stream.linear.scatter [tilespmem:s6], [sflag:$0x6], $0xC80, $0x38;
	[tilespmem:$0x1ED00] =	vst v63  }
0x97: {  	_ =	swait.ge [sflag:s10], $0xC80  }
0x98: {  	s9 =	sld [smem:$0x7F7]  }
0x99: {  	[sflag:s10] =	ssyncset.done $0x0  }
0x9a: {  	[sflag:s10] =	ssyncadd.s32 $0xFFFFF380  }
0x9b: {  	[spmem:s9] =	stream.linear.scatter [tilespmem:s6], [sflag:$0x6], $0xC80, $0x38;
	[tilespmem:$0x1ED00] =	vst v63  }
0x9c: {  	_ =	swait.ge [sflag:s10], $0xC80  }
0x9d: {  	s21 =	sld [smem:$0x7F8]  }
0x9e: {  	[sflag:s10] =	ssyncset.done $0x0  }
0x9f: {  	[sflag:s10] =	ssyncadd.s32 $0xFFFFF380  }
0xa0: {  	[spmem:s21] =	stream.linear.scatter [tilespmem:s6], [sflag:$0x6], $0xC80, $0x38;
	[tilespmem:$0x1ED00] =	vst v63  }
0xa1: {  	_ =	swait.ge [sflag:s10], $0xC80  }
0xa2: {  	s22 =	sld [smem:$0x7F9]  }
0xa3: {  	[sflag:s10] =	ssyncset.done $0x0  }
0xa4: {  	[sflag:s10] =	ssyncadd.s32 $0xFFFFF380  }
0xa5: {  	[spmem:s22] =	stream.linear.scatter [tilespmem:s6], [sflag:$0x6], $0xC80, $0x38;
	[tilespmem:$0x1ED00] =	vst v63  }
0xa6: {  	_ =	swait.ge [sflag:s10], $0xC80  }
0xa7: {  	s24 =	sld [smem:$0x7FA]  }
0xa8: {  	[sflag:s10] =	ssyncset.done $0x0  }
0xa9: {  	[sflag:s10] =	ssyncadd.s32 $0xFFFFF380  }
0xaa: {  	[spmem:s24] =	stream.linear.scatter [tilespmem:s6], [sflag:$0x6], $0xC80, $0x38;
	[tilespmem:$0x1ED00] =	vst v63  }
0xab: {  	_ =	swait.ge [sflag:s10], $0xC80  }
0xac: {  	s25 =	sld [smem:$0x7FB]  }
0xad: {  	[sflag:s10] =	ssyncset.done $0x0  }
0xae: {  	[sflag:s10] =	ssyncadd.s32 $0xFFFFF380  }
0xaf: {  	[spmem:s25] =	stream.linear.scatter [tilespmem:s6], [sflag:$0x6], $0xC80, $0x38;
	[tilespmem:$0x1ED00] =	vst v63  }
0xb0: {  	_ =	swait.ge [sflag:s10], $0xC80  }
0xb1: {  	s26 =	sld [smem:$0x7FC]  }
0xb2: {  	[sflag:s10] =	ssyncset.done $0x0  }
.Ltmp1:
0xb3: {  	[sflag:s10] =	ssyncadd.s32 $0xFFFFF380;
	(pc) =	sbr.rel @p0 .LBB2_7-.Ltmp1, $4  }
0xb4: {  	[spmem:s26] =	stream.linear.scatter [tilespmem:s6], [sflag:$0x6], $0xC80, $0x38;
	[tilespmem:$0x1ED00] =	vst v63  }
0xb5: {  	_ =	swait.ge [sflag:s10], $0xC80  }
0xb6: {  	[sflag:s10] =	ssyncset.done $0x0  }
0xb7: {  	[sflag:s10] =	ssyncadd.s32 $0xFFFFF380  }
0xb8: {  	s25 =	sld [smem:$0x7FD];
	_ =	sdelay $0x2  }
0xb9: {  	s22 =	rddreg [dreg:$0x18];
	p1 =	sgt.u32 s25, $0x270F  }
0xba: {  	s1 =	sadd.s32 @!p1 $0x0, s22  }
0xbb: {  	s6 =	simm.s32 @!p1 $0x0;
	s9 =	simm.s32 @!p1 $0x14880;
	s19 =	simm.s32 @!p1 $0x7  }
0xbc: {  	[tilespmem:s9], [sflag:$0x7] =	stream.linear.gather @!p1 [hbm4b:s1+s6], $0x28, $0x38;
	[tilespmem:$0x1ED00] =	vst v63  }
0xbd: {  	_ =	swait.ge @!p1 [sflag:s19], $0x28  }
0xbe: {  	s24 =	simm.s32 @!p1 $0x28;
	[sflag:s19] =	ssyncset.done @!p1 $0x0  }
0xbf: {  	s21 =	simm.s32 @!p1 $0x14900;
	s1 =	simm.s32 @!p1 $0x1;
	[sflag:s19] =	ssyncadd.s32 @!p1 $0xFFFFFFD8  }
0xc0: {  	[tilespmem:s21], [sflag:$0x1] =	stream.indirect.gather @!p1 [hbm4b:s23+s24], $0x80, s9, s24, $0xb8;
	[tilespmem:$0x1ED00] =	vst v63  }
0xc1: {  	_ =	swait.ge @!p1 [sflag:s1], $0x1400  }
0xc2: {  	p2 =	por p1, p1;
	s24 =	sld [smem:$0x7F4]  }
0xc3: {  	[sflag:s1] =	ssyncset.done @!p2 $0x0  }
0xc4: {  	s19 =	simm.s32 $0x5;
	[sflag:s1] =	ssyncadd.s32 @!p2 $0xFFFFEC00  }
0xc5: {  	[hbm4b:s24+s6] =	stream.linear.scatter @!p2 [tilespmem:s21], [sflag:$0x6], $0x1400, $0x38;
	[tilespmem:$0x1ED00] =	vst v63  }
0xc6: {  	s9 =	simm.s32 $0xA;
	s1 =	sadd.s32 $0x28, s25;
	s21 =	simm.s32 @!p2 $0x6  }
0xc7: {  	p1 =	sgt.u32 s1, $0x270F;
	s6 =	sadd.s32 $0x280, s24;
	_ =	swait.ge @!p2 [sflag:s21], $0x1400  }
.LBB2_5:
0xc8: {  	s19 =	sadd.s32 @!p1 s19, s22;
	s22 =	simm.s32 @!p1 $0x0;
	[sflag:s21] =	ssyncset.done @!p2 $0x0  }
0xc9: {  	s26 =	simm.s32 @!p1 $0x14880;
	s24 =	simm.s32 @!p1 $0x7;
	[sflag:s21] =	ssyncadd.s32 @!p2 $0xFFFFEC00  }
0xca: {  	[tilespmem:s26], [sflag:$0x7] =	stream.linear.gather @!p1 [hbm4b:s19+s22], $0x28, $0x38;
	[tilespmem:$0x1ED00] =	vst v63  }
0xcb: {  	s25 =	simm.s32 @!p1 $0x14900;
	s21 =	simm.s32 @!p1 $0x28;
	_ =	swait.ge @!p1 [sflag:s24], $0x28  }
0xcc: {  	s19 =	smov.u32 s9;
	s9 =	sadd.s32 $0x5, s9;
	[sflag:s24] =	ssyncset.done @!p1 $0x0  }
0xcd: {  	p3 =	sne.s32 s9, $0x50;
	[sflag:s24] =	ssyncadd.s32 @!p1 $0xFFFFFFD8;
	s24 =	simm.s32 @!p1 $0x1  }
0xce: {  	[tilespmem:s25], [sflag:$0x1] =	stream.indirect.gather @!p1 [hbm4b:s23+s21], $0x80, s26, s21, $0xb8;
	[tilespmem:$0x1ED00] =	vst v63  }
.Ltmp2:
0xcf: {  	p2 =	por p1, p1;
	_ =	swait.ge @!p1 [sflag:s24], $0x1400;
	(pc) =	sbr.rel @p3 .LBB2_5-.Ltmp2, $4  }
0xd0: {  	s1 =	sadd.s32 $0x28, s1;
	[sflag:s24] =	ssyncset.done @!p2 $0x0  }
0xd1: {  	s21 =	simm.s32 @!p2 $0x6;
	p1 =	sgt.u32 s1, $0x270F;
	[sflag:s24] =	ssyncadd.s32 @!p2 $0xFFFFEC00  }
0xd2: {  	[hbm4b:s6+s22] =	stream.linear.scatter @!p2 [tilespmem:s25], [sflag:$0x6], $0x1400, $0x38;
	[tilespmem:$0x1ED00] =	vst v63  }
0xd3: {  	s22 =	rddreg [dreg:$0x18];
	s6 =	sadd.s32 $0x280, s6;
	_ =	swait.ge @!p2 [sflag:s21], $0x1400  }
0xd4: {  	s1 =	sadd.s32 @!p1 s19, s22;
	s9 =	simm.s32 @!p1 $0x0;
	[sflag:s21] =	ssyncset.done @!p2 $0x0  }
0xd5: {  	s19 =	simm.s32 @!p1 $0x14880;
	s22 =	simm.s32 @!p1 $0x7;
	[sflag:s21] =	ssyncadd.s32 @!p2 $0xFFFFEC00  }
0xd6: {  	[tilespmem:s19], [sflag:$0x7] =	stream.linear.gather @!p1 [hbm4b:s1+s9], $0x28, $0x38;
	[tilespmem:$0x1ED00] =	vst v63  }
0xd7: {  	_ =	swait.ge @!p1 [sflag:s22], $0x28  }
0xd8: {  	s21 =	simm.s32 @!p1 $0x14900;
	[sflag:s22] =	ssyncset.done @!p1 $0x0  }
0xd9: {  	s1 =	simm.s32 @!p1 $0x28;
	[sflag:s22] =	ssyncadd.s32 @!p1 $0xFFFFFFD8;
	s22 =	simm.s32 @!p1 $0x1  }
0xda: {  	[tilespmem:s21], [sflag:$0x1] =	stream.indirect.gather @!p1 [hbm4b:s23+s1], $0x80, s19, s1, $0xb8;
	[tilespmem:$0x1ED00] =	vst v63  }
0xdb: {  	_ =	swait.ge @!p1 [sflag:s22], $0x1400;
	p1 =	por p1, p1  }
0xdc: {  	[sflag:s22] =	ssyncset.done @!p1 $0x0  }
0xdd: {  	s1 =	simm.s32 @!p1 $0x6;
	[sflag:s22] =	ssyncadd.s32 @!p1 $0xFFFFEC00  }
0xde: {  	[hbm4b:s6+s9] =	stream.linear.scatter @!p1 [tilespmem:s21], [sflag:$0x6], $0x1400, $0x38;
	[tilespmem:$0x1ED00] =	vst v63  }
0xdf: {  	_ =	swait.ge @!p1 [sflag:s1], $0x1400  }
0xe0: {  	[sflag:s1] =	ssyncset.done @!p1 $0x0  }
0xe1: {  	s19 =	simm.s32 $0x14480;
	[sflag:s1] =	ssyncadd.s32 @!p1 $0xFFFFEC00  }
.LBB2_7:
0xe2: {  	[bflag:$0x0] =	sbarrier.arrive $0xFFFF  }
0xe3: {  	s1 =	rddreg [dreg:$0x7]  }
0xe4: {  	s1 =	sadd.s32 $0x0, s1  }
0xe5: {  	[tilespmem:s11], [sflag:$0x6] =	stream.linear.gather [hbm4b:s1+s5], $0x800, $0x38;
	[tilespmem:$0x1ED00] =	vst v63  }
0xe6: {  	_ =	swait.ge [sflag:s10], $0x800  }
0xe7: {  	s24 =	rddreg [dreg:$0x6];
	[sflag:s10] =	ssyncset.done $0x0  }
0xe8: {  	[sflag:s10] =	ssyncadd.s32 $0xFFFFF800;
	s1 =	sadd.s32 $0x0, s24  }
0xe9: {  	[tilespmem:s12], [sflag:$0x6] =	stream.linear.gather [hbm4b:s1+s5], $0x800, $0x38;
	[tilespmem:$0x1ED00] =	vst v63  }
0xea: {  	_ =	swait.ge [sflag:s10], $0x800  }
0xeb: {  	[sflag:s10] =	ssyncset.done $0x0  }
0xec: {  	[sflag:s10] =	ssyncadd.s32 $0xFFFFF800  }
0xed: {  	[tilespmem:s14], [sflag:$0x2] =	stream.indirect.gather [hbm4b:s3+s13], $0x80, s11, s13, $0xb8;
	[tilespmem:$0x1ED00] =	vst v63  }
0xee: {  	s25 =	rddreg [dreg:$0x8]  }
0xef: {  	[tilespmem:s15], [sflag:$0x3] =	stream.indirect.gather [hbm4b:s3+s13], $0x80, s25, s13, $0xb8;
	[tilespmem:$0x1ED00] =	vst v63  }
0xf0: {  	_ =	swait.ge [sflag:s16], $0x3E80  }
0xf1: {  	[sflag:s16] =	ssyncset.done $0x0  }
0xf2: {  	[sflag:s16] =	ssyncadd.s32 $0xFFFFC180  }
0xf3: {  	[spmem:s4] =	stream.indirect.scatter.add.f32 [tilespmem:s14], [sflag:$0x4], $0x80, s12, s13, $0xb8;
	[tilespmem:$0x1ED00] =	vst v63  }
0xf4: {  	_ =	swait.ge [sflag:s17], $0x3E80  }
0xf5: {  	[sflag:s17] =	ssyncset.done $0x0  }
0xf6: {  	s26 =	rddreg [dreg:$0x9];
	[sflag:s17] =	ssyncadd.s32 $0xFFFFC180  }
0xf7: {  	[spmem:s4] =	stream.indirect.scatter.add.f32 [tilespmem:s15], [sflag:$0x5], $0x80, s26, s13, $0xb8;
	[tilespmem:$0x1ED00] =	vst v63  }
0xf8: {  	_ =	swait.ge [sflag:s18], $0x3E80  }
0xf9: {  	[sflag:s18] =	ssyncset.done $0x0  }
0xfa: {  	s6 =	rddreg [dreg:$0xa];
	[sflag:s18] =	ssyncadd.s32 $0xFFFFC180  }
0xfb: {  	[tilespmem:s14], [sflag:$0x2] =	stream.indirect.gather [hbm4b:s3+s13], $0x80, s6, s13, $0xb8;
	[tilespmem:$0x1ED00] =	vst v63  }
0xfc: {  	_ =	swait.ge [sflag:s20], $0x3E80  }
0xfd: {  	[sflag:s20] =	ssyncset.done $0x0  }
0xfe: {  	s9 =	rddreg [dreg:$0xb];
	[sflag:s20] =	ssyncadd.s32 $0xFFFFC180  }
0xff: {  	[tilespmem:s15], [sflag:$0x3] =	stream.indirect.gather [hbm4b:s3+s13], $0x80, s9, s13, $0xb8;
	[tilespmem:$0x1ED00] =	vst v63  }
0x100: {  	_ =	swait.ge [sflag:s16], $0x3E80  }
0x101: {  	[sflag:s16] =	ssyncset.done $0x0  }
0x102: {  	s21 =	rddreg [dreg:$0xc];
	[sflag:s16] =	ssyncadd.s32 $0xFFFFC180  }
0x103: {  	[spmem:s4] =	stream.indirect.scatter.add.f32 [tilespmem:s14], [sflag:$0x4], $0x80, s21, s13, $0xb8;
	[tilespmem:$0x1ED00] =	vst v63  }
0x104: {  	_ =	swait.ge [sflag:s17], $0x3E80  }
0x105: {  	[sflag:s17] =	ssyncset.done $0x0  }
0x106: {  	s22 =	rddreg [dreg:$0xd];
	[sflag:s17] =	ssyncadd.s32 $0xFFFFC180  }
0x107: {  	[spmem:s4] =	stream.indirect.scatter.add.f32 [tilespmem:s15], [sflag:$0x5], $0x80, s22, s13, $0xb8;
	[tilespmem:$0x1ED00] =	vst v63  }
0x108: {  	_ =	swait.ge [sflag:s18], $0x3E80  }
0x109: {  	[sflag:s18] =	ssyncset.done $0x0  }
0x10a: {  	s24 =	rddreg [dreg:$0xe];
	[sflag:s18] =	ssyncadd.s32 $0xFFFFC180  }
0x10b: {  	[tilespmem:s14], [sflag:$0x2] =	stream.indirect.gather [hbm4b:s3+s13], $0x80, s24, s13, $0xb8;
	[tilespmem:$0x1ED00] =	vst v63  }
0x10c: {  	_ =	swait.ge [sflag:s20], $0x3E80  }
0x10d: {  	[sflag:s20] =	ssyncset.done $0x0  }
0x10e: {  	s25 =	rddreg [dreg:$0xf];
	[sflag:s20] =	ssyncadd.s32 $0xFFFFC180  }
0x10f: {  	[tilespmem:s15], [sflag:$0x3] =	stream.indirect.gather [hbm4b:s3+s13], $0x80, s25, s13, $0xb8;
	[tilespmem:$0x1ED00] =	vst v63  }
0x110: {  	_ =	swait.ge [sflag:s16], $0x3E80  }
0x111: {  	[sflag:s16] =	ssyncset.done $0x0  }
0x112: {  	s26 =	rddreg [dreg:$0x10];
	[sflag:s16] =	ssyncadd.s32 $0xFFFFC180  }
0x113: {  	[spmem:s4] =	stream.indirect.scatter.add.f32 [tilespmem:s14], [sflag:$0x4], $0x80, s26, s13, $0xb8;
	[tilespmem:$0x1ED00] =	vst v63  }
0x114: {  	_ =	swait.ge [sflag:s17], $0x3E80  }
0x115: {  	[sflag:s17] =	ssyncset.done $0x0  }
0x116: {  	s6 =	rddreg [dreg:$0x11];
	[sflag:s17] =	ssyncadd.s32 $0xFFFFC180  }
0x117: {  	[spmem:s4] =	stream.indirect.scatter.add.f32 [tilespmem:s15], [sflag:$0x5], $0x80, s6, s13, $0xb8;
	[tilespmem:$0x1ED00] =	vst v63  }
0x118: {  	_ =	swait.ge [sflag:s18], $0x3E80  }
0x119: {  	[sflag:s18] =	ssyncset.done $0x0  }
0x11a: {  	s9 =	rddreg [dreg:$0x12];
	[sflag:s18] =	ssyncadd.s32 $0xFFFFC180  }
0x11b: {  	[tilespmem:s14], [sflag:$0x2] =	stream.indirect.gather [hbm4b:s3+s13], $0x80, s9, s13, $0xb8;
	[tilespmem:$0x1ED00] =	vst v63  }
0x11c: {  	_ =	swait.ge [sflag:s20], $0x3E80  }
0x11d: {  	[sflag:s20] =	ssyncset.done $0x0  }
0x11e: {  	s21 =	rddreg [dreg:$0x13];
	[sflag:s20] =	ssyncadd.s32 $0xFFFFC180  }
0x11f: {  	[tilespmem:s15], [sflag:$0x3] =	stream.indirect.gather [hbm4b:s3+s13], $0x80, s21, s13, $0xb8;
	[tilespmem:$0x1ED00] =	vst v63  }
0x120: {  	_ =	swait.ge [sflag:s16], $0x3E80  }
0x121: {  	[sflag:s16] =	ssyncset.done $0x0  }
0x122: {  	s22 =	rddreg [dreg:$0x14];
	[sflag:s16] =	ssyncadd.s32 $0xFFFFC180  }
0x123: {  	[spmem:s4] =	stream.indirect.scatter.add.f32 [tilespmem:s14], [sflag:$0x4], $0x80, s22, s13, $0xb8;
	[tilespmem:$0x1ED00] =	vst v63  }
0x124: {  	_ =	swait.ge [sflag:s17], $0x3E80  }
0x125: {  	[sflag:s17] =	ssyncset.done $0x0  }
0x126: {  	s24 =	rddreg [dreg:$0x15];
	[sflag:s17] =	ssyncadd.s32 $0xFFFFC180  }
0x127: {  	[spmem:s4] =	stream.indirect.scatter.add.f32 [tilespmem:s15], [sflag:$0x5], $0x80, s24, s13, $0xb8;
	[tilespmem:$0x1ED00] =	vst v63  }
0x128: {  	_ =	swait.ge [sflag:s18], $0x3E80  }
0x129: {  	[sflag:s18] =	ssyncset.done $0x0  }
0x12a: {  	s25 =	rddreg [dreg:$0x16];
	[sflag:s18] =	ssyncadd.s32 $0xFFFFC180  }
0x12b: {  	[tilespmem:s14], [sflag:$0x2] =	stream.indirect.gather [hbm4b:s3+s13], $0x80, s25, s13, $0xb8;
	[tilespmem:$0x1ED00] =	vst v63  }
0x12c: {  	_ =	swait.ge [sflag:s20], $0x3E80  }
0x12d: {  	[sflag:s20] =	ssyncset.done $0x0  }
0x12e: {  	s26 =	rddreg [dreg:$0x17];
	[sflag:s20] =	ssyncadd.s32 $0xFFFFC180  }
0x12f: {  	[tilespmem:s15], [sflag:$0x3] =	stream.indirect.gather [hbm4b:s3+s13], $0x80, s26, s13, $0xb8;
	[tilespmem:$0x1ED00] =	vst v63  }
0x130: {  	_ =	swait.ge [sflag:s16], $0x3E80  }
0x131: {  	[sflag:s16] =	ssyncset.done $0x0  }
0x132: {  	[sflag:s16] =	ssyncadd.s32 $0xFFFFC180  }
0x133: {  	[spmem:s4] =	stream.indirect.scatter.add.f32 [tilespmem:s14], [sflag:$0x4], $0x80, s19, s13, $0xb8;
	[tilespmem:$0x1ED00] =	vst v63  }
0x134: {  	_ =	swait.ge [sflag:s17], $0x3E80  }
0x135: {  	[sflag:s17] =	ssyncset.done $0x0  }
0x136: {  	s21 =	simm.s32 $0x14500;
	[sflag:s17] =	ssyncadd.s32 $0xFFFFC180  }
0x137: {  	[spmem:s4] =	stream.indirect.scatter.add.f32 [tilespmem:s15], [sflag:$0x5], $0x80, s21, s13, $0xb8;
	[tilespmem:$0x1ED00] =	vst v63  }
0x138: {  	_ =	swait.ge [sflag:s18], $0x3E80  }
0x139: {  	[sflag:s18] =	ssyncset.done $0x0  }
0x13a: {  	s24 =	simm.s32 $0x13D80;
	[sflag:s18] =	ssyncadd.s32 $0xFFFFC180  }
0x13b: {  	[tilespmem:s14], [sflag:$0x2] =	stream.indirect.gather [hbm4b:s3+s13], $0x80, s24, s13, $0xb8;
	[tilespmem:$0x1ED00] =	vst v63  }
0x13c: {  	_ =	swait.ge [sflag:s20], $0x3E80  }
0x13d: {  	[sflag:s20] =	ssyncset.done $0x0  }
0x13e: {  	s25 =	simm.s32 $0x13E00;
	[sflag:s20] =	ssyncadd.s32 $0xFFFFC180  }
0x13f: {  	[tilespmem:s15], [sflag:$0x3] =	stream.indirect.gather [hbm4b:s3+s13], $0x80, s25, s13, $0xb8;
	[tilespmem:$0x1ED00] =	vst v63  }
0x140: {  	_ =	swait.ge [sflag:s16], $0x3E80  }
0x141: {  	[sflag:s16] =	ssyncset.done $0x0  }
0x142: {  	s26 =	simm.s32 $0x14580;
	[sflag:s16] =	ssyncadd.s32 $0xFFFFC180  }
0x143: {  	[spmem:s4] =	stream.indirect.scatter.add.f32 [tilespmem:s14], [sflag:$0x4], $0x80, s26, s13, $0xb8;
	[tilespmem:$0x1ED00] =	vst v63  }
0x144: {  	_ =	swait.ge [sflag:s17], $0x3E80  }
0x145: {  	[sflag:s17] =	ssyncset.done $0x0  }
0x146: {  	s22 =	simm.s32 $0x14600;
	[sflag:s17] =	ssyncadd.s32 $0xFFFFC180  }
0x147: {  	[spmem:s4] =	stream.indirect.scatter.add.f32 [tilespmem:s15], [sflag:$0x5], $0x80, s22, s13, $0xb8;
	[tilespmem:$0x1ED00] =	vst v63  }
0x148: {  	_ =	swait.ge [sflag:s18], $0x3E80  }
0x149: {  	[sflag:s18] =	ssyncset.done $0x0  }
0x14a: {  	[sflag:s18] =	ssyncadd.s32 $0xFFFFC180  }
0x14b: {  	[tilespmem:s14], [sflag:$0x2] =	stream.indirect.gather [hbm4b:s3+s13], $0x80, s28, s13, $0xb8;
	[tilespmem:$0x1ED00] =	vst v63  }
0x14c: {  	_ =	swait.ge [sflag:s20], $0x3E80  }
0x14d: {  	[sflag:s20] =	ssyncset.done $0x0  }
0x14e: {  	[sflag:s20] =	ssyncadd.s32 $0xFFFFC180  }
0x14f: {  	[tilespmem:s15], [sflag:$0x3] =	stream.indirect.gather [hbm4b:s3+s13], $0x80, s29, s13, $0xb8;
	[tilespmem:$0x1ED00] =	vst v63  }
0x150: {  	_ =	swait.ge [sflag:s16], $0x3E80  }
0x151: {  	[sflag:s16] =	ssyncset.done $0x0  }
0x152: {  	[sflag:s16] =	ssyncadd.s32 $0xFFFFC180  }
0x153: {  	[spmem:s4] =	stream.indirect.scatter.add.f32 [tilespmem:s14], [sflag:$0x4], $0x80, s30, s13, $0xb8;
	[tilespmem:$0x1ED00] =	vst v63  }
0x154: {  	_ =	swait.ge [sflag:s17], $0x3E80  }
0x155: {  	[sflag:s17] =	ssyncset.done $0x0  }
0x156: {  	[sflag:s17] =	ssyncadd.s32 $0xFFFFC180  }
0x157: {  	[spmem:s4] =	stream.indirect.scatter.add.f32 [tilespmem:s15], [sflag:$0x5], $0x80, s31, s13, $0xb8;
	[tilespmem:$0x1ED00] =	vst v63  }
0x158: {  	_ =	swait.ge [sflag:s18], $0x3E80  }
0x159: {  	[sflag:s18] =	ssyncset.done $0x0  }
0x15a: {  	[sflag:s18] =	ssyncadd.s32 $0xFFFFC180  }
0x15b: {  	[tilespmem:s14], [sflag:$0x2] =	stream.indirect.gather [hbm4b:s3+s13], $0x80, s2, s13, $0xb8;
	[tilespmem:$0x1ED00] =	vst v63  }
0x15c: {  	_ =	swait.ge [sflag:s20], $0x3E80  }
0x15d: {  	[sflag:s20] =	ssyncset.done $0x0  }
0x15e: {  	[sflag:s20] =	ssyncadd.s32 $0xFFFFC180  }
0x15f: {  	[tilespmem:s15], [sflag:$0x3] =	stream.indirect.gather [hbm4b:s3+s13], $0x80, s0, s13, $0xb8;
	[tilespmem:$0x1ED00] =	vst v63  }
0x160: {  	_ =	swait.ge [sflag:s16], $0x3E80  }
0x161: {  	[sflag:s16] =	ssyncset.done $0x0  }
0x162: {  	[sflag:s16] =	ssyncadd.s32 $0xFFFFC180  }
0x163: {  	[spmem:s4] =	stream.indirect.scatter.add.f32 [tilespmem:s14], [sflag:$0x4], $0x80, s7, s13, $0xb8;
	[tilespmem:$0x1ED00] =	vst v63  }
0x164: {  	_ =	swait.ge [sflag:s17], $0x3E80  }
0x165: {  	[sflag:s17] =	ssyncset.done $0x0  }
0x166: {  	[sflag:s17] =	ssyncadd.s32 $0xFFFFC180  }
0x167: {  	[spmem:s4] =	stream.indirect.scatter.add.f32 [tilespmem:s15], [sflag:$0x5], $0x80, s8, s13, $0xb8;
	[tilespmem:$0x1ED00] =	vst v63  }
0x168: {  	_ =	swait.ge [sflag:s18], $0x3E80  }
0x169: {  	[sflag:s18] =	ssyncset.done $0x0  }
0x16a: {  	[sflag:s18] =	ssyncadd.s32 $0xFFFFC180  }
0x16b: {  	s6 =	simm.s32 $0x100;
	_ =	swait.ge [sflag:s20], $0x3E80  }
0x16c: {  	s9 =	simm.s32 $0x200;
	s1 =	rddreg [dreg:$0x7];
	[sflag:s20] =	ssyncset.done $0x0  }
.LBB2_8:
0x16d: {  	[sflag:s20] =	ssyncadd.s32 $0xFFFFC180;
	s1 =	sadd.s32 s6, s1  }
0x16e: {  	[tilespmem:s11], [sflag:$0x6] =	stream.linear.gather [hbm4b:s1+s5], $0x800, $0x38;
	[tilespmem:$0x1ED00] =	vst v63  }
0x16f: {  	_ =	swait.ge [sflag:s10], $0x800  }
0x170: {  	s1 =	rddreg [dreg:$0x6];
	[sflag:s10] =	ssyncset.done $0x0  }
0x171: {  	[sflag:s10] =	ssyncadd.s32 $0xFFFFF800;
	s1 =	sadd.s32 s6, s1  }
0x172: {  	[tilespmem:s12], [sflag:$0x6] =	stream.linear.gather [hbm4b:s1+s5], $0x800, $0x38;
	[tilespmem:$0x1ED00] =	vst v63  }
0x173: {  	_ =	swait.ge [sflag:s10], $0x800  }
0x174: {  	[sflag:s10] =	ssyncset.done $0x0  }
0x175: {  	[sflag:s10] =	ssyncadd.s32 $0xFFFFF800  }
0x176: {  	[tilespmem:s14], [sflag:$0x2] =	stream.indirect.gather [hbm4b:s3+s13], $0x80, s11, s13, $0xb8;
	[tilespmem:$0x1ED00] =	vst v63  }
0x177: {  	s1 =	rddreg [dreg:$0x8]  }
0x178: {  	[tilespmem:s15], [sflag:$0x3] =	stream.indirect.gather [hbm4b:s3+s13], $0x80, s1, s13, $0xb8;
	[tilespmem:$0x1ED00] =	vst v63  }
0x179: {  	_ =	swait.ge [sflag:s16], $0x3E80  }
0x17a: {  	[sflag:s16] =	ssyncset.done $0x0  }
0x17b: {  	[sflag:s16] =	ssyncadd.s32 $0xFFFFC180  }
0x17c: {  	[spmem:s4] =	stream.indirect.scatter.add.f32 [tilespmem:s14], [sflag:$0x4], $0x80, s12, s13, $0xb8;
	[tilespmem:$0x1ED00] =	vst v63  }
0x17d: {  	_ =	swait.ge [sflag:s17], $0x3E80  }
0x17e: {  	[sflag:s17] =	ssyncset.done $0x0  }
0x17f: {  	s1 =	rddreg [dreg:$0x9];
	[sflag:s17] =	ssyncadd.s32 $0xFFFFC180  }
0x180: {  	[spmem:s4] =	stream.indirect.scatter.add.f32 [tilespmem:s15], [sflag:$0x5], $0x80, s1, s13, $0xb8;
	[tilespmem:$0x1ED00] =	vst v63  }
0x181: {  	_ =	swait.ge [sflag:s18], $0x3E80  }
0x182: {  	[sflag:s18] =	ssyncset.done $0x0  }
0x183: {  	s1 =	rddreg [dreg:$0xa];
	[sflag:s18] =	ssyncadd.s32 $0xFFFFC180  }
0x184: {  	[tilespmem:s14], [sflag:$0x2] =	stream.indirect.gather [hbm4b:s3+s13], $0x80, s1, s13, $0xb8;
	[tilespmem:$0x1ED00] =	vst v63  }
0x185: {  	_ =	swait.ge [sflag:s20], $0x3E80  }
0x186: {  	[sflag:s20] =	ssyncset.done $0x0  }
0x187: {  	s1 =	rddreg [dreg:$0xb];
	[sflag:s20] =	ssyncadd.s32 $0xFFFFC180  }
0x188: {  	[tilespmem:s15], [sflag:$0x3] =	stream.indirect.gather [hbm4b:s3+s13], $0x80, s1, s13, $0xb8;
	[tilespmem:$0x1ED00] =	vst v63  }
0x189: {  	_ =	swait.ge [sflag:s16], $0x3E80  }
0x18a: {  	[sflag:s16] =	ssyncset.done $0x0  }
0x18b: {  	s1 =	rddreg [dreg:$0xc];
	[sflag:s16] =	ssyncadd.s32 $0xFFFFC180  }
0x18c: {  	[spmem:s4] =	stream.indirect.scatter.add.f32 [tilespmem:s14], [sflag:$0x4], $0x80, s1, s13, $0xb8;
	[tilespmem:$0x1ED00] =	vst v63  }
0x18d: {  	_ =	swait.ge [sflag:s17], $0x3E80  }
0x18e: {  	[sflag:s17] =	ssyncset.done $0x0  }
0x18f: {  	s1 =	rddreg [dreg:$0xd];
	[sflag:s17] =	ssyncadd.s32 $0xFFFFC180  }
0x190: {  	[spmem:s4] =	stream.indirect.scatter.add.f32 [tilespmem:s15], [sflag:$0x5], $0x80, s1, s13, $0xb8;
	[tilespmem:$0x1ED00] =	vst v63  }
0x191: {  	_ =	swait.ge [sflag:s18], $0x3E80  }
0x192: {  	[sflag:s18] =	ssyncset.done $0x0  }
0x193: {  	s1 =	rddreg [dreg:$0xe];
	[sflag:s18] =	ssyncadd.s32 $0xFFFFC180  }
0x194: {  	[tilespmem:s14], [sflag:$0x2] =	stream.indirect.gather [hbm4b:s3+s13], $0x80, s1, s13, $0xb8;
	[tilespmem:$0x1ED00] =	vst v63  }
0x195: {  	_ =	swait.ge [sflag:s20], $0x3E80  }
0x196: {  	[sflag:s20] =	ssyncset.done $0x0  }
0x197: {  	s1 =	rddreg [dreg:$0xf];
	[sflag:s20] =	ssyncadd.s32 $0xFFFFC180  }
0x198: {  	[tilespmem:s15], [sflag:$0x3] =	stream.indirect.gather [hbm4b:s3+s13], $0x80, s1, s13, $0xb8;
	[tilespmem:$0x1ED00] =	vst v63  }
0x199: {  	_ =	swait.ge [sflag:s16], $0x3E80  }
0x19a: {  	[sflag:s16] =	ssyncset.done $0x0  }
0x19b: {  	s1 =	rddreg [dreg:$0x10];
	[sflag:s16] =	ssyncadd.s32 $0xFFFFC180  }
0x19c: {  	[spmem:s4] =	stream.indirect.scatter.add.f32 [tilespmem:s14], [sflag:$0x4], $0x80, s1, s13, $0xb8;
	[tilespmem:$0x1ED00] =	vst v63  }
0x19d: {  	_ =	swait.ge [sflag:s17], $0x3E80  }
0x19e: {  	[sflag:s17] =	ssyncset.done $0x0  }
0x19f: {  	s1 =	rddreg [dreg:$0x11];
	[sflag:s17] =	ssyncadd.s32 $0xFFFFC180  }
0x1a0: {  	[spmem:s4] =	stream.indirect.scatter.add.f32 [tilespmem:s15], [sflag:$0x5], $0x80, s1, s13, $0xb8;
	[tilespmem:$0x1ED00] =	vst v63  }
0x1a1: {  	_ =	swait.ge [sflag:s18], $0x3E80  }
0x1a2: {  	[sflag:s18] =	ssyncset.done $0x0  }
0x1a3: {  	s1 =	rddreg [dreg:$0x12];
	[sflag:s18] =	ssyncadd.s32 $0xFFFFC180  }
0x1a4: {  	[tilespmem:s14], [sflag:$0x2] =	stream.indirect.gather [hbm4b:s3+s13], $0x80, s1, s13, $0xb8;
	[tilespmem:$0x1ED00] =	vst v63  }
0x1a5: {  	_ =	swait.ge [sflag:s20], $0x3E80  }
0x1a6: {  	[sflag:s20] =	ssyncset.done $0x0  }
0x1a7: {  	s1 =	rddreg [dreg:$0x13];
	[sflag:s20] =	ssyncadd.s32 $0xFFFFC180  }
0x1a8: {  	[tilespmem:s15], [sflag:$0x3] =	stream.indirect.gather [hbm4b:s3+s13], $0x80, s1, s13, $0xb8;
	[tilespmem:$0x1ED00] =	vst v63  }
0x1a9: {  	_ =	swait.ge [sflag:s16], $0x3E80  }
0x1aa: {  	[sflag:s16] =	ssyncset.done $0x0  }
0x1ab: {  	s1 =	rddreg [dreg:$0x14];
	[sflag:s16] =	ssyncadd.s32 $0xFFFFC180  }
0x1ac: {  	[spmem:s4] =	stream.indirect.scatter.add.f32 [tilespmem:s14], [sflag:$0x4], $0x80, s1, s13, $0xb8;
	[tilespmem:$0x1ED00] =	vst v63  }
0x1ad: {  	_ =	swait.ge [sflag:s17], $0x3E80  }
0x1ae: {  	[sflag:s17] =	ssyncset.done $0x0  }
0x1af: {  	s1 =	rddreg [dreg:$0x15];
	[sflag:s17] =	ssyncadd.s32 $0xFFFFC180  }
0x1b0: {  	[spmem:s4] =	stream.indirect.scatter.add.f32 [tilespmem:s15], [sflag:$0x5], $0x80, s1, s13, $0xb8;
	[tilespmem:$0x1ED00] =	vst v63  }
0x1b1: {  	_ =	swait.ge [sflag:s18], $0x3E80  }
0x1b2: {  	[sflag:s18] =	ssyncset.done $0x0  }
0x1b3: {  	s1 =	rddreg [dreg:$0x16];
	[sflag:s18] =	ssyncadd.s32 $0xFFFFC180  }
0x1b4: {  	[tilespmem:s14], [sflag:$0x2] =	stream.indirect.gather [hbm4b:s3+s13], $0x80, s1, s13, $0xb8;
	[tilespmem:$0x1ED00] =	vst v63  }
0x1b5: {  	_ =	swait.ge [sflag:s20], $0x3E80  }
0x1b6: {  	[sflag:s20] =	ssyncset.done $0x0  }
0x1b7: {  	s1 =	rddreg [dreg:$0x17];
	[sflag:s20] =	ssyncadd.s32 $0xFFFFC180  }
0x1b8: {  	[tilespmem:s15], [sflag:$0x3] =	stream.indirect.gather [hbm4b:s3+s13], $0x80, s1, s13, $0xb8;
	[tilespmem:$0x1ED00] =	vst v63  }
0x1b9: {  	_ =	swait.ge [sflag:s16], $0x3E80  }
0x1ba: {  	s19 =	smov.u32 s9;
	[sflag:s16] =	ssyncset.done $0x0  }
0x1bb: {  	s6 =	smov.u32 s19;
	s19 =	simm.s32 $0x14480;
	[sflag:s16] =	ssyncadd.s32 $0xFFFFC180  }
0x1bc: {  	[spmem:s4] =	stream.indirect.scatter.add.f32 [tilespmem:s14], [sflag:$0x4], $0x80, s19, s13, $0xb8;
	[tilespmem:$0x1ED00] =	vst v63  }
0x1bd: {  	_ =	swait.ge [sflag:s17], $0x3E80  }
0x1be: {  	[sflag:s17] =	ssyncset.done $0x0  }
0x1bf: {  	[sflag:s17] =	ssyncadd.s32 $0xFFFFC180  }
0x1c0: {  	[spmem:s4] =	stream.indirect.scatter.add.f32 [tilespmem:s15], [sflag:$0x5], $0x80, s21, s13, $0xb8;
	[tilespmem:$0x1ED00] =	vst v63  }
0x1c1: {  	_ =	swait.ge [sflag:s18], $0x3E80  }
0x1c2: {  	[sflag:s18] =	ssyncset.done $0x0  }
0x1c3: {  	[sflag:s18] =	ssyncadd.s32 $0xFFFFC180  }
0x1c4: {  	[tilespmem:s14], [sflag:$0x2] =	stream.indirect.gather [hbm4b:s3+s13], $0x80, s24, s13, $0xb8;
	[tilespmem:$0x1ED00] =	vst v63  }
0x1c5: {  	_ =	swait.ge [sflag:s20], $0x3E80  }
0x1c6: {  	[sflag:s20] =	ssyncset.done $0x0  }
0x1c7: {  	[sflag:s20] =	ssyncadd.s32 $0xFFFFC180  }
0x1c8: {  	[tilespmem:s15], [sflag:$0x3] =	stream.indirect.gather [hbm4b:s3+s13], $0x80, s25, s13, $0xb8;
	[tilespmem:$0x1ED00] =	vst v63  }
0x1c9: {  	_ =	swait.ge [sflag:s16], $0x3E80  }
0x1ca: {  	[sflag:s16] =	ssyncset.done $0x0  }
0x1cb: {  	[sflag:s16] =	ssyncadd.s32 $0xFFFFC180  }
0x1cc: {  	[spmem:s4] =	stream.indirect.scatter.add.f32 [tilespmem:s14], [sflag:$0x4], $0x80, s26, s13, $0xb8;
	[tilespmem:$0x1ED00] =	vst v63  }
0x1cd: {  	_ =	swait.ge [sflag:s17], $0x3E80  }
0x1ce: {  	[sflag:s17] =	ssyncset.done $0x0  }
0x1cf: {  	[sflag:s17] =	ssyncadd.s32 $0xFFFFC180  }
0x1d0: {  	[spmem:s4] =	stream.indirect.scatter.add.f32 [tilespmem:s15], [sflag:$0x5], $0x80, s22, s13, $0xb8;
	[tilespmem:$0x1ED00] =	vst v63  }
0x1d1: {  	_ =	swait.ge [sflag:s18], $0x3E80  }
0x1d2: {  	[sflag:s18] =	ssyncset.done $0x0  }
0x1d3: {  	[sflag:s18] =	ssyncadd.s32 $0xFFFFC180  }
0x1d4: {  	[tilespmem:s14], [sflag:$0x2] =	stream.indirect.gather [hbm4b:s3+s13], $0x80, s28, s13, $0xb8;
	[tilespmem:$0x1ED00] =	vst v63  }
0x1d5: {  	_ =	swait.ge [sflag:s20], $0x3E80  }
0x1d6: {  	[sflag:s20] =	ssyncset.done $0x0  }
0x1d7: {  	[sflag:s20] =	ssyncadd.s32 $0xFFFFC180  }
0x1d8: {  	[tilespmem:s15], [sflag:$0x3] =	stream.indirect.gather [hbm4b:s3+s13], $0x80, s29, s13, $0xb8;
	[tilespmem:$0x1ED00] =	vst v63  }
0x1d9: {  	_ =	swait.ge [sflag:s16], $0x3E80  }
0x1da: {  	[sflag:s16] =	ssyncset.done $0x0  }
0x1db: {  	[sflag:s16] =	ssyncadd.s32 $0xFFFFC180  }
0x1dc: {  	[spmem:s4] =	stream.indirect.scatter.add.f32 [tilespmem:s14], [sflag:$0x4], $0x80, s30, s13, $0xb8;
	[tilespmem:$0x1ED00] =	vst v63  }
0x1dd: {  	_ =	swait.ge [sflag:s17], $0x3E80  }
0x1de: {  	[sflag:s17] =	ssyncset.done $0x0  }
0x1df: {  	[sflag:s17] =	ssyncadd.s32 $0xFFFFC180  }
0x1e0: {  	[spmem:s4] =	stream.indirect.scatter.add.f32 [tilespmem:s15], [sflag:$0x5], $0x80, s31, s13, $0xb8;
	[tilespmem:$0x1ED00] =	vst v63  }
0x1e1: {  	_ =	swait.ge [sflag:s18], $0x3E80  }
0x1e2: {  	[sflag:s18] =	ssyncset.done $0x0  }
0x1e3: {  	[sflag:s18] =	ssyncadd.s32 $0xFFFFC180  }
0x1e4: {  	[tilespmem:s14], [sflag:$0x2] =	stream.indirect.gather [hbm4b:s3+s13], $0x80, s2, s13, $0xb8;
	[tilespmem:$0x1ED00] =	vst v63  }
0x1e5: {  	_ =	swait.ge [sflag:s20], $0x3E80  }
0x1e6: {  	[sflag:s20] =	ssyncset.done $0x0  }
0x1e7: {  	[sflag:s20] =	ssyncadd.s32 $0xFFFFC180  }
0x1e8: {  	[tilespmem:s15], [sflag:$0x3] =	stream.indirect.gather [hbm4b:s3+s13], $0x80, s0, s13, $0xb8;
	[tilespmem:$0x1ED00] =	vst v63  }
0x1e9: {  	_ =	swait.ge [sflag:s16], $0x3E80  }
0x1ea: {  	[sflag:s16] =	ssyncset.done $0x0  }
0x1eb: {  	[sflag:s16] =	ssyncadd.s32 $0xFFFFC180  }
0x1ec: {  	[spmem:s4] =	stream.indirect.scatter.add.f32 [tilespmem:s14], [sflag:$0x4], $0x80, s7, s13, $0xb8;
	[tilespmem:$0x1ED00] =	vst v63  }
0x1ed: {  	_ =	swait.ge [sflag:s17], $0x3E80  }
0x1ee: {  	[sflag:s17] =	ssyncset.done $0x0  }
0x1ef: {  	p1 =	sne.s32 s9, $0x400;
	[sflag:s17] =	ssyncadd.s32 $0xFFFFC180  }
0x1f0: {  	[spmem:s4] =	stream.indirect.scatter.add.f32 [tilespmem:s15], [sflag:$0x5], $0x80, s8, s13, $0xb8;
	[tilespmem:$0x1ED00] =	vst v63  }
.Ltmp3:
0x1f1: {  	_ =	swait.ge [sflag:s18], $0x3E80;
	(pc) =	sbr.rel @p1 .LBB2_8-.Ltmp3, $4  }
0x1f2: {  	[sflag:s18] =	ssyncset.done $0x0  }
0x1f3: {  	[sflag:s18] =	ssyncadd.s32 $0xFFFFC180  }
0x1f4: {  	_ =	swait.ge [sflag:s20], $0x3E80  }
0x1f5: {  	s9 =	sadd.s32 $0x100, s9;
	s1 =	rddreg [dreg:$0x7];
	[sflag:s20] =	ssyncset.done $0x0  }
0x1f6: {  	[sflag:s20] =	ssyncadd.s32 $0xFFFFC180;
	s1 =	sadd.s32 s6, s1  }
0x1f7: {  	[tilespmem:s11], [sflag:$0x6] =	stream.linear.gather [hbm4b:s1+s5], $0x800, $0x38;
	[tilespmem:$0x1ED00] =	vst v63  }
0x1f8: {  	_ =	swait.ge [sflag:s10], $0x800  }
0x1f9: {  	s9 =	rddreg [dreg:$0x6];
	[sflag:s10] =	ssyncset.done $0x0  }
0x1fa: {  	[sflag:s10] =	ssyncadd.s32 $0xFFFFF800;
	s1 =	sadd.s32 s6, s9  }
0x1fb: {  	[tilespmem:s12], [sflag:$0x6] =	stream.linear.gather [hbm4b:s1+s5], $0x800, $0x38;
	[tilespmem:$0x1ED00] =	vst v63  }
0x1fc: {  	_ =	swait.ge [sflag:s10], $0x800  }
0x1fd: {  	[sflag:s10] =	ssyncset.done $0x0  }
0x1fe: {  	[sflag:s10] =	ssyncadd.s32 $0xFFFFF800  }
0x1ff: {  	[tilespmem:s14], [sflag:$0x2] =	stream.indirect.gather [hbm4b:s3+s13], $0x80, s11, s13, $0xb8;
	[tilespmem:$0x1ED00] =	vst v63  }
0x200: {  	s6 =	rddreg [dreg:$0x8]  }
0x201: {  	[tilespmem:s15], [sflag:$0x3] =	stream.indirect.gather [hbm4b:s3+s13], $0x80, s6, s13, $0xb8;
	[tilespmem:$0x1ED00] =	vst v63  }
0x202: {  	_ =	swait.ge [sflag:s16], $0x3E80  }
0x203: {  	[sflag:s16] =	ssyncset.done $0x0  }
0x204: {  	[sflag:s16] =	ssyncadd.s32 $0xFFFFC180  }
0x205: {  	[spmem:s4] =	stream.indirect.scatter.add.f32 [tilespmem:s14], [sflag:$0x4], $0x80, s12, s13, $0xb8;
	[tilespmem:$0x1ED00] =	vst v63  }
0x206: {  	_ =	swait.ge [sflag:s17], $0x3E80  }
0x207: {  	[sflag:s17] =	ssyncset.done $0x0  }
0x208: {  	s9 =	rddreg [dreg:$0x9];
	[sflag:s17] =	ssyncadd.s32 $0xFFFFC180  }
0x209: {  	[spmem:s4] =	stream.indirect.scatter.add.f32 [tilespmem:s15], [sflag:$0x5], $0x80, s9, s13, $0xb8;
	[tilespmem:$0x1ED00] =	vst v63  }
0x20a: {  	_ =	swait.ge [sflag:s18], $0x3E80  }
0x20b: {  	[sflag:s18] =	ssyncset.done $0x0  }
0x20c: {  	s6 =	rddreg [dreg:$0xa];
	[sflag:s18] =	ssyncadd.s32 $0xFFFFC180  }
0x20d: {  	[tilespmem:s14], [sflag:$0x2] =	stream.indirect.gather [hbm4b:s3+s13], $0x80, s6, s13, $0xb8;
	[tilespmem:$0x1ED00] =	vst v63  }
0x20e: {  	_ =	swait.ge [sflag:s20], $0x3E80  }
0x20f: {  	[sflag:s20] =	ssyncset.done $0x0  }
0x210: {  	s9 =	rddreg [dreg:$0xb];
	[sflag:s20] =	ssyncadd.s32 $0xFFFFC180  }
0x211: {  	[tilespmem:s15], [sflag:$0x3] =	stream.indirect.gather [hbm4b:s3+s13], $0x80, s9, s13, $0xb8;
	[tilespmem:$0x1ED00] =	vst v63  }
0x212: {  	_ =	swait.ge [sflag:s16], $0x3E80  }
0x213: {  	[sflag:s16] =	ssyncset.done $0x0  }
0x214: {  	s6 =	rddreg [dreg:$0xc];
	[sflag:s16] =	ssyncadd.s32 $0xFFFFC180  }
0x215: {  	[spmem:s4] =	stream.indirect.scatter.add.f32 [tilespmem:s14], [sflag:$0x4], $0x80, s6, s13, $0xb8;
	[tilespmem:$0x1ED00] =	vst v63  }
0x216: {  	_ =	swait.ge [sflag:s17], $0x3E80  }
0x217: {  	[sflag:s17] =	ssyncset.done $0x0  }
0x218: {  	s9 =	rddreg [dreg:$0xd];
	[sflag:s17] =	ssyncadd.s32 $0xFFFFC180  }
0x219: {  	[spmem:s4] =	stream.indirect.scatter.add.f32 [tilespmem:s15], [sflag:$0x5], $0x80, s9, s13, $0xb8;
	[tilespmem:$0x1ED00] =	vst v63  }
0x21a: {  	_ =	swait.ge [sflag:s18], $0x3E80  }
0x21b: {  	[sflag:s18] =	ssyncset.done $0x0  }
0x21c: {  	s6 =	rddreg [dreg:$0xe];
	[sflag:s18] =	ssyncadd.s32 $0xFFFFC180  }
0x21d: {  	[tilespmem:s14], [sflag:$0x2] =	stream.indirect.gather [hbm4b:s3+s13], $0x80, s6, s13, $0xb8;
	[tilespmem:$0x1ED00] =	vst v63  }
0x21e: {  	_ =	swait.ge [sflag:s20], $0x3E80  }
0x21f: {  	[sflag:s20] =	ssyncset.done $0x0  }
0x220: {  	s9 =	rddreg [dreg:$0xf];
	[sflag:s20] =	ssyncadd.s32 $0xFFFFC180  }
0x221: {  	[tilespmem:s15], [sflag:$0x3] =	stream.indirect.gather [hbm4b:s3+s13], $0x80, s9, s13, $0xb8;
	[tilespmem:$0x1ED00] =	vst v63  }
0x222: {  	_ =	swait.ge [sflag:s16], $0x3E80  }
0x223: {  	[sflag:s16] =	ssyncset.done $0x0  }
0x224: {  	s6 =	rddreg [dreg:$0x10];
	[sflag:s16] =	ssyncadd.s32 $0xFFFFC180  }
0x225: {  	[spmem:s4] =	stream.indirect.scatter.add.f32 [tilespmem:s14], [sflag:$0x4], $0x80, s6, s13, $0xb8;
	[tilespmem:$0x1ED00] =	vst v63  }
0x226: {  	_ =	swait.ge [sflag:s17], $0x3E80  }
0x227: {  	[sflag:s17] =	ssyncset.done $0x0  }
0x228: {  	s9 =	rddreg [dreg:$0x11];
	[sflag:s17] =	ssyncadd.s32 $0xFFFFC180  }
0x229: {  	[spmem:s4] =	stream.indirect.scatter.add.f32 [tilespmem:s15], [sflag:$0x5], $0x80, s9, s13, $0xb8;
	[tilespmem:$0x1ED00] =	vst v63  }
0x22a: {  	_ =	swait.ge [sflag:s18], $0x3E80  }
0x22b: {  	[sflag:s18] =	ssyncset.done $0x0  }
0x22c: {  	s6 =	rddreg [dreg:$0x12];
	[sflag:s18] =	ssyncadd.s32 $0xFFFFC180  }
0x22d: {  	[tilespmem:s14], [sflag:$0x2] =	stream.indirect.gather [hbm4b:s3+s13], $0x80, s6, s13, $0xb8;
	[tilespmem:$0x1ED00] =	vst v63  }
0x22e: {  	_ =	swait.ge [sflag:s20], $0x3E80  }
0x22f: {  	[sflag:s20] =	ssyncset.done $0x0  }
0x230: {  	s9 =	rddreg [dreg:$0x13];
	[sflag:s20] =	ssyncadd.s32 $0xFFFFC180  }
0x231: {  	[tilespmem:s15], [sflag:$0x3] =	stream.indirect.gather [hbm4b:s3+s13], $0x80, s9, s13, $0xb8;
	[tilespmem:$0x1ED00] =	vst v63  }
0x232: {  	_ =	swait.ge [sflag:s16], $0x3E80  }
0x233: {  	[sflag:s16] =	ssyncset.done $0x0  }
0x234: {  	s6 =	rddreg [dreg:$0x14];
	[sflag:s16] =	ssyncadd.s32 $0xFFFFC180  }
0x235: {  	[spmem:s4] =	stream.indirect.scatter.add.f32 [tilespmem:s14], [sflag:$0x4], $0x80, s6, s13, $0xb8;
	[tilespmem:$0x1ED00] =	vst v63  }
0x236: {  	_ =	swait.ge [sflag:s17], $0x3E80  }
0x237: {  	[sflag:s17] =	ssyncset.done $0x0  }
0x238: {  	s9 =	rddreg [dreg:$0x15];
	[sflag:s17] =	ssyncadd.s32 $0xFFFFC180  }
0x239: {  	[spmem:s4] =	stream.indirect.scatter.add.f32 [tilespmem:s15], [sflag:$0x5], $0x80, s9, s13, $0xb8;
	[tilespmem:$0x1ED00] =	vst v63  }
0x23a: {  	_ =	swait.ge [sflag:s18], $0x3E80  }
0x23b: {  	[sflag:s18] =	ssyncset.done $0x0  }
0x23c: {  	s6 =	rddreg [dreg:$0x16];
	[sflag:s18] =	ssyncadd.s32 $0xFFFFC180  }
0x23d: {  	[tilespmem:s14], [sflag:$0x2] =	stream.indirect.gather [hbm4b:s3+s13], $0x80, s6, s13, $0xb8;
	[tilespmem:$0x1ED00] =	vst v63  }
0x23e: {  	_ =	swait.ge [sflag:s20], $0x3E80  }
0x23f: {  	[sflag:s20] =	ssyncset.done $0x0  }
0x240: {  	s9 =	rddreg [dreg:$0x17];
	[sflag:s20] =	ssyncadd.s32 $0xFFFFC180  }
0x241: {  	[tilespmem:s15], [sflag:$0x3] =	stream.indirect.gather [hbm4b:s3+s13], $0x80, s9, s13, $0xb8;
	[tilespmem:$0x1ED00] =	vst v63  }
0x242: {  	_ =	swait.ge [sflag:s16], $0x3E80  }
0x243: {  	[sflag:s16] =	ssyncset.done $0x0  }
0x244: {  	[sflag:s16] =	ssyncadd.s32 $0xFFFFC180  }
0x245: {  	[spmem:s4] =	stream.indirect.scatter.add.f32 [tilespmem:s14], [sflag:$0x4], $0x80, s19, s13, $0xb8;
	[tilespmem:$0x1ED00] =	vst v63  }
0x246: {  	_ =	swait.ge [sflag:s17], $0x3E80  }
0x247: {  	[sflag:s17] =	ssyncset.done $0x0  }
0x248: {  	[sflag:s17] =	ssyncadd.s32 $0xFFFFC180  }
0x249: {  	[spmem:s4] =	stream.indirect.scatter.add.f32 [tilespmem:s15], [sflag:$0x5], $0x80, s21, s13, $0xb8;
	[tilespmem:$0x1ED00] =	vst v63  }
0x24a: {  	_ =	swait.ge [sflag:s18], $0x3E80  }
0x24b: {  	[sflag:s18] =	ssyncset.done $0x0  }
0x24c: {  	[sflag:s18] =	ssyncadd.s32 $0xFFFFC180  }
0x24d: {  	[tilespmem:s14], [sflag:$0x2] =	stream.indirect.gather [hbm4b:s3+s13], $0x80, s24, s13, $0xb8;
	[tilespmem:$0x1ED00] =	vst v63  }
0x24e: {  	_ =	swait.ge [sflag:s20], $0x3E80  }
0x24f: {  	[sflag:s20] =	ssyncset.done $0x0  }
0x250: {  	[sflag:s20] =	ssyncadd.s32 $0xFFFFC180  }
0x251: {  	[tilespmem:s15], [sflag:$0x3] =	stream.indirect.gather [hbm4b:s3+s13], $0x80, s25, s13, $0xb8;
	[tilespmem:$0x1ED00] =	vst v63  }
0x252: {  	_ =	swait.ge [sflag:s16], $0x3E80  }
0x253: {  	[sflag:s16] =	ssyncset.done $0x0  }
0x254: {  	[sflag:s16] =	ssyncadd.s32 $0xFFFFC180  }
0x255: {  	[spmem:s4] =	stream.indirect.scatter.add.f32 [tilespmem:s14], [sflag:$0x4], $0x80, s26, s13, $0xb8;
	[tilespmem:$0x1ED00] =	vst v63  }
0x256: {  	_ =	swait.ge [sflag:s17], $0x3E80  }
0x257: {  	[sflag:s17] =	ssyncset.done $0x0  }
0x258: {  	[sflag:s17] =	ssyncadd.s32 $0xFFFFC180  }
0x259: {  	[spmem:s4] =	stream.indirect.scatter.add.f32 [tilespmem:s15], [sflag:$0x5], $0x80, s22, s13, $0xb8;
	[tilespmem:$0x1ED00] =	vst v63  }
0x25a: {  	_ =	swait.ge [sflag:s18], $0x3E80  }
0x25b: {  	[sflag:s18] =	ssyncset.done $0x0  }
0x25c: {  	[sflag:s18] =	ssyncadd.s32 $0xFFFFC180  }
0x25d: {  	[tilespmem:s14], [sflag:$0x2] =	stream.indirect.gather [hbm4b:s3+s13], $0x80, s28, s13, $0xb8;
	[tilespmem:$0x1ED00] =	vst v63  }
0x25e: {  	_ =	swait.ge [sflag:s20], $0x3E80  }
0x25f: {  	[sflag:s20] =	ssyncset.done $0x0  }
0x260: {  	[sflag:s20] =	ssyncadd.s32 $0xFFFFC180  }
0x261: {  	[tilespmem:s15], [sflag:$0x3] =	stream.indirect.gather [hbm4b:s3+s13], $0x80, s29, s13, $0xb8;
	[tilespmem:$0x1ED00] =	vst v63  }
0x262: {  	_ =	swait.ge [sflag:s16], $0x3E80  }
0x263: {  	[sflag:s16] =	ssyncset.done $0x0  }
0x264: {  	[sflag:s16] =	ssyncadd.s32 $0xFFFFC180  }
0x265: {  	[spmem:s4] =	stream.indirect.scatter.add.f32 [tilespmem:s14], [sflag:$0x4], $0x80, s30, s13, $0xb8;
	[tilespmem:$0x1ED00] =	vst v63  }
0x266: {  	_ =	swait.ge [sflag:s17], $0x3E80  }
0x267: {  	[sflag:s17] =	ssyncset.done $0x0  }
0x268: {  	[sflag:s17] =	ssyncadd.s32 $0xFFFFC180  }
0x269: {  	[spmem:s4] =	stream.indirect.scatter.add.f32 [tilespmem:s15], [sflag:$0x5], $0x80, s31, s13, $0xb8;
	[tilespmem:$0x1ED00] =	vst v63  }
0x26a: {  	_ =	swait.ge [sflag:s18], $0x3E80  }
0x26b: {  	[sflag:s18] =	ssyncset.done $0x0  }
0x26c: {  	[sflag:s18] =	ssyncadd.s32 $0xFFFFC180  }
0x26d: {  	[tilespmem:s14], [sflag:$0x2] =	stream.indirect.gather [hbm4b:s3+s13], $0x80, s2, s13, $0xb8;
	[tilespmem:$0x1ED00] =	vst v63  }
0x26e: {  	_ =	swait.ge [sflag:s20], $0x3E80  }
0x26f: {  	[sflag:s20] =	ssyncset.done $0x0  }
0x270: {  	[sflag:s20] =	ssyncadd.s32 $0xFFFFC180  }
0x271: {  	[tilespmem:s15], [sflag:$0x3] =	stream.indirect.gather [hbm4b:s3+s13], $0x80, s0, s13, $0xb8;
	[tilespmem:$0x1ED00] =	vst v63  }
0x272: {  	_ =	swait.ge [sflag:s16], $0x3E80  }
0x273: {  	[sflag:s16] =	ssyncset.done $0x0  }
0x274: {  	[sflag:s16] =	ssyncadd.s32 $0xFFFFC180  }
0x275: {  	[spmem:s4] =	stream.indirect.scatter.add.f32 [tilespmem:s14], [sflag:$0x4], $0x80, s7, s13, $0xb8;
	[tilespmem:$0x1ED00] =	vst v63  }
0x276: {  	_ =	swait.ge [sflag:s17], $0x3E80  }
0x277: {  	[sflag:s17] =	ssyncset.done $0x0  }
0x278: {  	[sflag:s17] =	ssyncadd.s32 $0xFFFFC180  }
0x279: {  	[spmem:s4] =	stream.indirect.scatter.add.f32 [tilespmem:s15], [sflag:$0x5], $0x80, s8, s13, $0xb8;
	[tilespmem:$0x1ED00] =	vst v63  }
0x27a: {  	_ =	swait.ge [sflag:s18], $0x3E80  }
0x27b: {  	[sflag:s18] =	ssyncset.done $0x0  }
0x27c: {  	[sflag:s18] =	ssyncadd.s32 $0xFFFFC180  }
0x27d: {  	_ =	swait.ge [sflag:s20], $0x3E80  }
0x27e: {  	[sflag:s20] =	ssyncset.done $0x0  }
0x27f: {  	[sflag:s20] =	ssyncadd.s32 $0xFFFFC180  }
0x280: {  	[bflag:$0x0] =	sbarrier.arrive $0xFFFF  }
0x281: {  	s22 =	stileid.u32;
	s9 =	sld [smem:$0x7F2]  }
0x282: {  	s1 =	sshll.u32 s22, $0x6;
	s21 =	rddreg [dreg:$0x19]  }
0x283: {  	s1 =	sor.u32 $0x1C06, s1;
	s24 =	sshrl.u32 s21, $0x3  }
0x284: {  	[hbm:s9], [sflag:s1] =	dma.local [spmem:s24], $0x2700  }
0x285: {  	_ =	swait.ge [sflag:s10], $0x2700  }
0x286: {  	s25 =	sld [smem:$0x7E8]  }
0x287: {  	s26 =	sld [smem:$0x7F3];
	_ =	sdelay $0x1  }
0x288: {  	s6 =	sadd.s32 $0x1, s25  }
0x289: {  	p1 =	sne.s32 s6, s26  }
.Ltmp4:
0x28a: {  	_ = 	snop;
	(pc) =	sbr.rel @p1 .LBB2_1-.Ltmp4, $4  }
0x28b: {  	_ = 	snop  }
0x28c: {  	s22 =	rddreg [dreg:$0x1a]  }
0x28d: {  	[sflag:s10] =	ssyncset.done $0x0;
	s24 =	rddreg [dreg:$0x1b]  }
0x28e: {  	[sflag:s10] =	ssyncadd.s32 $0xFFFFD900;
	s25 =	rddreg [dreg:$0x1c]  }
0x28f: {  	_ =	sfence.sel $0x180000  }
0x290: {  	[bflag:$0x0] =	sbarrier.arrive $0xFFFF  }
0x291: {  	_ =	strace $0x90000047  }
0x292: {  	s0 =	stileid.u32;
	[bflag:$0x2] =	sbarrier.arrive $0xFFFF  }
0x293: {  	p0 =	sne.s32 s0, $0x0;
	s0 =	rddreg [dreg:$0x5]  }
0x294: {  	s0 =	sadd.s32 @!p0 $0x100000, s0  }
0x295: {  	[sflag:s0] =	ssyncadd.tile.s32 @!p0 $0x1;
	_ =	shalt  }
.Lfunc_end2:
_tile_overlayer_lowered:
.L_overlay_start_2:
0x296: {  	(tag) =	ssettag $0x2  }
0x297: {  	s0 =	rddreg [dreg:$0x0];
	s2 =	stileid.u32  }
0x298: {  	s1 =	rddreg [dreg:$0x1];
	p0 =	sne.s32 s2, $0x0  }
0x299: {  	s3 =	rddreg [dreg:$0x2];
	[bflag:$0x3] =	sbarrier.arrive $0xFFFF;
	s2 =	simm.s32 @!p0 $0x1C06  }
0x29a: {  	[timem:s3], [sflag:s2] =	dma.local @!p0 [hbm:s0], s1  }
0x29b: {  	s0 =	simm.s32 @!p0 $0x6  }
0x29c: {  	_ =	swait.ge @!p0 [sflag:s0], s1  }
0x29d: {  	s1 =	ssub.s32 @!p0 $0x0, s1;
	[sflag:s0] =	ssyncset.done @!p0 $0x0  }
0x29e: {  	[sflag:s0] =	ssyncadd.s32 @!p0 s1  }
0x29f: {  	[bflag:$0x3] =	sbarrier.arrive $0xFFFF  }
0x2a0: {  	_ =	shalt  }

</sc_bundles>
